<compile_context>
chip_gen: v7x
topology: tpu7x:2x2x1
jax: 0.10.2.dev20260603
libtpu: 0.0.44.dev20260713+nightly
codegen_flags: <defaults>
</compile_context>

<pallas_src>
import functools

import jax
import jax.numpy as jnp
from jax import lax
from jax.experimental import pallas as pl
from jax.experimental.pallas import tpu as pltpu
from jax.experimental.pallas import tpu_sc as plsc

N_SYS = 50000
N_PAD = 50688
N8 = N_PAD // 8
SPINE = 1584
L3_BASE, L3_PER = 1056, 1024
L4_BASE, L4_PER = 33824, 512


def _tc_local_hts(d9):

    def body(d_ref, o_ref):
        p0, p1, p2 = d_ref[0], d_ref[1], d_ref[2]
        p3, p4, p5 = d_ref[3], d_ref[4], d_ref[5]
        c1, s1 = jnp.cos(p0), jnp.sin(p0)
        c2, s2 = jnp.cos(p1), jnp.sin(p1)
        c3, s3 = jnp.cos(p3), jnp.sin(p3)
        cb, sb = jnp.cos(p4), jnp.sin(p4)
        cg, sg = jnp.cos(p5), jnp.sin(p5)
        bond = [
            c2, -s2 * c3, s2 * s3, c2 * p2,
            c1 * s2, c1 * c2 * c3 - s1 * s3, -c1 * c2 * s3 - s1 * c3, c1 * s2 * p2,
            s1 * s2, s1 * c2 * c3 + c1 * s3, -s1 * c2 * s3 + c1 * c3, s1 * s2 * p2,
        ]
        ca, sa = c3, s3
        jump = [
            cg * cb, cg * sb * sa - sg * ca, cg * sb * ca + sg * sa, p0,
            sg * cb, sg * sb * sa + cg * ca, sg * sb * ca - cg * sa, p1,
            -sb, cb * sa, cb * ca, p2,
        ]
        ri = lax.broadcasted_iota(jnp.int32, (8, N8), 0)
        ci = lax.broadcasted_iota(jnp.int32, (8, N8), 1)
        jmask = (ri == 0) & (ci < 32)
        for e in range(12):
            o_ref[e] = jnp.where(jmask, jump[e], bond[e])

    return pl.pallas_call(
        body,
        out_shape=jax.ShapeDtypeStruct((12, 8, N8), jnp.float32),
    )(d9)


def _sc_compose(loc):
    info = plsc.get_sparse_core_info()
    nc, ns = info.num_cores, info.num_subcores
    mesh = plsc.VectorSubcoreMesh(core_axis_name="c", subcore_axis_name="s")

    @functools.partial(
        pl.kernel,
        out_type=jax.ShapeDtypeStruct((3 * N_PAD,), jnp.float32),
        scratch_types=[
            pltpu.VMEM((12 * SPINE,), jnp.float32),
            pltpu.VMEM((12 * SPINE,), jnp.float32),
            pltpu.VMEM((3 * L3_PER,), jnp.float32),
            pltpu.VMEM((3 * L3_PER,), jnp.float32),
            pltpu.VMEM((3 * L4_PER,), jnp.float32),
            pltpu.VMEM((3 * L4_PER,), jnp.float32),
            pltpu.SemaphoreType.DMA,
        ],
        mesh=mesh,
        compiler_params=pltpu.CompilerParams(needs_layout_passes=False),
    )
    def k(loc_hbm, out_hbm, sp_loc, sp_glob, l3_loc, l3_out, l4_loc, l4_out,
          sem):
        wid = lax.axis_index("s") * nc + lax.axis_index("c")
        base3 = L3_BASE + L3_PER * wid
        base4 = L4_BASE + L4_PER * wid
        slab2 = 32 + 32 * wid
        g3off = L3_BASE + 16 * wid
        pend = []
        slab_cp = jnp.where(wid == 0, 1120, slab2)
        for e in range(12):
            pend.append(pltpu.async_copy(
                loc_hbm.at[pl.ds(e * N_PAD, 64)],
                sp_loc.at[pl.ds(e * SPINE, 64)], sem))
            pend.append(pltpu.async_copy(
                loc_hbm.at[pl.ds(e * N_PAD + g3off, 16)],
                sp_loc.at[pl.ds(e * SPINE + g3off, 16)], sem))
            pend.append(pltpu.async_copy(
                loc_hbm.at[pl.ds(e * N_PAD + slab_cp, 32)],
                sp_loc.at[pl.ds(e * SPINE + slab_cp, 32)], sem))
        for r, e in enumerate((3, 7, 11)):
            pend.append(pltpu.async_copy(
                loc_hbm.at[pl.ds(e * N_PAD + base3, L3_PER)],
                l3_loc.at[pl.ds(r * L3_PER, L3_PER)], sem))
            pend.append(pltpu.async_copy(
                loc_hbm.at[pl.ds(e * N_PAD + base4, L4_PER)],
                l4_loc.at[pl.ds(r * L4_PER, L4_PER)], sem))

        for h in pend:
            h.wait()

        for e in range(12):
            for g in range(2):
                sp_glob[pl.ds(e * SPINE + 16 * g, 16)] = (
                    sp_loc[pl.ds(e * SPINE + 16 * g, 16)])

        lane = lax.iota(jnp.int32, 16)

        def gather_parent(spar):
            return [plsc.load_gather(sp_glob, [e * SPINE + spar])
                    for e in range(12)]

        def compose_group(off):
            spar = lax.shift_right_logical(off + lane, 5) - 1
            p = gather_parent(spar)
            l = [sp_loc[pl.ds(e * SPINE + off, 16)] for e in range(12)]
            for r in range(3):
                for c in range(4):
                    acc = (p[4 * r] * l[c] + p[4 * r + 1] * l[4 + c]
                           + p[4 * r + 2] * l[8 + c])
                    if c == 3:
                        acc = acc + p[4 * r + 3]
                    sp_glob[pl.ds((4 * r + c) * SPINE + off, 16)] = acc

        p0 = [sp_loc[pl.ds(e * SPINE, 16)][0] for e in range(12)]
        lsh = [sp_loc[pl.ds(e * SPINE + 32, 16)] for e in range(12)]
        for r in range(3):
            for c in range(4):
                acc = (p0[4 * r] * lsh[c] + p0[4 * r + 1] * lsh[4 + c]
                       + p0[4 * r + 2] * lsh[8 + c])
                if c == 3:
                    acc = acc + p0[4 * r + 3]
                sp_glob[pl.ds((4 * r + c) * SPINE + 32, 16)] = acc

        compose_group(slab2)
        compose_group(slab2 + 16)
        compose_group(g3off)

        def leaf_step(base, per, loc_ref, out_ref, g, carry):
            off = g * 16
            spar = lax.shift_right_logical(base + off + lane, 5) - 1
            p = gather_parent(spar)
            l0 = loc_ref[pl.ds(off, 16)]
            l1 = loc_ref[pl.ds(per + off, 16)]
            l2 = loc_ref[pl.ds(2 * per + off, 16)]
            for r in range(3):
                out_ref[pl.ds(r * per + off, 16)] = (
                    p[4 * r] * l0 + p[4 * r + 1] * l1
                    + p[4 * r + 2] * l2 + p[4 * r + 3]
                )
            return carry

        lax.fori_loop(0, L3_PER // 16,
                      functools.partial(leaf_step, base3, L3_PER,
                                        l3_loc, l3_out), 0)
        lax.fori_loop(0, L4_PER // 16,
                      functools.partial(leaf_step, base4, L4_PER,
                                        l4_loc, l4_out), 0)

        pend = []
        for r in range(3):
            pend.append(pltpu.async_copy(
                l3_out.at[pl.ds(r * L3_PER, L3_PER)],
                out_hbm.at[pl.ds(r * N_PAD + base3, L3_PER)], sem))
            pend.append(pltpu.async_copy(
                l4_out.at[pl.ds(r * L4_PER, L4_PER)],
                out_hbm.at[pl.ds(r * N_PAD + base4, L4_PER)], sem))
        for r, e in enumerate((3, 7, 11)):
            pend.append(pltpu.async_copy(
                sp_glob.at[pl.ds(e * SPINE + slab2, 32)],
                out_hbm.at[pl.ds(r * N_PAD + slab2, 32)], sem))
        for h in pend:
            h.wait()

        @pl.when(wid == 0)
        def _():
            pend0 = []
            for r, e in enumerate((3, 7, 11)):
                pend0.append(pltpu.async_copy(
                    sp_glob.at[pl.ds(e * SPINE, 32)],
                    out_hbm.at[pl.ds(r * N_PAD, 32)], sem))
            for h in pend0:
                h.wait()

    return k(loc)


def kernel(dofs, kintree):
    del kintree
    d = dofs[1:].astype(jnp.float32)
    d = jnp.pad(d, ((0, N_PAD - d.shape[0]), (0, 0)))
    d9 = d.T.reshape(9, 8, N8)
    loc = _tc_local_hts(d9).reshape(12 * N_PAD)
    coords = _sc_compose(loc).reshape(3, N_PAD)
    return coords[:, :N_SYS].T

# --- scband reference (transcript-rebuilt; emitter-appended) ---
"""Pipeline reference for scband-kinematic-operation-25082609008678 (READ-ONLY COPY).

The authoritative reference and input builder live on the scoring server;
editing this copy changes nothing except your own understanding.
"""

import jax, jax.numpy as jnp
import numpy as np

N_SYS = 50000
N_KIN = N_SYS + 1
BRANCH = 32
ROOT, JUMP, BOND = 0, 1, 2


def _build_kintree():
    n = N_KIN
    idx = np.arange(n, dtype=np.int64)
    parent = np.zeros(n, dtype=np.int64)
    parent[1:] = (idx[1:] - 1) // BRANCH
    ids = (idx - 1).astype(np.int32)  # id[0] = -1 sentinel for virtual root
    doftype = np.full(n, BOND, dtype=np.int32)
    doftype[0] = ROOT
    doftype[1:1 + BRANCH] = JUMP
    frame_x = idx.astype(np.int32)
    frame_y = parent.astype(np.int32)
    frame_z = parent[parent].astype(np.int32)
    return np.stack([ids, doftype, parent.astype(np.int32), frame_x, frame_y, frame_z], axis=1).astype(np.int32)


def _generations(parent):
    n = parent.shape[0]
    depth = np.zeros(n, dtype=np.int64)
    cur = np.arange(n, dtype=np.int64)
    par = parent.astype(np.int64)
    while (cur > 0).any():
        depth += (cur > 0)
        cur = par[cur]
    gens = []
    for d in range(1, int(depth.max()) + 1):
        gens.append(np.nonzero(depth == d)[0])
    return gens


def _rot_x(a):
    c, s = jnp.cos(a), jnp.sin(a)
    o, z = jnp.ones_like(a), jnp.zeros_like(a)
    return jnp.stack([
        jnp.stack([o, z, z, z], -1),
        jnp.stack([z, c, -s, z], -1),
        jnp.stack([z, s, c, z], -1),
        jnp.stack([z, z, z, o], -1),
    ], -2)


def _rot_y(a):
    c, s = jnp.cos(a), jnp.sin(a)
    o, z = jnp.ones_like(a), jnp.zeros_like(a)
    return jnp.stack([
        jnp.stack([c, z, s, z], -1),
        jnp.stack([z, o, z, z], -1),
        jnp.stack([-s, z, c, z], -1),
        jnp.stack([z, z, z, o], -1),
    ], -2)


def _rot_z(a):
    c, s = jnp.cos(a), jnp.sin(a)
    o, z = jnp.ones_like(a), jnp.zeros_like(a)
    return jnp.stack([
        jnp.stack([c, -s, z, z], -1),
        jnp.stack([s, c, z, z], -1),
        jnp.stack([z, z, o, z], -1),
        jnp.stack([z, z, z, o], -1),
    ], -2)


def _trans(x, y, z):
    o, zr = jnp.ones_like(x), jnp.zeros_like(x)
    return jnp.stack([
        jnp.stack([o, zr, zr, x], -1),
        jnp.stack([zr, o, zr, y], -1),
        jnp.stack([zr, zr, o, z], -1),
        jnp.stack([zr, zr, zr, o], -1),
    ], -2)


def _mm(a, b):
    return jnp.einsum('nij,njk->nik', a, b)


def _forward_kin(dofs, doftype, parent, ids, gens):
    n = dofs.shape[0]
    # BOND dofs: [phi_p, theta, d, phi_c]
    phi_p, theta, d, phi_c = dofs[:, 0], dofs[:, 1], dofs[:, 2], dofs[:, 3]
    zd = jnp.zeros_like(d)
    bond_ht = _mm(_mm(_rot_x(phi_p), _rot_z(theta)), _mm(_trans(d, zd, zd), _rot_x(phi_c)))
    # JUMP dofs: [RBx, RBy, RBz, alpha, beta, gamma]
    jump_ht = _mm(_trans(dofs[:, 0], dofs[:, 1], dofs[:, 2]), _mm(_rot_z(dofs[:, 5]), _mm(_rot_y(dofs[:, 4]), _rot_x(dofs[:, 3]))))
    dt = jnp.asarray(doftype)
    local = jnp.where((dt == JUMP)[:, None, None], jump_ht, bond_ht)
    local = jnp.where((dt == ROOT)[:, None, None], jnp.eye(4, dtype=dofs.dtype)[None], local)
    # generational scan: compose parent global HT with local HT (parallel-scan equivalent)
    ht = jnp.tile(jnp.eye(4, dtype=dofs.dtype)[None], (n, 1, 1))
    for gen in gens:
        p = parent[gen].astype(jnp.int64)
        ht = ht.at[gen].set(_mm(ht[p], local[gen]))
    kincoords = ht[:, :3, 3]
    # KinematicOperation.forward: scatter kin coords into system frame by kintree.id
    coords = jnp.full((N_SYS, 3), jnp.nan, dtype=dofs.dtype)
    coords = coords.at[ids[1:].astype(jnp.int64)].set(kincoords[1:])
    return coords


def setup_inputs(seed: int = 0):
    key = jax.random.key(seed)
    dofs = jax.random.normal(key, (N_KIN, 9), dtype=jnp.float32)
    kintree = jnp.asarray(_build_kintree())
    return {"dofs": dofs, "kintree": kintree}


def reference(dofs, kintree):
    ids = kintree[:, 0]
    doftype = kintree[:, 1]
    parent = kintree[:, 2]
    kt_static = _build_kintree()
    gens = _generations(kt_static[:, 2])
    return _forward_kin(dofs, doftype, parent, ids, gens)

if __name__ == "__main__":
    import jax
    _d = setup_inputs()
    print(jax.jit(kernel)(*tuple(_d.values())))

</pallas_src>

<mosaic_0001>
#map = affine_map<(d0, d1) -> (0)>
module attributes {stable_mosaic.version = 14 : i64} {
  func.func @k(%arg0: i32, %arg1: i32, %arg2: memref<608256xf32, #tpu.memory_space<hbm>>, %arg3: memref<152064xf32, #tpu.memory_space<hbm>>, %arg4: memref<19008xf32, #tpu.memory_space<vmem>>, %arg5: memref<19008xf32, #tpu.memory_space<vmem>>, %arg6: memref<3072xf32, #tpu.memory_space<vmem>>, %arg7: memref<3072xf32, #tpu.memory_space<vmem>>, %arg8: memref<1536xf32, #tpu.memory_space<vmem>>, %arg9: memref<1536xf32, #tpu.memory_space<vmem>>, %arg10: memref<!tpu.dma_semaphore, #tpu.memory_space<semaphore_mem>>) attributes {dimension_semantics = [#tpu.dimension_semantics<core_parallel>, #tpu.dimension_semantics<subcore_parallel>], iteration_bounds = array<i64: 2, 16>, scalar_prefetch = 0 : i64, scratch_operands = 7 : i64, tpu.core_type = #tpu.core_type<sc_vector_subcore>, window_params = [{transform_indices = #map}, {transform_indices = #map}]} {
    %mul3A = arith.constant 2 : i32
    %mul3A_0 = arith.muli %arg1, %mul3A : i32
    %add3A = arith.addi %mul3A_0, %arg0 : i32
    %mul3A_1 = arith.constant 1024 : i32
    %mul3A_2 = arith.muli %mul3A_1, %add3A : i32
    %add3A_3 = arith.constant 1056 : i32
    %add3A_4 = arith.addi %add3A_3, %mul3A_2 : i32
    %mul3A_5 = arith.constant 512 : i32
    %mul3A_6 = arith.muli %mul3A_5, %add3A : i32
    %add3A_7 = arith.constant 33824 : i32
    %add3A_8 = arith.addi %add3A_7, %mul3A_6 : i32
    %mul3A_9 = arith.constant 32 : i32
    %mul3A_10 = arith.muli %mul3A_9, %add3A : i32
    %add3A_11 = arith.constant 32 : i32
    %add3A_12 = arith.addi %add3A_11, %mul3A_10 : i32
    %mul3A_13 = arith.constant 16 : i32
    %mul3A_14 = arith.muli %mul3A_13, %add3A : i32
    %add3A_15 = arith.constant 1056 : i32
    %add3A_16 = arith.addi %add3A_15, %mul3A_14 : i32
    %eq3A = arith.constant 0 : i32
    %eq3A_17 = arith.cmpi eq, %add3A, %eq3A : i32
    %jit3A = arith.constant 1120 : i32
    %select_n3A = arith.select %eq3A_17, %jit3A, %add3A_12 : i32
    %dma_start3A = arith.constant 0 : i32
    %dma_start3A_18 = tpu.memref_slice %arg4[%dma_start3A] : memref<19008xf32, #tpu.memory_space<vmem>> -> memref<64xf32, #tpu.memory_space<vmem>>
    %dma_start3A_19 = arith.constant 0 : i32
    %dma_start3A_20 = tpu.memref_slice %arg2[%dma_start3A_19] : memref<608256xf32, #tpu.memory_space<hbm>> -> memref<64xf32, #tpu.memory_space<hbm>>
    %dma_start3A_21 = arith.constant 0 : i32
    %dma_start3A_22 = tpu.memref_slice %arg4[%dma_start3A_21] : memref<19008xf32, #tpu.memory_space<vmem>> -> memref<64xf32, #tpu.memory_space<vmem>>
    %dma_start3A_23 = arith.constant 0 : i32
    %dma_start3A_24 = tpu.memref_slice %arg2[%dma_start3A_23] : memref<608256xf32, #tpu.memory_space<hbm>> -> memref<64xf32, #tpu.memory_space<hbm>>
    tpu.enqueue_dma source(%dma_start3A_24 : memref<64xf32, #tpu.memory_space<hbm>>) target(%dma_start3A_22 : memref<64xf32, #tpu.memory_space<vmem>>) target_semaphore(%arg10 : memref<!tpu.dma_semaphore, #tpu.memory_space<semaphore_mem>>)
    %add3A_25 = arith.constant 0 : i32
    %add3A_26 = arith.addi %add3A_25, %add3A_16 : i32
    %add3A_27 = arith.constant 0 : i32
    %add3A_28 = arith.addi %add3A_27, %add3A_16 : i32
    %dma_start3A_29 = tpu.memref_slice %arg4[%add3A_28] : memref<19008xf32, #tpu.memory_space<vmem>> -> memref<16xf32, #tpu.memory_space<vmem>>
    %dma_start3A_30 = tpu.memref_slice %arg2[%add3A_26] : memref<608256xf32, #tpu.memory_space<hbm>> -> memref<16xf32, #tpu.memory_space<hbm>>
    %dma_start3A_31 = tpu.memref_slice %arg4[%add3A_28] : memref<19008xf32, #tpu.memory_space<vmem>> -> memref<16xf32, #tpu.memory_space<vmem>>
    %dma_start3A_32 = tpu.memref_slice %arg2[%add3A_26] : memref<608256xf32, #tpu.memory_space<hbm>> -> memref<16xf32, #tpu.memory_space<hbm>>
    tpu.enqueue_dma source(%dma_start3A_32 : memref<16xf32, #tpu.memory_space<hbm>>) target(%dma_start3A_31 : memref<16xf32, #tpu.memory_space<vmem>>) target_semaphore(%arg10 : memref<!tpu.dma_semaphore, #tpu.memory_space<semaphore_mem>>)
    %add3A_33 = arith.constant 0 : i32
    %add3A_34 = arith.addi %add3A_33, %select_n3A : i32
    %add3A_35 = arith.constant 0 : i32
    %add3A_36 = arith.addi %add3A_35, %select_n3A : i32
    %dma_start3A_37 = tpu.memref_slice %arg4[%add3A_36] : memref<19008xf32, #tpu.memory_space<vmem>> -> memref<32xf32, #tpu.memory_space<vmem>>
    %dma_start3A_38 = tpu.memref_slice %arg2[%add3A_34] : memref<608256xf32, #tpu.memory_space<hbm>> -> memref<32xf32, #tpu.memory_space<hbm>>
    %dma_start3A_39 = tpu.memref_slice %arg4[%add3A_36] : memref<19008xf32, #tpu.memory_space<vmem>> -> memref<32xf32, #tpu.memory_space<vmem>>
    %dma_start3A_40 = tpu.memref_slice %arg2[%add3A_34] : memref<608256xf32, #tpu.memory_space<hbm>> -> memref<32xf32, #tpu.memory_space<hbm>>
    tpu.enqueue_dma source(%dma_start3A_40 : memref<32xf32, #tpu.memory_space<hbm>>) target(%dma_start3A_39 : memref<32xf32, #tpu.memory_space<vmem>>) target_semaphore(%arg10 : memref<!tpu.dma_semaphore, #tpu.memory_space<semaphore_mem>>)
    %dma_start3A_41 = arith.constant 1584 : i32
    %dma_start3A_42 = tpu.memref_slice %arg4[%dma_start3A_41] : memref<19008xf32, #tpu.memory_space<vmem>> -> memref<64xf32, #tpu.memory_space<vmem>>
    %dma_start3A_43 = arith.constant 50688 : i32
    %dma_start3A_44 = tpu.memref_slice %arg2[%dma_start3A_43] : memref<608256xf32, #tpu.memory_space<hbm>> -> memref<64xf32, #tpu.memory_space<hbm>>
    %dma_start3A_45 = arith.constant 1584 : i32
    %dma_start3A_46 = tpu.memref_slice %arg4[%dma_start3A_45] : memref<19008xf32, #tpu.memory_space<vmem>> -> memref<64xf32, #tpu.memory_space<vmem>>
    %dma_start3A_47 = arith.constant 50688 : i32
    %dma_start3A_48 = tpu.memref_slice %arg2[%dma_start3A_47] : memref<608256xf32, #tpu.memory_space<hbm>> -> memref<64xf32, #tpu.memory_space<hbm>>
    tpu.enqueue_dma source(%dma_start3A_48 : memref<64xf32, #tpu.memory_space<hbm>>) target(%dma_start3A_46 : memref<64xf32, #tpu.memory_space<vmem>>) target_semaphore(%arg10 : memref<!tpu.dma_semaphore, #tpu.memory_space<semaphore_mem>>)
    %add3A_49 = arith.constant 50688 : i32
    %add3A_50 = arith.addi %add3A_49, %add3A_16 : i32
    %add3A_51 = arith.constant 1584 : i32
    %add3A_52 = arith.addi %add3A_51, %add3A_16 : i32
    %dma_start3A_53 = tpu.memref_slice %arg4[%add3A_52] : memref<19008xf32, #tpu.memory_space<vmem>> -> memref<16xf32, #tpu.memory_space<vmem>>
    %dma_start3A_54 = tpu.memref_slice %arg2[%add3A_50] : memref<608256xf32, #tpu.memory_space<hbm>> -> memref<16xf32, #tpu.memory_space<hbm>>
    %dma_start3A_55 = tpu.memref_slice %arg4[%add3A_52] : memref<19008xf32, #tpu.memory_space<vmem>> -> memref<16xf32, #tpu.memory_space<vmem>>
    %dma_start3A_56 = tpu.memref_slice %arg2[%add3A_50] : memref<608256xf32, #tpu.memory_space<hbm>> -> memref<16xf32, #tpu.memory_space<hbm>>
    tpu.enqueue_dma source(%dma_start3A_56 : memref<16xf32, #tpu.memory_space<hbm>>) target(%dma_start3A_55 : memref<16xf32, #tpu.memory_space<vmem>>) target_semaphore(%arg10 : memref<!tpu.dma_semaphore, #tpu.memory_space<semaphore_mem>>)
    %add3A_57 = arith.constant 50688 : i32
    %add3A_58 = arith.addi %add3A_57, %select_n3A : i32
    %add3A_59 = arith.constant 1584 : i32
    %add3A_60 = arith.addi %add3A_59, %select_n3A : i32
    %dma_start3A_61 = tpu.memref_slice %arg4[%add3A_60] : memref<19008xf32, #tpu.memory_space<vmem>> -> memref<32xf32, #tpu.memory_space<vmem>>
    %dma_start3A_62 = tpu.memref_slice %arg2[%add3A_58] : memref<608256xf32, #tpu.memory_space<hbm>> -> memref<32xf32, #tpu.memory_space<hbm>>
    %dma_start3A_63 = tpu.memref_slice %arg4[%add3A_60] : memref<19008xf32, #tpu.memory_space<vmem>> -> memref<32xf32, #tpu.memory_space<vmem>>
    %dma_start3A_64 = tpu.memref_slice %arg2[%add3A_58] : memref<608256xf32, #tpu.memory_space<hbm>> -> memref<32xf32, #tpu.memory_space<hbm>>
    tpu.enqueue_dma source(%dma_start3A_64 : memref<32xf32, #tpu.memory_space<hbm>>) target(%dma_start3A_63 : memref<32xf32, #tpu.memory_space<vmem>>) target_semaphore(%arg10 : memref<!tpu.dma_semaphore, #tpu.memory_space<semaphore_mem>>)
    %dma_start3A_65 = arith.constant 3168 : i32
    %dma_start3A_66 = tpu.memref_slice %arg4[%dma_start3A_65] : memref<19008xf32, #tpu.memory_space<vmem>> -> memref<64xf32, #tpu.memory_space<vmem>>
    %dma_start3A_67 = arith.constant 101376 : i32
    %dma_start3A_68 = tpu.memref_slice %arg2[%dma_start3A_67] : memref<608256xf32, #tpu.memory_space<hbm>> -> memref<64xf32, #tpu.memory_space<hbm>>
    %dma_start3A_69 = arith.constant 3168 : i32
    %dma_start3A_70 = tpu.memref_slice %arg4[%dma_start3A_69] : memref<19008xf32, #tpu.memory_space<vmem>> -> memref<64xf32, #tpu.memory_space<vmem>>
    %dma_start3A_71 = arith.constant 101376 : i32
    %dma_start3A_72 = tpu.memref_slice %arg2[%dma_start3A_71] : memref<608256xf32, #tpu.memory_space<hbm>> -> memref<64xf32, #tpu.memory_space<hbm>>
    tpu.enqueue_dma source(%dma_start3A_72 : memref<64xf32, #tpu.memory_space<hbm>>) target(%dma_start3A_70 : memref<64xf32, #tpu.memory_space<vmem>>) target_semaphore(%arg10 : memref<!tpu.dma_semaphore, #tpu.memory_space<semaphore_mem>>)
    %add3A_73 = arith.constant 101376 : i32
    %add3A_74 = arith.addi %add3A_73, %add3A_16 : i32
    %add3A_75 = arith.constant 3168 : i32
    %add3A_76 = arith.addi %add3A_75, %add3A_16 : i32
    %dma_start3A_77 = tpu.memref_slice %arg4[%add3A_76] : memref<19008xf32, #tpu.memory_space<vmem>> -> memref<16xf32, #tpu.memory_space<vmem>>
    %dma_start3A_78 = tpu.memref_slice %arg2[%add3A_74] : memref<608256xf32, #tpu.memory_space<hbm>> -> memref<16xf32, #tpu.memory_space<hbm>>
    %dma_start3A_79 = tpu.memref_slice %arg4[%add3A_76] : memref<19008xf32, #tpu.memory_space<vmem>> -> memref<16xf32, #tpu.memory_space<vmem>>
    %dma_start3A_80 = tpu.memref_slice %arg2[%add3A_74] : memref<608256xf32, #tpu.memory_space<hbm>> -> memref<16xf32, #tpu.memory_space<hbm>>
    tpu.enqueue_dma source(%dma_start3A_80 : memref<16xf32, #tpu.memory_space<hbm>>) target(%dma_start3A_79 : memref<16xf32, #tpu.memory_space<vmem>>) target_semaphore(%arg10 : memref<!tpu.dma_semaphore, #tpu.memory_space<semaphore_mem>>)
    %add3A_81 = arith.constant 101376 : i32
    %add3A_82 = arith.addi %add3A_81, %select_n3A : i32
    %add3A_83 = arith.constant 3168 : i32
    %add3A_84 = arith.addi %add3A_83, %select_n3A : i32
    %dma_start3A_85 = tpu.memref_slice %arg4[%add3A_84] : memref<19008xf32, #tpu.memory_space<vmem>> -> memref<32xf32, #tpu.memory_space<vmem>>
    %dma_start3A_86 = tpu.memref_slice %arg2[%add3A_82] : memref<608256xf32, #tpu.memory_space<hbm>> -> memref<32xf32, #tpu.memory_space<hbm>>
    %dma_start3A_87 = tpu.memref_slice %arg4[%add3A_84] : memref<19008xf32, #tpu.memory_space<vmem>> -> memref<32xf32, #tpu.memory_space<vmem>>
    %dma_start3A_88 = tpu.memref_slice %arg2[%add3A_82] : memref<608256xf32, #tpu.memory_space<hbm>> -> memref<32xf32, #tpu.memory_space<hbm>>
    tpu.enqueue_dma source(%dma_start3A_88 : memref<32xf32, #tpu.memory_space<hbm>>) target(%dma_start3A_87 : memref<32xf32, #tpu.memory_space<vmem>>) target_semaphore(%arg10 : memref<!tpu.dma_semaphore, #tpu.memory_space<semaphore_mem>>)
    %dma_start3A_89 = arith.constant 4752 : i32
    %dma_start3A_90 = tpu.memref_slice %arg4[%dma_start3A_89] : memref<19008xf32, #tpu.memory_space<vmem>> -> memref<64xf32, #tpu.memory_space<vmem>>
    %dma_start3A_91 = arith.constant 152064 : i32
    %dma_start3A_92 = tpu.memref_slice %arg2[%dma_start3A_91] : memref<608256xf32, #tpu.memory_space<hbm>> -> memref<64xf32, #tpu.memory_space<hbm>>
    %dma_start3A_93 = arith.constant 4752 : i32
    %dma_start3A_94 = tpu.memref_slice %arg4[%dma_start3A_93] : memref<19008xf32, #tpu.memory_space<vmem>> -> memref<64xf32, #tpu.memory_space<vmem>>
    %dma_start3A_95 = arith.constant 152064 : i32
    %dma_start3A_96 = tpu.memref_slice %arg2[%dma_start3A_95] : memref<608256xf32, #tpu.memory_space<hbm>> -> memref<64xf32, #tpu.memory_space<hbm>>
    tpu.enqueue_dma source(%dma_start3A_96 : memref<64xf32, #tpu.memory_space<hbm>>) target(%dma_start3A_94 : memref<64xf32, #tpu.memory_space<vmem>>) target_semaphore(%arg10 : memref<!tpu.dma_semaphore, #tpu.memory_space<semaphore_mem>>)
    %add3A_97 = arith.constant 152064 : i32
    %add3A_98 = arith.addi %add3A_97, %add3A_16 : i32
    %add3A_99 = arith.constant 4752 : i32
    %add3A_100 = arith.addi %add3A_99, %add3A_16 : i32
    %dma_start3A_101 = tpu.memref_slice %arg4[%add3A_100] : memref<19008xf32, #tpu.memory_space<vmem>> -> memref<16xf32, #tpu.memory_space<vmem>>
    %dma_start3A_102 = tpu.memref_slice %arg2[%add3A_98] : memref<608256xf32, #tpu.memory_space<hbm>> -> memref<16xf32, #tpu.memory_space<hbm>>
    %dma_start3A_103 = tpu.memref_slice %arg4[%add3A_100] : memref<19008xf32, #tpu.memory_space<vmem>> -> memref<16xf32, #tpu.memory_space<vmem>>
    %dma_start3A_104 = tpu.memref_slice %arg2[%add3A_98] : memref<608256xf32, #tpu.memory_space<hbm>> -> memref<16xf32, #tpu.memory_space<hbm>>
    tpu.enqueue_dma source(%dma_start3A_104 : memref<16xf32, #tpu.memory_space<hbm>>) target(%dma_start3A_103 : memref<16xf32, #tpu.memory_space<vmem>>) target_semaphore(%arg10 : memref<!tpu.dma_semaphore, #tpu.memory_space<semaphore_mem>>)
    %add3A_105 = arith.constant 152064 : i32
    %add3A_106 = arith.addi %add3A_105, %select_n3A : i32
    %add3A_107 = arith.constant 4752 : i32
    %add3A_108 = arith.addi %add3A_107, %select_n3A : i32
    %dma_start3A_109 = tpu.memref_slice %arg4[%add3A_108] : memref<19008xf32, #tpu.memory_space<vmem>> -> memref<32xf32, #tpu.memory_space<vmem>>
    %dma_start3A_110 = tpu.memref_slice %arg2[%add3A_106] : memref<608256xf32, #tpu.memory_space<hbm>> -> memref<32xf32, #tpu.memory_space<hbm>>
    %dma_start3A_111 = tpu.memref_slice %arg4[%add3A_108] : memref<19008xf32, #tpu.memory_space<vmem>> -> memref<32xf32, #tpu.memory_space<vmem>>
    %dma_start3A_112 = tpu.memref_slice %arg2[%add3A_106] : memref<608256xf32, #tpu.memory_space<hbm>> -> memref<32xf32, #tpu.memory_space<hbm>>
    tpu.enqueue_dma source(%dma_start3A_112 : memref<32xf32, #tpu.memory_space<hbm>>) target(%dma_start3A_111 : memref<32xf32, #tpu.memory_space<vmem>>) target_semaphore(%arg10 : memref<!tpu.dma_semaphore, #tpu.memory_space<semaphore_mem>>)
    %dma_start3A_113 = arith.constant 6336 : i32
    %dma_start3A_114 = tpu.memref_slice %arg4[%dma_start3A_113] : memref<19008xf32, #tpu.memory_space<vmem>> -> memref<64xf32, #tpu.memory_space<vmem>>
    %dma_start3A_115 = arith.constant 202752 : i32
    %dma_start3A_116 = tpu.memref_slice %arg2[%dma_start3A_115] : memref<608256xf32, #tpu.memory_space<hbm>> -> memref<64xf32, #tpu.memory_space<hbm>>
    %dma_start3A_117 = arith.constant 6336 : i32
    %dma_start3A_118 = tpu.memref_slice %arg4[%dma_start3A_117] : memref<19008xf32, #tpu.memory_space<vmem>> -> memref<64xf32, #tpu.memory_space<vmem>>
    %dma_start3A_119 = arith.constant 202752 : i32
    %dma_start3A_120 = tpu.memref_slice %arg2[%dma_start3A_119] : memref<608256xf32, #tpu.memory_space<hbm>> -> memref<64xf32, #tpu.memory_space<hbm>>
    tpu.enqueue_dma source(%dma_start3A_120 : memref<64xf32, #tpu.memory_space<hbm>>) target(%dma_start3A_118 : memref<64xf32, #tpu.memory_space<vmem>>) target_semaphore(%arg10 : memref<!tpu.dma_semaphore, #tpu.memory_space<semaphore_mem>>)
    %add3A_121 = arith.constant 202752 : i32
    %add3A_122 = arith.addi %add3A_121, %add3A_16 : i32
    %add3A_123 = arith.constant 6336 : i32
    %add3A_124 = arith.addi %add3A_123, %add3A_16 : i32
    %dma_start3A_125 = tpu.memref_slice %arg4[%add3A_124] : memref<19008xf32, #tpu.memory_space<vmem>> -> memref<16xf32, #tpu.memory_space<vmem>>
    %dma_start3A_126 = tpu.memref_slice %arg2[%add3A_122] : memref<608256xf32, #tpu.memory_space<hbm>> -> memref<16xf32, #tpu.memory_space<hbm>>
    %dma_start3A_127 = tpu.memref_slice %arg4[%add3A_124] : memref<19008xf32, #tpu.memory_space<vmem>> -> memref<16xf32, #tpu.memory_space<vmem>>
    %dma_start3A_128 = tpu.memref_slice %arg2[%add3A_122] : memref<608256xf32, #tpu.memory_space<hbm>> -> memref<16xf32, #tpu.memory_space<hbm>>
    tpu.enqueue_dma source(%dma_start3A_128 : memref<16xf32, #tpu.memory_space<hbm>>) target(%dma_start3A_127 : memref<16xf32, #tpu.memory_space<vmem>>) target_semaphore(%arg10 : memref<!tpu.dma_semaphore, #tpu.memory_space<semaphore_mem>>)
    %add3A_129 = arith.constant 202752 : i32
    %add3A_130 = arith.addi %add3A_129, %select_n3A : i32
    %add3A_131 = arith.constant 6336 : i32
    %add3A_132 = arith.addi %add3A_131, %select_n3A : i32
    %dma_start3A_133 = tpu.memref_slice %arg4[%add3A_132] : memref<19008xf32, #tpu.memory_space<vmem>> -> memref<32xf32, #tpu.memory_space<vmem>>
    %dma_start3A_134 = tpu.memref_slice %arg2[%add3A_130] : memref<608256xf32, #tpu.memory_space<hbm>> -> memref<32xf32, #tpu.memory_space<hbm>>
    %dma_start3A_135 = tpu.memref_slice %arg4[%add3A_132] : memref<19008xf32, #tpu.memory_space<vmem>> -> memref<32xf32, #tpu.memory_space<vmem>>
    %dma_start3A_136 = tpu.memref_slice %arg2[%add3A_130] : memref<608256xf32, #tpu.memory_space<hbm>> -> memref<32xf32, #tpu.memory_space<hbm>>
    tpu.enqueue_dma source(%dma_start3A_136 : memref<32xf32, #tpu.memory_space<hbm>>) target(%dma_start3A_135 : memref<32xf32, #tpu.memory_space<vmem>>) target_semaphore(%arg10 : memref<!tpu.dma_semaphore, #tpu.memory_space<semaphore_mem>>)
    %dma_start3A_137 = arith.constant 7920 : i32
    %dma_start3A_138 = tpu.memref_slice %arg4[%dma_start3A_137] : memref<19008xf32, #tpu.memory_space<vmem>> -> memref<64xf32, #tpu.memory_space<vmem>>
    %dma_start3A_139 = arith.constant 253440 : i32
    %dma_start3A_140 = tpu.memref_slice %arg2[%dma_start3A_139] : memref<608256xf32, #tpu.memory_space<hbm>> -> memref<64xf32, #tpu.memory_space<hbm>>
    %dma_start3A_141 = arith.constant 7920 : i32
    %dma_start3A_142 = tpu.memref_slice %arg4[%dma_start3A_141] : memref<19008xf32, #tpu.memory_space<vmem>> -> memref<64xf32, #tpu.memory_space<vmem>>
    %dma_start3A_143 = arith.constant 253440 : i32
    %dma_start3A_144 = tpu.memref_slice %arg2[%dma_start3A_143] : memref<608256xf32, #tpu.memory_space<hbm>> -> memref<64xf32, #tpu.memory_space<hbm>>
    tpu.enqueue_dma source(%dma_start3A_144 : memref<64xf32, #tpu.memory_space<hbm>>) target(%dma_start3A_142 : memref<64xf32, #tpu.memory_space<vmem>>) target_semaphore(%arg10 : memref<!tpu.dma_semaphore, #tpu.memory_space<semaphore_mem>>)
    %add3A_145 = arith.constant 253440 : i32
    %add3A_146 = arith.addi %add3A_145, %add3A_16 : i32
    %add3A_147 = arith.constant 7920 : i32
    %add3A_148 = arith.addi %add3A_147, %add3A_16 : i32
    %dma_start3A_149 = tpu.memref_slice %arg4[%add3A_148] : memref<19008xf32, #tpu.memory_space<vmem>> -> memref<16xf32, #tpu.memory_space<vmem>>
    %dma_start3A_150 = tpu.memref_slice %arg2[%add3A_146] : memref<608256xf32, #tpu.memory_space<hbm>> -> memref<16xf32, #tpu.memory_space<hbm>>
    %dma_start3A_151 = tpu.memref_slice %arg4[%add3A_148] : memref<19008xf32, #tpu.memory_space<vmem>> -> memref<16xf32, #tpu.memory_space<vmem>>
    %dma_start3A_152 = tpu.memref_slice %arg2[%add3A_146] : memref<608256xf32, #tpu.memory_space<hbm>> -> memref<16xf32, #tpu.memory_space<hbm>>
    tpu.enqueue_dma source(%dma_start3A_152 : memref<16xf32, #tpu.memory_space<hbm>>) target(%dma_start3A_151 : memref<16xf32, #tpu.memory_space<vmem>>) target_semaphore(%arg10 : memref<!tpu.dma_semaphore, #tpu.memory_space<semaphore_mem>>)
    %add3A_153 = arith.constant 253440 : i32
    %add3A_154 = arith.addi %add3A_153, %select_n3A : i32
    %add3A_155 = arith.constant 7920 : i32
    %add3A_156 = arith.addi %add3A_155, %select_n3A : i32
    %dma_start3A_157 = tpu.memref_slice %arg4[%add3A_156] : memref<19008xf32, #tpu.memory_space<vmem>> -> memref<32xf32, #tpu.memory_space<vmem>>
    %dma_start3A_158 = tpu.memref_slice %arg2[%add3A_154] : memref<608256xf32, #tpu.memory_space<hbm>> -> memref<32xf32, #tpu.memory_space<hbm>>
    %dma_start3A_159 = tpu.memref_slice %arg4[%add3A_156] : memref<19008xf32, #tpu.memory_space<vmem>> -> memref<32xf32, #tpu.memory_space<vmem>>
    %dma_start3A_160 = tpu.memref_slice %arg2[%add3A_154] : memref<608256xf32, #tpu.memory_space<hbm>> -> memref<32xf32, #tpu.memory_space<hbm>>
    tpu.enqueue_dma source(%dma_start3A_160 : memref<32xf32, #tpu.memory_space<hbm>>) target(%dma_start3A_159 : memref<32xf32, #tpu.memory_space<vmem>>) target_semaphore(%arg10 : memref<!tpu.dma_semaphore, #tpu.memory_space<semaphore_mem>>)
    %dma_start3A_161 = arith.constant 9504 : i32
    %dma_start3A_162 = tpu.memref_slice %arg4[%dma_start3A_161] : memref<19008xf32, #tpu.memory_space<vmem>> -> memref<64xf32, #tpu.memory_space<vmem>>
    %dma_start3A_163 = arith.constant 304128 : i32
    %dma_start3A_164 = tpu.memref_slice %arg2[%dma_start3A_163] : memref<608256xf32, #tpu.memory_space<hbm>> -> memref<64xf32, #tpu.memory_space<hbm>>
    %dma_start3A_165 = arith.constant 9504 : i32
    %dma_start3A_166 = tpu.memref_slice %arg4[%dma_start3A_165] : memref<19008xf32, #tpu.memory_space<vmem>> -> memref<64xf32, #tpu.memory_space<vmem>>
    %dma_start3A_167 = arith.constant 304128 : i32
    %dma_start3A_168 = tpu.memref_slice %arg2[%dma_start3A_167] : memref<608256xf32, #tpu.memory_space<hbm>> -> memref<64xf32, #tpu.memory_space<hbm>>
    tpu.enqueue_dma source(%dma_start3A_168 : memref<64xf32, #tpu.memory_space<hbm>>) target(%dma_start3A_166 : memref<64xf32, #tpu.memory_space<vmem>>) target_semaphore(%arg10 : memref<!tpu.dma_semaphore, #tpu.memory_space<semaphore_mem>>)
    %add3A_169 = arith.constant 304128 : i32
    %add3A_170 = arith.addi %add3A_169, %add3A_16 : i32
    %add3A_171 = arith.constant 9504 : i32
    %add3A_172 = arith.addi %add3A_171, %add3A_16 : i32
    %dma_start3A_173 = tpu.memref_slice %arg4[%add3A_172] : memref<19008xf32, #tpu.memory_space<vmem>> -> memref<16xf32, #tpu.memory_space<vmem>>
    %dma_start3A_174 = tpu.memref_slice %arg2[%add3A_170] : memref<608256xf32, #tpu.memory_space<hbm>> -> memref<16xf32, #tpu.memory_space<hbm>>
    %dma_start3A_175 = tpu.memref_slice %arg4[%add3A_172] : memref<19008xf32, #tpu.memory_space<vmem>> -> memref<16xf32, #tpu.memory_space<vmem>>
    %dma_start3A_176 = tpu.memref_slice %arg2[%add3A_170] : memref<608256xf32, #tpu.memory_space<hbm>> -> memref<16xf32, #tpu.memory_space<hbm>>
    tpu.enqueue_dma source(%dma_start3A_176 : memref<16xf32, #tpu.memory_space<hbm>>) target(%dma_start3A_175 : memref<16xf32, #tpu.memory_space<vmem>>) target_semaphore(%arg10 : memref<!tpu.dma_semaphore, #tpu.memory_space<semaphore_mem>>)
    %add3A_177 = arith.constant 304128 : i32
    %add3A_178 = arith.addi %add3A_177, %select_n3A : i32
    %add3A_179 = arith.constant 9504 : i32
    %add3A_180 = arith.addi %add3A_179, %select_n3A : i32
    %dma_start3A_181 = tpu.memref_slice %arg4[%add3A_180] : memref<19008xf32, #tpu.memory_space<vmem>> -> memref<32xf32, #tpu.memory_space<vmem>>
    %dma_start3A_182 = tpu.memref_slice %arg2[%add3A_178] : memref<608256xf32, #tpu.memory_space<hbm>> -> memref<32xf32, #tpu.memory_space<hbm>>
    %dma_start3A_183 = tpu.memref_slice %arg4[%add3A_180] : memref<19008xf32, #tpu.memory_space<vmem>> -> memref<32xf32, #tpu.memory_space<vmem>>
    %dma_start3A_184 = tpu.memref_slice %arg2[%add3A_178] : memref<608256xf32, #tpu.memory_space<hbm>> -> memref<32xf32, #tpu.memory_space<hbm>>
    tpu.enqueue_dma source(%dma_start3A_184 : memref<32xf32, #tpu.memory_space<hbm>>) target(%dma_start3A_183 : memref<32xf32, #tpu.memory_space<vmem>>) target_semaphore(%arg10 : memref<!tpu.dma_semaphore, #tpu.memory_space<semaphore_mem>>)
    %dma_start3A_185 = arith.constant 11088 : i32
    %dma_start3A_186 = tpu.memref_slice %arg4[%dma_start3A_185] : memref<19008xf32, #tpu.memory_space<vmem>> -> memref<64xf32, #tpu.memory_space<vmem>>
    %dma_start3A_187 = arith.constant 354816 : i32
    %dma_start3A_188 = tpu.memref_slice %arg2[%dma_start3A_187] : memref<608256xf32, #tpu.memory_space<hbm>> -> memref<64xf32, #tpu.memory_space<hbm>>
    %dma_start3A_189 = arith.constant 11088 : i32
    %dma_start3A_190 = tpu.memref_slice %arg4[%dma_start3A_189] : memref<19008xf32, #tpu.memory_space<vmem>> -> memref<64xf32, #tpu.memory_space<vmem>>
    %dma_start3A_191 = arith.constant 354816 : i32
    %dma_start3A_192 = tpu.memref_slice %arg2[%dma_start3A_191] : memref<608256xf32, #tpu.memory_space<hbm>> -> memref<64xf32, #tpu.memory_space<hbm>>
    tpu.enqueue_dma source(%dma_start3A_192 : memref<64xf32, #tpu.memory_space<hbm>>) target(%dma_start3A_190 : memref<64xf32, #tpu.memory_space<vmem>>) target_semaphore(%arg10 : memref<!tpu.dma_semaphore, #tpu.memory_space<semaphore_mem>>)
    %add3A_193 = arith.constant 354816 : i32
    %add3A_194 = arith.addi %add3A_193, %add3A_16 : i32
    %add3A_195 = arith.constant 11088 : i32
    %add3A_196 = arith.addi %add3A_195, %add3A_16 : i32
    %dma_start3A_197 = tpu.memref_slice %arg4[%add3A_196] : memref<19008xf32, #tpu.memory_space<vmem>> -> memref<16xf32, #tpu.memory_space<vmem>>
    %dma_start3A_198 = tpu.memref_slice %arg2[%add3A_194] : memref<608256xf32, #tpu.memory_space<hbm>> -> memref<16xf32, #tpu.memory_space<hbm>>
    %dma_start3A_199 = tpu.memref_slice %arg4[%add3A_196] : memref<19008xf32, #tpu.memory_space<vmem>> -> memref<16xf32, #tpu.memory_space<vmem>>
    %dma_start3A_200 = tpu.memref_slice %arg2[%add3A_194] : memref<608256xf32, #tpu.memory_space<hbm>> -> memref<16xf32, #tpu.memory_space<hbm>>
    tpu.enqueue_dma source(%dma_start3A_200 : memref<16xf32, #tpu.memory_space<hbm>>) target(%dma_start3A_199 : memref<16xf32, #tpu.memory_space<vmem>>) target_semaphore(%arg10 : memref<!tpu.dma_semaphore, #tpu.memory_space<semaphore_mem>>)
    %add3A_201 = arith.constant 354816 : i32
    %add3A_202 = arith.addi %add3A_201, %select_n3A : i32
    %add3A_203 = arith.constant 11088 : i32
    %add3A_204 = arith.addi %add3A_203, %select_n3A : i32
    %dma_start3A_205 = tpu.memref_slice %arg4[%add3A_204] : memref<19008xf32, #tpu.memory_space<vmem>> -> memref<32xf32, #tpu.memory_space<vmem>>
    %dma_start3A_206 = tpu.memref_slice %arg2[%add3A_202] : memref<608256xf32, #tpu.memory_space<hbm>> -> memref<32xf32, #tpu.memory_space<hbm>>
    %dma_start3A_207 = tpu.memref_slice %arg4[%add3A_204] : memref<19008xf32, #tpu.memory_space<vmem>> -> memref<32xf32, #tpu.memory_space<vmem>>
    %dma_start3A_208 = tpu.memref_slice %arg2[%add3A_202] : memref<608256xf32, #tpu.memory_space<hbm>> -> memref<32xf32, #tpu.memory_space<hbm>>
    tpu.enqueue_dma source(%dma_start3A_208 : memref<32xf32, #tpu.memory_space<hbm>>) target(%dma_start3A_207 : memref<32xf32, #tpu.memory_space<vmem>>) target_semaphore(%arg10 : memref<!tpu.dma_semaphore, #tpu.memory_space<semaphore_mem>>)
    %dma_start3A_209 = arith.constant 12672 : i32
    %dma_start3A_210 = tpu.memref_slice %arg4[%dma_start3A_209] : memref<19008xf32, #tpu.memory_space<vmem>> -> memref<64xf32, #tpu.memory_space<vmem>>
    %dma_start3A_211 = arith.constant 405504 : i32
    %dma_start3A_212 = tpu.memref_slice %arg2[%dma_start3A_211] : memref<608256xf32, #tpu.memory_space<hbm>> -> memref<64xf32, #tpu.memory_space<hbm>>
    %dma_start3A_213 = arith.constant 12672 : i32
    %dma_start3A_214 = tpu.memref_slice %arg4[%dma_start3A_213] : memref<19008xf32, #tpu.memory_space<vmem>> -> memref<64xf32, #tpu.memory_space<vmem>>
    %dma_start3A_215 = arith.constant 405504 : i32
    %dma_start3A_216 = tpu.memref_slice %arg2[%dma_start3A_215] : memref<608256xf32, #tpu.memory_space<hbm>> -> memref<64xf32, #tpu.memory_space<hbm>>
    tpu.enqueue_dma source(%dma_start3A_216 : memref<64xf32, #tpu.memory_space<hbm>>) target(%dma_start3A_214 : memref<64xf32, #tpu.memory_space<vmem>>) target_semaphore(%arg10 : memref<!tpu.dma_semaphore, #tpu.memory_space<semaphore_mem>>)
    %add3A_217 = arith.constant 405504 : i32
    %add3A_218 = arith.addi %add3A_217, %add3A_16 : i32
    %add3A_219 = arith.constant 12672 : i32
    %add3A_220 = arith.addi %add3A_219, %add3A_16 : i32
    %dma_start3A_221 = tpu.memref_slice %arg4[%add3A_220] : memref<19008xf32, #tpu.memory_space<vmem>> -> memref<16xf32, #tpu.memory_space<vmem>>
    %dma_start3A_222 = tpu.memref_slice %arg2[%add3A_218] : memref<608256xf32, #tpu.memory_space<hbm>> -> memref<16xf32, #tpu.memory_space<hbm>>
    %dma_start3A_223 = tpu.memref_slice %arg4[%add3A_220] : memref<19008xf32, #tpu.memory_space<vmem>> -> memref<16xf32, #tpu.memory_space<vmem>>
    %dma_start3A_224 = tpu.memref_slice %arg2[%add3A_218] : memref<608256xf32, #tpu.memory_space<hbm>> -> memref<16xf32, #tpu.memory_space<hbm>>
    tpu.enqueue_dma source(%dma_start3A_224 : memref<16xf32, #tpu.memory_space<hbm>>) target(%dma_start3A_223 : memref<16xf32, #tpu.memory_space<vmem>>) target_semaphore(%arg10 : memref<!tpu.dma_semaphore, #tpu.memory_space<semaphore_mem>>)
    %add3A_225 = arith.constant 405504 : i32
    %add3A_226 = arith.addi %add3A_225, %select_n3A : i32
    %add3A_227 = arith.constant 12672 : i32
    %add3A_228 = arith.addi %add3A_227, %select_n3A : i32
    %dma_start3A_229 = tpu.memref_slice %arg4[%add3A_228] : memref<19008xf32, #tpu.memory_space<vmem>> -> memref<32xf32, #tpu.memory_space<vmem>>
    %dma_start3A_230 = tpu.memref_slice %arg2[%add3A_226] : memref<608256xf32, #tpu.memory_space<hbm>> -> memref<32xf32, #tpu.memory_space<hbm>>
    %dma_start3A_231 = tpu.memref_slice %arg4[%add3A_228] : memref<19008xf32, #tpu.memory_space<vmem>> -> memref<32xf32, #tpu.memory_space<vmem>>
    %dma_start3A_232 = tpu.memref_slice %arg2[%add3A_226] : memref<608256xf32, #tpu.memory_space<hbm>> -> memref<32xf32, #tpu.memory_space<hbm>>
    tpu.enqueue_dma source(%dma_start3A_232 : memref<32xf32, #tpu.memory_space<hbm>>) target(%dma_start3A_231 : memref<32xf32, #tpu.memory_space<vmem>>) target_semaphore(%arg10 : memref<!tpu.dma_semaphore, #tpu.memory_space<semaphore_mem>>)
    %dma_start3A_233 = arith.constant 14256 : i32
    %dma_start3A_234 = tpu.memref_slice %arg4[%dma_start3A_233] : memref<19008xf32, #tpu.memory_space<vmem>> -> memref<64xf32, #tpu.memory_space<vmem>>
    %dma_start3A_235 = arith.constant 456192 : i32
    %dma_start3A_236 = tpu.memref_slice %arg2[%dma_start3A_235] : memref<608256xf32, #tpu.memory_space<hbm>> -> memref<64xf32, #tpu.memory_space<hbm>>
    %dma_start3A_237 = arith.constant 14256 : i32
    %dma_start3A_238 = tpu.memref_slice %arg4[%dma_start3A_237] : memref<19008xf32, #tpu.memory_space<vmem>> -> memref<64xf32, #tpu.memory_space<vmem>>
    %dma_start3A_239 = arith.constant 456192 : i32
    %dma_start3A_240 = tpu.memref_slice %arg2[%dma_start3A_239] : memref<608256xf32, #tpu.memory_space<hbm>> -> memref<64xf32, #tpu.memory_space<hbm>>
    tpu.enqueue_dma source(%dma_start3A_240 : memref<64xf32, #tpu.memory_space<hbm>>) target(%dma_start3A_238 : memref<64xf32, #tpu.memory_space<vmem>>) target_semaphore(%arg10 : memref<!tpu.dma_semaphore, #tpu.memory_space<semaphore_mem>>)
    %add3A_241 = arith.constant 456192 : i32
    %add3A_242 = arith.addi %add3A_241, %add3A_16 : i32
    %add3A_243 = arith.constant 14256 : i32
    %add3A_244 = arith.addi %add3A_243, %add3A_16 : i32
    %dma_start3A_245 = tpu.memref_slice %arg4[%add3A_244] : memref<19008xf32, #tpu.memory_space<vmem>> -> memref<16xf32, #tpu.memory_space<vmem>>
    %dma_start3A_246 = tpu.memref_slice %arg2[%add3A_242] : memref<608256xf32, #tpu.memory_space<hbm>> -> memref<16xf32, #tpu.memory_space<hbm>>
    %dma_start3A_247 = tpu.memref_slice %arg4[%add3A_244] : memref<19008xf32, #tpu.memory_space<vmem>> -> memref<16xf32, #tpu.memory_space<vmem>>
    %dma_start3A_248 = tpu.memref_slice %arg2[%add3A_242] : memref<608256xf32, #tpu.memory_space<hbm>> -> memref<16xf32, #tpu.memory_space<hbm>>
    tpu.enqueue_dma source(%dma_start3A_248 : memref<16xf32, #tpu.memory_space<hbm>>) target(%dma_start3A_247 : memref<16xf32, #tpu.memory_space<vmem>>) target_semaphore(%arg10 : memref<!tpu.dma_semaphore, #tpu.memory_space<semaphore_mem>>)
    %add3A_249 = arith.constant 456192 : i32
    %add3A_250 = arith.addi %add3A_249, %select_n3A : i32
    %add3A_251 = arith.constant 14256 : i32
    %add3A_252 = arith.addi %add3A_251, %select_n3A : i32
    %dma_start3A_253 = tpu.memref_slice %arg4[%add3A_252] : memref<19008xf32, #tpu.memory_space<vmem>> -> memref<32xf32, #tpu.memory_space<vmem>>
    %dma_start3A_254 = tpu.memref_slice %arg2[%add3A_250] : memref<608256xf32, #tpu.memory_space<hbm>> -> memref<32xf32, #tpu.memory_space<hbm>>
    %dma_start3A_255 = tpu.memref_slice %arg4[%add3A_252] : memref<19008xf32, #tpu.memory_space<vmem>> -> memref<32xf32, #tpu.memory_space<vmem>>
    %dma_start3A_256 = tpu.memref_slice %arg2[%add3A_250] : memref<608256xf32, #tpu.memory_space<hbm>> -> memref<32xf32, #tpu.memory_space<hbm>>
    tpu.enqueue_dma source(%dma_start3A_256 : memref<32xf32, #tpu.memory_space<hbm>>) target(%dma_start3A_255 : memref<32xf32, #tpu.memory_space<vmem>>) target_semaphore(%arg10 : memref<!tpu.dma_semaphore, #tpu.memory_space<semaphore_mem>>)
    %dma_start3A_257 = arith.constant 15840 : i32
    %dma_start3A_258 = tpu.memref_slice %arg4[%dma_start3A_257] : memref<19008xf32, #tpu.memory_space<vmem>> -> memref<64xf32, #tpu.memory_space<vmem>>
    %dma_start3A_259 = arith.constant 506880 : i32
    %dma_start3A_260 = tpu.memref_slice %arg2[%dma_start3A_259] : memref<608256xf32, #tpu.memory_space<hbm>> -> memref<64xf32, #tpu.memory_space<hbm>>
    %dma_start3A_261 = arith.constant 15840 : i32
    %dma_start3A_262 = tpu.memref_slice %arg4[%dma_start3A_261] : memref<19008xf32, #tpu.memory_space<vmem>> -> memref<64xf32, #tpu.memory_space<vmem>>
    %dma_start3A_263 = arith.constant 506880 : i32
    %dma_start3A_264 = tpu.memref_slice %arg2[%dma_start3A_263] : memref<608256xf32, #tpu.memory_space<hbm>> -> memref<64xf32, #tpu.memory_space<hbm>>
    tpu.enqueue_dma source(%dma_start3A_264 : memref<64xf32, #tpu.memory_space<hbm>>) target(%dma_start3A_262 : memref<64xf32, #tpu.memory_space<vmem>>) target_semaphore(%arg10 : memref<!tpu.dma_semaphore, #tpu.memory_space<semaphore_mem>>)
    %add3A_265 = arith.constant 506880 : i32
    %add3A_266 = arith.addi %add3A_265, %add3A_16 : i32
    %add3A_267 = arith.constant 15840 : i32
    %add3A_268 = arith.addi %add3A_267, %add3A_16 : i32
    %dma_start3A_269 = tpu.memref_slice %arg4[%add3A_268] : memref<19008xf32, #tpu.memory_space<vmem>> -> memref<16xf32, #tpu.memory_space<vmem>>
    %dma_start3A_270 = tpu.memref_slice %arg2[%add3A_266] : memref<608256xf32, #tpu.memory_space<hbm>> -> memref<16xf32, #tpu.memory_space<hbm>>
    %dma_start3A_271 = tpu.memref_slice %arg4[%add3A_268] : memref<19008xf32, #tpu.memory_space<vmem>> -> memref<16xf32, #tpu.memory_space<vmem>>
    %dma_start3A_272 = tpu.memref_slice %arg2[%add3A_266] : memref<608256xf32, #tpu.memory_space<hbm>> -> memref<16xf32, #tpu.memory_space<hbm>>
    tpu.enqueue_dma source(%dma_start3A_272 : memref<16xf32, #tpu.memory_space<hbm>>) target(%dma_start3A_271 : memref<16xf32, #tpu.memory_space<vmem>>) target_semaphore(%arg10 : memref<!tpu.dma_semaphore, #tpu.memory_space<semaphore_mem>>)
    %add3A_273 = arith.constant 506880 : i32
    %add3A_274 = arith.addi %add3A_273, %select_n3A : i32
    %add3A_275 = arith.constant 15840 : i32
    %add3A_276 = arith.addi %add3A_275, %select_n3A : i32
    %dma_start3A_277 = tpu.memref_slice %arg4[%add3A_276] : memref<19008xf32, #tpu.memory_space<vmem>> -> memref<32xf32, #tpu.memory_space<vmem>>
    %dma_start3A_278 = tpu.memref_slice %arg2[%add3A_274] : memref<608256xf32, #tpu.memory_space<hbm>> -> memref<32xf32, #tpu.memory_space<hbm>>
    %dma_start3A_279 = tpu.memref_slice %arg4[%add3A_276] : memref<19008xf32, #tpu.memory_space<vmem>> -> memref<32xf32, #tpu.memory_space<vmem>>
    %dma_start3A_280 = tpu.memref_slice %arg2[%add3A_274] : memref<608256xf32, #tpu.memory_space<hbm>> -> memref<32xf32, #tpu.memory_space<hbm>>
    tpu.enqueue_dma source(%dma_start3A_280 : memref<32xf32, #tpu.memory_space<hbm>>) target(%dma_start3A_279 : memref<32xf32, #tpu.memory_space<vmem>>) target_semaphore(%arg10 : memref<!tpu.dma_semaphore, #tpu.memory_space<semaphore_mem>>)
    %dma_start3A_281 = arith.constant 17424 : i32
    %dma_start3A_282 = tpu.memref_slice %arg4[%dma_start3A_281] : memref<19008xf32, #tpu.memory_space<vmem>> -> memref<64xf32, #tpu.memory_space<vmem>>
    %dma_start3A_283 = arith.constant 557568 : i32
    %dma_start3A_284 = tpu.memref_slice %arg2[%dma_start3A_283] : memref<608256xf32, #tpu.memory_space<hbm>> -> memref<64xf32, #tpu.memory_space<hbm>>
    %dma_start3A_285 = arith.constant 17424 : i32
    %dma_start3A_286 = tpu.memref_slice %arg4[%dma_start3A_285] : memref<19008xf32, #tpu.memory_space<vmem>> -> memref<64xf32, #tpu.memory_space<vmem>>
    %dma_start3A_287 = arith.constant 557568 : i32
    %dma_start3A_288 = tpu.memref_slice %arg2[%dma_start3A_287] : memref<608256xf32, #tpu.memory_space<hbm>> -> memref<64xf32, #tpu.memory_space<hbm>>
    tpu.enqueue_dma source(%dma_start3A_288 : memref<64xf32, #tpu.memory_space<hbm>>) target(%dma_start3A_286 : memref<64xf32, #tpu.memory_space<vmem>>) target_semaphore(%arg10 : memref<!tpu.dma_semaphore, #tpu.memory_space<semaphore_mem>>)
    %add3A_289 = arith.constant 557568 : i32
    %add3A_290 = arith.addi %add3A_289, %add3A_16 : i32
    %add3A_291 = arith.constant 17424 : i32
    %add3A_292 = arith.addi %add3A_291, %add3A_16 : i32
    %dma_start3A_293 = tpu.memref_slice %arg4[%add3A_292] : memref<19008xf32, #tpu.memory_space<vmem>> -> memref<16xf32, #tpu.memory_space<vmem>>
    %dma_start3A_294 = tpu.memref_slice %arg2[%add3A_290] : memref<608256xf32, #tpu.memory_space<hbm>> -> memref<16xf32, #tpu.memory_space<hbm>>
    %dma_start3A_295 = tpu.memref_slice %arg4[%add3A_292] : memref<19008xf32, #tpu.memory_space<vmem>> -> memref<16xf32, #tpu.memory_space<vmem>>
    %dma_start3A_296 = tpu.memref_slice %arg2[%add3A_290] : memref<608256xf32, #tpu.memory_space<hbm>> -> memref<16xf32, #tpu.memory_space<hbm>>
    tpu.enqueue_dma source(%dma_start3A_296 : memref<16xf32, #tpu.memory_space<hbm>>) target(%dma_start3A_295 : memref<16xf32, #tpu.memory_space<vmem>>) target_semaphore(%arg10 : memref<!tpu.dma_semaphore, #tpu.memory_space<semaphore_mem>>)
    %add3A_297 = arith.constant 557568 : i32
    %add3A_298 = arith.addi %add3A_297, %select_n3A : i32
    %add3A_299 = arith.constant 17424 : i32
    %add3A_300 = arith.addi %add3A_299, %select_n3A : i32
    %dma_start3A_301 = tpu.memref_slice %arg4[%add3A_300] : memref<19008xf32, #tpu.memory_space<vmem>> -> memref<32xf32, #tpu.memory_space<vmem>>
    %dma_start3A_302 = tpu.memref_slice %arg2[%add3A_298] : memref<608256xf32, #tpu.memory_space<hbm>> -> memref<32xf32, #tpu.memory_space<hbm>>
    %dma_start3A_303 = tpu.memref_slice %arg4[%add3A_300] : memref<19008xf32, #tpu.memory_space<vmem>> -> memref<32xf32, #tpu.memory_space<vmem>>
    %dma_start3A_304 = tpu.memref_slice %arg2[%add3A_298] : memref<608256xf32, #tpu.memory_space<hbm>> -> memref<32xf32, #tpu.memory_space<hbm>>
    tpu.enqueue_dma source(%dma_start3A_304 : memref<32xf32, #tpu.memory_space<hbm>>) target(%dma_start3A_303 : memref<32xf32, #tpu.memory_space<vmem>>) target_semaphore(%arg10 : memref<!tpu.dma_semaphore, #tpu.memory_space<semaphore_mem>>)
    %add3A_305 = arith.constant 152064 : i32
    %add3A_306 = arith.addi %add3A_305, %add3A_4 : i32
    %dma_start3A_307 = arith.constant 0 : i32
    %dma_start3A_308 = tpu.memref_slice %arg6[%dma_start3A_307] : memref<3072xf32, #tpu.memory_space<vmem>> -> memref<1024xf32, #tpu.memory_space<vmem>>
    %dma_start3A_309 = tpu.memref_slice %arg2[%add3A_306] : memref<608256xf32, #tpu.memory_space<hbm>> -> memref<1024xf32, #tpu.memory_space<hbm>>
    %dma_start3A_310 = arith.constant 0 : i32
    %dma_start3A_311 = tpu.memref_slice %arg6[%dma_start3A_310] : memref<3072xf32, #tpu.memory_space<vmem>> -> memref<1024xf32, #tpu.memory_space<vmem>>
    %dma_start3A_312 = tpu.memref_slice %arg2[%add3A_306] : memref<608256xf32, #tpu.memory_space<hbm>> -> memref<1024xf32, #tpu.memory_space<hbm>>
    tpu.enqueue_dma source(%dma_start3A_312 : memref<1024xf32, #tpu.memory_space<hbm>>) target(%dma_start3A_311 : memref<1024xf32, #tpu.memory_space<vmem>>) target_semaphore(%arg10 : memref<!tpu.dma_semaphore, #tpu.memory_space<semaphore_mem>>)
    %add3A_313 = arith.constant 152064 : i32
    %add3A_314 = arith.addi %add3A_313, %add3A_8 : i32
    %dma_start3A_315 = arith.constant 0 : i32
    %dma_start3A_316 = tpu.memref_slice %arg8[%dma_start3A_315] : memref<1536xf32, #tpu.memory_space<vmem>> -> memref<512xf32, #tpu.memory_space<vmem>>
    %dma_start3A_317 = tpu.memref_slice %arg2[%add3A_314] : memref<608256xf32, #tpu.memory_space<hbm>> -> memref<512xf32, #tpu.memory_space<hbm>>
    %dma_start3A_318 = arith.constant 0 : i32
    %dma_start3A_319 = tpu.memref_slice %arg8[%dma_start3A_318] : memref<1536xf32, #tpu.memory_space<vmem>> -> memref<512xf32, #tpu.memory_space<vmem>>
    %dma_start3A_320 = tpu.memref_slice %arg2[%add3A_314] : memref<608256xf32, #tpu.memory_space<hbm>> -> memref<512xf32, #tpu.memory_space<hbm>>
    tpu.enqueue_dma source(%dma_start3A_320 : memref<512xf32, #tpu.memory_space<hbm>>) target(%dma_start3A_319 : memref<512xf32, #tpu.memory_space<vmem>>) target_semaphore(%arg10 : memref<!tpu.dma_semaphore, #tpu.memory_space<semaphore_mem>>)
    %add3A_321 = arith.constant 354816 : i32
    %add3A_322 = arith.addi %add3A_321, %add3A_4 : i32
    %dma_start3A_323 = arith.constant 1024 : i32
    %dma_start3A_324 = tpu.memref_slice %arg6[%dma_start3A_323] : memref<3072xf32, #tpu.memory_space<vmem>> -> memref<1024xf32, #tpu.memory_space<vmem>>
    %dma_start3A_325 = tpu.memref_slice %arg2[%add3A_322] : memref<608256xf32, #tpu.memory_space<hbm>> -> memref<1024xf32, #tpu.memory_space<hbm>>
    %dma_start3A_326 = arith.constant 1024 : i32
    %dma_start3A_327 = tpu.memref_slice %arg6[%dma_start3A_326] : memref<3072xf32, #tpu.memory_space<vmem>> -> memref<1024xf32, #tpu.memory_space<vmem>>
    %dma_start3A_328 = tpu.memref_slice %arg2[%add3A_322] : memref<608256xf32, #tpu.memory_space<hbm>> -> memref<1024xf32, #tpu.memory_space<hbm>>
    tpu.enqueue_dma source(%dma_start3A_328 : memref<1024xf32, #tpu.memory_space<hbm>>) target(%dma_start3A_327 : memref<1024xf32, #tpu.memory_space<vmem>>) target_semaphore(%arg10 : memref<!tpu.dma_semaphore, #tpu.memory_space<semaphore_mem>>)
    %add3A_329 = arith.constant 354816 : i32
    %add3A_330 = arith.addi %add3A_329, %add3A_8 : i32
    %dma_start3A_331 = arith.constant 512 : i32
    %dma_start3A_332 = tpu.memref_slice %arg8[%dma_start3A_331] : memref<1536xf32, #tpu.memory_space<vmem>> -> memref<512xf32, #tpu.memory_space<vmem>>
    %dma_start3A_333 = tpu.memref_slice %arg2[%add3A_330] : memref<608256xf32, #tpu.memory_space<hbm>> -> memref<512xf32, #tpu.memory_space<hbm>>
    %dma_start3A_334 = arith.constant 512 : i32
    %dma_start3A_335 = tpu.memref_slice %arg8[%dma_start3A_334] : memref<1536xf32, #tpu.memory_space<vmem>> -> memref<512xf32, #tpu.memory_space<vmem>>
    %dma_start3A_336 = tpu.memref_slice %arg2[%add3A_330] : memref<608256xf32, #tpu.memory_space<hbm>> -> memref<512xf32, #tpu.memory_space<hbm>>
    tpu.enqueue_dma source(%dma_start3A_336 : memref<512xf32, #tpu.memory_space<hbm>>) target(%dma_start3A_335 : memref<512xf32, #tpu.memory_space<vmem>>) target_semaphore(%arg10 : memref<!tpu.dma_semaphore, #tpu.memory_space<semaphore_mem>>)
    %add3A_337 = arith.constant 557568 : i32
    %add3A_338 = arith.addi %add3A_337, %add3A_4 : i32
    %dma_start3A_339 = arith.constant 2048 : i32
    %dma_start3A_340 = tpu.memref_slice %arg6[%dma_start3A_339] : memref<3072xf32, #tpu.memory_space<vmem>> -> memref<1024xf32, #tpu.memory_space<vmem>>
    %dma_start3A_341 = tpu.memref_slice %arg2[%add3A_338] : memref<608256xf32, #tpu.memory_space<hbm>> -> memref<1024xf32, #tpu.memory_space<hbm>>
    %dma_start3A_342 = arith.constant 2048 : i32
    %dma_start3A_343 = tpu.memref_slice %arg6[%dma_start3A_342] : memref<3072xf32, #tpu.memory_space<vmem>> -> memref<1024xf32, #tpu.memory_space<vmem>>
    %dma_start3A_344 = tpu.memref_slice %arg2[%add3A_338] : memref<608256xf32, #tpu.memory_space<hbm>> -> memref<1024xf32, #tpu.memory_space<hbm>>
    tpu.enqueue_dma source(%dma_start3A_344 : memref<1024xf32, #tpu.memory_space<hbm>>) target(%dma_start3A_343 : memref<1024xf32, #tpu.memory_space<vmem>>) target_semaphore(%arg10 : memref<!tpu.dma_semaphore, #tpu.memory_space<semaphore_mem>>)
    %add3A_345 = arith.constant 557568 : i32
    %add3A_346 = arith.addi %add3A_345, %add3A_8 : i32
    %dma_start3A_347 = arith.constant 1024 : i32
    %dma_start3A_348 = tpu.memref_slice %arg8[%dma_start3A_347] : memref<1536xf32, #tpu.memory_space<vmem>> -> memref<512xf32, #tpu.memory_space<vmem>>
    %dma_start3A_349 = tpu.memref_slice %arg2[%add3A_346] : memref<608256xf32, #tpu.memory_space<hbm>> -> memref<512xf32, #tpu.memory_space<hbm>>
    %dma_start3A_350 = arith.constant 1024 : i32
    %dma_start3A_351 = tpu.memref_slice %arg8[%dma_start3A_350] : memref<1536xf32, #tpu.memory_space<vmem>> -> memref<512xf32, #tpu.memory_space<vmem>>
    %dma_start3A_352 = tpu.memref_slice %arg2[%add3A_346] : memref<608256xf32, #tpu.memory_space<hbm>> -> memref<512xf32, #tpu.memory_space<hbm>>
    tpu.enqueue_dma source(%dma_start3A_352 : memref<512xf32, #tpu.memory_space<hbm>>) target(%dma_start3A_351 : memref<512xf32, #tpu.memory_space<vmem>>) target_semaphore(%arg10 : memref<!tpu.dma_semaphore, #tpu.memory_space<semaphore_mem>>)
    %dma_wait3A = arith.constant 0 : i32
    %dma_wait3A_353 = tpu.memref_slice %arg4[%dma_wait3A] : memref<19008xf32, #tpu.memory_space<vmem>> -> memref<64xf32, #tpu.memory_space<vmem>>
    %dma_wait3A_354 = arith.constant 0 : i32
    %dma_wait3A_355 = tpu.memref_slice %arg2[%dma_wait3A_354] : memref<608256xf32, #tpu.memory_space<hbm>> -> memref<64xf32, #tpu.memory_space<hbm>>
    %dma_wait3A_356 = arith.constant 0 : i32
    %dma_wait3A_357 = tpu.memref_slice %arg4[%dma_wait3A_356] : memref<19008xf32, #tpu.memory_space<vmem>> -> memref<64xf32, #tpu.memory_space<vmem>>
    %dma_wait3A_358 = arith.constant 0 : i32
    %dma_wait3A_359 = tpu.memref_slice %arg2[%dma_wait3A_358] : memref<608256xf32, #tpu.memory_space<hbm>> -> memref<64xf32, #tpu.memory_space<hbm>>
    tpu.wait_dma2 semaphore(%arg10 : memref<!tpu.dma_semaphore, #tpu.memory_space<semaphore_mem>>) src(%dma_wait3A_359 : memref<64xf32, #tpu.memory_space<hbm>>) dst(%dma_wait3A_357 : memref<64xf32, #tpu.memory_space<vmem>>)
    %dma_wait3A_360 = tpu.memref_slice %arg4[%add3A_28] : memref<19008xf32, #tpu.memory_space<vmem>> -> memref<16xf32, #tpu.memory_space<vmem>>
    %dma_wait3A_361 = tpu.memref_slice %arg2[%add3A_26] : memref<608256xf32, #tpu.memory_space<hbm>> -> memref<16xf32, #tpu.memory_space<hbm>>
    %dma_wait3A_362 = tpu.memref_slice %arg4[%add3A_28] : memref<19008xf32, #tpu.memory_space<vmem>> -> memref<16xf32, #tpu.memory_space<vmem>>
    %dma_wait3A_363 = tpu.memref_slice %arg2[%add3A_26] : memref<608256xf32, #tpu.memory_space<hbm>> -> memref<16xf32, #tpu.memory_space<hbm>>
    tpu.wait_dma2 semaphore(%arg10 : memref<!tpu.dma_semaphore, #tpu.memory_space<semaphore_mem>>) src(%dma_wait3A_363 : memref<16xf32, #tpu.memory_space<hbm>>) dst(%dma_wait3A_362 : memref<16xf32, #tpu.memory_space<vmem>>)
    %dma_wait3A_364 = tpu.memref_slice %arg4[%add3A_36] : memref<19008xf32, #tpu.memory_space<vmem>> -> memref<32xf32, #tpu.memory_space<vmem>>
    %dma_wait3A_365 = tpu.memref_slice %arg2[%add3A_34] : memref<608256xf32, #tpu.memory_space<hbm>> -> memref<32xf32, #tpu.memory_space<hbm>>
    %dma_wait3A_366 = tpu.memref_slice %arg4[%add3A_36] : memref<19008xf32, #tpu.memory_space<vmem>> -> memref<32xf32, #tpu.memory_space<vmem>>
    %dma_wait3A_367 = tpu.memref_slice %arg2[%add3A_34] : memref<608256xf32, #tpu.memory_space<hbm>> -> memref<32xf32, #tpu.memory_space<hbm>>
    tpu.wait_dma2 semaphore(%arg10 : memref<!tpu.dma_semaphore, #tpu.memory_space<semaphore_mem>>) src(%dma_wait3A_367 : memref<32xf32, #tpu.memory_space<hbm>>) dst(%dma_wait3A_366 : memref<32xf32, #tpu.memory_space<vmem>>)
    %dma_wait3A_368 = arith.constant 1584 : i32
    %dma_wait3A_369 = tpu.memref_slice %arg4[%dma_wait3A_368] : memref<19008xf32, #tpu.memory_space<vmem>> -> memref<64xf32, #tpu.memory_space<vmem>>
    %dma_wait3A_370 = arith.constant 50688 : i32
    %dma_wait3A_371 = tpu.memref_slice %arg2[%dma_wait3A_370] : memref<608256xf32, #tpu.memory_space<hbm>> -> memref<64xf32, #tpu.memory_space<hbm>>
    %dma_wait3A_372 = arith.constant 1584 : i32
    %dma_wait3A_373 = tpu.memref_slice %arg4[%dma_wait3A_372] : memref<19008xf32, #tpu.memory_space<vmem>> -> memref<64xf32, #tpu.memory_space<vmem>>
    %dma_wait3A_374 = arith.constant 50688 : i32
    %dma_wait3A_375 = tpu.memref_slice %arg2[%dma_wait3A_374] : memref<608256xf32, #tpu.memory_space<hbm>> -> memref<64xf32, #tpu.memory_space<hbm>>
    tpu.wait_dma2 semaphore(%arg10 : memref<!tpu.dma_semaphore, #tpu.memory_space<semaphore_mem>>) src(%dma_wait3A_375 : memref<64xf32, #tpu.memory_space<hbm>>) dst(%dma_wait3A_373 : memref<64xf32, #tpu.memory_space<vmem>>)
    %dma_wait3A_376 = tpu.memref_slice %arg4[%add3A_52] : memref<19008xf32, #tpu.memory_space<vmem>> -> memref<16xf32, #tpu.memory_space<vmem>>
    %dma_wait3A_377 = tpu.memref_slice %arg2[%add3A_50] : memref<608256xf32, #tpu.memory_space<hbm>> -> memref<16xf32, #tpu.memory_space<hbm>>
    %dma_wait3A_378 = tpu.memref_slice %arg4[%add3A_52] : memref<19008xf32, #tpu.memory_space<vmem>> -> memref<16xf32, #tpu.memory_space<vmem>>
    %dma_wait3A_379 = tpu.memref_slice %arg2[%add3A_50] : memref<608256xf32, #tpu.memory_space<hbm>> -> memref<16xf32, #tpu.memory_space<hbm>>
    tpu.wait_dma2 semaphore(%arg10 : memref<!tpu.dma_semaphore, #tpu.memory_space<semaphore_mem>>) src(%dma_wait3A_379 : memref<16xf32, #tpu.memory_space<hbm>>) dst(%dma_wait3A_378 : memref<16xf32, #tpu.memory_space<vmem>>)
    %dma_wait3A_380 = tpu.memref_slice %arg4[%add3A_60] : memref<19008xf32, #tpu.memory_space<vmem>> -> memref<32xf32, #tpu.memory_space<vmem>>
    %dma_wait3A_381 = tpu.memref_slice %arg2[%add3A_58] : memref<608256xf32, #tpu.memory_space<hbm>> -> memref<32xf32, #tpu.memory_space<hbm>>
    %dma_wait3A_382 = tpu.memref_slice %arg4[%add3A_60] : memref<19008xf32, #tpu.memory_space<vmem>> -> memref<32xf32, #tpu.memory_space<vmem>>
    %dma_wait3A_383 = tpu.memref_slice %arg2[%add3A_58] : memref<608256xf32, #tpu.memory_space<hbm>> -> memref<32xf32, #tpu.memory_space<hbm>>
    tpu.wait_dma2 semaphore(%arg10 : memref<!tpu.dma_semaphore, #tpu.memory_space<semaphore_mem>>) src(%dma_wait3A_383 : memref<32xf32, #tpu.memory_space<hbm>>) dst(%dma_wait3A_382 : memref<32xf32, #tpu.memory_space<vmem>>)
    %dma_wait3A_384 = arith.constant 3168 : i32
    %dma_wait3A_385 = tpu.memref_slice %arg4[%dma_wait3A_384] : memref<19008xf32, #tpu.memory_space<vmem>> -> memref<64xf32, #tpu.memory_space<vmem>>
    %dma_wait3A_386 = arith.constant 101376 : i32
    %dma_wait3A_387 = tpu.memref_slice %arg2[%dma_wait3A_386] : memref<608256xf32, #tpu.memory_space<hbm>> -> memref<64xf32, #tpu.memory_space<hbm>>
    %dma_wait3A_388 = arith.constant 3168 : i32
    %dma_wait3A_389 = tpu.memref_slice %arg4[%dma_wait3A_388] : memref<19008xf32, #tpu.memory_space<vmem>> -> memref<64xf32, #tpu.memory_space<vmem>>
    %dma_wait3A_390 = arith.constant 101376 : i32
    %dma_wait3A_391 = tpu.memref_slice %arg2[%dma_wait3A_390] : memref<608256xf32, #tpu.memory_space<hbm>> -> memref<64xf32, #tpu.memory_space<hbm>>
    tpu.wait_dma2 semaphore(%arg10 : memref<!tpu.dma_semaphore, #tpu.memory_space<semaphore_mem>>) src(%dma_wait3A_391 : memref<64xf32, #tpu.memory_space<hbm>>) dst(%dma_wait3A_389 : memref<64xf32, #tpu.memory_space<vmem>>)
    %dma_wait3A_392 = tpu.memref_slice %arg4[%add3A_76] : memref<19008xf32, #tpu.memory_space<vmem>> -> memref<16xf32, #tpu.memory_space<vmem>>
    %dma_wait3A_393 = tpu.memref_slice %arg2[%add3A_74] : memref<608256xf32, #tpu.memory_space<hbm>> -> memref<16xf32, #tpu.memory_space<hbm>>
    %dma_wait3A_394 = tpu.memref_slice %arg4[%add3A_76] : memref<19008xf32, #tpu.memory_space<vmem>> -> memref<16xf32, #tpu.memory_space<vmem>>
    %dma_wait3A_395 = tpu.memref_slice %arg2[%add3A_74] : memref<608256xf32, #tpu.memory_space<hbm>> -> memref<16xf32, #tpu.memory_space<hbm>>
    tpu.wait_dma2 semaphore(%arg10 : memref<!tpu.dma_semaphore, #tpu.memory_space<semaphore_mem>>) src(%dma_wait3A_395 : memref<16xf32, #tpu.memory_space<hbm>>) dst(%dma_wait3A_394 : memref<16xf32, #tpu.memory_space<vmem>>)
    %dma_wait3A_396 = tpu.memref_slice %arg4[%add3A_84] : memref<19008xf32, #tpu.memory_space<vmem>> -> memref<32xf32, #tpu.memory_space<vmem>>
    %dma_wait3A_397 = tpu.memref_slice %arg2[%add3A_82] : memref<608256xf32, #tpu.memory_space<hbm>> -> memref<32xf32, #tpu.memory_space<hbm>>
    %dma_wait3A_398 = tpu.memref_slice %arg4[%add3A_84] : memref<19008xf32, #tpu.memory_space<vmem>> -> memref<32xf32, #tpu.memory_space<vmem>>
    %dma_wait3A_399 = tpu.memref_slice %arg2[%add3A_82] : memref<608256xf32, #tpu.memory_space<hbm>> -> memref<32xf32, #tpu.memory_space<hbm>>
    tpu.wait_dma2 semaphore(%arg10 : memref<!tpu.dma_semaphore, #tpu.memory_space<semaphore_mem>>) src(%dma_wait3A_399 : memref<32xf32, #tpu.memory_space<hbm>>) dst(%dma_wait3A_398 : memref<32xf32, #tpu.memory_space<vmem>>)
    %dma_wait3A_400 = arith.constant 4752 : i32
    %dma_wait3A_401 = tpu.memref_slice %arg4[%dma_wait3A_400] : memref<19008xf32, #tpu.memory_space<vmem>> -> memref<64xf32, #tpu.memory_space<vmem>>
    %dma_wait3A_402 = arith.constant 152064 : i32
    %dma_wait3A_403 = tpu.memref_slice %arg2[%dma_wait3A_402] : memref<608256xf32, #tpu.memory_space<hbm>> -> memref<64xf32, #tpu.memory_space<hbm>>
    %dma_wait3A_404 = arith.constant 4752 : i32
    %dma_wait3A_405 = tpu.memref_slice %arg4[%dma_wait3A_404] : memref<19008xf32, #tpu.memory_space<vmem>> -> memref<64xf32, #tpu.memory_space<vmem>>
    %dma_wait3A_406 = arith.constant 152064 : i32
    %dma_wait3A_407 = tpu.memref_slice %arg2[%dma_wait3A_406] : memref<608256xf32, #tpu.memory_space<hbm>> -> memref<64xf32, #tpu.memory_space<hbm>>
    tpu.wait_dma2 semaphore(%arg10 : memref<!tpu.dma_semaphore, #tpu.memory_space<semaphore_mem>>) src(%dma_wait3A_407 : memref<64xf32, #tpu.memory_space<hbm>>) dst(%dma_wait3A_405 : memref<64xf32, #tpu.memory_space<vmem>>)
    %dma_wait3A_408 = tpu.memref_slice %arg4[%add3A_100] : memref<19008xf32, #tpu.memory_space<vmem>> -> memref<16xf32, #tpu.memory_space<vmem>>
    %dma_wait3A_409 = tpu.memref_slice %arg2[%add3A_98] : memref<608256xf32, #tpu.memory_space<hbm>> -> memref<16xf32, #tpu.memory_space<hbm>>
    %dma_wait3A_410 = tpu.memref_slice %arg4[%add3A_100] : memref<19008xf32, #tpu.memory_space<vmem>> -> memref<16xf32, #tpu.memory_space<vmem>>
    %dma_wait3A_411 = tpu.memref_slice %arg2[%add3A_98] : memref<608256xf32, #tpu.memory_space<hbm>> -> memref<16xf32, #tpu.memory_space<hbm>>
    tpu.wait_dma2 semaphore(%arg10 : memref<!tpu.dma_semaphore, #tpu.memory_space<semaphore_mem>>) src(%dma_wait3A_411 : memref<16xf32, #tpu.memory_space<hbm>>) dst(%dma_wait3A_410 : memref<16xf32, #tpu.memory_space<vmem>>)
    %dma_wait3A_412 = tpu.memref_slice %arg4[%add3A_108] : memref<19008xf32, #tpu.memory_space<vmem>> -> memref<32xf32, #tpu.memory_space<vmem>>
    %dma_wait3A_413 = tpu.memref_slice %arg2[%add3A_106] : memref<608256xf32, #tpu.memory_space<hbm>> -> memref<32xf32, #tpu.memory_space<hbm>>
    %dma_wait3A_414 = tpu.memref_slice %arg4[%add3A_108] : memref<19008xf32, #tpu.memory_space<vmem>> -> memref<32xf32, #tpu.memory_space<vmem>>
    %dma_wait3A_415 = tpu.memref_slice %arg2[%add3A_106] : memref<608256xf32, #tpu.memory_space<hbm>> -> memref<32xf32, #tpu.memory_space<hbm>>
    tpu.wait_dma2 semaphore(%arg10 : memref<!tpu.dma_semaphore, #tpu.memory_space<semaphore_mem>>) src(%dma_wait3A_415 : memref<32xf32, #tpu.memory_space<hbm>>) dst(%dma_wait3A_414 : memref<32xf32, #tpu.memory_space<vmem>>)
    %dma_wait3A_416 = arith.constant 6336 : i32
    %dma_wait3A_417 = tpu.memref_slice %arg4[%dma_wait3A_416] : memref<19008xf32, #tpu.memory_space<vmem>> -> memref<64xf32, #tpu.memory_space<vmem>>
    %dma_wait3A_418 = arith.constant 202752 : i32
    %dma_wait3A_419 = tpu.memref_slice %arg2[%dma_wait3A_418] : memref<608256xf32, #tpu.memory_space<hbm>> -> memref<64xf32, #tpu.memory_space<hbm>>
    %dma_wait3A_420 = arith.constant 6336 : i32
    %dma_wait3A_421 = tpu.memref_slice %arg4[%dma_wait3A_420] : memref<19008xf32, #tpu.memory_space<vmem>> -> memref<64xf32, #tpu.memory_space<vmem>>
    %dma_wait3A_422 = arith.constant 202752 : i32
    %dma_wait3A_423 = tpu.memref_slice %arg2[%dma_wait3A_422] : memref<608256xf32, #tpu.memory_space<hbm>> -> memref<64xf32, #tpu.memory_space<hbm>>
    tpu.wait_dma2 semaphore(%arg10 : memref<!tpu.dma_semaphore, #tpu.memory_space<semaphore_mem>>) src(%dma_wait3A_423 : memref<64xf32, #tpu.memory_space<hbm>>) dst(%dma_wait3A_421 : memref<64xf32, #tpu.memory_space<vmem>>)
    %dma_wait3A_424 = tpu.memref_slice %arg4[%add3A_124] : memref<19008xf32, #tpu.memory_space<vmem>> -> memref<16xf32, #tpu.memory_space<vmem>>
    %dma_wait3A_425 = tpu.memref_slice %arg2[%add3A_122] : memref<608256xf32, #tpu.memory_space<hbm>> -> memref<16xf32, #tpu.memory_space<hbm>>
    %dma_wait3A_426 = tpu.memref_slice %arg4[%add3A_124] : memref<19008xf32, #tpu.memory_space<vmem>> -> memref<16xf32, #tpu.memory_space<vmem>>
    %dma_wait3A_427 = tpu.memref_slice %arg2[%add3A_122] : memref<608256xf32, #tpu.memory_space<hbm>> -> memref<16xf32, #tpu.memory_space<hbm>>
    tpu.wait_dma2 semaphore(%arg10 : memref<!tpu.dma_semaphore, #tpu.memory_space<semaphore_mem>>) src(%dma_wait3A_427 : memref<16xf32, #tpu.memory_space<hbm>>) dst(%dma_wait3A_426 : memref<16xf32, #tpu.memory_space<vmem>>)
    %dma_wait3A_428 = tpu.memref_slice %arg4[%add3A_132] : memref<19008xf32, #tpu.memory_space<vmem>> -> memref<32xf32, #tpu.memory_space<vmem>>
    %dma_wait3A_429 = tpu.memref_slice %arg2[%add3A_130] : memref<608256xf32, #tpu.memory_space<hbm>> -> memref<32xf32, #tpu.memory_space<hbm>>
    %dma_wait3A_430 = tpu.memref_slice %arg4[%add3A_132] : memref<19008xf32, #tpu.memory_space<vmem>> -> memref<32xf32, #tpu.memory_space<vmem>>
    %dma_wait3A_431 = tpu.memref_slice %arg2[%add3A_130] : memref<608256xf32, #tpu.memory_space<hbm>> -> memref<32xf32, #tpu.memory_space<hbm>>
    tpu.wait_dma2 semaphore(%arg10 : memref<!tpu.dma_semaphore, #tpu.memory_space<semaphore_mem>>) src(%dma_wait3A_431 : memref<32xf32, #tpu.memory_space<hbm>>) dst(%dma_wait3A_430 : memref<32xf32, #tpu.memory_space<vmem>>)
    %dma_wait3A_432 = arith.constant 7920 : i32
    %dma_wait3A_433 = tpu.memref_slice %arg4[%dma_wait3A_432] : memref<19008xf32, #tpu.memory_space<vmem>> -> memref<64xf32, #tpu.memory_space<vmem>>
    %dma_wait3A_434 = arith.constant 253440 : i32
    %dma_wait3A_435 = tpu.memref_slice %arg2[%dma_wait3A_434] : memref<608256xf32, #tpu.memory_space<hbm>> -> memref<64xf32, #tpu.memory_space<hbm>>
    %dma_wait3A_436 = arith.constant 7920 : i32
    %dma_wait3A_437 = tpu.memref_slice %arg4[%dma_wait3A_436] : memref<19008xf32, #tpu.memory_space<vmem>> -> memref<64xf32, #tpu.memory_space<vmem>>
    %dma_wait3A_438 = arith.constant 253440 : i32
    %dma_wait3A_439 = tpu.memref_slice %arg2[%dma_wait3A_438] : memref<608256xf32, #tpu.memory_space<hbm>> -> memref<64xf32, #tpu.memory_space<hbm>>
    tpu.wait_dma2 semaphore(%arg10 : memref<!tpu.dma_semaphore, #tpu.memory_space<semaphore_mem>>) src(%dma_wait3A_439 : memref<64xf32, #tpu.memory_space<hbm>>) dst(%dma_wait3A_437 : memref<64xf32, #tpu.memory_space<vmem>>)
    %dma_wait3A_440 = tpu.memref_slice %arg4[%add3A_148] : memref<19008xf32, #tpu.memory_space<vmem>> -> memref<16xf32, #tpu.memory_space<vmem>>
    %dma_wait3A_441 = tpu.memref_slice %arg2[%add3A_146] : memref<608256xf32, #tpu.memory_space<hbm>> -> memref<16xf32, #tpu.memory_space<hbm>>
    %dma_wait3A_442 = tpu.memref_slice %arg4[%add3A_148] : memref<19008xf32, #tpu.memory_space<vmem>> -> memref<16xf32, #tpu.memory_space<vmem>>
    %dma_wait3A_443 = tpu.memref_slice %arg2[%add3A_146] : memref<608256xf32, #tpu.memory_space<hbm>> -> memref<16xf32, #tpu.memory_space<hbm>>
    tpu.wait_dma2 semaphore(%arg10 : memref<!tpu.dma_semaphore, #tpu.memory_space<semaphore_mem>>) src(%dma_wait3A_443 : memref<16xf32, #tpu.memory_space<hbm>>) dst(%dma_wait3A_442 : memref<16xf32, #tpu.memory_space<vmem>>)
    %dma_wait3A_444 = tpu.memref_slice %arg4[%add3A_156] : memref<19008xf32, #tpu.memory_space<vmem>> -> memref<32xf32, #tpu.memory_space<vmem>>
    %dma_wait3A_445 = tpu.memref_slice %arg2[%add3A_154] : memref<608256xf32, #tpu.memory_space<hbm>> -> memref<32xf32, #tpu.memory_space<hbm>>
    %dma_wait3A_446 = tpu.memref_slice %arg4[%add3A_156] : memref<19008xf32, #tpu.memory_space<vmem>> -> memref<32xf32, #tpu.memory_space<vmem>>
    %dma_wait3A_447 = tpu.memref_slice %arg2[%add3A_154] : memref<608256xf32, #tpu.memory_space<hbm>> -> memref<32xf32, #tpu.memory_space<hbm>>
    tpu.wait_dma2 semaphore(%arg10 : memref<!tpu.dma_semaphore, #tpu.memory_space<semaphore_mem>>) src(%dma_wait3A_447 : memref<32xf32, #tpu.memory_space<hbm>>) dst(%dma_wait3A_446 : memref<32xf32, #tpu.memory_space<vmem>>)
    %dma_wait3A_448 = arith.constant 9504 : i32
    %dma_wait3A_449 = tpu.memref_slice %arg4[%dma_wait3A_448] : memref<19008xf32, #tpu.memory_space<vmem>> -> memref<64xf32, #tpu.memory_space<vmem>>
    %dma_wait3A_450 = arith.constant 304128 : i32
    %dma_wait3A_451 = tpu.memref_slice %arg2[%dma_wait3A_450] : memref<608256xf32, #tpu.memory_space<hbm>> -> memref<64xf32, #tpu.memory_space<hbm>>
    %dma_wait3A_452 = arith.constant 9504 : i32
    %dma_wait3A_453 = tpu.memref_slice %arg4[%dma_wait3A_452] : memref<19008xf32, #tpu.memory_space<vmem>> -> memref<64xf32, #tpu.memory_space<vmem>>
    %dma_wait3A_454 = arith.constant 304128 : i32
    %dma_wait3A_455 = tpu.memref_slice %arg2[%dma_wait3A_454] : memref<608256xf32, #tpu.memory_space<hbm>> -> memref<64xf32, #tpu.memory_space<hbm>>
    tpu.wait_dma2 semaphore(%arg10 : memref<!tpu.dma_semaphore, #tpu.memory_space<semaphore_mem>>) src(%dma_wait3A_455 : memref<64xf32, #tpu.memory_space<hbm>>) dst(%dma_wait3A_453 : memref<64xf32, #tpu.memory_space<vmem>>)
    %dma_wait3A_456 = tpu.memref_slice %arg4[%add3A_172] : memref<19008xf32, #tpu.memory_space<vmem>> -> memref<16xf32, #tpu.memory_space<vmem>>
    %dma_wait3A_457 = tpu.memref_slice %arg2[%add3A_170] : memref<608256xf32, #tpu.memory_space<hbm>> -> memref<16xf32, #tpu.memory_space<hbm>>
    %dma_wait3A_458 = tpu.memref_slice %arg4[%add3A_172] : memref<19008xf32, #tpu.memory_space<vmem>> -> memref<16xf32, #tpu.memory_space<vmem>>
    %dma_wait3A_459 = tpu.memref_slice %arg2[%add3A_170] : memref<608256xf32, #tpu.memory_space<hbm>> -> memref<16xf32, #tpu.memory_space<hbm>>
    tpu.wait_dma2 semaphore(%arg10 : memref<!tpu.dma_semaphore, #tpu.memory_space<semaphore_mem>>) src(%dma_wait3A_459 : memref<16xf32, #tpu.memory_space<hbm>>) dst(%dma_wait3A_458 : memref<16xf32, #tpu.memory_space<vmem>>)
    %dma_wait3A_460 = tpu.memref_slice %arg4[%add3A_180] : memref<19008xf32, #tpu.memory_space<vmem>> -> memref<32xf32, #tpu.memory_space<vmem>>
    %dma_wait3A_461 = tpu.memref_slice %arg2[%add3A_178] : memref<608256xf32, #tpu.memory_space<hbm>> -> memref<32xf32, #tpu.memory_space<hbm>>
    %dma_wait3A_462 = tpu.memref_slice %arg4[%add3A_180] : memref<19008xf32, #tpu.memory_space<vmem>> -> memref<32xf32, #tpu.memory_space<vmem>>
    %dma_wait3A_463 = tpu.memref_slice %arg2[%add3A_178] : memref<608256xf32, #tpu.memory_space<hbm>> -> memref<32xf32, #tpu.memory_space<hbm>>
    tpu.wait_dma2 semaphore(%arg10 : memref<!tpu.dma_semaphore, #tpu.memory_space<semaphore_mem>>) src(%dma_wait3A_463 : memref<32xf32, #tpu.memory_space<hbm>>) dst(%dma_wait3A_462 : memref<32xf32, #tpu.memory_space<vmem>>)
    %dma_wait3A_464 = arith.constant 11088 : i32
    %dma_wait3A_465 = tpu.memref_slice %arg4[%dma_wait3A_464] : memref<19008xf32, #tpu.memory_space<vmem>> -> memref<64xf32, #tpu.memory_space<vmem>>
    %dma_wait3A_466 = arith.constant 354816 : i32
    %dma_wait3A_467 = tpu.memref_slice %arg2[%dma_wait3A_466] : memref<608256xf32, #tpu.memory_space<hbm>> -> memref<64xf32, #tpu.memory_space<hbm>>
    %dma_wait3A_468 = arith.constant 11088 : i32
    %dma_wait3A_469 = tpu.memref_slice %arg4[%dma_wait3A_468] : memref<19008xf32, #tpu.memory_space<vmem>> -> memref<64xf32, #tpu.memory_space<vmem>>
    %dma_wait3A_470 = arith.constant 354816 : i32
    %dma_wait3A_471 = tpu.memref_slice %arg2[%dma_wait3A_470] : memref<608256xf32, #tpu.memory_space<hbm>> -> memref<64xf32, #tpu.memory_space<hbm>>
    tpu.wait_dma2 semaphore(%arg10 : memref<!tpu.dma_semaphore, #tpu.memory_space<semaphore_mem>>) src(%dma_wait3A_471 : memref<64xf32, #tpu.memory_space<hbm>>) dst(%dma_wait3A_469 : memref<64xf32, #tpu.memory_space<vmem>>)
    %dma_wait3A_472 = tpu.memref_slice %arg4[%add3A_196] : memref<19008xf32, #tpu.memory_space<vmem>> -> memref<16xf32, #tpu.memory_space<vmem>>
    %dma_wait3A_473 = tpu.memref_slice %arg2[%add3A_194] : memref<608256xf32, #tpu.memory_space<hbm>> -> memref<16xf32, #tpu.memory_space<hbm>>
    %dma_wait3A_474 = tpu.memref_slice %arg4[%add3A_196] : memref<19008xf32, #tpu.memory_space<vmem>> -> memref<16xf32, #tpu.memory_space<vmem>>
    %dma_wait3A_475 = tpu.memref_slice %arg2[%add3A_194] : memref<608256xf32, #tpu.memory_space<hbm>> -> memref<16xf32, #tpu.memory_space<hbm>>
    tpu.wait_dma2 semaphore(%arg10 : memref<!tpu.dma_semaphore, #tpu.memory_space<semaphore_mem>>) src(%dma_wait3A_475 : memref<16xf32, #tpu.memory_space<hbm>>) dst(%dma_wait3A_474 : memref<16xf32, #tpu.memory_space<vmem>>)
    %dma_wait3A_476 = tpu.memref_slice %arg4[%add3A_204] : memref<19008xf32, #tpu.memory_space<vmem>> -> memref<32xf32, #tpu.memory_space<vmem>>
    %dma_wait3A_477 = tpu.memref_slice %arg2[%add3A_202] : memref<608256xf32, #tpu.memory_space<hbm>> -> memref<32xf32, #tpu.memory_space<hbm>>
    %dma_wait3A_478 = tpu.memref_slice %arg4[%add3A_204] : memref<19008xf32, #tpu.memory_space<vmem>> -> memref<32xf32, #tpu.memory_space<vmem>>
    %dma_wait3A_479 = tpu.memref_slice %arg2[%add3A_202] : memref<608256xf32, #tpu.memory_space<hbm>> -> memref<32xf32, #tpu.memory_space<hbm>>
    tpu.wait_dma2 semaphore(%arg10 : memref<!tpu.dma_semaphore, #tpu.memory_space<semaphore_mem>>) src(%dma_wait3A_479 : memref<32xf32, #tpu.memory_space<hbm>>) dst(%dma_wait3A_478 : memref<32xf32, #tpu.memory_space<vmem>>)
    %dma_wait3A_480 = arith.constant 12672 : i32
    %dma_wait3A_481 = tpu.memref_slice %arg4[%dma_wait3A_480] : memref<19008xf32, #tpu.memory_space<vmem>> -> memref<64xf32, #tpu.memory_space<vmem>>
    %dma_wait3A_482 = arith.constant 405504 : i32
    %dma_wait3A_483 = tpu.memref_slice %arg2[%dma_wait3A_482] : memref<608256xf32, #tpu.memory_space<hbm>> -> memref<64xf32, #tpu.memory_space<hbm>>
    %dma_wait3A_484 = arith.constant 12672 : i32
    %dma_wait3A_485 = tpu.memref_slice %arg4[%dma_wait3A_484] : memref<19008xf32, #tpu.memory_space<vmem>> -> memref<64xf32, #tpu.memory_space<vmem>>
    %dma_wait3A_486 = arith.constant 405504 : i32
    %dma_wait3A_487 = tpu.memref_slice %arg2[%dma_wait3A_486] : memref<608256xf32, #tpu.memory_space<hbm>> -> memref<64xf32, #tpu.memory_space<hbm>>
    tpu.wait_dma2 semaphore(%arg10 : memref<!tpu.dma_semaphore, #tpu.memory_space<semaphore_mem>>) src(%dma_wait3A_487 : memref<64xf32, #tpu.memory_space<hbm>>) dst(%dma_wait3A_485 : memref<64xf32, #tpu.memory_space<vmem>>)
    %dma_wait3A_488 = tpu.memref_slice %arg4[%add3A_220] : memref<19008xf32, #tpu.memory_space<vmem>> -> memref<16xf32, #tpu.memory_space<vmem>>
    %dma_wait3A_489 = tpu.memref_slice %arg2[%add3A_218] : memref<608256xf32, #tpu.memory_space<hbm>> -> memref<16xf32, #tpu.memory_space<hbm>>
    %dma_wait3A_490 = tpu.memref_slice %arg4[%add3A_220] : memref<19008xf32, #tpu.memory_space<vmem>> -> memref<16xf32, #tpu.memory_space<vmem>>
    %dma_wait3A_491 = tpu.memref_slice %arg2[%add3A_218] : memref<608256xf32, #tpu.memory_space<hbm>> -> memref<16xf32, #tpu.memory_space<hbm>>
    tpu.wait_dma2 semaphore(%arg10 : memref<!tpu.dma_semaphore, #tpu.memory_space<semaphore_mem>>) src(%dma_wait3A_491 : memref<16xf32, #tpu.memory_space<hbm>>) dst(%dma_wait3A_490 : memref<16xf32, #tpu.memory_space<vmem>>)
    %dma_wait3A_492 = tpu.memref_slice %arg4[%add3A_228] : memref<19008xf32, #tpu.memory_space<vmem>> -> memref<32xf32, #tpu.memory_space<vmem>>
    %dma_wait3A_493 = tpu.memref_slice %arg2[%add3A_226] : memref<608256xf32, #tpu.memory_space<hbm>> -> memref<32xf32, #tpu.memory_space<hbm>>
    %dma_wait3A_494 = tpu.memref_slice %arg4[%add3A_228] : memref<19008xf32, #tpu.memory_space<vmem>> -> memref<32xf32, #tpu.memory_space<vmem>>
    %dma_wait3A_495 = tpu.memref_slice %arg2[%add3A_226] : memref<608256xf32, #tpu.memory_space<hbm>> -> memref<32xf32, #tpu.memory_space<hbm>>
    tpu.wait_dma2 semaphore(%arg10 : memref<!tpu.dma_semaphore, #tpu.memory_space<semaphore_mem>>) src(%dma_wait3A_495 : memref<32xf32, #tpu.memory_space<hbm>>) dst(%dma_wait3A_494 : memref<32xf32, #tpu.memory_space<vmem>>)
    %dma_wait3A_496 = arith.constant 14256 : i32
    %dma_wait3A_497 = tpu.memref_slice %arg4[%dma_wait3A_496] : memref<19008xf32, #tpu.memory_space<vmem>> -> memref<64xf32, #tpu.memory_space<vmem>>
    %dma_wait3A_498 = arith.constant 456192 : i32
    %dma_wait3A_499 = tpu.memref_slice %arg2[%dma_wait3A_498] : memref<608256xf32, #tpu.memory_space<hbm>> -> memref<64xf32, #tpu.memory_space<hbm>>
    %dma_wait3A_500 = arith.constant 14256 : i32
    %dma_wait3A_501 = tpu.memref_slice %arg4[%dma_wait3A_500] : memref<19008xf32, #tpu.memory_space<vmem>> -> memref<64xf32, #tpu.memory_space<vmem>>
    %dma_wait3A_502 = arith.constant 456192 : i32
    %dma_wait3A_503 = tpu.memref_slice %arg2[%dma_wait3A_502] : memref<608256xf32, #tpu.memory_space<hbm>> -> memref<64xf32, #tpu.memory_space<hbm>>
    tpu.wait_dma2 semaphore(%arg10 : memref<!tpu.dma_semaphore, #tpu.memory_space<semaphore_mem>>) src(%dma_wait3A_503 : memref<64xf32, #tpu.memory_space<hbm>>) dst(%dma_wait3A_501 : memref<64xf32, #tpu.memory_space<vmem>>)
    %dma_wait3A_504 = tpu.memref_slice %arg4[%add3A_244] : memref<19008xf32, #tpu.memory_space<vmem>> -> memref<16xf32, #tpu.memory_space<vmem>>
    %dma_wait3A_505 = tpu.memref_slice %arg2[%add3A_242] : memref<608256xf32, #tpu.memory_space<hbm>> -> memref<16xf32, #tpu.memory_space<hbm>>
    %dma_wait3A_506 = tpu.memref_slice %arg4[%add3A_244] : memref<19008xf32, #tpu.memory_space<vmem>> -> memref<16xf32, #tpu.memory_space<vmem>>
    %dma_wait3A_507 = tpu.memref_slice %arg2[%add3A_242] : memref<608256xf32, #tpu.memory_space<hbm>> -> memref<16xf32, #tpu.memory_space<hbm>>
    tpu.wait_dma2 semaphore(%arg10 : memref<!tpu.dma_semaphore, #tpu.memory_space<semaphore_mem>>) src(%dma_wait3A_507 : memref<16xf32, #tpu.memory_space<hbm>>) dst(%dma_wait3A_506 : memref<16xf32, #tpu.memory_space<vmem>>)
    %dma_wait3A_508 = tpu.memref_slice %arg4[%add3A_252] : memref<19008xf32, #tpu.memory_space<vmem>> -> memref<32xf32, #tpu.memory_space<vmem>>
    %dma_wait3A_509 = tpu.memref_slice %arg2[%add3A_250] : memref<608256xf32, #tpu.memory_space<hbm>> -> memref<32xf32, #tpu.memory_space<hbm>>
    %dma_wait3A_510 = tpu.memref_slice %arg4[%add3A_252] : memref<19008xf32, #tpu.memory_space<vmem>> -> memref<32xf32, #tpu.memory_space<vmem>>
    %dma_wait3A_511 = tpu.memref_slice %arg2[%add3A_250] : memref<608256xf32, #tpu.memory_space<hbm>> -> memref<32xf32, #tpu.memory_space<hbm>>
    tpu.wait_dma2 semaphore(%arg10 : memref<!tpu.dma_semaphore, #tpu.memory_space<semaphore_mem>>) src(%dma_wait3A_511 : memref<32xf32, #tpu.memory_space<hbm>>) dst(%dma_wait3A_510 : memref<32xf32, #tpu.memory_space<vmem>>)
    %dma_wait3A_512 = arith.constant 15840 : i32
    %dma_wait3A_513 = tpu.memref_slice %arg4[%dma_wait3A_512] : memref<19008xf32, #tpu.memory_space<vmem>> -> memref<64xf32, #tpu.memory_space<vmem>>
    %dma_wait3A_514 = arith.constant 506880 : i32
    %dma_wait3A_515 = tpu.memref_slice %arg2[%dma_wait3A_514] : memref<608256xf32, #tpu.memory_space<hbm>> -> memref<64xf32, #tpu.memory_space<hbm>>
    %dma_wait3A_516 = arith.constant 15840 : i32
    %dma_wait3A_517 = tpu.memref_slice %arg4[%dma_wait3A_516] : memref<19008xf32, #tpu.memory_space<vmem>> -> memref<64xf32, #tpu.memory_space<vmem>>
    %dma_wait3A_518 = arith.constant 506880 : i32
    %dma_wait3A_519 = tpu.memref_slice %arg2[%dma_wait3A_518] : memref<608256xf32, #tpu.memory_space<hbm>> -> memref<64xf32, #tpu.memory_space<hbm>>
    tpu.wait_dma2 semaphore(%arg10 : memref<!tpu.dma_semaphore, #tpu.memory_space<semaphore_mem>>) src(%dma_wait3A_519 : memref<64xf32, #tpu.memory_space<hbm>>) dst(%dma_wait3A_517 : memref<64xf32, #tpu.memory_space<vmem>>)
    %dma_wait3A_520 = tpu.memref_slice %arg4[%add3A_268] : memref<19008xf32, #tpu.memory_space<vmem>> -> memref<16xf32, #tpu.memory_space<vmem>>
    %dma_wait3A_521 = tpu.memref_slice %arg2[%add3A_266] : memref<608256xf32, #tpu.memory_space<hbm>> -> memref<16xf32, #tpu.memory_space<hbm>>
    %dma_wait3A_522 = tpu.memref_slice %arg4[%add3A_268] : memref<19008xf32, #tpu.memory_space<vmem>> -> memref<16xf32, #tpu.memory_space<vmem>>
    %dma_wait3A_523 = tpu.memref_slice %arg2[%add3A_266] : memref<608256xf32, #tpu.memory_space<hbm>> -> memref<16xf32, #tpu.memory_space<hbm>>
    tpu.wait_dma2 semaphore(%arg10 : memref<!tpu.dma_semaphore, #tpu.memory_space<semaphore_mem>>) src(%dma_wait3A_523 : memref<16xf32, #tpu.memory_space<hbm>>) dst(%dma_wait3A_522 : memref<16xf32, #tpu.memory_space<vmem>>)
    %dma_wait3A_524 = tpu.memref_slice %arg4[%add3A_276] : memref<19008xf32, #tpu.memory_space<vmem>> -> memref<32xf32, #tpu.memory_space<vmem>>
    %dma_wait3A_525 = tpu.memref_slice %arg2[%add3A_274] : memref<608256xf32, #tpu.memory_space<hbm>> -> memref<32xf32, #tpu.memory_space<hbm>>
    %dma_wait3A_526 = tpu.memref_slice %arg4[%add3A_276] : memref<19008xf32, #tpu.memory_space<vmem>> -> memref<32xf32, #tpu.memory_space<vmem>>
    %dma_wait3A_527 = tpu.memref_slice %arg2[%add3A_274] : memref<608256xf32, #tpu.memory_space<hbm>> -> memref<32xf32, #tpu.memory_space<hbm>>
    tpu.wait_dma2 semaphore(%arg10 : memref<!tpu.dma_semaphore, #tpu.memory_space<semaphore_mem>>) src(%dma_wait3A_527 : memref<32xf32, #tpu.memory_space<hbm>>) dst(%dma_wait3A_526 : memref<32xf32, #tpu.memory_space<vmem>>)
    %dma_wait3A_528 = arith.constant 17424 : i32
    %dma_wait3A_529 = tpu.memref_slice %arg4[%dma_wait3A_528] : memref<19008xf32, #tpu.memory_space<vmem>> -> memref<64xf32, #tpu.memory_space<vmem>>
    %dma_wait3A_530 = arith.constant 557568 : i32
    %dma_wait3A_531 = tpu.memref_slice %arg2[%dma_wait3A_530] : memref<608256xf32, #tpu.memory_space<hbm>> -> memref<64xf32, #tpu.memory_space<hbm>>
    %dma_wait3A_532 = arith.constant 17424 : i32
    %dma_wait3A_533 = tpu.memref_slice %arg4[%dma_wait3A_532] : memref<19008xf32, #tpu.memory_space<vmem>> -> memref<64xf32, #tpu.memory_space<vmem>>
    %dma_wait3A_534 = arith.constant 557568 : i32
    %dma_wait3A_535 = tpu.memref_slice %arg2[%dma_wait3A_534] : memref<608256xf32, #tpu.memory_space<hbm>> -> memref<64xf32, #tpu.memory_space<hbm>>
    tpu.wait_dma2 semaphore(%arg10 : memref<!tpu.dma_semaphore, #tpu.memory_space<semaphore_mem>>) src(%dma_wait3A_535 : memref<64xf32, #tpu.memory_space<hbm>>) dst(%dma_wait3A_533 : memref<64xf32, #tpu.memory_space<vmem>>)
    %dma_wait3A_536 = tpu.memref_slice %arg4[%add3A_292] : memref<19008xf32, #tpu.memory_space<vmem>> -> memref<16xf32, #tpu.memory_space<vmem>>
    %dma_wait3A_537 = tpu.memref_slice %arg2[%add3A_290] : memref<608256xf32, #tpu.memory_space<hbm>> -> memref<16xf32, #tpu.memory_space<hbm>>
    %dma_wait3A_538 = tpu.memref_slice %arg4[%add3A_292] : memref<19008xf32, #tpu.memory_space<vmem>> -> memref<16xf32, #tpu.memory_space<vmem>>
    %dma_wait3A_539 = tpu.memref_slice %arg2[%add3A_290] : memref<608256xf32, #tpu.memory_space<hbm>> -> memref<16xf32, #tpu.memory_space<hbm>>
    tpu.wait_dma2 semaphore(%arg10 : memref<!tpu.dma_semaphore, #tpu.memory_space<semaphore_mem>>) src(%dma_wait3A_539 : memref<16xf32, #tpu.memory_space<hbm>>) dst(%dma_wait3A_538 : memref<16xf32, #tpu.memory_space<vmem>>)
    %dma_wait3A_540 = tpu.memref_slice %arg4[%add3A_300] : memref<19008xf32, #tpu.memory_space<vmem>> -> memref<32xf32, #tpu.memory_space<vmem>>
    %dma_wait3A_541 = tpu.memref_slice %arg2[%add3A_298] : memref<608256xf32, #tpu.memory_space<hbm>> -> memref<32xf32, #tpu.memory_space<hbm>>
    %dma_wait3A_542 = tpu.memref_slice %arg4[%add3A_300] : memref<19008xf32, #tpu.memory_space<vmem>> -> memref<32xf32, #tpu.memory_space<vmem>>
    %dma_wait3A_543 = tpu.memref_slice %arg2[%add3A_298] : memref<608256xf32, #tpu.memory_space<hbm>> -> memref<32xf32, #tpu.memory_space<hbm>>
    tpu.wait_dma2 semaphore(%arg10 : memref<!tpu.dma_semaphore, #tpu.memory_space<semaphore_mem>>) src(%dma_wait3A_543 : memref<32xf32, #tpu.memory_space<hbm>>) dst(%dma_wait3A_542 : memref<32xf32, #tpu.memory_space<vmem>>)
    %dma_wait3A_544 = arith.constant 0 : i32
    %dma_wait3A_545 = tpu.memref_slice %arg6[%dma_wait3A_544] : memref<3072xf32, #tpu.memory_space<vmem>> -> memref<1024xf32, #tpu.memory_space<vmem>>
    %dma_wait3A_546 = tpu.memref_slice %arg2[%add3A_306] : memref<608256xf32, #tpu.memory_space<hbm>> -> memref<1024xf32, #tpu.memory_space<hbm>>
    %dma_wait3A_547 = arith.constant 0 : i32
    %dma_wait3A_548 = tpu.memref_slice %arg6[%dma_wait3A_547] : memref<3072xf32, #tpu.memory_space<vmem>> -> memref<1024xf32, #tpu.memory_space<vmem>>
    %dma_wait3A_549 = tpu.memref_slice %arg2[%add3A_306] : memref<608256xf32, #tpu.memory_space<hbm>> -> memref<1024xf32, #tpu.memory_space<hbm>>
    tpu.wait_dma2 semaphore(%arg10 : memref<!tpu.dma_semaphore, #tpu.memory_space<semaphore_mem>>) src(%dma_wait3A_549 : memref<1024xf32, #tpu.memory_space<hbm>>) dst(%dma_wait3A_548 : memref<1024xf32, #tpu.memory_space<vmem>>)
    %dma_wait3A_550 = arith.constant 0 : i32
    %dma_wait3A_551 = tpu.memref_slice %arg8[%dma_wait3A_550] : memref<1536xf32, #tpu.memory_space<vmem>> -> memref<512xf32, #tpu.memory_space<vmem>>
    %dma_wait3A_552 = tpu.memref_slice %arg2[%add3A_314] : memref<608256xf32, #tpu.memory_space<hbm>> -> memref<512xf32, #tpu.memory_space<hbm>>
    %dma_wait3A_553 = arith.constant 0 : i32
    %dma_wait3A_554 = tpu.memref_slice %arg8[%dma_wait3A_553] : memref<1536xf32, #tpu.memory_space<vmem>> -> memref<512xf32, #tpu.memory_space<vmem>>
    %dma_wait3A_555 = tpu.memref_slice %arg2[%add3A_314] : memref<608256xf32, #tpu.memory_space<hbm>> -> memref<512xf32, #tpu.memory_space<hbm>>
    tpu.wait_dma2 semaphore(%arg10 : memref<!tpu.dma_semaphore, #tpu.memory_space<semaphore_mem>>) src(%dma_wait3A_555 : memref<512xf32, #tpu.memory_space<hbm>>) dst(%dma_wait3A_554 : memref<512xf32, #tpu.memory_space<vmem>>)
    %dma_wait3A_556 = arith.constant 1024 : i32
    %dma_wait3A_557 = tpu.memref_slice %arg6[%dma_wait3A_556] : memref<3072xf32, #tpu.memory_space<vmem>> -> memref<1024xf32, #tpu.memory_space<vmem>>
    %dma_wait3A_558 = tpu.memref_slice %arg2[%add3A_322] : memref<608256xf32, #tpu.memory_space<hbm>> -> memref<1024xf32, #tpu.memory_space<hbm>>
    %dma_wait3A_559 = arith.constant 1024 : i32
    %dma_wait3A_560 = tpu.memref_slice %arg6[%dma_wait3A_559] : memref<3072xf32, #tpu.memory_space<vmem>> -> memref<1024xf32, #tpu.memory_space<vmem>>
    %dma_wait3A_561 = tpu.memref_slice %arg2[%add3A_322] : memref<608256xf32, #tpu.memory_space<hbm>> -> memref<1024xf32, #tpu.memory_space<hbm>>
    tpu.wait_dma2 semaphore(%arg10 : memref<!tpu.dma_semaphore, #tpu.memory_space<semaphore_mem>>) src(%dma_wait3A_561 : memref<1024xf32, #tpu.memory_space<hbm>>) dst(%dma_wait3A_560 : memref<1024xf32, #tpu.memory_space<vmem>>)
    %dma_wait3A_562 = arith.constant 512 : i32
    %dma_wait3A_563 = tpu.memref_slice %arg8[%dma_wait3A_562] : memref<1536xf32, #tpu.memory_space<vmem>> -> memref<512xf32, #tpu.memory_space<vmem>>
    %dma_wait3A_564 = tpu.memref_slice %arg2[%add3A_330] : memref<608256xf32, #tpu.memory_space<hbm>> -> memref<512xf32, #tpu.memory_space<hbm>>
    %dma_wait3A_565 = arith.constant 512 : i32
    %dma_wait3A_566 = tpu.memref_slice %arg8[%dma_wait3A_565] : memref<1536xf32, #tpu.memory_space<vmem>> -> memref<512xf32, #tpu.memory_space<vmem>>
    %dma_wait3A_567 = tpu.memref_slice %arg2[%add3A_330] : memref<608256xf32, #tpu.memory_space<hbm>> -> memref<512xf32, #tpu.memory_space<hbm>>
    tpu.wait_dma2 semaphore(%arg10 : memref<!tpu.dma_semaphore, #tpu.memory_space<semaphore_mem>>) src(%dma_wait3A_567 : memref<512xf32, #tpu.memory_space<hbm>>) dst(%dma_wait3A_566 : memref<512xf32, #tpu.memory_space<vmem>>)
    %dma_wait3A_568 = arith.constant 2048 : i32
    %dma_wait3A_569 = tpu.memref_slice %arg6[%dma_wait3A_568] : memref<3072xf32, #tpu.memory_space<vmem>> -> memref<1024xf32, #tpu.memory_space<vmem>>
    %dma_wait3A_570 = tpu.memref_slice %arg2[%add3A_338] : memref<608256xf32, #tpu.memory_space<hbm>> -> memref<1024xf32, #tpu.memory_space<hbm>>
    %dma_wait3A_571 = arith.constant 2048 : i32
    %dma_wait3A_572 = tpu.memref_slice %arg6[%dma_wait3A_571] : memref<3072xf32, #tpu.memory_space<vmem>> -> memref<1024xf32, #tpu.memory_space<vmem>>
    %dma_wait3A_573 = tpu.memref_slice %arg2[%add3A_338] : memref<608256xf32, #tpu.memory_space<hbm>> -> memref<1024xf32, #tpu.memory_space<hbm>>
    tpu.wait_dma2 semaphore(%arg10 : memref<!tpu.dma_semaphore, #tpu.memory_space<semaphore_mem>>) src(%dma_wait3A_573 : memref<1024xf32, #tpu.memory_space<hbm>>) dst(%dma_wait3A_572 : memref<1024xf32, #tpu.memory_space<vmem>>)
    %dma_wait3A_574 = arith.constant 1024 : i32
    %dma_wait3A_575 = tpu.memref_slice %arg8[%dma_wait3A_574] : memref<1536xf32, #tpu.memory_space<vmem>> -> memref<512xf32, #tpu.memory_space<vmem>>
    %dma_wait3A_576 = tpu.memref_slice %arg2[%add3A_346] : memref<608256xf32, #tpu.memory_space<hbm>> -> memref<512xf32, #tpu.memory_space<hbm>>
    %dma_wait3A_577 = arith.constant 1024 : i32
    %dma_wait3A_578 = tpu.memref_slice %arg8[%dma_wait3A_577] : memref<1536xf32, #tpu.memory_space<vmem>> -> memref<512xf32, #tpu.memory_space<vmem>>
    %dma_wait3A_579 = tpu.memref_slice %arg2[%add3A_346] : memref<608256xf32, #tpu.memory_space<hbm>> -> memref<512xf32, #tpu.memory_space<hbm>>
    tpu.wait_dma2 semaphore(%arg10 : memref<!tpu.dma_semaphore, #tpu.memory_space<semaphore_mem>>) src(%dma_wait3A_579 : memref<512xf32, #tpu.memory_space<hbm>>) dst(%dma_wait3A_578 : memref<512xf32, #tpu.memory_space<vmem>>)
    %get3A = arith.constant 0 : index
    %get3A_580 = tpu.vector_load %arg4[%get3A] {strides = array<i32>} : memref<19008xf32, #tpu.memory_space<vmem>>, vector<16xf32>,
    %swap3A = arith.constant 0 : index
    %swap3A_581 = tpu.vector_load %arg5[%swap3A] {strides = array<i32>} : memref<19008xf32, #tpu.memory_space<vmem>>, vector<16xf32>,
    tpu.vector_store %arg5[%swap3A], %get3A_580 {strides = array<i32>} : memref<19008xf32, #tpu.memory_space<vmem>>, vector<16xf32>,
    %get3A_582 = arith.constant 16 : index
    %get3A_583 = tpu.vector_load %arg4[%get3A_582] {strides = array<i32>} : memref<19008xf32, #tpu.memory_space<vmem>>, vector<16xf32>,
    %swap3A_584 = arith.constant 16 : index
    %swap3A_585 = tpu.vector_load %arg5[%swap3A_584] {strides = array<i32>} : memref<19008xf32, #tpu.memory_space<vmem>>, vector<16xf32>,
    tpu.vector_store %arg5[%swap3A_584], %get3A_583 {strides = array<i32>} : memref<19008xf32, #tpu.memory_space<vmem>>, vector<16xf32>,
    %get3A_586 = arith.constant 1584 : index
    %get3A_587 = tpu.vector_load %arg4[%get3A_586] {strides = array<i32>} : memref<19008xf32, #tpu.memory_space<vmem>>, vector<16xf32>,
    %swap3A_588 = arith.constant 1584 : index
    %swap3A_589 = tpu.vector_load %arg5[%swap3A_588] {strides = array<i32>} : memref<19008xf32, #tpu.memory_space<vmem>>, vector<16xf32>,
    tpu.vector_store %arg5[%swap3A_588], %get3A_587 {strides = array<i32>} : memref<19008xf32, #tpu.memory_space<vmem>>, vector<16xf32>,
    %get3A_590 = arith.constant 1600 : index
    %get3A_591 = tpu.vector_load %arg4[%get3A_590] {strides = array<i32>} : memref<19008xf32, #tpu.memory_space<vmem>>, vector<16xf32>,
    %swap3A_592 = arith.constant 1600 : index
    %swap3A_593 = tpu.vector_load %arg5[%swap3A_592] {strides = array<i32>} : memref<19008xf32, #tpu.memory_space<vmem>>, vector<16xf32>,
    tpu.vector_store %arg5[%swap3A_592], %get3A_591 {strides = array<i32>} : memref<19008xf32, #tpu.memory_space<vmem>>, vector<16xf32>,
    %get3A_594 = arith.constant 3168 : index
    %get3A_595 = tpu.vector_load %arg4[%get3A_594] {strides = array<i32>} : memref<19008xf32, #tpu.memory_space<vmem>>, vector<16xf32>,
    %swap3A_596 = arith.constant 3168 : index
    %swap3A_597 = tpu.vector_load %arg5[%swap3A_596] {strides = array<i32>} : memref<19008xf32, #tpu.memory_space<vmem>>, vector<16xf32>,
    tpu.vector_store %arg5[%swap3A_596], %get3A_595 {strides = array<i32>} : memref<19008xf32, #tpu.memory_space<vmem>>, vector<16xf32>,
    %get3A_598 = arith.constant 3184 : index
    %get3A_599 = tpu.vector_load %arg4[%get3A_598] {strides = array<i32>} : memref<19008xf32, #tpu.memory_space<vmem>>, vector<16xf32>,
    %swap3A_600 = arith.constant 3184 : index
    %swap3A_601 = tpu.vector_load %arg5[%swap3A_600] {strides = array<i32>} : memref<19008xf32, #tpu.memory_space<vmem>>, vector<16xf32>,
    tpu.vector_store %arg5[%swap3A_600], %get3A_599 {strides = array<i32>} : memref<19008xf32, #tpu.memory_space<vmem>>, vector<16xf32>,
    %get3A_602 = arith.constant 4752 : index
    %get3A_603 = tpu.vector_load %arg4[%get3A_602] {strides = array<i32>} : memref<19008xf32, #tpu.memory_space<vmem>>, vector<16xf32>,
    %swap3A_604 = arith.constant 4752 : index
    %swap3A_605 = tpu.vector_load %arg5[%swap3A_604] {strides = array<i32>} : memref<19008xf32, #tpu.memory_space<vmem>>, vector<16xf32>,
    tpu.vector_store %arg5[%swap3A_604], %get3A_603 {strides = array<i32>} : memref<19008xf32, #tpu.memory_space<vmem>>, vector<16xf32>,
    %get3A_606 = arith.constant 4768 : index
    %get3A_607 = tpu.vector_load %arg4[%get3A_606] {strides = array<i32>} : memref<19008xf32, #tpu.memory_space<vmem>>, vector<16xf32>,
    %swap3A_608 = arith.constant 4768 : index
    %swap3A_609 = tpu.vector_load %arg5[%swap3A_608] {strides = array<i32>} : memref<19008xf32, #tpu.memory_space<vmem>>, vector<16xf32>,
    tpu.vector_store %arg5[%swap3A_608], %get3A_607 {strides = array<i32>} : memref<19008xf32, #tpu.memory_space<vmem>>, vector<16xf32>,
    %get3A_610 = arith.constant 6336 : index
    %get3A_611 = tpu.vector_load %arg4[%get3A_610] {strides = array<i32>} : memref<19008xf32, #tpu.memory_space<vmem>>, vector<16xf32>,
    %swap3A_612 = arith.constant 6336 : index
    %swap3A_613 = tpu.vector_load %arg5[%swap3A_612] {strides = array<i32>} : memref<19008xf32, #tpu.memory_space<vmem>>, vector<16xf32>,
    tpu.vector_store %arg5[%swap3A_612], %get3A_611 {strides = array<i32>} : memref<19008xf32, #tpu.memory_space<vmem>>, vector<16xf32>,
    %get3A_614 = arith.constant 6352 : index
    %get3A_615 = tpu.vector_load %arg4[%get3A_614] {strides = array<i32>} : memref<19008xf32, #tpu.memory_space<vmem>>, vector<16xf32>,
    %swap3A_616 = arith.constant 6352 : index
    %swap3A_617 = tpu.vector_load %arg5[%swap3A_616] {strides = array<i32>} : memref<19008xf32, #tpu.memory_space<vmem>>, vector<16xf32>,
    tpu.vector_store %arg5[%swap3A_616], %get3A_615 {strides = array<i32>} : memref<19008xf32, #tpu.memory_space<vmem>>, vector<16xf32>,
    %get3A_618 = arith.constant 7920 : index
    %get3A_619 = tpu.vector_load %arg4[%get3A_618] {strides = array<i32>} : memref<19008xf32, #tpu.memory_space<vmem>>, vector<16xf32>,
    %swap3A_620 = arith.constant 7920 : index
    %swap3A_621 = tpu.vector_load %arg5[%swap3A_620] {strides = array<i32>} : memref<19008xf32, #tpu.memory_space<vmem>>, vector<16xf32>,
    tpu.vector_store %arg5[%swap3A_620], %get3A_619 {strides = array<i32>} : memref<19008xf32, #tpu.memory_space<vmem>>, vector<16xf32>,
    %get3A_622 = arith.constant 7936 : index
    %get3A_623 = tpu.vector_load %arg4[%get3A_622] {strides = array<i32>} : memref<19008xf32, #tpu.memory_space<vmem>>, vector<16xf32>,
    %swap3A_624 = arith.constant 7936 : index
    %swap3A_625 = tpu.vector_load %arg5[%swap3A_624] {strides = array<i32>} : memref<19008xf32, #tpu.memory_space<vmem>>, vector<16xf32>,
    tpu.vector_store %arg5[%swap3A_624], %get3A_623 {strides = array<i32>} : memref<19008xf32, #tpu.memory_space<vmem>>, vector<16xf32>,
    %get3A_626 = arith.constant 9504 : index
    %get3A_627 = tpu.vector_load %arg4[%get3A_626] {strides = array<i32>} : memref<19008xf32, #tpu.memory_space<vmem>>, vector<16xf32>,
    %swap3A_628 = arith.constant 9504 : index
    %swap3A_629 = tpu.vector_load %arg5[%swap3A_628] {strides = array<i32>} : memref<19008xf32, #tpu.memory_space<vmem>>, vector<16xf32>,
    tpu.vector_store %arg5[%swap3A_628], %get3A_627 {strides = array<i32>} : memref<19008xf32, #tpu.memory_space<vmem>>, vector<16xf32>,
    %get3A_630 = arith.constant 9520 : index
    %get3A_631 = tpu.vector_load %arg4[%get3A_630] {strides = array<i32>} : memref<19008xf32, #tpu.memory_space<vmem>>, vector<16xf32>,
    %swap3A_632 = arith.constant 9520 : index
    %swap3A_633 = tpu.vector_load %arg5[%swap3A_632] {strides = array<i32>} : memref<19008xf32, #tpu.memory_space<vmem>>, vector<16xf32>,
    tpu.vector_store %arg5[%swap3A_632], %get3A_631 {strides = array<i32>} : memref<19008xf32, #tpu.memory_space<vmem>>, vector<16xf32>,
    %get3A_634 = arith.constant 11088 : index
    %get3A_635 = tpu.vector_load %arg4[%get3A_634] {strides = array<i32>} : memref<19008xf32, #tpu.memory_space<vmem>>, vector<16xf32>,
    %swap3A_636 = arith.constant 11088 : index
    %swap3A_637 = tpu.vector_load %arg5[%swap3A_636] {strides = array<i32>} : memref<19008xf32, #tpu.memory_space<vmem>>, vector<16xf32>,
    tpu.vector_store %arg5[%swap3A_636], %get3A_635 {strides = array<i32>} : memref<19008xf32, #tpu.memory_space<vmem>>, vector<16xf32>,
    %get3A_638 = arith.constant 11104 : index
    %get3A_639 = tpu.vector_load %arg4[%get3A_638] {strides = array<i32>} : memref<19008xf32, #tpu.memory_space<vmem>>, vector<16xf32>,
    %swap3A_640 = arith.constant 11104 : index
    %swap3A_641 = tpu.vector_load %arg5[%swap3A_640] {strides = array<i32>} : memref<19008xf32, #tpu.memory_space<vmem>>, vector<16xf32>,
    tpu.vector_store %arg5[%swap3A_640], %get3A_639 {strides = array<i32>} : memref<19008xf32, #tpu.memory_space<vmem>>, vector<16xf32>,
    %get3A_642 = arith.constant 12672 : index
    %get3A_643 = tpu.vector_load %arg4[%get3A_642] {strides = array<i32>} : memref<19008xf32, #tpu.memory_space<vmem>>, vector<16xf32>,
    %swap3A_644 = arith.constant 12672 : index
    %swap3A_645 = tpu.vector_load %arg5[%swap3A_644] {strides = array<i32>} : memref<19008xf32, #tpu.memory_space<vmem>>, vector<16xf32>,
    tpu.vector_store %arg5[%swap3A_644], %get3A_643 {strides = array<i32>} : memref<19008xf32, #tpu.memory_space<vmem>>, vector<16xf32>,
    %get3A_646 = arith.constant 12688 : index
    %get3A_647 = tpu.vector_load %arg4[%get3A_646] {strides = array<i32>} : memref<19008xf32, #tpu.memory_space<vmem>>, vector<16xf32>,
    %swap3A_648 = arith.constant 12688 : index
    %swap3A_649 = tpu.vector_load %arg5[%swap3A_648] {strides = array<i32>} : memref<19008xf32, #tpu.memory_space<vmem>>, vector<16xf32>,
    tpu.vector_store %arg5[%swap3A_648], %get3A_647 {strides = array<i32>} : memref<19008xf32, #tpu.memory_space<vmem>>, vector<16xf32>,
    %get3A_650 = arith.constant 14256 : index
    %get3A_651 = tpu.vector_load %arg4[%get3A_650] {strides = array<i32>} : memref<19008xf32, #tpu.memory_space<vmem>>, vector<16xf32>,
    %swap3A_652 = arith.constant 14256 : index
    %swap3A_653 = tpu.vector_load %arg5[%swap3A_652] {strides = array<i32>} : memref<19008xf32, #tpu.memory_space<vmem>>, vector<16xf32>,
    tpu.vector_store %arg5[%swap3A_652], %get3A_651 {strides = array<i32>} : memref<19008xf32, #tpu.memory_space<vmem>>, vector<16xf32>,
    %get3A_654 = arith.constant 14272 : index
    %get3A_655 = tpu.vector_load %arg4[%get3A_654] {strides = array<i32>} : memref<19008xf32, #tpu.memory_space<vmem>>, vector<16xf32>,
    %swap3A_656 = arith.constant 14272 : index
    %swap3A_657 = tpu.vector_load %arg5[%swap3A_656] {strides = array<i32>} : memref<19008xf32, #tpu.memory_space<vmem>>, vector<16xf32>,
    tpu.vector_store %arg5[%swap3A_656], %get3A_655 {strides = array<i32>} : memref<19008xf32, #tpu.memory_space<vmem>>, vector<16xf32>,
    %get3A_658 = arith.constant 15840 : index
    %get3A_659 = tpu.vector_load %arg4[%get3A_658] {strides = array<i32>} : memref<19008xf32, #tpu.memory_space<vmem>>, vector<16xf32>,
    %swap3A_660 = arith.constant 15840 : index
    %swap3A_661 = tpu.vector_load %arg5[%swap3A_660] {strides = array<i32>} : memref<19008xf32, #tpu.memory_space<vmem>>, vector<16xf32>,
    tpu.vector_store %arg5[%swap3A_660], %get3A_659 {strides = array<i32>} : memref<19008xf32, #tpu.memory_space<vmem>>, vector<16xf32>,
    %get3A_662 = arith.constant 15856 : index
    %get3A_663 = tpu.vector_load %arg4[%get3A_662] {strides = array<i32>} : memref<19008xf32, #tpu.memory_space<vmem>>, vector<16xf32>,
    %swap3A_664 = arith.constant 15856 : index
    %swap3A_665 = tpu.vector_load %arg5[%swap3A_664] {strides = array<i32>} : memref<19008xf32, #tpu.memory_space<vmem>>, vector<16xf32>,
    tpu.vector_store %arg5[%swap3A_664], %get3A_663 {strides = array<i32>} : memref<19008xf32, #tpu.memory_space<vmem>>, vector<16xf32>,
    %get3A_666 = arith.constant 17424 : index
    %get3A_667 = tpu.vector_load %arg4[%get3A_666] {strides = array<i32>} : memref<19008xf32, #tpu.memory_space<vmem>>, vector<16xf32>,
    %swap3A_668 = arith.constant 17424 : index
    %swap3A_669 = tpu.vector_load %arg5[%swap3A_668] {strides = array<i32>} : memref<19008xf32, #tpu.memory_space<vmem>>, vector<16xf32>,
    tpu.vector_store %arg5[%swap3A_668], %get3A_667 {strides = array<i32>} : memref<19008xf32, #tpu.memory_space<vmem>>, vector<16xf32>,
    %get3A_670 = arith.constant 17440 : index
    %get3A_671 = tpu.vector_load %arg4[%get3A_670] {strides = array<i32>} : memref<19008xf32, #tpu.memory_space<vmem>>, vector<16xf32>,
    %swap3A_672 = arith.constant 17440 : index
    %swap3A_673 = tpu.vector_load %arg5[%swap3A_672] {strides = array<i32>} : memref<19008xf32, #tpu.memory_space<vmem>>, vector<16xf32>,
    tpu.vector_store %arg5[%swap3A_672], %get3A_671 {strides = array<i32>} : memref<19008xf32, #tpu.memory_space<vmem>>, vector<16xf32>,
    %iota3A = tpu.iota {dimensions = array<i32: 0>} : vector<16xi32>
    %get3A_674 = arith.constant 0 : index
    %get3A_675 = tpu.vector_load %arg4[%get3A_674] {strides = array<i32>} : memref<19008xf32, #tpu.memory_space<vmem>>, vector<16xf32>,
    %slice3A = vector.extract_strided_slice %get3A_675 {offsets = [0], sizes = [1], strides = [1]} : vector<16xf32> to vector<1xf32>
    %squeeze3A = vector.extract %slice3A[0] : f32 from vector<1xf32>
    %get3A_676 = arith.constant 1584 : index
    %get3A_677 = tpu.vector_load %arg4[%get3A_676] {strides = array<i32>} : memref<19008xf32, #tpu.memory_space<vmem>>, vector<16xf32>,
    %slice3A_678 = vector.extract_strided_slice %get3A_677 {offsets = [0], sizes = [1], strides = [1]} : vector<16xf32> to vector<1xf32>
    %squeeze3A_679 = vector.extract %slice3A_678[0] : f32 from vector<1xf32>
    %get3A_680 = arith.constant 3168 : index
    %get3A_681 = tpu.vector_load %arg4[%get3A_680] {strides = array<i32>} : memref<19008xf32, #tpu.memory_space<vmem>>, vector<16xf32>,
    %slice3A_682 = vector.extract_strided_slice %get3A_681 {offsets = [0], sizes = [1], strides = [1]} : vector<16xf32> to vector<1xf32>
    %squeeze3A_683 = vector.extract %slice3A_682[0] : f32 from vector<1xf32>
    %get3A_684 = arith.constant 4752 : index
    %get3A_685 = tpu.vector_load %arg4[%get3A_684] {strides = array<i32>} : memref<19008xf32, #tpu.memory_space<vmem>>, vector<16xf32>,
    %slice3A_686 = vector.extract_strided_slice %get3A_685 {offsets = [0], sizes = [1], strides = [1]} : vector<16xf32> to vector<1xf32>
    %squeeze3A_687 = vector.extract %slice3A_686[0] : f32 from vector<1xf32>
    %get3A_688 = arith.constant 6336 : index
    %get3A_689 = tpu.vector_load %arg4[%get3A_688] {strides = array<i32>} : memref<19008xf32, #tpu.memory_space<vmem>>, vector<16xf32>,
    %slice3A_690 = vector.extract_strided_slice %get3A_689 {offsets = [0], sizes = [1], strides = [1]} : vector<16xf32> to vector<1xf32>
    %squeeze3A_691 = vector.extract %slice3A_690[0] : f32 from vector<1xf32>
    %get3A_692 = arith.constant 7920 : index
    %get3A_693 = tpu.vector_load %arg4[%get3A_692] {strides = array<i32>} : memref<19008xf32, #tpu.memory_space<vmem>>, vector<16xf32>,
    %slice3A_694 = vector.extract_strided_slice %get3A_693 {offsets = [0], sizes = [1], strides = [1]} : vector<16xf32> to vector<1xf32>
    %squeeze3A_695 = vector.extract %slice3A_694[0] : f32 from vector<1xf32>
    %get3A_696 = arith.constant 9504 : index
    %get3A_697 = tpu.vector_load %arg4[%get3A_696] {strides = array<i32>} : memref<19008xf32, #tpu.memory_space<vmem>>, vector<16xf32>,
    %slice3A_698 = vector.extract_strided_slice %get3A_697 {offsets = [0], sizes = [1], strides = [1]} : vector<16xf32> to vector<1xf32>
    %squeeze3A_699 = vector.extract %slice3A_698[0] : f32 from vector<1xf32>
    %get3A_700 = arith.constant 11088 : index
    %get3A_701 = tpu.vector_load %arg4[%get3A_700] {strides = array<i32>} : memref<19008xf32, #tpu.memory_space<vmem>>, vector<16xf32>,
    %slice3A_702 = vector.extract_strided_slice %get3A_701 {offsets = [0], sizes = [1], strides = [1]} : vector<16xf32> to vector<1xf32>
    %squeeze3A_703 = vector.extract %slice3A_702[0] : f32 from vector<1xf32>
    %get3A_704 = arith.constant 12672 : index
    %get3A_705 = tpu.vector_load %arg4[%get3A_704] {strides = array<i32>} : memref<19008xf32, #tpu.memory_space<vmem>>, vector<16xf32>,
    %slice3A_706 = vector.extract_strided_slice %get3A_705 {offsets = [0], sizes = [1], strides = [1]} : vector<16xf32> to vector<1xf32>
    %squeeze3A_707 = vector.extract %slice3A_706[0] : f32 from vector<1xf32>
    %get3A_708 = arith.constant 14256 : index
    %get3A_709 = tpu.vector_load %arg4[%get3A_708] {strides = array<i32>} : memref<19008xf32, #tpu.memory_space<vmem>>, vector<16xf32>,
    %slice3A_710 = vector.extract_strided_slice %get3A_709 {offsets = [0], sizes = [1], strides = [1]} : vector<16xf32> to vector<1xf32>
    %squeeze3A_711 = vector.extract %slice3A_710[0] : f32 from vector<1xf32>
    %get3A_712 = arith.constant 15840 : index
    %get3A_713 = tpu.vector_load %arg4[%get3A_712] {strides = array<i32>} : memref<19008xf32, #tpu.memory_space<vmem>>, vector<16xf32>,
    %slice3A_714 = vector.extract_strided_slice %get3A_713 {offsets = [0], sizes = [1], strides = [1]} : vector<16xf32> to vector<1xf32>
    %squeeze3A_715 = vector.extract %slice3A_714[0] : f32 from vector<1xf32>
    %get3A_716 = arith.constant 17424 : index
    %get3A_717 = tpu.vector_load %arg4[%get3A_716] {strides = array<i32>} : memref<19008xf32, #tpu.memory_space<vmem>>, vector<16xf32>,
    %slice3A_718 = vector.extract_strided_slice %get3A_717 {offsets = [0], sizes = [1], strides = [1]} : vector<16xf32> to vector<1xf32>
    %squeeze3A_719 = vector.extract %slice3A_718[0] : f32 from vector<1xf32>
    %get3A_720 = arith.constant 32 : index
    %get3A_721 = tpu.vector_load %arg4[%get3A_720] {strides = array<i32>} : memref<19008xf32, #tpu.memory_space<vmem>>, vector<16xf32>,
    %get3A_722 = arith.constant 1616 : index
    %get3A_723 = tpu.vector_load %arg4[%get3A_722] {strides = array<i32>} : memref<19008xf32, #tpu.memory_space<vmem>>, vector<16xf32>,
    %get3A_724 = arith.constant 3200 : index
    %get3A_725 = tpu.vector_load %arg4[%get3A_724] {strides = array<i32>} : memref<19008xf32, #tpu.memory_space<vmem>>, vector<16xf32>,
    %get3A_726 = arith.constant 4784 : index
    %get3A_727 = tpu.vector_load %arg4[%get3A_726] {strides = array<i32>} : memref<19008xf32, #tpu.memory_space<vmem>>, vector<16xf32>,
    %get3A_728 = arith.constant 6368 : index
    %get3A_729 = tpu.vector_load %arg4[%get3A_728] {strides = array<i32>} : memref<19008xf32, #tpu.memory_space<vmem>>, vector<16xf32>,
    %get3A_730 = arith.constant 7952 : index
    %get3A_731 = tpu.vector_load %arg4[%get3A_730] {strides = array<i32>} : memref<19008xf32, #tpu.memory_space<vmem>>, vector<16xf32>,
    %get3A_732 = arith.constant 9536 : index
    %get3A_733 = tpu.vector_load %arg4[%get3A_732] {strides = array<i32>} : memref<19008xf32, #tpu.memory_space<vmem>>, vector<16xf32>,
    %get3A_734 = arith.constant 11120 : index
    %get3A_735 = tpu.vector_load %arg4[%get3A_734] {strides = array<i32>} : memref<19008xf32, #tpu.memory_space<vmem>>, vector<16xf32>,
    %get3A_736 = arith.constant 12704 : index
    %get3A_737 = tpu.vector_load %arg4[%get3A_736] {strides = array<i32>} : memref<19008xf32, #tpu.memory_space<vmem>>, vector<16xf32>,
    %get3A_738 = arith.constant 14288 : index
    %get3A_739 = tpu.vector_load %arg4[%get3A_738] {strides = array<i32>} : memref<19008xf32, #tpu.memory_space<vmem>>, vector<16xf32>,
    %get3A_740 = arith.constant 15872 : index
    %get3A_741 = tpu.vector_load %arg4[%get3A_740] {strides = array<i32>} : memref<19008xf32, #tpu.memory_space<vmem>>, vector<16xf32>,
    %get3A_742 = arith.constant 17456 : index
    %get3A_743 = tpu.vector_load %arg4[%get3A_742] {strides = array<i32>} : memref<19008xf32, #tpu.memory_space<vmem>>, vector<16xf32>,
    %mul3A_744 = vector.broadcast %squeeze3A : f32 to vector<16xf32>
    %mul3A_745 = arith.mulf %mul3A_744, %get3A_721 : vector<16xf32>
    %mul3A_746 = vector.broadcast %squeeze3A_679 : f32 to vector<16xf32>
    %mul3A_747 = arith.mulf %mul3A_746, %get3A_729 : vector<16xf32>
    %add3A_748 = arith.addf %mul3A_745, %mul3A_747 : vector<16xf32>
    %mul3A_749 = vector.broadcast %squeeze3A_683 : f32 to vector<16xf32>
    %mul3A_750 = arith.mulf %mul3A_749, %get3A_737 : vector<16xf32>
    %add3A_751 = arith.addf %add3A_748, %mul3A_750 : vector<16xf32>
    %swap3A_752 = arith.constant 32 : index
    %swap3A_753 = tpu.vector_load %arg5[%swap3A_752] {strides = array<i32>} : memref<19008xf32, #tpu.memory_space<vmem>>, vector<16xf32>,
    tpu.vector_store %arg5[%swap3A_752], %add3A_751 {strides = array<i32>} : memref<19008xf32, #tpu.memory_space<vmem>>, vector<16xf32>,
    %mul3A_754 = vector.broadcast %squeeze3A : f32 to vector<16xf32>
    %mul3A_755 = arith.mulf %mul3A_754, %get3A_723 : vector<16xf32>
    %mul3A_756 = vector.broadcast %squeeze3A_679 : f32 to vector<16xf32>
    %mul3A_757 = arith.mulf %mul3A_756, %get3A_731 : vector<16xf32>
    %add3A_758 = arith.addf %mul3A_755, %mul3A_757 : vector<16xf32>
    %mul3A_759 = vector.broadcast %squeeze3A_683 : f32 to vector<16xf32>
    %mul3A_760 = arith.mulf %mul3A_759, %get3A_739 : vector<16xf32>
    %add3A_761 = arith.addf %add3A_758, %mul3A_760 : vector<16xf32>
    %swap3A_762 = arith.constant 1616 : index
    %swap3A_763 = tpu.vector_load %arg5[%swap3A_762] {strides = array<i32>} : memref<19008xf32, #tpu.memory_space<vmem>>, vector<16xf32>,
    tpu.vector_store %arg5[%swap3A_762], %add3A_761 {strides = array<i32>} : memref<19008xf32, #tpu.memory_space<vmem>>, vector<16xf32>,
    %mul3A_764 = vector.broadcast %squeeze3A : f32 to vector<16xf32>
    %mul3A_765 = arith.mulf %mul3A_764, %get3A_725 : vector<16xf32>
    %mul3A_766 = vector.broadcast %squeeze3A_679 : f32 to vector<16xf32>
    %mul3A_767 = arith.mulf %mul3A_766, %get3A_733 : vector<16xf32>
    %add3A_768 = arith.addf %mul3A_765, %mul3A_767 : vector<16xf32>
    %mul3A_769 = vector.broadcast %squeeze3A_683 : f32 to vector<16xf32>
    %mul3A_770 = arith.mulf %mul3A_769, %get3A_741 : vector<16xf32>
    %add3A_771 = arith.addf %add3A_768, %mul3A_770 : vector<16xf32>
    %swap3A_772 = arith.constant 3200 : index
    %swap3A_773 = tpu.vector_load %arg5[%swap3A_772] {strides = array<i32>} : memref<19008xf32, #tpu.memory_space<vmem>>, vector<16xf32>,
    tpu.vector_store %arg5[%swap3A_772], %add3A_771 {strides = array<i32>} : memref<19008xf32, #tpu.memory_space<vmem>>, vector<16xf32>,
    %mul3A_774 = vector.broadcast %squeeze3A : f32 to vector<16xf32>
    %mul3A_775 = arith.mulf %mul3A_774, %get3A_727 : vector<16xf32>
    %mul3A_776 = vector.broadcast %squeeze3A_679 : f32 to vector<16xf32>
    %mul3A_777 = arith.mulf %mul3A_776, %get3A_735 : vector<16xf32>
    %add3A_778 = arith.addf %mul3A_775, %mul3A_777 : vector<16xf32>
    %mul3A_779 = vector.broadcast %squeeze3A_683 : f32 to vector<16xf32>
    %mul3A_780 = arith.mulf %mul3A_779, %get3A_743 : vector<16xf32>
    %add3A_781 = arith.addf %add3A_778, %mul3A_780 : vector<16xf32>
    %add3A_782 = vector.broadcast %squeeze3A_687 : f32 to vector<16xf32>
    %add3A_783 = arith.addf %add3A_781, %add3A_782 : vector<16xf32>
    %swap3A_784 = arith.constant 4784 : index
    %swap3A_785 = tpu.vector_load %arg5[%swap3A_784] {strides = array<i32>} : memref<19008xf32, #tpu.memory_space<vmem>>, vector<16xf32>,
    tpu.vector_store %arg5[%swap3A_784], %add3A_783 {strides = array<i32>} : memref<19008xf32, #tpu.memory_space<vmem>>, vector<16xf32>,
    %mul3A_786 = vector.broadcast %squeeze3A_691 : f32 to vector<16xf32>
    %mul3A_787 = arith.mulf %mul3A_786, %get3A_721 : vector<16xf32>
    %mul3A_788 = vector.broadcast %squeeze3A_695 : f32 to vector<16xf32>
    %mul3A_789 = arith.mulf %mul3A_788, %get3A_729 : vector<16xf32>
    %add3A_790 = arith.addf %mul3A_787, %mul3A_789 : vector<16xf32>
    %mul3A_791 = vector.broadcast %squeeze3A_699 : f32 to vector<16xf32>
    %mul3A_792 = arith.mulf %mul3A_791, %get3A_737 : vector<16xf32>
    %add3A_793 = arith.addf %add3A_790, %mul3A_792 : vector<16xf32>
    %swap3A_794 = arith.constant 6368 : index
    %swap3A_795 = tpu.vector_load %arg5[%swap3A_794] {strides = array<i32>} : memref<19008xf32, #tpu.memory_space<vmem>>, vector<16xf32>,
    tpu.vector_store %arg5[%swap3A_794], %add3A_793 {strides = array<i32>} : memref<19008xf32, #tpu.memory_space<vmem>>, vector<16xf32>,
    %mul3A_796 = vector.broadcast %squeeze3A_691 : f32 to vector<16xf32>
    %mul3A_797 = arith.mulf %mul3A_796, %get3A_723 : vector<16xf32>
    %mul3A_798 = vector.broadcast %squeeze3A_695 : f32 to vector<16xf32>
    %mul3A_799 = arith.mulf %mul3A_798, %get3A_731 : vector<16xf32>
    %add3A_800 = arith.addf %mul3A_797, %mul3A_799 : vector<16xf32>
    %mul3A_801 = vector.broadcast %squeeze3A_699 : f32 to vector<16xf32>
    %mul3A_802 = arith.mulf %mul3A_801, %get3A_739 : vector<16xf32>
    %add3A_803 = arith.addf %add3A_800, %mul3A_802 : vector<16xf32>
    %swap3A_804 = arith.constant 7952 : index
    %swap3A_805 = tpu.vector_load %arg5[%swap3A_804] {strides = array<i32>} : memref<19008xf32, #tpu.memory_space<vmem>>, vector<16xf32>,
    tpu.vector_store %arg5[%swap3A_804], %add3A_803 {strides = array<i32>} : memref<19008xf32, #tpu.memory_space<vmem>>, vector<16xf32>,
    %mul3A_806 = vector.broadcast %squeeze3A_691 : f32 to vector<16xf32>
    %mul3A_807 = arith.mulf %mul3A_806, %get3A_725 : vector<16xf32>
    %mul3A_808 = vector.broadcast %squeeze3A_695 : f32 to vector<16xf32>
    %mul3A_809 = arith.mulf %mul3A_808, %get3A_733 : vector<16xf32>
    %add3A_810 = arith.addf %mul3A_807, %mul3A_809 : vector<16xf32>
    %mul3A_811 = vector.broadcast %squeeze3A_699 : f32 to vector<16xf32>
    %mul3A_812 = arith.mulf %mul3A_811, %get3A_741 : vector<16xf32>
    %add3A_813 = arith.addf %add3A_810, %mul3A_812 : vector<16xf32>
    %swap3A_814 = arith.constant 9536 : index
    %swap3A_815 = tpu.vector_load %arg5[%swap3A_814] {strides = array<i32>} : memref<19008xf32, #tpu.memory_space<vmem>>, vector<16xf32>,
    tpu.vector_store %arg5[%swap3A_814], %add3A_813 {strides = array<i32>} : memref<19008xf32, #tpu.memory_space<vmem>>, vector<16xf32>,
    %mul3A_816 = vector.broadcast %squeeze3A_691 : f32 to vector<16xf32>
    %mul3A_817 = arith.mulf %mul3A_816, %get3A_727 : vector<16xf32>
    %mul3A_818 = vector.broadcast %squeeze3A_695 : f32 to vector<16xf32>
    %mul3A_819 = arith.mulf %mul3A_818, %get3A_735 : vector<16xf32>
    %add3A_820 = arith.addf %mul3A_817, %mul3A_819 : vector<16xf32>
    %mul3A_821 = vector.broadcast %squeeze3A_699 : f32 to vector<16xf32>
    %mul3A_822 = arith.mulf %mul3A_821, %get3A_743 : vector<16xf32>
    %add3A_823 = arith.addf %add3A_820, %mul3A_822 : vector<16xf32>
    %add3A_824 = vector.broadcast %squeeze3A_703 : f32 to vector<16xf32>
    %add3A_825 = arith.addf %add3A_823, %add3A_824 : vector<16xf32>
    %swap3A_826 = arith.constant 11120 : index
    %swap3A_827 = tpu.vector_load %arg5[%swap3A_826] {strides = array<i32>} : memref<19008xf32, #tpu.memory_space<vmem>>, vector<16xf32>,
    tpu.vector_store %arg5[%swap3A_826], %add3A_825 {strides = array<i32>} : memref<19008xf32, #tpu.memory_space<vmem>>, vector<16xf32>,
    %mul3A_828 = vector.broadcast %squeeze3A_707 : f32 to vector<16xf32>
    %mul3A_829 = arith.mulf %mul3A_828, %get3A_721 : vector<16xf32>
    %mul3A_830 = vector.broadcast %squeeze3A_711 : f32 to vector<16xf32>
    %mul3A_831 = arith.mulf %mul3A_830, %get3A_729 : vector<16xf32>
    %add3A_832 = arith.addf %mul3A_829, %mul3A_831 : vector<16xf32>
    %mul3A_833 = vector.broadcast %squeeze3A_715 : f32 to vector<16xf32>
    %mul3A_834 = arith.mulf %mul3A_833, %get3A_737 : vector<16xf32>
    %add3A_835 = arith.addf %add3A_832, %mul3A_834 : vector<16xf32>
    %swap3A_836 = arith.constant 12704 : index
    %swap3A_837 = tpu.vector_load %arg5[%swap3A_836] {strides = array<i32>} : memref<19008xf32, #tpu.memory_space<vmem>>, vector<16xf32>,
    tpu.vector_store %arg5[%swap3A_836], %add3A_835 {strides = array<i32>} : memref<19008xf32, #tpu.memory_space<vmem>>, vector<16xf32>,
    %mul3A_838 = vector.broadcast %squeeze3A_707 : f32 to vector<16xf32>
    %mul3A_839 = arith.mulf %mul3A_838, %get3A_723 : vector<16xf32>
    %mul3A_840 = vector.broadcast %squeeze3A_711 : f32 to vector<16xf32>
    %mul3A_841 = arith.mulf %mul3A_840, %get3A_731 : vector<16xf32>
    %add3A_842 = arith.addf %mul3A_839, %mul3A_841 : vector<16xf32>
    %mul3A_843 = vector.broadcast %squeeze3A_715 : f32 to vector<16xf32>
    %mul3A_844 = arith.mulf %mul3A_843, %get3A_739 : vector<16xf32>
    %add3A_845 = arith.addf %add3A_842, %mul3A_844 : vector<16xf32>
    %swap3A_846 = arith.constant 14288 : index
    %swap3A_847 = tpu.vector_load %arg5[%swap3A_846] {strides = array<i32>} : memref<19008xf32, #tpu.memory_space<vmem>>, vector<16xf32>,
    tpu.vector_store %arg5[%swap3A_846], %add3A_845 {strides = array<i32>} : memref<19008xf32, #tpu.memory_space<vmem>>, vector<16xf32>,
    %mul3A_848 = vector.broadcast %squeeze3A_707 : f32 to vector<16xf32>
    %mul3A_849 = arith.mulf %mul3A_848, %get3A_725 : vector<16xf32>
    %mul3A_850 = vector.broadcast %squeeze3A_711 : f32 to vector<16xf32>
    %mul3A_851 = arith.mulf %mul3A_850, %get3A_733 : vector<16xf32>
    %add3A_852 = arith.addf %mul3A_849, %mul3A_851 : vector<16xf32>
    %mul3A_853 = vector.broadcast %squeeze3A_715 : f32 to vector<16xf32>
    %mul3A_854 = arith.mulf %mul3A_853, %get3A_741 : vector<16xf32>
    %add3A_855 = arith.addf %add3A_852, %mul3A_854 : vector<16xf32>
    %swap3A_856 = arith.constant 15872 : index
    %swap3A_857 = tpu.vector_load %arg5[%swap3A_856] {strides = array<i32>} : memref<19008xf32, #tpu.memory_space<vmem>>, vector<16xf32>,
    tpu.vector_store %arg5[%swap3A_856], %add3A_855 {strides = array<i32>} : memref<19008xf32, #tpu.memory_space<vmem>>, vector<16xf32>,
    %mul3A_858 = vector.broadcast %squeeze3A_707 : f32 to vector<16xf32>
    %mul3A_859 = arith.mulf %mul3A_858, %get3A_727 : vector<16xf32>
    %mul3A_860 = vector.broadcast %squeeze3A_711 : f32 to vector<16xf32>
    %mul3A_861 = arith.mulf %mul3A_860, %get3A_735 : vector<16xf32>
    %add3A_862 = arith.addf %mul3A_859, %mul3A_861 : vector<16xf32>
    %mul3A_863 = vector.broadcast %squeeze3A_715 : f32 to vector<16xf32>
    %mul3A_864 = arith.mulf %mul3A_863, %get3A_743 : vector<16xf32>
    %add3A_865 = arith.addf %add3A_862, %mul3A_864 : vector<16xf32>
    %add3A_866 = vector.broadcast %squeeze3A_719 : f32 to vector<16xf32>
    %add3A_867 = arith.addf %add3A_865, %add3A_866 : vector<16xf32>
    %swap3A_868 = arith.constant 17456 : index
    %swap3A_869 = tpu.vector_load %arg5[%swap3A_868] {strides = array<i32>} : memref<19008xf32, #tpu.memory_space<vmem>>, vector<16xf32>,
    tpu.vector_store %arg5[%swap3A_868], %add3A_867 {strides = array<i32>} : memref<19008xf32, #tpu.memory_space<vmem>>, vector<16xf32>,
    %add3A_870 = vector.broadcast %add3A_12 : i32 to vector<16xi32>
    %add3A_871 = arith.addi %add3A_870, %iota3A : vector<16xi32>
    %shift_right_logical3A = arith.constant 5 : i32
    %shift_right_logical3A_872 = vector.broadcast %shift_right_logical3A : i32 to vector<16xi32>
    %shift_right_logical3A_873 = arith.shrui %add3A_871, %shift_right_logical3A_872 : vector<16xi32>
    %sub3A = arith.constant 1 : i32
    %sub3A_874 = vector.broadcast %sub3A : i32 to vector<16xi32>
    %sub3A_875 = arith.subi %shift_right_logical3A_873, %sub3A_874 : vector<16xi32>
    %add3A_876 = arith.constant 0 : i32
    %add3A_877 = vector.broadcast %add3A_876 : i32 to vector<16xi32>
    %add3A_878 = arith.addi %add3A_877, %sub3A_875 : vector<16xi32>
    %gather3A = tpu.vector_load_idx %arg5[%add3A_878] : memref<19008xf32, #tpu.memory_space<vmem>>[vector<16xi32>], vector<16xf32>,
    %add3A_879 = arith.constant 1584 : i32
    %add3A_880 = vector.broadcast %add3A_879 : i32 to vector<16xi32>
    %add3A_881 = arith.addi %add3A_880, %sub3A_875 : vector<16xi32>
    %gather3A_882 = tpu.vector_load_idx %arg5[%add3A_881] : memref<19008xf32, #tpu.memory_space<vmem>>[vector<16xi32>], vector<16xf32>,
    %add3A_883 = arith.constant 3168 : i32
    %add3A_884 = vector.broadcast %add3A_883 : i32 to vector<16xi32>
    %add3A_885 = arith.addi %add3A_884, %sub3A_875 : vector<16xi32>
    %gather3A_886 = tpu.vector_load_idx %arg5[%add3A_885] : memref<19008xf32, #tpu.memory_space<vmem>>[vector<16xi32>], vector<16xf32>,
    %add3A_887 = arith.constant 4752 : i32
    %add3A_888 = vector.broadcast %add3A_887 : i32 to vector<16xi32>
    %add3A_889 = arith.addi %add3A_888, %sub3A_875 : vector<16xi32>
    %gather3A_890 = tpu.vector_load_idx %arg5[%add3A_889] : memref<19008xf32, #tpu.memory_space<vmem>>[vector<16xi32>], vector<16xf32>,
    %add3A_891 = arith.constant 6336 : i32
    %add3A_892 = vector.broadcast %add3A_891 : i32 to vector<16xi32>
    %add3A_893 = arith.addi %add3A_892, %sub3A_875 : vector<16xi32>
    %gather3A_894 = tpu.vector_load_idx %arg5[%add3A_893] : memref<19008xf32, #tpu.memory_space<vmem>>[vector<16xi32>], vector<16xf32>,
    %add3A_895 = arith.constant 7920 : i32
    %add3A_896 = vector.broadcast %add3A_895 : i32 to vector<16xi32>
    %add3A_897 = arith.addi %add3A_896, %sub3A_875 : vector<16xi32>
    %gather3A_898 = tpu.vector_load_idx %arg5[%add3A_897] : memref<19008xf32, #tpu.memory_space<vmem>>[vector<16xi32>], vector<16xf32>,
    %add3A_899 = arith.constant 9504 : i32
    %add3A_900 = vector.broadcast %add3A_899 : i32 to vector<16xi32>
    %add3A_901 = arith.addi %add3A_900, %sub3A_875 : vector<16xi32>
    %gather3A_902 = tpu.vector_load_idx %arg5[%add3A_901] : memref<19008xf32, #tpu.memory_space<vmem>>[vector<16xi32>], vector<16xf32>,
    %add3A_903 = arith.constant 11088 : i32
    %add3A_904 = vector.broadcast %add3A_903 : i32 to vector<16xi32>
    %add3A_905 = arith.addi %add3A_904, %sub3A_875 : vector<16xi32>
    %gather3A_906 = tpu.vector_load_idx %arg5[%add3A_905] : memref<19008xf32, #tpu.memory_space<vmem>>[vector<16xi32>], vector<16xf32>,
    %add3A_907 = arith.constant 12672 : i32
    %add3A_908 = vector.broadcast %add3A_907 : i32 to vector<16xi32>
    %add3A_909 = arith.addi %add3A_908, %sub3A_875 : vector<16xi32>
    %gather3A_910 = tpu.vector_load_idx %arg5[%add3A_909] : memref<19008xf32, #tpu.memory_space<vmem>>[vector<16xi32>], vector<16xf32>,
    %add3A_911 = arith.constant 14256 : i32
    %add3A_912 = vector.broadcast %add3A_911 : i32 to vector<16xi32>
    %add3A_913 = arith.addi %add3A_912, %sub3A_875 : vector<16xi32>
    %gather3A_914 = tpu.vector_load_idx %arg5[%add3A_913] : memref<19008xf32, #tpu.memory_space<vmem>>[vector<16xi32>], vector<16xf32>,
    %add3A_915 = arith.constant 15840 : i32
    %add3A_916 = vector.broadcast %add3A_915 : i32 to vector<16xi32>
    %add3A_917 = arith.addi %add3A_916, %sub3A_875 : vector<16xi32>
    %gather3A_918 = tpu.vector_load_idx %arg5[%add3A_917] : memref<19008xf32, #tpu.memory_space<vmem>>[vector<16xi32>], vector<16xf32>,
    %add3A_919 = arith.constant 17424 : i32
    %add3A_920 = vector.broadcast %add3A_919 : i32 to vector<16xi32>
    %add3A_921 = arith.addi %add3A_920, %sub3A_875 : vector<16xi32>
    %gather3A_922 = tpu.vector_load_idx %arg5[%add3A_921] : memref<19008xf32, #tpu.memory_space<vmem>>[vector<16xi32>], vector<16xf32>,
    %add3A_923 = arith.constant 0 : i32
    %add3A_924 = arith.addi %add3A_923, %add3A_12 : i32
    %get3A_925 = arith.index_cast %add3A_924 : i32 to index
    %get3A_926 = tpu.vector_load %arg4[%get3A_925] {strides = array<i32>} : memref<19008xf32, #tpu.memory_space<vmem>>, vector<16xf32>,
    %add3A_927 = arith.constant 1584 : i32
    %add3A_928 = arith.addi %add3A_927, %add3A_12 : i32
    %get3A_929 = arith.index_cast %add3A_928 : i32 to index
    %get3A_930 = tpu.vector_load %arg4[%get3A_929] {strides = array<i32>} : memref<19008xf32, #tpu.memory_space<vmem>>, vector<16xf32>,
    %add3A_931 = arith.constant 3168 : i32
    %add3A_932 = arith.addi %add3A_931, %add3A_12 : i32
    %get3A_933 = arith.index_cast %add3A_932 : i32 to index
    %get3A_934 = tpu.vector_load %arg4[%get3A_933] {strides = array<i32>} : memref<19008xf32, #tpu.memory_space<vmem>>, vector<16xf32>,
    %add3A_935 = arith.constant 4752 : i32
    %add3A_936 = arith.addi %add3A_935, %add3A_12 : i32
    %get3A_937 = arith.index_cast %add3A_936 : i32 to index
    %get3A_938 = tpu.vector_load %arg4[%get3A_937] {strides = array<i32>} : memref<19008xf32, #tpu.memory_space<vmem>>, vector<16xf32>,
    %add3A_939 = arith.constant 6336 : i32
    %add3A_940 = arith.addi %add3A_939, %add3A_12 : i32
    %get3A_941 = arith.index_cast %add3A_940 : i32 to index
    %get3A_942 = tpu.vector_load %arg4[%get3A_941] {strides = array<i32>} : memref<19008xf32, #tpu.memory_space<vmem>>, vector<16xf32>,
    %add3A_943 = arith.constant 7920 : i32
    %add3A_944 = arith.addi %add3A_943, %add3A_12 : i32
    %get3A_945 = arith.index_cast %add3A_944 : i32 to index
    %get3A_946 = tpu.vector_load %arg4[%get3A_945] {strides = array<i32>} : memref<19008xf32, #tpu.memory_space<vmem>>, vector<16xf32>,
    %add3A_947 = arith.constant 9504 : i32
    %add3A_948 = arith.addi %add3A_947, %add3A_12 : i32
    %get3A_949 = arith.index_cast %add3A_948 : i32 to index
    %get3A_950 = tpu.vector_load %arg4[%get3A_949] {strides = array<i32>} : memref<19008xf32, #tpu.memory_space<vmem>>, vector<16xf32>,
    %add3A_951 = arith.constant 11088 : i32
    %add3A_952 = arith.addi %add3A_951, %add3A_12 : i32
    %get3A_953 = arith.index_cast %add3A_952 : i32 to index
    %get3A_954 = tpu.vector_load %arg4[%get3A_953] {strides = array<i32>} : memref<19008xf32, #tpu.memory_space<vmem>>, vector<16xf32>,
    %add3A_955 = arith.constant 12672 : i32
    %add3A_956 = arith.addi %add3A_955, %add3A_12 : i32
    %get3A_957 = arith.index_cast %add3A_956 : i32 to index
    %get3A_958 = tpu.vector_load %arg4[%get3A_957] {strides = array<i32>} : memref<19008xf32, #tpu.memory_space<vmem>>, vector<16xf32>,
    %add3A_959 = arith.constant 14256 : i32
    %add3A_960 = arith.addi %add3A_959, %add3A_12 : i32
    %get3A_961 = arith.index_cast %add3A_960 : i32 to index
    %get3A_962 = tpu.vector_load %arg4[%get3A_961] {strides = array<i32>} : memref<19008xf32, #tpu.memory_space<vmem>>, vector<16xf32>,
    %add3A_963 = arith.constant 15840 : i32
    %add3A_964 = arith.addi %add3A_963, %add3A_12 : i32
    %get3A_965 = arith.index_cast %add3A_964 : i32 to index
    %get3A_966 = tpu.vector_load %arg4[%get3A_965] {strides = array<i32>} : memref<19008xf32, #tpu.memory_space<vmem>>, vector<16xf32>,
    %add3A_967 = arith.constant 17424 : i32
    %add3A_968 = arith.addi %add3A_967, %add3A_12 : i32
    %get3A_969 = arith.index_cast %add3A_968 : i32 to index
    %get3A_970 = tpu.vector_load %arg4[%get3A_969] {strides = array<i32>} : memref<19008xf32, #tpu.memory_space<vmem>>, vector<16xf32>,
    %mul3A_971 = arith.mulf %gather3A, %get3A_926 : vector<16xf32>
    %mul3A_972 = arith.mulf %gather3A_882, %get3A_942 : vector<16xf32>
    %add3A_973 = arith.addf %mul3A_971, %mul3A_972 : vector<16xf32>
    %mul3A_974 = arith.mulf %gather3A_886, %get3A_958 : vector<16xf32>
    %add3A_975 = arith.addf %add3A_973, %mul3A_974 : vector<16xf32>
    %add3A_976 = arith.constant 0 : i32
    %add3A_977 = arith.addi %add3A_976, %add3A_12 : i32
    %swap3A_978 = arith.index_cast %add3A_977 : i32 to index
    %swap3A_979 = tpu.vector_load %arg5[%swap3A_978] {strides = array<i32>} : memref<19008xf32, #tpu.memory_space<vmem>>, vector<16xf32>,
    tpu.vector_store %arg5[%swap3A_978], %add3A_975 {strides = array<i32>} : memref<19008xf32, #tpu.memory_space<vmem>>, vector<16xf32>,
    %mul3A_980 = arith.mulf %gather3A, %get3A_930 : vector<16xf32>
    %mul3A_981 = arith.mulf %gather3A_882, %get3A_946 : vector<16xf32>
    %add3A_982 = arith.addf %mul3A_980, %mul3A_981 : vector<16xf32>
    %mul3A_983 = arith.mulf %gather3A_886, %get3A_962 : vector<16xf32>
    %add3A_984 = arith.addf %add3A_982, %mul3A_983 : vector<16xf32>
    %add3A_985 = arith.constant 1584 : i32
    %add3A_986 = arith.addi %add3A_985, %add3A_12 : i32
    %swap3A_987 = arith.index_cast %add3A_986 : i32 to index
    %swap3A_988 = tpu.vector_load %arg5[%swap3A_987] {strides = array<i32>} : memref<19008xf32, #tpu.memory_space<vmem>>, vector<16xf32>,
    tpu.vector_store %arg5[%swap3A_987], %add3A_984 {strides = array<i32>} : memref<19008xf32, #tpu.memory_space<vmem>>, vector<16xf32>,
    %mul3A_989 = arith.mulf %gather3A, %get3A_934 : vector<16xf32>
    %mul3A_990 = arith.mulf %gather3A_882, %get3A_950 : vector<16xf32>
    %add3A_991 = arith.addf %mul3A_989, %mul3A_990 : vector<16xf32>
    %mul3A_992 = arith.mulf %gather3A_886, %get3A_966 : vector<16xf32>
    %add3A_993 = arith.addf %add3A_991, %mul3A_992 : vector<16xf32>
    %add3A_994 = arith.constant 3168 : i32
    %add3A_995 = arith.addi %add3A_994, %add3A_12 : i32
    %swap3A_996 = arith.index_cast %add3A_995 : i32 to index
    %swap3A_997 = tpu.vector_load %arg5[%swap3A_996] {strides = array<i32>} : memref<19008xf32, #tpu.memory_space<vmem>>, vector<16xf32>,
    tpu.vector_store %arg5[%swap3A_996], %add3A_993 {strides = array<i32>} : memref<19008xf32, #tpu.memory_space<vmem>>, vector<16xf32>,
    %mul3A_998 = arith.mulf %gather3A, %get3A_938 : vector<16xf32>
    %mul3A_999 = arith.mulf %gather3A_882, %get3A_954 : vector<16xf32>
    %add3A_1000 = arith.addf %mul3A_998, %mul3A_999 : vector<16xf32>
    %mul3A_1001 = arith.mulf %gather3A_886, %get3A_970 : vector<16xf32>
    %add3A_1002 = arith.addf %add3A_1000, %mul3A_1001 : vector<16xf32>
    %add3A_1003 = arith.addf %add3A_1002, %gather3A_890 : vector<16xf32>
    %add3A_1004 = arith.constant 4752 : i32
    %add3A_1005 = arith.addi %add3A_1004, %add3A_12 : i32
    %swap3A_1006 = arith.index_cast %add3A_1005 : i32 to index
    %swap3A_1007 = tpu.vector_load %arg5[%swap3A_1006] {strides = array<i32>} : memref<19008xf32, #tpu.memory_space<vmem>>, vector<16xf32>,
    tpu.vector_store %arg5[%swap3A_1006], %add3A_1003 {strides = array<i32>} : memref<19008xf32, #tpu.memory_space<vmem>>, vector<16xf32>,
    %mul3A_1008 = arith.mulf %gather3A_894, %get3A_926 : vector<16xf32>
    %mul3A_1009 = arith.mulf %gather3A_898, %get3A_942 : vector<16xf32>
    %add3A_1010 = arith.addf %mul3A_1008, %mul3A_1009 : vector<16xf32>
    %mul3A_1011 = arith.mulf %gather3A_902, %get3A_958 : vector<16xf32>
    %add3A_1012 = arith.addf %add3A_1010, %mul3A_1011 : vector<16xf32>
    %add3A_1013 = arith.constant 6336 : i32
    %add3A_1014 = arith.addi %add3A_1013, %add3A_12 : i32
    %swap3A_1015 = arith.index_cast %add3A_1014 : i32 to index
    %swap3A_1016 = tpu.vector_load %arg5[%swap3A_1015] {strides = array<i32>} : memref<19008xf32, #tpu.memory_space<vmem>>, vector<16xf32>,
    tpu.vector_store %arg5[%swap3A_1015], %add3A_1012 {strides = array<i32>} : memref<19008xf32, #tpu.memory_space<vmem>>, vector<16xf32>,
    %mul3A_1017 = arith.mulf %gather3A_894, %get3A_930 : vector<16xf32>
    %mul3A_1018 = arith.mulf %gather3A_898, %get3A_946 : vector<16xf32>
    %add3A_1019 = arith.addf %mul3A_1017, %mul3A_1018 : vector<16xf32>
    %mul3A_1020 = arith.mulf %gather3A_902, %get3A_962 : vector<16xf32>
    %add3A_1021 = arith.addf %add3A_1019, %mul3A_1020 : vector<16xf32>
    %add3A_1022 = arith.constant 7920 : i32
    %add3A_1023 = arith.addi %add3A_1022, %add3A_12 : i32
    %swap3A_1024 = arith.index_cast %add3A_1023 : i32 to index
    %swap3A_1025 = tpu.vector_load %arg5[%swap3A_1024] {strides = array<i32>} : memref<19008xf32, #tpu.memory_space<vmem>>, vector<16xf32>,
    tpu.vector_store %arg5[%swap3A_1024], %add3A_1021 {strides = array<i32>} : memref<19008xf32, #tpu.memory_space<vmem>>, vector<16xf32>,
    %mul3A_1026 = arith.mulf %gather3A_894, %get3A_934 : vector<16xf32>
    %mul3A_1027 = arith.mulf %gather3A_898, %get3A_950 : vector<16xf32>
    %add3A_1028 = arith.addf %mul3A_1026, %mul3A_1027 : vector<16xf32>
    %mul3A_1029 = arith.mulf %gather3A_902, %get3A_966 : vector<16xf32>
    %add3A_1030 = arith.addf %add3A_1028, %mul3A_1029 : vector<16xf32>
    %add3A_1031 = arith.constant 9504 : i32
    %add3A_1032 = arith.addi %add3A_1031, %add3A_12 : i32
    %swap3A_1033 = arith.index_cast %add3A_1032 : i32 to index
    %swap3A_1034 = tpu.vector_load %arg5[%swap3A_1033] {strides = array<i32>} : memref<19008xf32, #tpu.memory_space<vmem>>, vector<16xf32>,
    tpu.vector_store %arg5[%swap3A_1033], %add3A_1030 {strides = array<i32>} : memref<19008xf32, #tpu.memory_space<vmem>>, vector<16xf32>,
    %mul3A_1035 = arith.mulf %gather3A_894, %get3A_938 : vector<16xf32>
    %mul3A_1036 = arith.mulf %gather3A_898, %get3A_954 : vector<16xf32>
    %add3A_1037 = arith.addf %mul3A_1035, %mul3A_1036 : vector<16xf32>
    %mul3A_1038 = arith.mulf %gather3A_902, %get3A_970 : vector<16xf32>
    %add3A_1039 = arith.addf %add3A_1037, %mul3A_1038 : vector<16xf32>
    %add3A_1040 = arith.addf %add3A_1039, %gather3A_906 : vector<16xf32>
    %add3A_1041 = arith.constant 11088 : i32
    %add3A_1042 = arith.addi %add3A_1041, %add3A_12 : i32
    %swap3A_1043 = arith.index_cast %add3A_1042 : i32 to index
    %swap3A_1044 = tpu.vector_load %arg5[%swap3A_1043] {strides = array<i32>} : memref<19008xf32, #tpu.memory_space<vmem>>, vector<16xf32>,
    tpu.vector_store %arg5[%swap3A_1043], %add3A_1040 {strides = array<i32>} : memref<19008xf32, #tpu.memory_space<vmem>>, vector<16xf32>,
    %mul3A_1045 = arith.mulf %gather3A_910, %get3A_926 : vector<16xf32>
    %mul3A_1046 = arith.mulf %gather3A_914, %get3A_942 : vector<16xf32>
    %add3A_1047 = arith.addf %mul3A_1045, %mul3A_1046 : vector<16xf32>
    %mul3A_1048 = arith.mulf %gather3A_918, %get3A_958 : vector<16xf32>
    %add3A_1049 = arith.addf %add3A_1047, %mul3A_1048 : vector<16xf32>
    %add3A_1050 = arith.constant 12672 : i32
    %add3A_1051 = arith.addi %add3A_1050, %add3A_12 : i32
    %swap3A_1052 = arith.index_cast %add3A_1051 : i32 to index
    %swap3A_1053 = tpu.vector_load %arg5[%swap3A_1052] {strides = array<i32>} : memref<19008xf32, #tpu.memory_space<vmem>>, vector<16xf32>,
    tpu.vector_store %arg5[%swap3A_1052], %add3A_1049 {strides = array<i32>} : memref<19008xf32, #tpu.memory_space<vmem>>, vector<16xf32>,
    %mul3A_1054 = arith.mulf %gather3A_910, %get3A_930 : vector<16xf32>
    %mul3A_1055 = arith.mulf %gather3A_914, %get3A_946 : vector<16xf32>
    %add3A_1056 = arith.addf %mul3A_1054, %mul3A_1055 : vector<16xf32>
    %mul3A_1057 = arith.mulf %gather3A_918, %get3A_962 : vector<16xf32>
    %add3A_1058 = arith.addf %add3A_1056, %mul3A_1057 : vector<16xf32>
    %add3A_1059 = arith.constant 14256 : i32
    %add3A_1060 = arith.addi %add3A_1059, %add3A_12 : i32
    %swap3A_1061 = arith.index_cast %add3A_1060 : i32 to index
    %swap3A_1062 = tpu.vector_load %arg5[%swap3A_1061] {strides = array<i32>} : memref<19008xf32, #tpu.memory_space<vmem>>, vector<16xf32>,
    tpu.vector_store %arg5[%swap3A_1061], %add3A_1058 {strides = array<i32>} : memref<19008xf32, #tpu.memory_space<vmem>>, vector<16xf32>,
    %mul3A_1063 = arith.mulf %gather3A_910, %get3A_934 : vector<16xf32>
    %mul3A_1064 = arith.mulf %gather3A_914, %get3A_950 : vector<16xf32>
    %add3A_1065 = arith.addf %mul3A_1063, %mul3A_1064 : vector<16xf32>
    %mul3A_1066 = arith.mulf %gather3A_918, %get3A_966 : vector<16xf32>
    %add3A_1067 = arith.addf %add3A_1065, %mul3A_1066 : vector<16xf32>
    %add3A_1068 = arith.constant 15840 : i32
    %add3A_1069 = arith.addi %add3A_1068, %add3A_12 : i32
    %swap3A_1070 = arith.index_cast %add3A_1069 : i32 to index
    %swap3A_1071 = tpu.vector_load %arg5[%swap3A_1070] {strides = array<i32>} : memref<19008xf32, #tpu.memory_space<vmem>>, vector<16xf32>,
    tpu.vector_store %arg5[%swap3A_1070], %add3A_1067 {strides = array<i32>} : memref<19008xf32, #tpu.memory_space<vmem>>, vector<16xf32>,
    %mul3A_1072 = arith.mulf %gather3A_910, %get3A_938 : vector<16xf32>
    %mul3A_1073 = arith.mulf %gather3A_914, %get3A_954 : vector<16xf32>
    %add3A_1074 = arith.addf %mul3A_1072, %mul3A_1073 : vector<16xf32>
    %mul3A_1075 = arith.mulf %gather3A_918, %get3A_970 : vector<16xf32>
    %add3A_1076 = arith.addf %add3A_1074, %mul3A_1075 : vector<16xf32>
    %add3A_1077 = arith.addf %add3A_1076, %gather3A_922 : vector<16xf32>
    %add3A_1078 = arith.constant 17424 : i32
    %add3A_1079 = arith.addi %add3A_1078, %add3A_12 : i32
    %swap3A_1080 = arith.index_cast %add3A_1079 : i32 to index
    %swap3A_1081 = tpu.vector_load %arg5[%swap3A_1080] {strides = array<i32>} : memref<19008xf32, #tpu.memory_space<vmem>>, vector<16xf32>,
    tpu.vector_store %arg5[%swap3A_1080], %add3A_1077 {strides = array<i32>} : memref<19008xf32, #tpu.memory_space<vmem>>, vector<16xf32>,
    %add3A_1082 = arith.constant 16 : i32
    %add3A_1083 = arith.addi %add3A_12, %add3A_1082 : i32
    %add3A_1084 = vector.broadcast %add3A_1083 : i32 to vector<16xi32>
    %add3A_1085 = arith.addi %add3A_1084, %iota3A : vector<16xi32>
    %shift_right_logical3A_1086 = arith.constant 5 : i32
    %shift_right_logical3A_1087 = vector.broadcast %shift_right_logical3A_1086 : i32 to vector<16xi32>
    %shift_right_logical3A_1088 = arith.shrui %add3A_1085, %shift_right_logical3A_1087 : vector<16xi32>
    %sub3A_1089 = arith.constant 1 : i32
    %sub3A_1090 = vector.broadcast %sub3A_1089 : i32 to vector<16xi32>
    %sub3A_1091 = arith.subi %shift_right_logical3A_1088, %sub3A_1090 : vector<16xi32>
    %add3A_1092 = arith.constant 0 : i32
    %add3A_1093 = vector.broadcast %add3A_1092 : i32 to vector<16xi32>
    %add3A_1094 = arith.addi %add3A_1093, %sub3A_1091 : vector<16xi32>
    %gather3A_1095 = tpu.vector_load_idx %arg5[%add3A_1094] : memref<19008xf32, #tpu.memory_space<vmem>>[vector<16xi32>], vector<16xf32>,
    %add3A_1096 = arith.constant 1584 : i32
    %add3A_1097 = vector.broadcast %add3A_1096 : i32 to vector<16xi32>
    %add3A_1098 = arith.addi %add3A_1097, %sub3A_1091 : vector<16xi32>
    %gather3A_1099 = tpu.vector_load_idx %arg5[%add3A_1098] : memref<19008xf32, #tpu.memory_space<vmem>>[vector<16xi32>], vector<16xf32>,
    %add3A_1100 = arith.constant 3168 : i32
    %add3A_1101 = vector.broadcast %add3A_1100 : i32 to vector<16xi32>
    %add3A_1102 = arith.addi %add3A_1101, %sub3A_1091 : vector<16xi32>
    %gather3A_1103 = tpu.vector_load_idx %arg5[%add3A_1102] : memref<19008xf32, #tpu.memory_space<vmem>>[vector<16xi32>], vector<16xf32>,
    %add3A_1104 = arith.constant 4752 : i32
    %add3A_1105 = vector.broadcast %add3A_1104 : i32 to vector<16xi32>
    %add3A_1106 = arith.addi %add3A_1105, %sub3A_1091 : vector<16xi32>
    %gather3A_1107 = tpu.vector_load_idx %arg5[%add3A_1106] : memref<19008xf32, #tpu.memory_space<vmem>>[vector<16xi32>], vector<16xf32>,
    %add3A_1108 = arith.constant 6336 : i32
    %add3A_1109 = vector.broadcast %add3A_1108 : i32 to vector<16xi32>
    %add3A_1110 = arith.addi %add3A_1109, %sub3A_1091 : vector<16xi32>
    %gather3A_1111 = tpu.vector_load_idx %arg5[%add3A_1110] : memref<19008xf32, #tpu.memory_space<vmem>>[vector<16xi32>], vector<16xf32>,
    %add3A_1112 = arith.constant 7920 : i32
    %add3A_1113 = vector.broadcast %add3A_1112 : i32 to vector<16xi32>
    %add3A_1114 = arith.addi %add3A_1113, %sub3A_1091 : vector<16xi32>
    %gather3A_1115 = tpu.vector_load_idx %arg5[%add3A_1114] : memref<19008xf32, #tpu.memory_space<vmem>>[vector<16xi32>], vector<16xf32>,
    %add3A_1116 = arith.constant 9504 : i32
    %add3A_1117 = vector.broadcast %add3A_1116 : i32 to vector<16xi32>
    %add3A_1118 = arith.addi %add3A_1117, %sub3A_1091 : vector<16xi32>
    %gather3A_1119 = tpu.vector_load_idx %arg5[%add3A_1118] : memref<19008xf32, #tpu.memory_space<vmem>>[vector<16xi32>], vector<16xf32>,
    %add3A_1120 = arith.constant 11088 : i32
    %add3A_1121 = vector.broadcast %add3A_1120 : i32 to vector<16xi32>
    %add3A_1122 = arith.addi %add3A_1121, %sub3A_1091 : vector<16xi32>
    %gather3A_1123 = tpu.vector_load_idx %arg5[%add3A_1122] : memref<19008xf32, #tpu.memory_space<vmem>>[vector<16xi32>], vector<16xf32>,
    %add3A_1124 = arith.constant 12672 : i32
    %add3A_1125 = vector.broadcast %add3A_1124 : i32 to vector<16xi32>
    %add3A_1126 = arith.addi %add3A_1125, %sub3A_1091 : vector<16xi32>
    %gather3A_1127 = tpu.vector_load_idx %arg5[%add3A_1126] : memref<19008xf32, #tpu.memory_space<vmem>>[vector<16xi32>], vector<16xf32>,
    %add3A_1128 = arith.constant 14256 : i32
    %add3A_1129 = vector.broadcast %add3A_1128 : i32 to vector<16xi32>
    %add3A_1130 = arith.addi %add3A_1129, %sub3A_1091 : vector<16xi32>
    %gather3A_1131 = tpu.vector_load_idx %arg5[%add3A_1130] : memref<19008xf32, #tpu.memory_space<vmem>>[vector<16xi32>], vector<16xf32>,
    %add3A_1132 = arith.constant 15840 : i32
    %add3A_1133 = vector.broadcast %add3A_1132 : i32 to vector<16xi32>
    %add3A_1134 = arith.addi %add3A_1133, %sub3A_1091 : vector<16xi32>
    %gather3A_1135 = tpu.vector_load_idx %arg5[%add3A_1134] : memref<19008xf32, #tpu.memory_space<vmem>>[vector<16xi32>], vector<16xf32>,
    %add3A_1136 = arith.constant 17424 : i32
    %add3A_1137 = vector.broadcast %add3A_1136 : i32 to vector<16xi32>
    %add3A_1138 = arith.addi %add3A_1137, %sub3A_1091 : vector<16xi32>
    %gather3A_1139 = tpu.vector_load_idx %arg5[%add3A_1138] : memref<19008xf32, #tpu.memory_space<vmem>>[vector<16xi32>], vector<16xf32>,
    %add3A_1140 = arith.constant 0 : i32
    %add3A_1141 = arith.addi %add3A_1140, %add3A_1083 : i32
    %get3A_1142 = arith.index_cast %add3A_1141 : i32 to index
    %get3A_1143 = tpu.vector_load %arg4[%get3A_1142] {strides = array<i32>} : memref<19008xf32, #tpu.memory_space<vmem>>, vector<16xf32>,
    %add3A_1144 = arith.constant 1584 : i32
    %add3A_1145 = arith.addi %add3A_1144, %add3A_1083 : i32
    %get3A_1146 = arith.index_cast %add3A_1145 : i32 to index
    %get3A_1147 = tpu.vector_load %arg4[%get3A_1146] {strides = array<i32>} : memref<19008xf32, #tpu.memory_space<vmem>>, vector<16xf32>,
    %add3A_1148 = arith.constant 3168 : i32
    %add3A_1149 = arith.addi %add3A_1148, %add3A_1083 : i32
    %get3A_1150 = arith.index_cast %add3A_1149 : i32 to index
    %get3A_1151 = tpu.vector_load %arg4[%get3A_1150] {strides = array<i32>} : memref<19008xf32, #tpu.memory_space<vmem>>, vector<16xf32>,
    %add3A_1152 = arith.constant 4752 : i32
    %add3A_1153 = arith.addi %add3A_1152, %add3A_1083 : i32
    %get3A_1154 = arith.index_cast %add3A_1153 : i32 to index
    %get3A_1155 = tpu.vector_load %arg4[%get3A_1154] {strides = array<i32>} : memref<19008xf32, #tpu.memory_space<vmem>>, vector<16xf32>,
    %add3A_1156 = arith.constant 6336 : i32
    %add3A_1157 = arith.addi %add3A_1156, %add3A_1083 : i32
    %get3A_1158 = arith.index_cast %add3A_1157 : i32 to index
    %get3A_1159 = tpu.vector_load %arg4[%get3A_1158] {strides = array<i32>} : memref<19008xf32, #tpu.memory_space<vmem>>, vector<16xf32>,
    %add3A_1160 = arith.constant 7920 : i32
    %add3A_1161 = arith.addi %add3A_1160, %add3A_1083 : i32
    %get3A_1162 = arith.index_cast %add3A_1161 : i32 to index
    %get3A_1163 = tpu.vector_load %arg4[%get3A_1162] {strides = array<i32>} : memref<19008xf32, #tpu.memory_space<vmem>>, vector<16xf32>,
    %add3A_1164 = arith.constant 9504 : i32
    %add3A_1165 = arith.addi %add3A_1164, %add3A_1083 : i32
    %get3A_1166 = arith.index_cast %add3A_1165 : i32 to index
    %get3A_1167 = tpu.vector_load %arg4[%get3A_1166] {strides = array<i32>} : memref<19008xf32, #tpu.memory_space<vmem>>, vector<16xf32>,
    %add3A_1168 = arith.constant 11088 : i32
    %add3A_1169 = arith.addi %add3A_1168, %add3A_1083 : i32
    %get3A_1170 = arith.index_cast %add3A_1169 : i32 to index
    %get3A_1171 = tpu.vector_load %arg4[%get3A_1170] {strides = array<i32>} : memref<19008xf32, #tpu.memory_space<vmem>>, vector<16xf32>,
    %add3A_1172 = arith.constant 12672 : i32
    %add3A_1173 = arith.addi %add3A_1172, %add3A_1083 : i32
    %get3A_1174 = arith.index_cast %add3A_1173 : i32 to index
    %get3A_1175 = tpu.vector_load %arg4[%get3A_1174] {strides = array<i32>} : memref<19008xf32, #tpu.memory_space<vmem>>, vector<16xf32>,
    %add3A_1176 = arith.constant 14256 : i32
    %add3A_1177 = arith.addi %add3A_1176, %add3A_1083 : i32
    %get3A_1178 = arith.index_cast %add3A_1177 : i32 to index
    %get3A_1179 = tpu.vector_load %arg4[%get3A_1178] {strides = array<i32>} : memref<19008xf32, #tpu.memory_space<vmem>>, vector<16xf32>,
    %add3A_1180 = arith.constant 15840 : i32
    %add3A_1181 = arith.addi %add3A_1180, %add3A_1083 : i32
    %get3A_1182 = arith.index_cast %add3A_1181 : i32 to index
    %get3A_1183 = tpu.vector_load %arg4[%get3A_1182] {strides = array<i32>} : memref<19008xf32, #tpu.memory_space<vmem>>, vector<16xf32>,
    %add3A_1184 = arith.constant 17424 : i32
    %add3A_1185 = arith.addi %add3A_1184, %add3A_1083 : i32
    %get3A_1186 = arith.index_cast %add3A_1185 : i32 to index
    %get3A_1187 = tpu.vector_load %arg4[%get3A_1186] {strides = array<i32>} : memref<19008xf32, #tpu.memory_space<vmem>>, vector<16xf32>,
    %mul3A_1188 = arith.mulf %gather3A_1095, %get3A_1143 : vector<16xf32>
    %mul3A_1189 = arith.mulf %gather3A_1099, %get3A_1159 : vector<16xf32>
    %add3A_1190 = arith.addf %mul3A_1188, %mul3A_1189 : vector<16xf32>
    %mul3A_1191 = arith.mulf %gather3A_1103, %get3A_1175 : vector<16xf32>
    %add3A_1192 = arith.addf %add3A_1190, %mul3A_1191 : vector<16xf32>
    %add3A_1193 = arith.constant 0 : i32
    %add3A_1194 = arith.addi %add3A_1193, %add3A_1083 : i32
    %swap3A_1195 = arith.index_cast %add3A_1194 : i32 to index
    %swap3A_1196 = tpu.vector_load %arg5[%swap3A_1195] {strides = array<i32>} : memref<19008xf32, #tpu.memory_space<vmem>>, vector<16xf32>,
    tpu.vector_store %arg5[%swap3A_1195], %add3A_1192 {strides = array<i32>} : memref<19008xf32, #tpu.memory_space<vmem>>, vector<16xf32>,
    %mul3A_1197 = arith.mulf %gather3A_1095, %get3A_1147 : vector<16xf32>
    %mul3A_1198 = arith.mulf %gather3A_1099, %get3A_1163 : vector<16xf32>
    %add3A_1199 = arith.addf %mul3A_1197, %mul3A_1198 : vector<16xf32>
    %mul3A_1200 = arith.mulf %gather3A_1103, %get3A_1179 : vector<16xf32>
    %add3A_1201 = arith.addf %add3A_1199, %mul3A_1200 : vector<16xf32>
    %add3A_1202 = arith.constant 1584 : i32
    %add3A_1203 = arith.addi %add3A_1202, %add3A_1083 : i32
    %swap3A_1204 = arith.index_cast %add3A_1203 : i32 to index
    %swap3A_1205 = tpu.vector_load %arg5[%swap3A_1204] {strides = array<i32>} : memref<19008xf32, #tpu.memory_space<vmem>>, vector<16xf32>,
    tpu.vector_store %arg5[%swap3A_1204], %add3A_1201 {strides = array<i32>} : memref<19008xf32, #tpu.memory_space<vmem>>, vector<16xf32>,
    %mul3A_1206 = arith.mulf %gather3A_1095, %get3A_1151 : vector<16xf32>
    %mul3A_1207 = arith.mulf %gather3A_1099, %get3A_1167 : vector<16xf32>
    %add3A_1208 = arith.addf %mul3A_1206, %mul3A_1207 : vector<16xf32>
    %mul3A_1209 = arith.mulf %gather3A_1103, %get3A_1183 : vector<16xf32>
    %add3A_1210 = arith.addf %add3A_1208, %mul3A_1209 : vector<16xf32>
    %add3A_1211 = arith.constant 3168 : i32
    %add3A_1212 = arith.addi %add3A_1211, %add3A_1083 : i32
    %swap3A_1213 = arith.index_cast %add3A_1212 : i32 to index
    %swap3A_1214 = tpu.vector_load %arg5[%swap3A_1213] {strides = array<i32>} : memref<19008xf32, #tpu.memory_space<vmem>>, vector<16xf32>,
    tpu.vector_store %arg5[%swap3A_1213], %add3A_1210 {strides = array<i32>} : memref<19008xf32, #tpu.memory_space<vmem>>, vector<16xf32>,
    %mul3A_1215 = arith.mulf %gather3A_1095, %get3A_1155 : vector<16xf32>
    %mul3A_1216 = arith.mulf %gather3A_1099, %get3A_1171 : vector<16xf32>
    %add3A_1217 = arith.addf %mul3A_1215, %mul3A_1216 : vector<16xf32>
    %mul3A_1218 = arith.mulf %gather3A_1103, %get3A_1187 : vector<16xf32>
    %add3A_1219 = arith.addf %add3A_1217, %mul3A_1218 : vector<16xf32>
    %add3A_1220 = arith.addf %add3A_1219, %gather3A_1107 : vector<16xf32>
    %add3A_1221 = arith.constant 4752 : i32
    %add3A_1222 = arith.addi %add3A_1221, %add3A_1083 : i32
    %swap3A_1223 = arith.index_cast %add3A_1222 : i32 to index
    %swap3A_1224 = tpu.vector_load %arg5[%swap3A_1223] {strides = array<i32>} : memref<19008xf32, #tpu.memory_space<vmem>>, vector<16xf32>,
    tpu.vector_store %arg5[%swap3A_1223], %add3A_1220 {strides = array<i32>} : memref<19008xf32, #tpu.memory_space<vmem>>, vector<16xf32>,
    %mul3A_1225 = arith.mulf %gather3A_1111, %get3A_1143 : vector<16xf32>
    %mul3A_1226 = arith.mulf %gather3A_1115, %get3A_1159 : vector<16xf32>
    %add3A_1227 = arith.addf %mul3A_1225, %mul3A_1226 : vector<16xf32>
    %mul3A_1228 = arith.mulf %gather3A_1119, %get3A_1175 : vector<16xf32>
    %add3A_1229 = arith.addf %add3A_1227, %mul3A_1228 : vector<16xf32>
    %add3A_1230 = arith.constant 6336 : i32
    %add3A_1231 = arith.addi %add3A_1230, %add3A_1083 : i32
    %swap3A_1232 = arith.index_cast %add3A_1231 : i32 to index
    %swap3A_1233 = tpu.vector_load %arg5[%swap3A_1232] {strides = array<i32>} : memref<19008xf32, #tpu.memory_space<vmem>>, vector<16xf32>,
    tpu.vector_store %arg5[%swap3A_1232], %add3A_1229 {strides = array<i32>} : memref<19008xf32, #tpu.memory_space<vmem>>, vector<16xf32>,
    %mul3A_1234 = arith.mulf %gather3A_1111, %get3A_1147 : vector<16xf32>
    %mul3A_1235 = arith.mulf %gather3A_1115, %get3A_1163 : vector<16xf32>
    %add3A_1236 = arith.addf %mul3A_1234, %mul3A_1235 : vector<16xf32>
    %mul3A_1237 = arith.mulf %gather3A_1119, %get3A_1179 : vector<16xf32>
    %add3A_1238 = arith.addf %add3A_1236, %mul3A_1237 : vector<16xf32>
    %add3A_1239 = arith.constant 7920 : i32
    %add3A_1240 = arith.addi %add3A_1239, %add3A_1083 : i32
    %swap3A_1241 = arith.index_cast %add3A_1240 : i32 to index
    %swap3A_1242 = tpu.vector_load %arg5[%swap3A_1241] {strides = array<i32>} : memref<19008xf32, #tpu.memory_space<vmem>>, vector<16xf32>,
    tpu.vector_store %arg5[%swap3A_1241], %add3A_1238 {strides = array<i32>} : memref<19008xf32, #tpu.memory_space<vmem>>, vector<16xf32>,
    %mul3A_1243 = arith.mulf %gather3A_1111, %get3A_1151 : vector<16xf32>
    %mul3A_1244 = arith.mulf %gather3A_1115, %get3A_1167 : vector<16xf32>
    %add3A_1245 = arith.addf %mul3A_1243, %mul3A_1244 : vector<16xf32>
    %mul3A_1246 = arith.mulf %gather3A_1119, %get3A_1183 : vector<16xf32>
    %add3A_1247 = arith.addf %add3A_1245, %mul3A_1246 : vector<16xf32>
    %add3A_1248 = arith.constant 9504 : i32
    %add3A_1249 = arith.addi %add3A_1248, %add3A_1083 : i32
    %swap3A_1250 = arith.index_cast %add3A_1249 : i32 to index
    %swap3A_1251 = tpu.vector_load %arg5[%swap3A_1250] {strides = array<i32>} : memref<19008xf32, #tpu.memory_space<vmem>>, vector<16xf32>,
    tpu.vector_store %arg5[%swap3A_1250], %add3A_1247 {strides = array<i32>} : memref<19008xf32, #tpu.memory_space<vmem>>, vector<16xf32>,
    %mul3A_1252 = arith.mulf %gather3A_1111, %get3A_1155 : vector<16xf32>
    %mul3A_1253 = arith.mulf %gather3A_1115, %get3A_1171 : vector<16xf32>
    %add3A_1254 = arith.addf %mul3A_1252, %mul3A_1253 : vector<16xf32>
    %mul3A_1255 = arith.mulf %gather3A_1119, %get3A_1187 : vector<16xf32>
    %add3A_1256 = arith.addf %add3A_1254, %mul3A_1255 : vector<16xf32>
    %add3A_1257 = arith.addf %add3A_1256, %gather3A_1123 : vector<16xf32>
    %add3A_1258 = arith.constant 11088 : i32
    %add3A_1259 = arith.addi %add3A_1258, %add3A_1083 : i32
    %swap3A_1260 = arith.index_cast %add3A_1259 : i32 to index
    %swap3A_1261 = tpu.vector_load %arg5[%swap3A_1260] {strides = array<i32>} : memref<19008xf32, #tpu.memory_space<vmem>>, vector<16xf32>,
    tpu.vector_store %arg5[%swap3A_1260], %add3A_1257 {strides = array<i32>} : memref<19008xf32, #tpu.memory_space<vmem>>, vector<16xf32>,
    %mul3A_1262 = arith.mulf %gather3A_1127, %get3A_1143 : vector<16xf32>
    %mul3A_1263 = arith.mulf %gather3A_1131, %get3A_1159 : vector<16xf32>
    %add3A_1264 = arith.addf %mul3A_1262, %mul3A_1263 : vector<16xf32>
    %mul3A_1265 = arith.mulf %gather3A_1135, %get3A_1175 : vector<16xf32>
    %add3A_1266 = arith.addf %add3A_1264, %mul3A_1265 : vector<16xf32>
    %add3A_1267 = arith.constant 12672 : i32
    %add3A_1268 = arith.addi %add3A_1267, %add3A_1083 : i32
    %swap3A_1269 = arith.index_cast %add3A_1268 : i32 to index
    %swap3A_1270 = tpu.vector_load %arg5[%swap3A_1269] {strides = array<i32>} : memref<19008xf32, #tpu.memory_space<vmem>>, vector<16xf32>,
    tpu.vector_store %arg5[%swap3A_1269], %add3A_1266 {strides = array<i32>} : memref<19008xf32, #tpu.memory_space<vmem>>, vector<16xf32>,
    %mul3A_1271 = arith.mulf %gather3A_1127, %get3A_1147 : vector<16xf32>
    %mul3A_1272 = arith.mulf %gather3A_1131, %get3A_1163 : vector<16xf32>
    %add3A_1273 = arith.addf %mul3A_1271, %mul3A_1272 : vector<16xf32>
    %mul3A_1274 = arith.mulf %gather3A_1135, %get3A_1179 : vector<16xf32>
    %add3A_1275 = arith.addf %add3A_1273, %mul3A_1274 : vector<16xf32>
    %add3A_1276 = arith.constant 14256 : i32
    %add3A_1277 = arith.addi %add3A_1276, %add3A_1083 : i32
    %swap3A_1278 = arith.index_cast %add3A_1277 : i32 to index
    %swap3A_1279 = tpu.vector_load %arg5[%swap3A_1278] {strides = array<i32>} : memref<19008xf32, #tpu.memory_space<vmem>>, vector<16xf32>,
    tpu.vector_store %arg5[%swap3A_1278], %add3A_1275 {strides = array<i32>} : memref<19008xf32, #tpu.memory_space<vmem>>, vector<16xf32>,
    %mul3A_1280 = arith.mulf %gather3A_1127, %get3A_1151 : vector<16xf32>
    %mul3A_1281 = arith.mulf %gather3A_1131, %get3A_1167 : vector<16xf32>
    %add3A_1282 = arith.addf %mul3A_1280, %mul3A_1281 : vector<16xf32>
    %mul3A_1283 = arith.mulf %gather3A_1135, %get3A_1183 : vector<16xf32>
    %add3A_1284 = arith.addf %add3A_1282, %mul3A_1283 : vector<16xf32>
    %add3A_1285 = arith.constant 15840 : i32
    %add3A_1286 = arith.addi %add3A_1285, %add3A_1083 : i32
    %swap3A_1287 = arith.index_cast %add3A_1286 : i32 to index
    %swap3A_1288 = tpu.vector_load %arg5[%swap3A_1287] {strides = array<i32>} : memref<19008xf32, #tpu.memory_space<vmem>>, vector<16xf32>,
    tpu.vector_store %arg5[%swap3A_1287], %add3A_1284 {strides = array<i32>} : memref<19008xf32, #tpu.memory_space<vmem>>, vector<16xf32>,
    %mul3A_1289 = arith.mulf %gather3A_1127, %get3A_1155 : vector<16xf32>
    %mul3A_1290 = arith.mulf %gather3A_1131, %get3A_1171 : vector<16xf32>
    %add3A_1291 = arith.addf %mul3A_1289, %mul3A_1290 : vector<16xf32>
    %mul3A_1292 = arith.mulf %gather3A_1135, %get3A_1187 : vector<16xf32>
    %add3A_1293 = arith.addf %add3A_1291, %mul3A_1292 : vector<16xf32>
    %add3A_1294 = arith.addf %add3A_1293, %gather3A_1139 : vector<16xf32>
    %add3A_1295 = arith.constant 17424 : i32
    %add3A_1296 = arith.addi %add3A_1295, %add3A_1083 : i32
    %swap3A_1297 = arith.index_cast %add3A_1296 : i32 to index
    %swap3A_1298 = tpu.vector_load %arg5[%swap3A_1297] {strides = array<i32>} : memref<19008xf32, #tpu.memory_space<vmem>>, vector<16xf32>,
    tpu.vector_store %arg5[%swap3A_1297], %add3A_1294 {strides = array<i32>} : memref<19008xf32, #tpu.memory_space<vmem>>, vector<16xf32>,
    %add3A_1299 = vector.broadcast %add3A_16 : i32 to vector<16xi32>
    %add3A_1300 = arith.addi %add3A_1299, %iota3A : vector<16xi32>
    %shift_right_logical3A_1301 = arith.constant 5 : i32
    %shift_right_logical3A_1302 = vector.broadcast %shift_right_logical3A_1301 : i32 to vector<16xi32>
    %shift_right_logical3A_1303 = arith.shrui %add3A_1300, %shift_right_logical3A_1302 : vector<16xi32>
    %sub3A_1304 = arith.constant 1 : i32
    %sub3A_1305 = vector.broadcast %sub3A_1304 : i32 to vector<16xi32>
    %sub3A_1306 = arith.subi %shift_right_logical3A_1303, %sub3A_1305 : vector<16xi32>
    %add3A_1307 = arith.constant 0 : i32
    %add3A_1308 = vector.broadcast %add3A_1307 : i32 to vector<16xi32>
    %add3A_1309 = arith.addi %add3A_1308, %sub3A_1306 : vector<16xi32>
    %gather3A_1310 = tpu.vector_load_idx %arg5[%add3A_1309] : memref<19008xf32, #tpu.memory_space<vmem>>[vector<16xi32>], vector<16xf32>,
    %add3A_1311 = arith.constant 1584 : i32
    %add3A_1312 = vector.broadcast %add3A_1311 : i32 to vector<16xi32>
    %add3A_1313 = arith.addi %add3A_1312, %sub3A_1306 : vector<16xi32>
    %gather3A_1314 = tpu.vector_load_idx %arg5[%add3A_1313] : memref<19008xf32, #tpu.memory_space<vmem>>[vector<16xi32>], vector<16xf32>,
    %add3A_1315 = arith.constant 3168 : i32
    %add3A_1316 = vector.broadcast %add3A_1315 : i32 to vector<16xi32>
    %add3A_1317 = arith.addi %add3A_1316, %sub3A_1306 : vector<16xi32>
    %gather3A_1318 = tpu.vector_load_idx %arg5[%add3A_1317] : memref<19008xf32, #tpu.memory_space<vmem>>[vector<16xi32>], vector<16xf32>,
    %add3A_1319 = arith.constant 4752 : i32
    %add3A_1320 = vector.broadcast %add3A_1319 : i32 to vector<16xi32>
    %add3A_1321 = arith.addi %add3A_1320, %sub3A_1306 : vector<16xi32>
    %gather3A_1322 = tpu.vector_load_idx %arg5[%add3A_1321] : memref<19008xf32, #tpu.memory_space<vmem>>[vector<16xi32>], vector<16xf32>,
    %add3A_1323 = arith.constant 6336 : i32
    %add3A_1324 = vector.broadcast %add3A_1323 : i32 to vector<16xi32>
    %add3A_1325 = arith.addi %add3A_1324, %sub3A_1306 : vector<16xi32>
    %gather3A_1326 = tpu.vector_load_idx %arg5[%add3A_1325] : memref<19008xf32, #tpu.memory_space<vmem>>[vector<16xi32>], vector<16xf32>,
    %add3A_1327 = arith.constant 7920 : i32
    %add3A_1328 = vector.broadcast %add3A_1327 : i32 to vector<16xi32>
    %add3A_1329 = arith.addi %add3A_1328, %sub3A_1306 : vector<16xi32>
    %gather3A_1330 = tpu.vector_load_idx %arg5[%add3A_1329] : memref<19008xf32, #tpu.memory_space<vmem>>[vector<16xi32>], vector<16xf32>,
    %add3A_1331 = arith.constant 9504 : i32
    %add3A_1332 = vector.broadcast %add3A_1331 : i32 to vector<16xi32>
    %add3A_1333 = arith.addi %add3A_1332, %sub3A_1306 : vector<16xi32>
    %gather3A_1334 = tpu.vector_load_idx %arg5[%add3A_1333] : memref<19008xf32, #tpu.memory_space<vmem>>[vector<16xi32>], vector<16xf32>,
    %add3A_1335 = arith.constant 11088 : i32
    %add3A_1336 = vector.broadcast %add3A_1335 : i32 to vector<16xi32>
    %add3A_1337 = arith.addi %add3A_1336, %sub3A_1306 : vector<16xi32>
    %gather3A_1338 = tpu.vector_load_idx %arg5[%add3A_1337] : memref<19008xf32, #tpu.memory_space<vmem>>[vector<16xi32>], vector<16xf32>,
    %add3A_1339 = arith.constant 12672 : i32
    %add3A_1340 = vector.broadcast %add3A_1339 : i32 to vector<16xi32>
    %add3A_1341 = arith.addi %add3A_1340, %sub3A_1306 : vector<16xi32>
    %gather3A_1342 = tpu.vector_load_idx %arg5[%add3A_1341] : memref<19008xf32, #tpu.memory_space<vmem>>[vector<16xi32>], vector<16xf32>,
    %add3A_1343 = arith.constant 14256 : i32
    %add3A_1344 = vector.broadcast %add3A_1343 : i32 to vector<16xi32>
    %add3A_1345 = arith.addi %add3A_1344, %sub3A_1306 : vector<16xi32>
    %gather3A_1346 = tpu.vector_load_idx %arg5[%add3A_1345] : memref<19008xf32, #tpu.memory_space<vmem>>[vector<16xi32>], vector<16xf32>,
    %add3A_1347 = arith.constant 15840 : i32
    %add3A_1348 = vector.broadcast %add3A_1347 : i32 to vector<16xi32>
    %add3A_1349 = arith.addi %add3A_1348, %sub3A_1306 : vector<16xi32>
    %gather3A_1350 = tpu.vector_load_idx %arg5[%add3A_1349] : memref<19008xf32, #tpu.memory_space<vmem>>[vector<16xi32>], vector<16xf32>,
    %add3A_1351 = arith.constant 17424 : i32
    %add3A_1352 = vector.broadcast %add3A_1351 : i32 to vector<16xi32>
    %add3A_1353 = arith.addi %add3A_1352, %sub3A_1306 : vector<16xi32>
    %gather3A_1354 = tpu.vector_load_idx %arg5[%add3A_1353] : memref<19008xf32, #tpu.memory_space<vmem>>[vector<16xi32>], vector<16xf32>,
    %add3A_1355 = arith.constant 0 : i32
    %add3A_1356 = arith.addi %add3A_1355, %add3A_16 : i32
    %get3A_1357 = arith.index_cast %add3A_1356 : i32 to index
    %get3A_1358 = tpu.vector_load %arg4[%get3A_1357] {strides = array<i32>} : memref<19008xf32, #tpu.memory_space<vmem>>, vector<16xf32>,
    %add3A_1359 = arith.constant 1584 : i32
    %add3A_1360 = arith.addi %add3A_1359, %add3A_16 : i32
    %get3A_1361 = arith.index_cast %add3A_1360 : i32 to index
    %get3A_1362 = tpu.vector_load %arg4[%get3A_1361] {strides = array<i32>} : memref<19008xf32, #tpu.memory_space<vmem>>, vector<16xf32>,
    %add3A_1363 = arith.constant 3168 : i32
    %add3A_1364 = arith.addi %add3A_1363, %add3A_16 : i32
    %get3A_1365 = arith.index_cast %add3A_1364 : i32 to index
    %get3A_1366 = tpu.vector_load %arg4[%get3A_1365] {strides = array<i32>} : memref<19008xf32, #tpu.memory_space<vmem>>, vector<16xf32>,
    %add3A_1367 = arith.constant 4752 : i32
    %add3A_1368 = arith.addi %add3A_1367, %add3A_16 : i32
    %get3A_1369 = arith.index_cast %add3A_1368 : i32 to index
    %get3A_1370 = tpu.vector_load %arg4[%get3A_1369] {strides = array<i32>} : memref<19008xf32, #tpu.memory_space<vmem>>, vector<16xf32>,
    %add3A_1371 = arith.constant 6336 : i32
    %add3A_1372 = arith.addi %add3A_1371, %add3A_16 : i32
    %get3A_1373 = arith.index_cast %add3A_1372 : i32 to index
    %get3A_1374 = tpu.vector_load %arg4[%get3A_1373] {strides = array<i32>} : memref<19008xf32, #tpu.memory_space<vmem>>, vector<16xf32>,
    %add3A_1375 = arith.constant 7920 : i32
    %add3A_1376 = arith.addi %add3A_1375, %add3A_16 : i32
    %get3A_1377 = arith.index_cast %add3A_1376 : i32 to index
    %get3A_1378 = tpu.vector_load %arg4[%get3A_1377] {strides = array<i32>} : memref<19008xf32, #tpu.memory_space<vmem>>, vector<16xf32>,
    %add3A_1379 = arith.constant 9504 : i32
    %add3A_1380 = arith.addi %add3A_1379, %add3A_16 : i32
    %get3A_1381 = arith.index_cast %add3A_1380 : i32 to index
    %get3A_1382 = tpu.vector_load %arg4[%get3A_1381] {strides = array<i32>} : memref<19008xf32, #tpu.memory_space<vmem>>, vector<16xf32>,
    %add3A_1383 = arith.constant 11088 : i32
    %add3A_1384 = arith.addi %add3A_1383, %add3A_16 : i32
    %get3A_1385 = arith.index_cast %add3A_1384 : i32 to index
    %get3A_1386 = tpu.vector_load %arg4[%get3A_1385] {strides = array<i32>} : memref<19008xf32, #tpu.memory_space<vmem>>, vector<16xf32>,
    %add3A_1387 = arith.constant 12672 : i32
    %add3A_1388 = arith.addi %add3A_1387, %add3A_16 : i32
    %get3A_1389 = arith.index_cast %add3A_1388 : i32 to index
    %get3A_1390 = tpu.vector_load %arg4[%get3A_1389] {strides = array<i32>} : memref<19008xf32, #tpu.memory_space<vmem>>, vector<16xf32>,
    %add3A_1391 = arith.constant 14256 : i32
    %add3A_1392 = arith.addi %add3A_1391, %add3A_16 : i32
    %get3A_1393 = arith.index_cast %add3A_1392 : i32 to index
    %get3A_1394 = tpu.vector_load %arg4[%get3A_1393] {strides = array<i32>} : memref<19008xf32, #tpu.memory_space<vmem>>, vector<16xf32>,
    %add3A_1395 = arith.constant 15840 : i32
    %add3A_1396 = arith.addi %add3A_1395, %add3A_16 : i32
    %get3A_1397 = arith.index_cast %add3A_1396 : i32 to index
    %get3A_1398 = tpu.vector_load %arg4[%get3A_1397] {strides = array<i32>} : memref<19008xf32, #tpu.memory_space<vmem>>, vector<16xf32>,
    %add3A_1399 = arith.constant 17424 : i32
    %add3A_1400 = arith.addi %add3A_1399, %add3A_16 : i32
    %get3A_1401 = arith.index_cast %add3A_1400 : i32 to index
    %get3A_1402 = tpu.vector_load %arg4[%get3A_1401] {strides = array<i32>} : memref<19008xf32, #tpu.memory_space<vmem>>, vector<16xf32>,
    %mul3A_1403 = arith.mulf %gather3A_1310, %get3A_1358 : vector<16xf32>
    %mul3A_1404 = arith.mulf %gather3A_1314, %get3A_1374 : vector<16xf32>
    %add3A_1405 = arith.addf %mul3A_1403, %mul3A_1404 : vector<16xf32>
    %mul3A_1406 = arith.mulf %gather3A_1318, %get3A_1390 : vector<16xf32>
    %add3A_1407 = arith.addf %add3A_1405, %mul3A_1406 : vector<16xf32>
    %add3A_1408 = arith.constant 0 : i32
    %add3A_1409 = arith.addi %add3A_1408, %add3A_16 : i32
    %swap3A_1410 = arith.index_cast %add3A_1409 : i32 to index
    %swap3A_1411 = tpu.vector_load %arg5[%swap3A_1410] {strides = array<i32>} : memref<19008xf32, #tpu.memory_space<vmem>>, vector<16xf32>,
    tpu.vector_store %arg5[%swap3A_1410], %add3A_1407 {strides = array<i32>} : memref<19008xf32, #tpu.memory_space<vmem>>, vector<16xf32>,
    %mul3A_1412 = arith.mulf %gather3A_1310, %get3A_1362 : vector<16xf32>
    %mul3A_1413 = arith.mulf %gather3A_1314, %get3A_1378 : vector<16xf32>
    %add3A_1414 = arith.addf %mul3A_1412, %mul3A_1413 : vector<16xf32>
    %mul3A_1415 = arith.mulf %gather3A_1318, %get3A_1394 : vector<16xf32>
    %add3A_1416 = arith.addf %add3A_1414, %mul3A_1415 : vector<16xf32>
    %add3A_1417 = arith.constant 1584 : i32
    %add3A_1418 = arith.addi %add3A_1417, %add3A_16 : i32
    %swap3A_1419 = arith.index_cast %add3A_1418 : i32 to index
    %swap3A_1420 = tpu.vector_load %arg5[%swap3A_1419] {strides = array<i32>} : memref<19008xf32, #tpu.memory_space<vmem>>, vector<16xf32>,
    tpu.vector_store %arg5[%swap3A_1419], %add3A_1416 {strides = array<i32>} : memref<19008xf32, #tpu.memory_space<vmem>>, vector<16xf32>,
    %mul3A_1421 = arith.mulf %gather3A_1310, %get3A_1366 : vector<16xf32>
    %mul3A_1422 = arith.mulf %gather3A_1314, %get3A_1382 : vector<16xf32>
    %add3A_1423 = arith.addf %mul3A_1421, %mul3A_1422 : vector<16xf32>
    %mul3A_1424 = arith.mulf %gather3A_1318, %get3A_1398 : vector<16xf32>
    %add3A_1425 = arith.addf %add3A_1423, %mul3A_1424 : vector<16xf32>
    %add3A_1426 = arith.constant 3168 : i32
    %add3A_1427 = arith.addi %add3A_1426, %add3A_16 : i32
    %swap3A_1428 = arith.index_cast %add3A_1427 : i32 to index
    %swap3A_1429 = tpu.vector_load %arg5[%swap3A_1428] {strides = array<i32>} : memref<19008xf32, #tpu.memory_space<vmem>>, vector<16xf32>,
    tpu.vector_store %arg5[%swap3A_1428], %add3A_1425 {strides = array<i32>} : memref<19008xf32, #tpu.memory_space<vmem>>, vector<16xf32>,
    %mul3A_1430 = arith.mulf %gather3A_1310, %get3A_1370 : vector<16xf32>
    %mul3A_1431 = arith.mulf %gather3A_1314, %get3A_1386 : vector<16xf32>
    %add3A_1432 = arith.addf %mul3A_1430, %mul3A_1431 : vector<16xf32>
    %mul3A_1433 = arith.mulf %gather3A_1318, %get3A_1402 : vector<16xf32>
    %add3A_1434 = arith.addf %add3A_1432, %mul3A_1433 : vector<16xf32>
    %add3A_1435 = arith.addf %add3A_1434, %gather3A_1322 : vector<16xf32>
    %add3A_1436 = arith.constant 4752 : i32
    %add3A_1437 = arith.addi %add3A_1436, %add3A_16 : i32
    %swap3A_1438 = arith.index_cast %add3A_1437 : i32 to index
    %swap3A_1439 = tpu.vector_load %arg5[%swap3A_1438] {strides = array<i32>} : memref<19008xf32, #tpu.memory_space<vmem>>, vector<16xf32>,
    tpu.vector_store %arg5[%swap3A_1438], %add3A_1435 {strides = array<i32>} : memref<19008xf32, #tpu.memory_space<vmem>>, vector<16xf32>,
    %mul3A_1440 = arith.mulf %gather3A_1326, %get3A_1358 : vector<16xf32>
    %mul3A_1441 = arith.mulf %gather3A_1330, %get3A_1374 : vector<16xf32>
    %add3A_1442 = arith.addf %mul3A_1440, %mul3A_1441 : vector<16xf32>
    %mul3A_1443 = arith.mulf %gather3A_1334, %get3A_1390 : vector<16xf32>
    %add3A_1444 = arith.addf %add3A_1442, %mul3A_1443 : vector<16xf32>
    %add3A_1445 = arith.constant 6336 : i32
    %add3A_1446 = arith.addi %add3A_1445, %add3A_16 : i32
    %swap3A_1447 = arith.index_cast %add3A_1446 : i32 to index
    %swap3A_1448 = tpu.vector_load %arg5[%swap3A_1447] {strides = array<i32>} : memref<19008xf32, #tpu.memory_space<vmem>>, vector<16xf32>,
    tpu.vector_store %arg5[%swap3A_1447], %add3A_1444 {strides = array<i32>} : memref<19008xf32, #tpu.memory_space<vmem>>, vector<16xf32>,
    %mul3A_1449 = arith.mulf %gather3A_1326, %get3A_1362 : vector<16xf32>
    %mul3A_1450 = arith.mulf %gather3A_1330, %get3A_1378 : vector<16xf32>
    %add3A_1451 = arith.addf %mul3A_1449, %mul3A_1450 : vector<16xf32>
    %mul3A_1452 = arith.mulf %gather3A_1334, %get3A_1394 : vector<16xf32>
    %add3A_1453 = arith.addf %add3A_1451, %mul3A_1452 : vector<16xf32>
    %add3A_1454 = arith.constant 7920 : i32
    %add3A_1455 = arith.addi %add3A_1454, %add3A_16 : i32
    %swap3A_1456 = arith.index_cast %add3A_1455 : i32 to index
    %swap3A_1457 = tpu.vector_load %arg5[%swap3A_1456] {strides = array<i32>} : memref<19008xf32, #tpu.memory_space<vmem>>, vector<16xf32>,
    tpu.vector_store %arg5[%swap3A_1456], %add3A_1453 {strides = array<i32>} : memref<19008xf32, #tpu.memory_space<vmem>>, vector<16xf32>,
    %mul3A_1458 = arith.mulf %gather3A_1326, %get3A_1366 : vector<16xf32>
    %mul3A_1459 = arith.mulf %gather3A_1330, %get3A_1382 : vector<16xf32>
    %add3A_1460 = arith.addf %mul3A_1458, %mul3A_1459 : vector<16xf32>
    %mul3A_1461 = arith.mulf %gather3A_1334, %get3A_1398 : vector<16xf32>
    %add3A_1462 = arith.addf %add3A_1460, %mul3A_1461 : vector<16xf32>
    %add3A_1463 = arith.constant 9504 : i32
    %add3A_1464 = arith.addi %add3A_1463, %add3A_16 : i32
    %swap3A_1465 = arith.index_cast %add3A_1464 : i32 to index
    %swap3A_1466 = tpu.vector_load %arg5[%swap3A_1465] {strides = array<i32>} : memref<19008xf32, #tpu.memory_space<vmem>>, vector<16xf32>,
    tpu.vector_store %arg5[%swap3A_1465], %add3A_1462 {strides = array<i32>} : memref<19008xf32, #tpu.memory_space<vmem>>, vector<16xf32>,
    %mul3A_1467 = arith.mulf %gather3A_1326, %get3A_1370 : vector<16xf32>
    %mul3A_1468 = arith.mulf %gather3A_1330, %get3A_1386 : vector<16xf32>
    %add3A_1469 = arith.addf %mul3A_1467, %mul3A_1468 : vector<16xf32>
    %mul3A_1470 = arith.mulf %gather3A_1334, %get3A_1402 : vector<16xf32>
    %add3A_1471 = arith.addf %add3A_1469, %mul3A_1470 : vector<16xf32>
    %add3A_1472 = arith.addf %add3A_1471, %gather3A_1338 : vector<16xf32>
    %add3A_1473 = arith.constant 11088 : i32
    %add3A_1474 = arith.addi %add3A_1473, %add3A_16 : i32
    %swap3A_1475 = arith.index_cast %add3A_1474 : i32 to index
    %swap3A_1476 = tpu.vector_load %arg5[%swap3A_1475] {strides = array<i32>} : memref<19008xf32, #tpu.memory_space<vmem>>, vector<16xf32>,
    tpu.vector_store %arg5[%swap3A_1475], %add3A_1472 {strides = array<i32>} : memref<19008xf32, #tpu.memory_space<vmem>>, vector<16xf32>,
    %mul3A_1477 = arith.mulf %gather3A_1342, %get3A_1358 : vector<16xf32>
    %mul3A_1478 = arith.mulf %gather3A_1346, %get3A_1374 : vector<16xf32>
    %add3A_1479 = arith.addf %mul3A_1477, %mul3A_1478 : vector<16xf32>
    %mul3A_1480 = arith.mulf %gather3A_1350, %get3A_1390 : vector<16xf32>
    %add3A_1481 = arith.addf %add3A_1479, %mul3A_1480 : vector<16xf32>
    %add3A_1482 = arith.constant 12672 : i32
    %add3A_1483 = arith.addi %add3A_1482, %add3A_16 : i32
    %swap3A_1484 = arith.index_cast %add3A_1483 : i32 to index
    %swap3A_1485 = tpu.vector_load %arg5[%swap3A_1484] {strides = array<i32>} : memref<19008xf32, #tpu.memory_space<vmem>>, vector<16xf32>,
    tpu.vector_store %arg5[%swap3A_1484], %add3A_1481 {strides = array<i32>} : memref<19008xf32, #tpu.memory_space<vmem>>, vector<16xf32>,
    %mul3A_1486 = arith.mulf %gather3A_1342, %get3A_1362 : vector<16xf32>
    %mul3A_1487 = arith.mulf %gather3A_1346, %get3A_1378 : vector<16xf32>
    %add3A_1488 = arith.addf %mul3A_1486, %mul3A_1487 : vector<16xf32>
    %mul3A_1489 = arith.mulf %gather3A_1350, %get3A_1394 : vector<16xf32>
    %add3A_1490 = arith.addf %add3A_1488, %mul3A_1489 : vector<16xf32>
    %add3A_1491 = arith.constant 14256 : i32
    %add3A_1492 = arith.addi %add3A_1491, %add3A_16 : i32
    %swap3A_1493 = arith.index_cast %add3A_1492 : i32 to index
    %swap3A_1494 = tpu.vector_load %arg5[%swap3A_1493] {strides = array<i32>} : memref<19008xf32, #tpu.memory_space<vmem>>, vector<16xf32>,
    tpu.vector_store %arg5[%swap3A_1493], %add3A_1490 {strides = array<i32>} : memref<19008xf32, #tpu.memory_space<vmem>>, vector<16xf32>,
    %mul3A_1495 = arith.mulf %gather3A_1342, %get3A_1366 : vector<16xf32>
    %mul3A_1496 = arith.mulf %gather3A_1346, %get3A_1382 : vector<16xf32>
    %add3A_1497 = arith.addf %mul3A_1495, %mul3A_1496 : vector<16xf32>
    %mul3A_1498 = arith.mulf %gather3A_1350, %get3A_1398 : vector<16xf32>
    %add3A_1499 = arith.addf %add3A_1497, %mul3A_1498 : vector<16xf32>
    %add3A_1500 = arith.constant 15840 : i32
    %add3A_1501 = arith.addi %add3A_1500, %add3A_16 : i32
    %swap3A_1502 = arith.index_cast %add3A_1501 : i32 to index
    %swap3A_1503 = tpu.vector_load %arg5[%swap3A_1502] {strides = array<i32>} : memref<19008xf32, #tpu.memory_space<vmem>>, vector<16xf32>,
    tpu.vector_store %arg5[%swap3A_1502], %add3A_1499 {strides = array<i32>} : memref<19008xf32, #tpu.memory_space<vmem>>, vector<16xf32>,
    %mul3A_1504 = arith.mulf %gather3A_1342, %get3A_1370 : vector<16xf32>
    %mul3A_1505 = arith.mulf %gather3A_1346, %get3A_1386 : vector<16xf32>
    %add3A_1506 = arith.addf %mul3A_1504, %mul3A_1505 : vector<16xf32>
    %mul3A_1507 = arith.mulf %gather3A_1350, %get3A_1402 : vector<16xf32>
    %add3A_1508 = arith.addf %add3A_1506, %mul3A_1507 : vector<16xf32>
    %add3A_1509 = arith.addf %add3A_1508, %gather3A_1354 : vector<16xf32>
    %add3A_1510 = arith.constant 17424 : i32
    %add3A_1511 = arith.addi %add3A_1510, %add3A_16 : i32
    %swap3A_1512 = arith.index_cast %add3A_1511 : i32 to index
    %swap3A_1513 = tpu.vector_load %arg5[%swap3A_1512] {strides = array<i32>} : memref<19008xf32, #tpu.memory_space<vmem>>, vector<16xf32>,
    tpu.vector_store %arg5[%swap3A_1512], %add3A_1509 {strides = array<i32>} : memref<19008xf32, #tpu.memory_space<vmem>>, vector<16xf32>,
    %scan3A = arith.constant 0 : i32
    %scan3A_1514 = arith.constant 0 : i32
    %scan3A_1515 = arith.constant 64 : i32
    %scan3A_1516 = arith.addi %scan3A_1514, %scan3A_1515 : i32
    %scan3A_1517 = arith.constant 1 : i32
    scf.for %scan3A_1648 = %scan3A_1514 to %scan3A_1516 step %scan3A_1517  : i32 {
      %mul3A_1649 = arith.constant 16 : i32
      %mul3A_1650 = arith.muli %scan3A_1648, %mul3A_1649 : i32
      %add3A_1651 = arith.addi %add3A_4, %mul3A_1650 : i32
      %add3A_1652 = vector.broadcast %add3A_1651 : i32 to vector<16xi32>
      %add3A_1653 = arith.addi %add3A_1652, %iota3A : vector<16xi32>
      %shift_right_logical3A_1654 = arith.constant 5 : i32
      %shift_right_logical3A_1655 = vector.broadcast %shift_right_logical3A_1654 : i32 to vector<16xi32>
      %shift_right_logical3A_1656 = arith.shrui %add3A_1653, %shift_right_logical3A_1655 : vector<16xi32>
      %sub3A_1657 = arith.constant 1 : i32
      %sub3A_1658 = vector.broadcast %sub3A_1657 : i32 to vector<16xi32>
      %sub3A_1659 = arith.subi %shift_right_logical3A_1656, %sub3A_1658 : vector<16xi32>
      %add3A_1660 = arith.constant 0 : i32
      %add3A_1661 = vector.broadcast %add3A_1660 : i32 to vector<16xi32>
      %add3A_1662 = arith.addi %add3A_1661, %sub3A_1659 : vector<16xi32>
      %gather3A_1663 = tpu.vector_load_idx %arg5[%add3A_1662] : memref<19008xf32, #tpu.memory_space<vmem>>[vector<16xi32>], vector<16xf32>,
      %add3A_1664 = arith.constant 1584 : i32
      %add3A_1665 = vector.broadcast %add3A_1664 : i32 to vector<16xi32>
      %add3A_1666 = arith.addi %add3A_1665, %sub3A_1659 : vector<16xi32>
      %gather3A_1667 = tpu.vector_load_idx %arg5[%add3A_1666] : memref<19008xf32, #tpu.memory_space<vmem>>[vector<16xi32>], vector<16xf32>,
      %add3A_1668 = arith.constant 3168 : i32
      %add3A_1669 = vector.broadcast %add3A_1668 : i32 to vector<16xi32>
      %add3A_1670 = arith.addi %add3A_1669, %sub3A_1659 : vector<16xi32>
      %gather3A_1671 = tpu.vector_load_idx %arg5[%add3A_1670] : memref<19008xf32, #tpu.memory_space<vmem>>[vector<16xi32>], vector<16xf32>,
      %add3A_1672 = arith.constant 4752 : i32
      %add3A_1673 = vector.broadcast %add3A_1672 : i32 to vector<16xi32>
      %add3A_1674 = arith.addi %add3A_1673, %sub3A_1659 : vector<16xi32>
      %gather3A_1675 = tpu.vector_load_idx %arg5[%add3A_1674] : memref<19008xf32, #tpu.memory_space<vmem>>[vector<16xi32>], vector<16xf32>,
      %add3A_1676 = arith.constant 6336 : i32
      %add3A_1677 = vector.broadcast %add3A_1676 : i32 to vector<16xi32>
      %add3A_1678 = arith.addi %add3A_1677, %sub3A_1659 : vector<16xi32>
      %gather3A_1679 = tpu.vector_load_idx %arg5[%add3A_1678] : memref<19008xf32, #tpu.memory_space<vmem>>[vector<16xi32>], vector<16xf32>,
      %add3A_1680 = arith.constant 7920 : i32
      %add3A_1681 = vector.broadcast %add3A_1680 : i32 to vector<16xi32>
      %add3A_1682 = arith.addi %add3A_1681, %sub3A_1659 : vector<16xi32>
      %gather3A_1683 = tpu.vector_load_idx %arg5[%add3A_1682] : memref<19008xf32, #tpu.memory_space<vmem>>[vector<16xi32>], vector<16xf32>,
      %add3A_1684 = arith.constant 9504 : i32
      %add3A_1685 = vector.broadcast %add3A_1684 : i32 to vector<16xi32>
      %add3A_1686 = arith.addi %add3A_1685, %sub3A_1659 : vector<16xi32>
      %gather3A_1687 = tpu.vector_load_idx %arg5[%add3A_1686] : memref<19008xf32, #tpu.memory_space<vmem>>[vector<16xi32>], vector<16xf32>,
      %add3A_1688 = arith.constant 11088 : i32
      %add3A_1689 = vector.broadcast %add3A_1688 : i32 to vector<16xi32>
      %add3A_1690 = arith.addi %add3A_1689, %sub3A_1659 : vector<16xi32>
      %gather3A_1691 = tpu.vector_load_idx %arg5[%add3A_1690] : memref<19008xf32, #tpu.memory_space<vmem>>[vector<16xi32>], vector<16xf32>,
      %add3A_1692 = arith.constant 12672 : i32
      %add3A_1693 = vector.broadcast %add3A_1692 : i32 to vector<16xi32>
      %add3A_1694 = arith.addi %add3A_1693, %sub3A_1659 : vector<16xi32>
      %gather3A_1695 = tpu.vector_load_idx %arg5[%add3A_1694] : memref<19008xf32, #tpu.memory_space<vmem>>[vector<16xi32>], vector<16xf32>,
      %add3A_1696 = arith.constant 14256 : i32
      %add3A_1697 = vector.broadcast %add3A_1696 : i32 to vector<16xi32>
      %add3A_1698 = arith.addi %add3A_1697, %sub3A_1659 : vector<16xi32>
      %gather3A_1699 = tpu.vector_load_idx %arg5[%add3A_1698] : memref<19008xf32, #tpu.memory_space<vmem>>[vector<16xi32>], vector<16xf32>,
      %add3A_1700 = arith.constant 15840 : i32
      %add3A_1701 = vector.broadcast %add3A_1700 : i32 to vector<16xi32>
      %add3A_1702 = arith.addi %add3A_1701, %sub3A_1659 : vector<16xi32>
      %gather3A_1703 = tpu.vector_load_idx %arg5[%add3A_1702] : memref<19008xf32, #tpu.memory_space<vmem>>[vector<16xi32>], vector<16xf32>,
      %add3A_1704 = arith.constant 17424 : i32
      %add3A_1705 = vector.broadcast %add3A_1704 : i32 to vector<16xi32>
      %add3A_1706 = arith.addi %add3A_1705, %sub3A_1659 : vector<16xi32>
      %gather3A_1707 = tpu.vector_load_idx %arg5[%add3A_1706] : memref<19008xf32, #tpu.memory_space<vmem>>[vector<16xi32>], vector<16xf32>,
      %get3A_1708 = arith.index_cast %mul3A_1650 : i32 to index
      %get3A_1709 = tpu.vector_load %arg6[%get3A_1708] {strides = array<i32>} : memref<3072xf32, #tpu.memory_space<vmem>>, vector<16xf32>,
      %add3A_1710 = arith.constant 1024 : i32
      %add3A_1711 = arith.addi %add3A_1710, %mul3A_1650 : i32
      %get3A_1712 = arith.index_cast %add3A_1711 : i32 to index
      %get3A_1713 = tpu.vector_load %arg6[%get3A_1712] {strides = array<i32>} : memref<3072xf32, #tpu.memory_space<vmem>>, vector<16xf32>,
      %add3A_1714 = arith.constant 2048 : i32
      %add3A_1715 = arith.addi %add3A_1714, %mul3A_1650 : i32
      %get3A_1716 = arith.index_cast %add3A_1715 : i32 to index
      %get3A_1717 = tpu.vector_load %arg6[%get3A_1716] {strides = array<i32>} : memref<3072xf32, #tpu.memory_space<vmem>>, vector<16xf32>,
      %mul3A_1718 = arith.mulf %gather3A_1663, %get3A_1709 : vector<16xf32>
      %mul3A_1719 = arith.mulf %gather3A_1667, %get3A_1713 : vector<16xf32>
      %add3A_1720 = arith.addf %mul3A_1718, %mul3A_1719 : vector<16xf32>
      %mul3A_1721 = arith.mulf %gather3A_1671, %get3A_1717 : vector<16xf32>
      %add3A_1722 = arith.addf %add3A_1720, %mul3A_1721 : vector<16xf32>
      %add3A_1723 = arith.addf %add3A_1722, %gather3A_1675 : vector<16xf32>
      %add3A_1724 = arith.constant 0 : i32
      %add3A_1725 = arith.addi %add3A_1724, %mul3A_1650 : i32
      %swap3A_1726 = arith.index_cast %add3A_1725 : i32 to index
      %swap3A_1727 = tpu.vector_load %arg7[%swap3A_1726] {strides = array<i32>} : memref<3072xf32, #tpu.memory_space<vmem>>, vector<16xf32>,
      tpu.vector_store %arg7[%swap3A_1726], %add3A_1723 {strides = array<i32>} : memref<3072xf32, #tpu.memory_space<vmem>>, vector<16xf32>,
      %mul3A_1728 = arith.mulf %gather3A_1679, %get3A_1709 : vector<16xf32>
      %mul3A_1729 = arith.mulf %gather3A_1683, %get3A_1713 : vector<16xf32>
      %add3A_1730 = arith.addf %mul3A_1728, %mul3A_1729 : vector<16xf32>
      %mul3A_1731 = arith.mulf %gather3A_1687, %get3A_1717 : vector<16xf32>
      %add3A_1732 = arith.addf %add3A_1730, %mul3A_1731 : vector<16xf32>
      %add3A_1733 = arith.addf %add3A_1732, %gather3A_1691 : vector<16xf32>
      %add3A_1734 = arith.constant 1024 : i32
      %add3A_1735 = arith.addi %add3A_1734, %mul3A_1650 : i32
      %swap3A_1736 = arith.index_cast %add3A_1735 : i32 to index
      %swap3A_1737 = tpu.vector_load %arg7[%swap3A_1736] {strides = array<i32>} : memref<3072xf32, #tpu.memory_space<vmem>>, vector<16xf32>,
      tpu.vector_store %arg7[%swap3A_1736], %add3A_1733 {strides = array<i32>} : memref<3072xf32, #tpu.memory_space<vmem>>, vector<16xf32>,
      %mul3A_1738 = arith.mulf %gather3A_1695, %get3A_1709 : vector<16xf32>
      %mul3A_1739 = arith.mulf %gather3A_1699, %get3A_1713 : vector<16xf32>
      %add3A_1740 = arith.addf %mul3A_1738, %mul3A_1739 : vector<16xf32>
      %mul3A_1741 = arith.mulf %gather3A_1703, %get3A_1717 : vector<16xf32>
      %add3A_1742 = arith.addf %add3A_1740, %mul3A_1741 : vector<16xf32>
      %add3A_1743 = arith.addf %add3A_1742, %gather3A_1707 : vector<16xf32>
      %add3A_1744 = arith.constant 2048 : i32
      %add3A_1745 = arith.addi %add3A_1744, %mul3A_1650 : i32
      %swap3A_1746 = arith.index_cast %add3A_1745 : i32 to index
      %swap3A_1747 = tpu.vector_load %arg7[%swap3A_1746] {strides = array<i32>} : memref<3072xf32, #tpu.memory_space<vmem>>, vector<16xf32>,
      tpu.vector_store %arg7[%swap3A_1746], %add3A_1743 {strides = array<i32>} : memref<3072xf32, #tpu.memory_space<vmem>>, vector<16xf32>,
    }
    %scan3A_1518 = arith.constant 64 : i32
    %scan3A_1519 = arith.constant 0 : i32
    %scan3A_1520 = arith.constant 0 : i32
    %scan3A_1521 = arith.constant 32 : i32
    %scan3A_1522 = arith.addi %scan3A_1520, %scan3A_1521 : i32
    %scan3A_1523 = arith.constant 1 : i32
    scf.for %scan3A_1648 = %scan3A_1520 to %scan3A_1522 step %scan3A_1523  : i32 {
      %mul3A_1649 = arith.constant 16 : i32
      %mul3A_1650 = arith.muli %scan3A_1648, %mul3A_1649 : i32
      %add3A_1651 = arith.addi %add3A_8, %mul3A_1650 : i32
      %add3A_1652 = vector.broadcast %add3A_1651 : i32 to vector<16xi32>
      %add3A_1653 = arith.addi %add3A_1652, %iota3A : vector<16xi32>
      %shift_right_logical3A_1654 = arith.constant 5 : i32
      %shift_right_logical3A_1655 = vector.broadcast %shift_right_logical3A_1654 : i32 to vector<16xi32>
      %shift_right_logical3A_1656 = arith.shrui %add3A_1653, %shift_right_logical3A_1655 : vector<16xi32>
      %sub3A_1657 = arith.constant 1 : i32
      %sub3A_1658 = vector.broadcast %sub3A_1657 : i32 to vector<16xi32>
      %sub3A_1659 = arith.subi %shift_right_logical3A_1656, %sub3A_1658 : vector<16xi32>
      %add3A_1660 = arith.constant 0 : i32
      %add3A_1661 = vector.broadcast %add3A_1660 : i32 to vector<16xi32>
      %add3A_1662 = arith.addi %add3A_1661, %sub3A_1659 : vector<16xi32>
      %gather3A_1663 = tpu.vector_load_idx %arg5[%add3A_1662] : memref<19008xf32, #tpu.memory_space<vmem>>[vector<16xi32>], vector<16xf32>,
      %add3A_1664 = arith.constant 1584 : i32
      %add3A_1665 = vector.broadcast %add3A_1664 : i32 to vector<16xi32>
      %add3A_1666 = arith.addi %add3A_1665, %sub3A_1659 : vector<16xi32>
      %gather3A_1667 = tpu.vector_load_idx %arg5[%add3A_1666] : memref<19008xf32, #tpu.memory_space<vmem>>[vector<16xi32>], vector<16xf32>,
      %add3A_1668 = arith.constant 3168 : i32
      %add3A_1669 = vector.broadcast %add3A_1668 : i32 to vector<16xi32>
      %add3A_1670 = arith.addi %add3A_1669, %sub3A_1659 : vector<16xi32>
      %gather3A_1671 = tpu.vector_load_idx %arg5[%add3A_1670] : memref<19008xf32, #tpu.memory_space<vmem>>[vector<16xi32>], vector<16xf32>,
      %add3A_1672 = arith.constant 4752 : i32
      %add3A_1673 = vector.broadcast %add3A_1672 : i32 to vector<16xi32>
      %add3A_1674 = arith.addi %add3A_1673, %sub3A_1659 : vector<16xi32>
      %gather3A_1675 = tpu.vector_load_idx %arg5[%add3A_1674] : memref<19008xf32, #tpu.memory_space<vmem>>[vector<16xi32>], vector<16xf32>,
      %add3A_1676 = arith.constant 6336 : i32
      %add3A_1677 = vector.broadcast %add3A_1676 : i32 to vector<16xi32>
      %add3A_1678 = arith.addi %add3A_1677, %sub3A_1659 : vector<16xi32>
      %gather3A_1679 = tpu.vector_load_idx %arg5[%add3A_1678] : memref<19008xf32, #tpu.memory_space<vmem>>[vector<16xi32>], vector<16xf32>,
      %add3A_1680 = arith.constant 7920 : i32
      %add3A_1681 = vector.broadcast %add3A_1680 : i32 to vector<16xi32>
      %add3A_1682 = arith.addi %add3A_1681, %sub3A_1659 : vector<16xi32>
      %gather3A_1683 = tpu.vector_load_idx %arg5[%add3A_1682] : memref<19008xf32, #tpu.memory_space<vmem>>[vector<16xi32>], vector<16xf32>,
      %add3A_1684 = arith.constant 9504 : i32
      %add3A_1685 = vector.broadcast %add3A_1684 : i32 to vector<16xi32>
      %add3A_1686 = arith.addi %add3A_1685, %sub3A_1659 : vector<16xi32>
      %gather3A_1687 = tpu.vector_load_idx %arg5[%add3A_1686] : memref<19008xf32, #tpu.memory_space<vmem>>[vector<16xi32>], vector<16xf32>,
      %add3A_1688 = arith.constant 11088 : i32
      %add3A_1689 = vector.broadcast %add3A_1688 : i32 to vector<16xi32>
      %add3A_1690 = arith.addi %add3A_1689, %sub3A_1659 : vector<16xi32>
      %gather3A_1691 = tpu.vector_load_idx %arg5[%add3A_1690] : memref<19008xf32, #tpu.memory_space<vmem>>[vector<16xi32>], vector<16xf32>,
      %add3A_1692 = arith.constant 12672 : i32
      %add3A_1693 = vector.broadcast %add3A_1692 : i32 to vector<16xi32>
      %add3A_1694 = arith.addi %add3A_1693, %sub3A_1659 : vector<16xi32>
      %gather3A_1695 = tpu.vector_load_idx %arg5[%add3A_1694] : memref<19008xf32, #tpu.memory_space<vmem>>[vector<16xi32>], vector<16xf32>,
      %add3A_1696 = arith.constant 14256 : i32
      %add3A_1697 = vector.broadcast %add3A_1696 : i32 to vector<16xi32>
      %add3A_1698 = arith.addi %add3A_1697, %sub3A_1659 : vector<16xi32>
      %gather3A_1699 = tpu.vector_load_idx %arg5[%add3A_1698] : memref<19008xf32, #tpu.memory_space<vmem>>[vector<16xi32>], vector<16xf32>,
      %add3A_1700 = arith.constant 15840 : i32
      %add3A_1701 = vector.broadcast %add3A_1700 : i32 to vector<16xi32>
      %add3A_1702 = arith.addi %add3A_1701, %sub3A_1659 : vector<16xi32>
      %gather3A_1703 = tpu.vector_load_idx %arg5[%add3A_1702] : memref<19008xf32, #tpu.memory_space<vmem>>[vector<16xi32>], vector<16xf32>,
      %add3A_1704 = arith.constant 17424 : i32
      %add3A_1705 = vector.broadcast %add3A_1704 : i32 to vector<16xi32>
      %add3A_1706 = arith.addi %add3A_1705, %sub3A_1659 : vector<16xi32>
      %gather3A_1707 = tpu.vector_load_idx %arg5[%add3A_1706] : memref<19008xf32, #tpu.memory_space<vmem>>[vector<16xi32>], vector<16xf32>,
      %get3A_1708 = arith.index_cast %mul3A_1650 : i32 to index
      %get3A_1709 = tpu.vector_load %arg8[%get3A_1708] {strides = array<i32>} : memref<1536xf32, #tpu.memory_space<vmem>>, vector<16xf32>,
      %add3A_1710 = arith.constant 512 : i32
      %add3A_1711 = arith.addi %add3A_1710, %mul3A_1650 : i32
      %get3A_1712 = arith.index_cast %add3A_1711 : i32 to index
      %get3A_1713 = tpu.vector_load %arg8[%get3A_1712] {strides = array<i32>} : memref<1536xf32, #tpu.memory_space<vmem>>, vector<16xf32>,
      %add3A_1714 = arith.constant 1024 : i32
      %add3A_1715 = arith.addi %add3A_1714, %mul3A_1650 : i32
      %get3A_1716 = arith.index_cast %add3A_1715 : i32 to index
      %get3A_1717 = tpu.vector_load %arg8[%get3A_1716] {strides = array<i32>} : memref<1536xf32, #tpu.memory_space<vmem>>, vector<16xf32>,
      %mul3A_1718 = arith.mulf %gather3A_1663, %get3A_1709 : vector<16xf32>
      %mul3A_1719 = arith.mulf %gather3A_1667, %get3A_1713 : vector<16xf32>
      %add3A_1720 = arith.addf %mul3A_1718, %mul3A_1719 : vector<16xf32>
      %mul3A_1721 = arith.mulf %gather3A_1671, %get3A_1717 : vector<16xf32>
      %add3A_1722 = arith.addf %add3A_1720, %mul3A_1721 : vector<16xf32>
      %add3A_1723 = arith.addf %add3A_1722, %gather3A_1675 : vector<16xf32>
      %add3A_1724 = arith.constant 0 : i32
      %add3A_1725 = arith.addi %add3A_1724, %mul3A_1650 : i32
      %swap3A_1726 = arith.index_cast %add3A_1725 : i32 to index
      %swap3A_1727 = tpu.vector_load %arg9[%swap3A_1726] {strides = array<i32>} : memref<1536xf32, #tpu.memory_space<vmem>>, vector<16xf32>,
      tpu.vector_store %arg9[%swap3A_1726], %add3A_1723 {strides = array<i32>} : memref<1536xf32, #tpu.memory_space<vmem>>, vector<16xf32>,
      %mul3A_1728 = arith.mulf %gather3A_1679, %get3A_1709 : vector<16xf32>
      %mul3A_1729 = arith.mulf %gather3A_1683, %get3A_1713 : vector<16xf32>
      %add3A_1730 = arith.addf %mul3A_1728, %mul3A_1729 : vector<16xf32>
      %mul3A_1731 = arith.mulf %gather3A_1687, %get3A_1717 : vector<16xf32>
      %add3A_1732 = arith.addf %add3A_1730, %mul3A_1731 : vector<16xf32>
      %add3A_1733 = arith.addf %add3A_1732, %gather3A_1691 : vector<16xf32>
      %add3A_1734 = arith.constant 512 : i32
      %add3A_1735 = arith.addi %add3A_1734, %mul3A_1650 : i32
      %swap3A_1736 = arith.index_cast %add3A_1735 : i32 to index
      %swap3A_1737 = tpu.vector_load %arg9[%swap3A_1736] {strides = array<i32>} : memref<1536xf32, #tpu.memory_space<vmem>>, vector<16xf32>,
      tpu.vector_store %arg9[%swap3A_1736], %add3A_1733 {strides = array<i32>} : memref<1536xf32, #tpu.memory_space<vmem>>, vector<16xf32>,
      %mul3A_1738 = arith.mulf %gather3A_1695, %get3A_1709 : vector<16xf32>
      %mul3A_1739 = arith.mulf %gather3A_1699, %get3A_1713 : vector<16xf32>
      %add3A_1740 = arith.addf %mul3A_1738, %mul3A_1739 : vector<16xf32>
      %mul3A_1741 = arith.mulf %gather3A_1703, %get3A_1717 : vector<16xf32>
      %add3A_1742 = arith.addf %add3A_1740, %mul3A_1741 : vector<16xf32>
      %add3A_1743 = arith.addf %add3A_1742, %gather3A_1707 : vector<16xf32>
      %add3A_1744 = arith.constant 1024 : i32
      %add3A_1745 = arith.addi %add3A_1744, %mul3A_1650 : i32
      %swap3A_1746 = arith.index_cast %add3A_1745 : i32 to index
      %swap3A_1747 = tpu.vector_load %arg9[%swap3A_1746] {strides = array<i32>} : memref<1536xf32, #tpu.memory_space<vmem>>, vector<16xf32>,
      tpu.vector_store %arg9[%swap3A_1746], %add3A_1743 {strides = array<i32>} : memref<1536xf32, #tpu.memory_space<vmem>>, vector<16xf32>,
    }
    %scan3A_1524 = arith.constant 32 : i32
    %add3A_1525 = arith.constant 0 : i32
    %add3A_1526 = arith.addi %add3A_1525, %add3A_4 : i32
    %dma_start3A_1527 = arith.constant 0 : i32
    %dma_start3A_1528 = tpu.memref_slice %arg7[%dma_start3A_1527] : memref<3072xf32, #tpu.memory_space<vmem>> -> memref<1024xf32, #tpu.memory_space<vmem>>
    %dma_start3A_1529 = tpu.memref_slice %arg3[%add3A_1526] : memref<152064xf32, #tpu.memory_space<hbm>> -> memref<1024xf32, #tpu.memory_space<hbm>>
    %dma_start3A_1530 = tpu.memref_slice %arg3[%add3A_1526] : memref<152064xf32, #tpu.memory_space<hbm>> -> memref<1024xf32, #tpu.memory_space<hbm>>
    %dma_start3A_1531 = arith.constant 0 : i32
    %dma_start3A_1532 = tpu.memref_slice %arg7[%dma_start3A_1531] : memref<3072xf32, #tpu.memory_space<vmem>> -> memref<1024xf32, #tpu.memory_space<vmem>>
    tpu.enqueue_dma source(%dma_start3A_1532 : memref<1024xf32, #tpu.memory_space<vmem>>) target(%dma_start3A_1530 : memref<1024xf32, #tpu.memory_space<hbm>>) target_semaphore(%arg10 : memref<!tpu.dma_semaphore, #tpu.memory_space<semaphore_mem>>)
    %add3A_1533 = arith.constant 0 : i32
    %add3A_1534 = arith.addi %add3A_1533, %add3A_8 : i32
    %dma_start3A_1535 = arith.constant 0 : i32
    %dma_start3A_1536 = tpu.memref_slice %arg9[%dma_start3A_1535] : memref<1536xf32, #tpu.memory_space<vmem>> -> memref<512xf32, #tpu.memory_space<vmem>>
    %dma_start3A_1537 = tpu.memref_slice %arg3[%add3A_1534] : memref<152064xf32, #tpu.memory_space<hbm>> -> memref<512xf32, #tpu.memory_space<hbm>>
    %dma_start3A_1538 = tpu.memref_slice %arg3[%add3A_1534] : memref<152064xf32, #tpu.memory_space<hbm>> -> memref<512xf32, #tpu.memory_space<hbm>>
    %dma_start3A_1539 = arith.constant 0 : i32
    %dma_start3A_1540 = tpu.memref_slice %arg9[%dma_start3A_1539] : memref<1536xf32, #tpu.memory_space<vmem>> -> memref<512xf32, #tpu.memory_space<vmem>>
    tpu.enqueue_dma source(%dma_start3A_1540 : memref<512xf32, #tpu.memory_space<vmem>>) target(%dma_start3A_1538 : memref<512xf32, #tpu.memory_space<hbm>>) target_semaphore(%arg10 : memref<!tpu.dma_semaphore, #tpu.memory_space<semaphore_mem>>)
    %add3A_1541 = arith.constant 50688 : i32
    %add3A_1542 = arith.addi %add3A_1541, %add3A_4 : i32
    %dma_start3A_1543 = arith.constant 1024 : i32
    %dma_start3A_1544 = tpu.memref_slice %arg7[%dma_start3A_1543] : memref<3072xf32, #tpu.memory_space<vmem>> -> memref<1024xf32, #tpu.memory_space<vmem>>
    %dma_start3A_1545 = tpu.memref_slice %arg3[%add3A_1542] : memref<152064xf32, #tpu.memory_space<hbm>> -> memref<1024xf32, #tpu.memory_space<hbm>>
    %dma_start3A_1546 = tpu.memref_slice %arg3[%add3A_1542] : memref<152064xf32, #tpu.memory_space<hbm>> -> memref<1024xf32, #tpu.memory_space<hbm>>
    %dma_start3A_1547 = arith.constant 1024 : i32
    %dma_start3A_1548 = tpu.memref_slice %arg7[%dma_start3A_1547] : memref<3072xf32, #tpu.memory_space<vmem>> -> memref<1024xf32, #tpu.memory_space<vmem>>
    tpu.enqueue_dma source(%dma_start3A_1548 : memref<1024xf32, #tpu.memory_space<vmem>>) target(%dma_start3A_1546 : memref<1024xf32, #tpu.memory_space<hbm>>) target_semaphore(%arg10 : memref<!tpu.dma_semaphore, #tpu.memory_space<semaphore_mem>>)
    %add3A_1549 = arith.constant 50688 : i32
    %add3A_1550 = arith.addi %add3A_1549, %add3A_8 : i32
    %dma_start3A_1551 = arith.constant 512 : i32
    %dma_start3A_1552 = tpu.memref_slice %arg9[%dma_start3A_1551] : memref<1536xf32, #tpu.memory_space<vmem>> -> memref<512xf32, #tpu.memory_space<vmem>>
    %dma_start3A_1553 = tpu.memref_slice %arg3[%add3A_1550] : memref<152064xf32, #tpu.memory_space<hbm>> -> memref<512xf32, #tpu.memory_space<hbm>>
    %dma_start3A_1554 = tpu.memref_slice %arg3[%add3A_1550] : memref<152064xf32, #tpu.memory_space<hbm>> -> memref<512xf32, #tpu.memory_space<hbm>>
    %dma_start3A_1555 = arith.constant 512 : i32
    %dma_start3A_1556 = tpu.memref_slice %arg9[%dma_start3A_1555] : memref<1536xf32, #tpu.memory_space<vmem>> -> memref<512xf32, #tpu.memory_space<vmem>>
    tpu.enqueue_dma source(%dma_start3A_1556 : memref<512xf32, #tpu.memory_space<vmem>>) target(%dma_start3A_1554 : memref<512xf32, #tpu.memory_space<hbm>>) target_semaphore(%arg10 : memref<!tpu.dma_semaphore, #tpu.memory_space<semaphore_mem>>)
    %add3A_1557 = arith.constant 101376 : i32
    %add3A_1558 = arith.addi %add3A_1557, %add3A_4 : i32
    %dma_start3A_1559 = arith.constant 2048 : i32
    %dma_start3A_1560 = tpu.memref_slice %arg7[%dma_start3A_1559] : memref<3072xf32, #tpu.memory_space<vmem>> -> memref<1024xf32, #tpu.memory_space<vmem>>
    %dma_start3A_1561 = tpu.memref_slice %arg3[%add3A_1558] : memref<152064xf32, #tpu.memory_space<hbm>> -> memref<1024xf32, #tpu.memory_space<hbm>>
    %dma_start3A_1562 = tpu.memref_slice %arg3[%add3A_1558] : memref<152064xf32, #tpu.memory_space<hbm>> -> memref<1024xf32, #tpu.memory_space<hbm>>
    %dma_start3A_1563 = arith.constant 2048 : i32
    %dma_start3A_1564 = tpu.memref_slice %arg7[%dma_start3A_1563] : memref<3072xf32, #tpu.memory_space<vmem>> -> memref<1024xf32, #tpu.memory_space<vmem>>
    tpu.enqueue_dma source(%dma_start3A_1564 : memref<1024xf32, #tpu.memory_space<vmem>>) target(%dma_start3A_1562 : memref<1024xf32, #tpu.memory_space<hbm>>) target_semaphore(%arg10 : memref<!tpu.dma_semaphore, #tpu.memory_space<semaphore_mem>>)
    %add3A_1565 = arith.constant 101376 : i32
    %add3A_1566 = arith.addi %add3A_1565, %add3A_8 : i32
    %dma_start3A_1567 = arith.constant 1024 : i32
    %dma_start3A_1568 = tpu.memref_slice %arg9[%dma_start3A_1567] : memref<1536xf32, #tpu.memory_space<vmem>> -> memref<512xf32, #tpu.memory_space<vmem>>
    %dma_start3A_1569 = tpu.memref_slice %arg3[%add3A_1566] : memref<152064xf32, #tpu.memory_space<hbm>> -> memref<512xf32, #tpu.memory_space<hbm>>
    %dma_start3A_1570 = tpu.memref_slice %arg3[%add3A_1566] : memref<152064xf32, #tpu.memory_space<hbm>> -> memref<512xf32, #tpu.memory_space<hbm>>
    %dma_start3A_1571 = arith.constant 1024 : i32
    %dma_start3A_1572 = tpu.memref_slice %arg9[%dma_start3A_1571] : memref<1536xf32, #tpu.memory_space<vmem>> -> memref<512xf32, #tpu.memory_space<vmem>>
    tpu.enqueue_dma source(%dma_start3A_1572 : memref<512xf32, #tpu.memory_space<vmem>>) target(%dma_start3A_1570 : memref<512xf32, #tpu.memory_space<hbm>>) target_semaphore(%arg10 : memref<!tpu.dma_semaphore, #tpu.memory_space<semaphore_mem>>)
    %add3A_1573 = arith.constant 4752 : i32
    %add3A_1574 = arith.addi %add3A_1573, %add3A_12 : i32
    %add3A_1575 = arith.constant 0 : i32
    %add3A_1576 = arith.addi %add3A_1575, %add3A_12 : i32
    %dma_start3A_1577 = tpu.memref_slice %arg5[%add3A_1574] : memref<19008xf32, #tpu.memory_space<vmem>> -> memref<32xf32, #tpu.memory_space<vmem>>
    %dma_start3A_1578 = tpu.memref_slice %arg3[%add3A_1576] : memref<152064xf32, #tpu.memory_space<hbm>> -> memref<32xf32, #tpu.memory_space<hbm>>
    %dma_start3A_1579 = tpu.memref_slice %arg3[%add3A_1576] : memref<152064xf32, #tpu.memory_space<hbm>> -> memref<32xf32, #tpu.memory_space<hbm>>
    %dma_start3A_1580 = tpu.memref_slice %arg5[%add3A_1574] : memref<19008xf32, #tpu.memory_space<vmem>> -> memref<32xf32, #tpu.memory_space<vmem>>
    tpu.enqueue_dma source(%dma_start3A_1580 : memref<32xf32, #tpu.memory_space<vmem>>) target(%dma_start3A_1579 : memref<32xf32, #tpu.memory_space<hbm>>) target_semaphore(%arg10 : memref<!tpu.dma_semaphore, #tpu.memory_space<semaphore_mem>>)
    %add3A_1581 = arith.constant 11088 : i32
    %add3A_1582 = arith.addi %add3A_1581, %add3A_12 : i32
    %add3A_1583 = arith.constant 50688 : i32
    %add3A_1584 = arith.addi %add3A_1583, %add3A_12 : i32
    %dma_start3A_1585 = tpu.memref_slice %arg5[%add3A_1582] : memref<19008xf32, #tpu.memory_space<vmem>> -> memref<32xf32, #tpu.memory_space<vmem>>
    %dma_start3A_1586 = tpu.memref_slice %arg3[%add3A_1584] : memref<152064xf32, #tpu.memory_space<hbm>> -> memref<32xf32, #tpu.memory_space<hbm>>
    %dma_start3A_1587 = tpu.memref_slice %arg3[%add3A_1584] : memref<152064xf32, #tpu.memory_space<hbm>> -> memref<32xf32, #tpu.memory_space<hbm>>
    %dma_start3A_1588 = tpu.memref_slice %arg5[%add3A_1582] : memref<19008xf32, #tpu.memory_space<vmem>> -> memref<32xf32, #tpu.memory_space<vmem>>
    tpu.enqueue_dma source(%dma_start3A_1588 : memref<32xf32, #tpu.memory_space<vmem>>) target(%dma_start3A_1587 : memref<32xf32, #tpu.memory_space<hbm>>) target_semaphore(%arg10 : memref<!tpu.dma_semaphore, #tpu.memory_space<semaphore_mem>>)
    %add3A_1589 = arith.constant 17424 : i32
    %add3A_1590 = arith.addi %add3A_1589, %add3A_12 : i32
    %add3A_1591 = arith.constant 101376 : i32
    %add3A_1592 = arith.addi %add3A_1591, %add3A_12 : i32
    %dma_start3A_1593 = tpu.memref_slice %arg5[%add3A_1590] : memref<19008xf32, #tpu.memory_space<vmem>> -> memref<32xf32, #tpu.memory_space<vmem>>
    %dma_start3A_1594 = tpu.memref_slice %arg3[%add3A_1592] : memref<152064xf32, #tpu.memory_space<hbm>> -> memref<32xf32, #tpu.memory_space<hbm>>
    %dma_start3A_1595 = tpu.memref_slice %arg3[%add3A_1592] : memref<152064xf32, #tpu.memory_space<hbm>> -> memref<32xf32, #tpu.memory_space<hbm>>
    %dma_start3A_1596 = tpu.memref_slice %arg5[%add3A_1590] : memref<19008xf32, #tpu.memory_space<vmem>> -> memref<32xf32, #tpu.memory_space<vmem>>
    tpu.enqueue_dma source(%dma_start3A_1596 : memref<32xf32, #tpu.memory_space<vmem>>) target(%dma_start3A_1595 : memref<32xf32, #tpu.memory_space<hbm>>) target_semaphore(%arg10 : memref<!tpu.dma_semaphore, #tpu.memory_space<semaphore_mem>>)
    %dma_wait3A_1597 = arith.constant 0 : i32
    %dma_wait3A_1598 = tpu.memref_slice %arg7[%dma_wait3A_1597] : memref<3072xf32, #tpu.memory_space<vmem>> -> memref<1024xf32, #tpu.memory_space<vmem>>
    %dma_wait3A_1599 = tpu.memref_slice %arg3[%add3A_1526] : memref<152064xf32, #tpu.memory_space<hbm>> -> memref<1024xf32, #tpu.memory_space<hbm>>
    %dma_wait3A_1600 = tpu.memref_slice %arg3[%add3A_1526] : memref<152064xf32, #tpu.memory_space<hbm>> -> memref<1024xf32, #tpu.memory_space<hbm>>
    %dma_wait3A_1601 = arith.constant 0 : i32
    %dma_wait3A_1602 = tpu.memref_slice %arg7[%dma_wait3A_1601] : memref<3072xf32, #tpu.memory_space<vmem>> -> memref<1024xf32, #tpu.memory_space<vmem>>
    tpu.wait_dma2 semaphore(%arg10 : memref<!tpu.dma_semaphore, #tpu.memory_space<semaphore_mem>>) src(%dma_wait3A_1602 : memref<1024xf32, #tpu.memory_space<vmem>>) dst(%dma_wait3A_1600 : memref<1024xf32, #tpu.memory_space<hbm>>)
    %dma_wait3A_1603 = arith.constant 0 : i32
    %dma_wait3A_1604 = tpu.memref_slice %arg9[%dma_wait3A_1603] : memref<1536xf32, #tpu.memory_space<vmem>> -> memref<512xf32, #tpu.memory_space<vmem>>
    %dma_wait3A_1605 = tpu.memref_slice %arg3[%add3A_1534] : memref<152064xf32, #tpu.memory_space<hbm>> -> memref<512xf32, #tpu.memory_space<hbm>>
    %dma_wait3A_1606 = tpu.memref_slice %arg3[%add3A_1534] : memref<152064xf32, #tpu.memory_space<hbm>> -> memref<512xf32, #tpu.memory_space<hbm>>
    %dma_wait3A_1607 = arith.constant 0 : i32
    %dma_wait3A_1608 = tpu.memref_slice %arg9[%dma_wait3A_1607] : memref<1536xf32, #tpu.memory_space<vmem>> -> memref<512xf32, #tpu.memory_space<vmem>>
    tpu.wait_dma2 semaphore(%arg10 : memref<!tpu.dma_semaphore, #tpu.memory_space<semaphore_mem>>) src(%dma_wait3A_1608 : memref<512xf32, #tpu.memory_space<vmem>>) dst(%dma_wait3A_1606 : memref<512xf32, #tpu.memory_space<hbm>>)
    %dma_wait3A_1609 = arith.constant 1024 : i32
    %dma_wait3A_1610 = tpu.memref_slice %arg7[%dma_wait3A_1609] : memref<3072xf32, #tpu.memory_space<vmem>> -> memref<1024xf32, #tpu.memory_space<vmem>>
    %dma_wait3A_1611 = tpu.memref_slice %arg3[%add3A_1542] : memref<152064xf32, #tpu.memory_space<hbm>> -> memref<1024xf32, #tpu.memory_space<hbm>>
    %dma_wait3A_1612 = tpu.memref_slice %arg3[%add3A_1542] : memref<152064xf32, #tpu.memory_space<hbm>> -> memref<1024xf32, #tpu.memory_space<hbm>>
    %dma_wait3A_1613 = arith.constant 1024 : i32
    %dma_wait3A_1614 = tpu.memref_slice %arg7[%dma_wait3A_1613] : memref<3072xf32, #tpu.memory_space<vmem>> -> memref<1024xf32, #tpu.memory_space<vmem>>
    tpu.wait_dma2 semaphore(%arg10 : memref<!tpu.dma_semaphore, #tpu.memory_space<semaphore_mem>>) src(%dma_wait3A_1614 : memref<1024xf32, #tpu.memory_space<vmem>>) dst(%dma_wait3A_1612 : memref<1024xf32, #tpu.memory_space<hbm>>)
    %dma_wait3A_1615 = arith.constant 512 : i32
    %dma_wait3A_1616 = tpu.memref_slice %arg9[%dma_wait3A_1615] : memref<1536xf32, #tpu.memory_space<vmem>> -> memref<512xf32, #tpu.memory_space<vmem>>
    %dma_wait3A_1617 = tpu.memref_slice %arg3[%add3A_1550] : memref<152064xf32, #tpu.memory_space<hbm>> -> memref<512xf32, #tpu.memory_space<hbm>>
    %dma_wait3A_1618 = tpu.memref_slice %arg3[%add3A_1550] : memref<152064xf32, #tpu.memory_space<hbm>> -> memref<512xf32, #tpu.memory_space<hbm>>
    %dma_wait3A_1619 = arith.constant 512 : i32
    %dma_wait3A_1620 = tpu.memref_slice %arg9[%dma_wait3A_1619] : memref<1536xf32, #tpu.memory_space<vmem>> -> memref<512xf32, #tpu.memory_space<vmem>>
    tpu.wait_dma2 semaphore(%arg10 : memref<!tpu.dma_semaphore, #tpu.memory_space<semaphore_mem>>) src(%dma_wait3A_1620 : memref<512xf32, #tpu.memory_space<vmem>>) dst(%dma_wait3A_1618 : memref<512xf32, #tpu.memory_space<hbm>>)
    %dma_wait3A_1621 = arith.constant 2048 : i32
    %dma_wait3A_1622 = tpu.memref_slice %arg7[%dma_wait3A_1621] : memref<3072xf32, #tpu.memory_space<vmem>> -> memref<1024xf32, #tpu.memory_space<vmem>>
    %dma_wait3A_1623 = tpu.memref_slice %arg3[%add3A_1558] : memref<152064xf32, #tpu.memory_space<hbm>> -> memref<1024xf32, #tpu.memory_space<hbm>>
    %dma_wait3A_1624 = tpu.memref_slice %arg3[%add3A_1558] : memref<152064xf32, #tpu.memory_space<hbm>> -> memref<1024xf32, #tpu.memory_space<hbm>>
    %dma_wait3A_1625 = arith.constant 2048 : i32
    %dma_wait3A_1626 = tpu.memref_slice %arg7[%dma_wait3A_1625] : memref<3072xf32, #tpu.memory_space<vmem>> -> memref<1024xf32, #tpu.memory_space<vmem>>
    tpu.wait_dma2 semaphore(%arg10 : memref<!tpu.dma_semaphore, #tpu.memory_space<semaphore_mem>>) src(%dma_wait3A_1626 : memref<1024xf32, #tpu.memory_space<vmem>>) dst(%dma_wait3A_1624 : memref<1024xf32, #tpu.memory_space<hbm>>)
    %dma_wait3A_1627 = arith.constant 1024 : i32
    %dma_wait3A_1628 = tpu.memref_slice %arg9[%dma_wait3A_1627] : memref<1536xf32, #tpu.memory_space<vmem>> -> memref<512xf32, #tpu.memory_space<vmem>>
    %dma_wait3A_1629 = tpu.memref_slice %arg3[%add3A_1566] : memref<152064xf32, #tpu.memory_space<hbm>> -> memref<512xf32, #tpu.memory_space<hbm>>
    %dma_wait3A_1630 = tpu.memref_slice %arg3[%add3A_1566] : memref<152064xf32, #tpu.memory_space<hbm>> -> memref<512xf32, #tpu.memory_space<hbm>>
    %dma_wait3A_1631 = arith.constant 1024 : i32
    %dma_wait3A_1632 = tpu.memref_slice %arg9[%dma_wait3A_1631] : memref<1536xf32, #tpu.memory_space<vmem>> -> memref<512xf32, #tpu.memory_space<vmem>>
    tpu.wait_dma2 semaphore(%arg10 : memref<!tpu.dma_semaphore, #tpu.memory_space<semaphore_mem>>) src(%dma_wait3A_1632 : memref<512xf32, #tpu.memory_space<vmem>>) dst(%dma_wait3A_1630 : memref<512xf32, #tpu.memory_space<hbm>>)
    %dma_wait3A_1633 = tpu.memref_slice %arg5[%add3A_1574] : memref<19008xf32, #tpu.memory_space<vmem>> -> memref<32xf32, #tpu.memory_space<vmem>>
    %dma_wait3A_1634 = tpu.memref_slice %arg3[%add3A_1576] : memref<152064xf32, #tpu.memory_space<hbm>> -> memref<32xf32, #tpu.memory_space<hbm>>
    %dma_wait3A_1635 = tpu.memref_slice %arg3[%add3A_1576] : memref<152064xf32, #tpu.memory_space<hbm>> -> memref<32xf32, #tpu.memory_space<hbm>>
    %dma_wait3A_1636 = tpu.memref_slice %arg5[%add3A_1574] : memref<19008xf32, #tpu.memory_space<vmem>> -> memref<32xf32, #tpu.memory_space<vmem>>
    tpu.wait_dma2 semaphore(%arg10 : memref<!tpu.dma_semaphore, #tpu.memory_space<semaphore_mem>>) src(%dma_wait3A_1636 : memref<32xf32, #tpu.memory_space<vmem>>) dst(%dma_wait3A_1635 : memref<32xf32, #tpu.memory_space<hbm>>)
    %dma_wait3A_1637 = tpu.memref_slice %arg5[%add3A_1582] : memref<19008xf32, #tpu.memory_space<vmem>> -> memref<32xf32, #tpu.memory_space<vmem>>
    %dma_wait3A_1638 = tpu.memref_slice %arg3[%add3A_1584] : memref<152064xf32, #tpu.memory_space<hbm>> -> memref<32xf32, #tpu.memory_space<hbm>>
    %dma_wait3A_1639 = tpu.memref_slice %arg3[%add3A_1584] : memref<152064xf32, #tpu.memory_space<hbm>> -> memref<32xf32, #tpu.memory_space<hbm>>
    %dma_wait3A_1640 = tpu.memref_slice %arg5[%add3A_1582] : memref<19008xf32, #tpu.memory_space<vmem>> -> memref<32xf32, #tpu.memory_space<vmem>>
    tpu.wait_dma2 semaphore(%arg10 : memref<!tpu.dma_semaphore, #tpu.memory_space<semaphore_mem>>) src(%dma_wait3A_1640 : memref<32xf32, #tpu.memory_space<vmem>>) dst(%dma_wait3A_1639 : memref<32xf32, #tpu.memory_space<hbm>>)
    %dma_wait3A_1641 = tpu.memref_slice %arg5[%add3A_1590] : memref<19008xf32, #tpu.memory_space<vmem>> -> memref<32xf32, #tpu.memory_space<vmem>>
    %dma_wait3A_1642 = tpu.memref_slice %arg3[%add3A_1592] : memref<152064xf32, #tpu.memory_space<hbm>> -> memref<32xf32, #tpu.memory_space<hbm>>
    %dma_wait3A_1643 = tpu.memref_slice %arg3[%add3A_1592] : memref<152064xf32, #tpu.memory_space<hbm>> -> memref<32xf32, #tpu.memory_space<hbm>>
    %dma_wait3A_1644 = tpu.memref_slice %arg5[%add3A_1590] : memref<19008xf32, #tpu.memory_space<vmem>> -> memref<32xf32, #tpu.memory_space<vmem>>
    tpu.wait_dma2 semaphore(%arg10 : memref<!tpu.dma_semaphore, #tpu.memory_space<semaphore_mem>>) src(%dma_wait3A_1644 : memref<32xf32, #tpu.memory_space<vmem>>) dst(%dma_wait3A_1643 : memref<32xf32, #tpu.memory_space<hbm>>)
    %eq3A_1645 = arith.constant 0 : i32
    %eq3A_1646 = arith.cmpi eq, %add3A, %eq3A_1645 : i32
    %convert_element_type3A = arith.extui %eq3A_1646 : i1 to i32
    %cond3A = arith.constant 0 : i32
    %cond3A_1647 = arith.cmpi ne, %convert_element_type3A, %cond3A : i32
    scf.if %cond3A_1647 {
      %dma_start3A_1648 = arith.constant 4752 : i32
      %dma_start3A_1649 = tpu.memref_slice %arg5[%dma_start3A_1648] : memref<19008xf32, #tpu.memory_space<vmem>> -> memref<32xf32, #tpu.memory_space<vmem>>
      %dma_start3A_1650 = arith.constant 0 : i32
      %dma_start3A_1651 = tpu.memref_slice %arg3[%dma_start3A_1650] : memref<152064xf32, #tpu.memory_space<hbm>> -> memref<32xf32, #tpu.memory_space<hbm>>
      %dma_start3A_1652 = arith.constant 0 : i32
      %dma_start3A_1653 = tpu.memref_slice %arg3[%dma_start3A_1652] : memref<152064xf32, #tpu.memory_space<hbm>> -> memref<32xf32, #tpu.memory_space<hbm>>
      %dma_start3A_1654 = arith.constant 4752 : i32
      %dma_start3A_1655 = tpu.memref_slice %arg5[%dma_start3A_1654] : memref<19008xf32, #tpu.memory_space<vmem>> -> memref<32xf32, #tpu.memory_space<vmem>>
      tpu.enqueue_dma source(%dma_start3A_1655 : memref<32xf32, #tpu.memory_space<vmem>>) target(%dma_start3A_1653 : memref<32xf32, #tpu.memory_space<hbm>>) target_semaphore(%arg10 : memref<!tpu.dma_semaphore, #tpu.memory_space<semaphore_mem>>)
      %dma_start3A_1656 = arith.constant 11088 : i32
      %dma_start3A_1657 = tpu.memref_slice %arg5[%dma_start3A_1656] : memref<19008xf32, #tpu.memory_space<vmem>> -> memref<32xf32, #tpu.memory_space<vmem>>
      %dma_start3A_1658 = arith.constant 50688 : i32
      %dma_start3A_1659 = tpu.memref_slice %arg3[%dma_start3A_1658] : memref<152064xf32, #tpu.memory_space<hbm>> -> memref<32xf32, #tpu.memory_space<hbm>>
      %dma_start3A_1660 = arith.constant 50688 : i32
      %dma_start3A_1661 = tpu.memref_slice %arg3[%dma_start3A_1660] : memref<152064xf32, #tpu.memory_space<hbm>> -> memref<32xf32, #tpu.memory_space<hbm>>
      %dma_start3A_1662 = arith.constant 11088 : i32
      %dma_start3A_1663 = tpu.memref_slice %arg5[%dma_start3A_1662] : memref<19008xf32, #tpu.memory_space<vmem>> -> memref<32xf32, #tpu.memory_space<vmem>>
      tpu.enqueue_dma source(%dma_start3A_1663 : memref<32xf32, #tpu.memory_space<vmem>>) target(%dma_start3A_1661 : memref<32xf32, #tpu.memory_space<hbm>>) target_semaphore(%arg10 : memref<!tpu.dma_semaphore, #tpu.memory_space<semaphore_mem>>)
      %dma_start3A_1664 = arith.constant 17424 : i32
      %dma_start3A_1665 = tpu.memref_slice %arg5[%dma_start3A_1664] : memref<19008xf32, #tpu.memory_space<vmem>> -> memref<32xf32, #tpu.memory_space<vmem>>
      %dma_start3A_1666 = arith.constant 101376 : i32
      %dma_start3A_1667 = tpu.memref_slice %arg3[%dma_start3A_1666] : memref<152064xf32, #tpu.memory_space<hbm>> -> memref<32xf32, #tpu.memory_space<hbm>>
      %dma_start3A_1668 = arith.constant 101376 : i32
      %dma_start3A_1669 = tpu.memref_slice %arg3[%dma_start3A_1668] : memref<152064xf32, #tpu.memory_space<hbm>> -> memref<32xf32, #tpu.memory_space<hbm>>
      %dma_start3A_1670 = arith.constant 17424 : i32
      %dma_start3A_1671 = tpu.memref_slice %arg5[%dma_start3A_1670] : memref<19008xf32, #tpu.memory_space<vmem>> -> memref<32xf32, #tpu.memory_space<vmem>>
      tpu.enqueue_dma source(%dma_start3A_1671 : memref<32xf32, #tpu.memory_space<vmem>>) target(%dma_start3A_1669 : memref<32xf32, #tpu.memory_space<hbm>>) target_semaphore(%arg10 : memref<!tpu.dma_semaphore, #tpu.memory_space<semaphore_mem>>)
      %dma_wait3A_1672 = arith.constant 4752 : i32
      %dma_wait3A_1673 = tpu.memref_slice %arg5[%dma_wait3A_1672] : memref<19008xf32, #tpu.memory_space<vmem>> -> memref<32xf32, #tpu.memory_space<vmem>>
      %dma_wait3A_1674 = arith.constant 0 : i32
      %dma_wait3A_1675 = tpu.memref_slice %arg3[%dma_wait3A_1674] : memref<152064xf32, #tpu.memory_space<hbm>> -> memref<32xf32, #tpu.memory_space<hbm>>
      %dma_wait3A_1676 = arith.constant 0 : i32
      %dma_wait3A_1677 = tpu.memref_slice %arg3[%dma_wait3A_1676] : memref<152064xf32, #tpu.memory_space<hbm>> -> memref<32xf32, #tpu.memory_space<hbm>>
      %dma_wait3A_1678 = arith.constant 4752 : i32
      %dma_wait3A_1679 = tpu.memref_slice %arg5[%dma_wait3A_1678] : memref<19008xf32, #tpu.memory_space<vmem>> -> memref<32xf32, #tpu.memory_space<vmem>>
      tpu.wait_dma2 semaphore(%arg10 : memref<!tpu.dma_semaphore, #tpu.memory_space<semaphore_mem>>) src(%dma_wait3A_1679 : memref<32xf32, #tpu.memory_space<vmem>>) dst(%dma_wait3A_1677 : memref<32xf32, #tpu.memory_space<hbm>>)
      %dma_wait3A_1680 = arith.constant 11088 : i32
      %dma_wait3A_1681 = tpu.memref_slice %arg5[%dma_wait3A_1680] : memref<19008xf32, #tpu.memory_space<vmem>> -> memref<32xf32, #tpu.memory_space<vmem>>
      %dma_wait3A_1682 = arith.constant 50688 : i32
      %dma_wait3A_1683 = tpu.memref_slice %arg3[%dma_wait3A_1682] : memref<152064xf32, #tpu.memory_space<hbm>> -> memref<32xf32, #tpu.memory_space<hbm>>
      %dma_wait3A_1684 = arith.constant 50688 : i32
      %dma_wait3A_1685 = tpu.memref_slice %arg3[%dma_wait3A_1684] : memref<152064xf32, #tpu.memory_space<hbm>> -> memref<32xf32, #tpu.memory_space<hbm>>
      %dma_wait3A_1686 = arith.constant 11088 : i32
      %dma_wait3A_1687 = tpu.memref_slice %arg5[%dma_wait3A_1686] : memref<19008xf32, #tpu.memory_space<vmem>> -> memref<32xf32, #tpu.memory_space<vmem>>
      tpu.wait_dma2 semaphore(%arg10 : memref<!tpu.dma_semaphore, #tpu.memory_space<semaphore_mem>>) src(%dma_wait3A_1687 : memref<32xf32, #tpu.memory_space<vmem>>) dst(%dma_wait3A_1685 : memref<32xf32, #tpu.memory_space<hbm>>)
      %dma_wait3A_1688 = arith.constant 17424 : i32
      %dma_wait3A_1689 = tpu.memref_slice %arg5[%dma_wait3A_1688] : memref<19008xf32, #tpu.memory_space<vmem>> -> memref<32xf32, #tpu.memory_space<vmem>>
      %dma_wait3A_1690 = arith.constant 101376 : i32
      %dma_wait3A_1691 = tpu.memref_slice %arg3[%dma_wait3A_1690] : memref<152064xf32, #tpu.memory_space<hbm>> -> memref<32xf32, #tpu.memory_space<hbm>>
      %dma_wait3A_1692 = arith.constant 101376 : i32
      %dma_wait3A_1693 = tpu.memref_slice %arg3[%dma_wait3A_1692] : memref<152064xf32, #tpu.memory_space<hbm>> -> memref<32xf32, #tpu.memory_space<hbm>>
      %dma_wait3A_1694 = arith.constant 17424 : i32
      %dma_wait3A_1695 = tpu.memref_slice %arg5[%dma_wait3A_1694] : memref<19008xf32, #tpu.memory_space<vmem>> -> memref<32xf32, #tpu.memory_space<vmem>>
      tpu.wait_dma2 semaphore(%arg10 : memref<!tpu.dma_semaphore, #tpu.memory_space<semaphore_mem>>) src(%dma_wait3A_1695 : memref<32xf32, #tpu.memory_space<vmem>>) dst(%dma_wait3A_1693 : memref<32xf32, #tpu.memory_space<hbm>>)
    } else {
    }
    return
  }
}

module attributes {stable_mosaic.version = 14 : i64} {
  func.func @body(%arg0: memref<9x8x6336xf32, #tpu.memory_space<vmem>>, %arg1: memref<12x8x6336xf32, #tpu.memory_space<vmem>>) attributes {dimension_semantics = [], scalar_prefetch = 0 : i64, scratch_operands = 0 : i64, tpu.core_type = #tpu.core_type<tc>} {
    %get3A = arith.constant 0 : index
    %get3A_0 = arith.constant 0 : index
    %get3A_1 = arith.constant 0 : index
    %get3A_2 = vector.load %arg0[%get3A, %get3A_0, %get3A_1] : memref<9x8x6336xf32, #tpu.memory_space<vmem>>, vector<1x8x6336xf32>
    %get3A_3 = vector.shape_cast %get3A_2 : vector<1x8x6336xf32> to vector<8x6336xf32>
    %get3A_4 = arith.constant 1 : index
    %get3A_5 = arith.constant 0 : index
    %get3A_6 = arith.constant 0 : index
    %get3A_7 = vector.load %arg0[%get3A_4, %get3A_5, %get3A_6] : memref<9x8x6336xf32, #tpu.memory_space<vmem>>, vector<1x8x6336xf32>
    %get3A_8 = vector.shape_cast %get3A_7 : vector<1x8x6336xf32> to vector<8x6336xf32>
    %get3A_9 = arith.constant 2 : index
    %get3A_10 = arith.constant 0 : index
    %get3A_11 = arith.constant 0 : index
    %get3A_12 = vector.load %arg0[%get3A_9, %get3A_10, %get3A_11] : memref<9x8x6336xf32, #tpu.memory_space<vmem>>, vector<1x8x6336xf32>
    %get3A_13 = vector.shape_cast %get3A_12 : vector<1x8x6336xf32> to vector<8x6336xf32>
    %get3A_14 = arith.constant 3 : index
    %get3A_15 = arith.constant 0 : index
    %get3A_16 = arith.constant 0 : index
    %get3A_17 = vector.load %arg0[%get3A_14, %get3A_15, %get3A_16] : memref<9x8x6336xf32, #tpu.memory_space<vmem>>, vector<1x8x6336xf32>
    %get3A_18 = vector.shape_cast %get3A_17 : vector<1x8x6336xf32> to vector<8x6336xf32>
    %get3A_19 = arith.constant 4 : index
    %get3A_20 = arith.constant 0 : index
    %get3A_21 = arith.constant 0 : index
    %get3A_22 = vector.load %arg0[%get3A_19, %get3A_20, %get3A_21] : memref<9x8x6336xf32, #tpu.memory_space<vmem>>, vector<1x8x6336xf32>
    %get3A_23 = vector.shape_cast %get3A_22 : vector<1x8x6336xf32> to vector<8x6336xf32>
    %get3A_24 = arith.constant 5 : index
    %get3A_25 = arith.constant 0 : index
    %get3A_26 = arith.constant 0 : index
    %get3A_27 = vector.load %arg0[%get3A_24, %get3A_25, %get3A_26] : memref<9x8x6336xf32, #tpu.memory_space<vmem>>, vector<1x8x6336xf32>
    %get3A_28 = vector.shape_cast %get3A_27 : vector<1x8x6336xf32> to vector<8x6336xf32>
    %cos3A = math.cos %get3A_3 : vector<8x6336xf32>
    %sin3A = math.sin %get3A_3 : vector<8x6336xf32>
    %cos3A_29 = math.cos %get3A_8 : vector<8x6336xf32>
    %sin3A_30 = math.sin %get3A_8 : vector<8x6336xf32>
    %cos3A_31 = math.cos %get3A_18 : vector<8x6336xf32>
    %sin3A_32 = math.sin %get3A_18 : vector<8x6336xf32>
    %cos3A_33 = math.cos %get3A_23 : vector<8x6336xf32>
    %sin3A_34 = math.sin %get3A_23 : vector<8x6336xf32>
    %cos3A_35 = math.cos %get3A_28 : vector<8x6336xf32>
    %sin3A_36 = math.sin %get3A_28 : vector<8x6336xf32>
    %neg3A = arith.constant 0.000000e+00 : f32
    %neg3A_37 = vector.broadcast %neg3A : f32 to vector<8x6336xf32>
    %neg3A_38 = arith.subf %neg3A_37, %sin3A_30 : vector<8x6336xf32>
    %mul3A = arith.mulf %neg3A_38, %cos3A_31 : vector<8x6336xf32>
    %mul3A_39 = arith.mulf %sin3A_30, %sin3A_32 : vector<8x6336xf32>
    %mul3A_40 = arith.mulf %cos3A_29, %get3A_13 : vector<8x6336xf32>
    %mul3A_41 = arith.mulf %cos3A, %sin3A_30 : vector<8x6336xf32>
    %mul3A_42 = arith.mulf %cos3A, %cos3A_29 : vector<8x6336xf32>
    %mul3A_43 = arith.mulf %mul3A_42, %cos3A_31 : vector<8x6336xf32>
    %mul3A_44 = arith.mulf %sin3A, %sin3A_32 : vector<8x6336xf32>
    %sub3A = arith.subf %mul3A_43, %mul3A_44 : vector<8x6336xf32>
    %neg3A_45 = arith.constant 0.000000e+00 : f32
    %neg3A_46 = vector.broadcast %neg3A_45 : f32 to vector<8x6336xf32>
    %neg3A_47 = arith.subf %neg3A_46, %cos3A : vector<8x6336xf32>
    %mul3A_48 = arith.mulf %neg3A_47, %cos3A_29 : vector<8x6336xf32>
    %mul3A_49 = arith.mulf %mul3A_48, %sin3A_32 : vector<8x6336xf32>
    %mul3A_50 = arith.mulf %sin3A, %cos3A_31 : vector<8x6336xf32>
    %sub3A_51 = arith.subf %mul3A_49, %mul3A_50 : vector<8x6336xf32>
    %mul3A_52 = arith.mulf %cos3A, %sin3A_30 : vector<8x6336xf32>
    %mul3A_53 = arith.mulf %mul3A_52, %get3A_13 : vector<8x6336xf32>
    %mul3A_54 = arith.mulf %sin3A, %sin3A_30 : vector<8x6336xf32>
    %mul3A_55 = arith.mulf %sin3A, %cos3A_29 : vector<8x6336xf32>
    %mul3A_56 = arith.mulf %mul3A_55, %cos3A_31 : vector<8x6336xf32>
    %mul3A_57 = arith.mulf %cos3A, %sin3A_32 : vector<8x6336xf32>
    %add3A = arith.addf %mul3A_56, %mul3A_57 : vector<8x6336xf32>
    %neg3A_58 = arith.constant 0.000000e+00 : f32
    %neg3A_59 = vector.broadcast %neg3A_58 : f32 to vector<8x6336xf32>
    %neg3A_60 = arith.subf %neg3A_59, %sin3A : vector<8x6336xf32>
    %mul3A_61 = arith.mulf %neg3A_60, %cos3A_29 : vector<8x6336xf32>
    %mul3A_62 = arith.mulf %mul3A_61, %sin3A_32 : vector<8x6336xf32>
    %mul3A_63 = arith.mulf %cos3A, %cos3A_31 : vector<8x6336xf32>
    %add3A_64 = arith.addf %mul3A_62, %mul3A_63 : vector<8x6336xf32>
    %mul3A_65 = arith.mulf %sin3A, %sin3A_30 : vector<8x6336xf32>
    %mul3A_66 = arith.mulf %mul3A_65, %get3A_13 : vector<8x6336xf32>
    %mul3A_67 = arith.mulf %cos3A_35, %cos3A_33 : vector<8x6336xf32>
    %mul3A_68 = arith.mulf %cos3A_35, %sin3A_34 : vector<8x6336xf32>
    %mul3A_69 = arith.mulf %mul3A_68, %sin3A_32 : vector<8x6336xf32>
    %mul3A_70 = arith.mulf %sin3A_36, %cos3A_31 : vector<8x6336xf32>
    %sub3A_71 = arith.subf %mul3A_69, %mul3A_70 : vector<8x6336xf32>
    %mul3A_72 = arith.mulf %cos3A_35, %sin3A_34 : vector<8x6336xf32>
    %mul3A_73 = arith.mulf %mul3A_72, %cos3A_31 : vector<8x6336xf32>
    %mul3A_74 = arith.mulf %sin3A_36, %sin3A_32 : vector<8x6336xf32>
    %add3A_75 = arith.addf %mul3A_73, %mul3A_74 : vector<8x6336xf32>
    %mul3A_76 = arith.mulf %sin3A_36, %cos3A_33 : vector<8x6336xf32>
    %mul3A_77 = arith.mulf %sin3A_36, %sin3A_34 : vector<8x6336xf32>
    %mul3A_78 = arith.mulf %mul3A_77, %sin3A_32 : vector<8x6336xf32>
    %mul3A_79 = arith.mulf %cos3A_35, %cos3A_31 : vector<8x6336xf32>
    %add3A_80 = arith.addf %mul3A_78, %mul3A_79 : vector<8x6336xf32>
    %mul3A_81 = arith.mulf %sin3A_36, %sin3A_34 : vector<8x6336xf32>
    %mul3A_82 = arith.mulf %mul3A_81, %cos3A_31 : vector<8x6336xf32>
    %mul3A_83 = arith.mulf %cos3A_35, %sin3A_32 : vector<8x6336xf32>
    %sub3A_84 = arith.subf %mul3A_82, %mul3A_83 : vector<8x6336xf32>
    %neg3A_85 = arith.constant 0.000000e+00 : f32
    %neg3A_86 = vector.broadcast %neg3A_85 : f32 to vector<8x6336xf32>
    %neg3A_87 = arith.subf %neg3A_86, %sin3A_34 : vector<8x6336xf32>
    %mul3A_88 = arith.mulf %cos3A_33, %sin3A_32 : vector<8x6336xf32>
    %mul3A_89 = arith.mulf %cos3A_33, %cos3A_31 : vector<8x6336xf32>
    %iota3A = tpu.iota {dimensions = array<i32: 0>} : vector<8x6336xi32>
    %iota3A_90 = tpu.iota {dimensions = array<i32: 1>} : vector<8x6336xi32>
    %eq3A = arith.constant 0 : i32
    %eq3A_91 = vector.broadcast %eq3A : i32 to vector<8x6336xi32>
    %eq3A_92 = arith.cmpi eq, %iota3A, %eq3A_91 : vector<8x6336xi32>
    %lt3A = arith.constant 32 : i32
    %lt3A_93 = vector.broadcast %lt3A : i32 to vector<8x6336xi32>
    %lt3A_94 = arith.cmpi slt, %iota3A_90, %lt3A_93 : vector<8x6336xi32>
    %and3A = arith.andi %eq3A_92, %lt3A_94 : vector<8x6336xi1>
    %select_n3A = arith.select %and3A, %mul3A_67, %cos3A_29 : vector<8x6336xi1>, vector<8x6336xf32>
    %swap3A = arith.constant 0 : index
    %swap3A_95 = arith.constant 0 : index
    %swap3A_96 = arith.constant 0 : index
    %swap3A_97 = vector.load %arg1[%swap3A, %swap3A_95, %swap3A_96] : memref<12x8x6336xf32, #tpu.memory_space<vmem>>, vector<1x8x6336xf32>
    %swap3A_98 = vector.shape_cast %swap3A_97 : vector<1x8x6336xf32> to vector<8x6336xf32>
    %swap3A_99 = vector.shape_cast %select_n3A : vector<8x6336xf32> to vector<1x8x6336xf32>
    tpu.vector_store %arg1[%swap3A, %swap3A_95, %swap3A_96], %swap3A_99 {strides = array<i32>} : memref<12x8x6336xf32, #tpu.memory_space<vmem>>, vector<1x8x6336xf32>,
    %select_n3A_100 = arith.select %and3A, %sub3A_71, %mul3A : vector<8x6336xi1>, vector<8x6336xf32>
    %swap3A_101 = arith.constant 1 : index
    %swap3A_102 = arith.constant 0 : index
    %swap3A_103 = arith.constant 0 : index
    %swap3A_104 = vector.load %arg1[%swap3A_101, %swap3A_102, %swap3A_103] : memref<12x8x6336xf32, #tpu.memory_space<vmem>>, vector<1x8x6336xf32>
    %swap3A_105 = vector.shape_cast %swap3A_104 : vector<1x8x6336xf32> to vector<8x6336xf32>
    %swap3A_106 = vector.shape_cast %select_n3A_100 : vector<8x6336xf32> to vector<1x8x6336xf32>
    tpu.vector_store %arg1[%swap3A_101, %swap3A_102, %swap3A_103], %swap3A_106 {strides = array<i32>} : memref<12x8x6336xf32, #tpu.memory_space<vmem>>, vector<1x8x6336xf32>,
    %select_n3A_107 = arith.select %and3A, %add3A_75, %mul3A_39 : vector<8x6336xi1>, vector<8x6336xf32>
    %swap3A_108 = arith.constant 2 : index
    %swap3A_109 = arith.constant 0 : index
    %swap3A_110 = arith.constant 0 : index
    %swap3A_111 = vector.load %arg1[%swap3A_108, %swap3A_109, %swap3A_110] : memref<12x8x6336xf32, #tpu.memory_space<vmem>>, vector<1x8x6336xf32>
    %swap3A_112 = vector.shape_cast %swap3A_111 : vector<1x8x6336xf32> to vector<8x6336xf32>
    %swap3A_113 = vector.shape_cast %select_n3A_107 : vector<8x6336xf32> to vector<1x8x6336xf32>
    tpu.vector_store %arg1[%swap3A_108, %swap3A_109, %swap3A_110], %swap3A_113 {strides = array<i32>} : memref<12x8x6336xf32, #tpu.memory_space<vmem>>, vector<1x8x6336xf32>,
    %select_n3A_114 = arith.select %and3A, %get3A_3, %mul3A_40 : vector<8x6336xi1>, vector<8x6336xf32>
    %swap3A_115 = arith.constant 3 : index
    %swap3A_116 = arith.constant 0 : index
    %swap3A_117 = arith.constant 0 : index
    %swap3A_118 = vector.load %arg1[%swap3A_115, %swap3A_116, %swap3A_117] : memref<12x8x6336xf32, #tpu.memory_space<vmem>>, vector<1x8x6336xf32>
    %swap3A_119 = vector.shape_cast %swap3A_118 : vector<1x8x6336xf32> to vector<8x6336xf32>
    %swap3A_120 = vector.shape_cast %select_n3A_114 : vector<8x6336xf32> to vector<1x8x6336xf32>
    tpu.vector_store %arg1[%swap3A_115, %swap3A_116, %swap3A_117], %swap3A_120 {strides = array<i32>} : memref<12x8x6336xf32, #tpu.memory_space<vmem>>, vector<1x8x6336xf32>,
    %select_n3A_121 = arith.select %and3A, %mul3A_76, %mul3A_41 : vector<8x6336xi1>, vector<8x6336xf32>
    %swap3A_122 = arith.constant 4 : index
    %swap3A_123 = arith.constant 0 : index
    %swap3A_124 = arith.constant 0 : index
    %swap3A_125 = vector.load %arg1[%swap3A_122, %swap3A_123, %swap3A_124] : memref<12x8x6336xf32, #tpu.memory_space<vmem>>, vector<1x8x6336xf32>
    %swap3A_126 = vector.shape_cast %swap3A_125 : vector<1x8x6336xf32> to vector<8x6336xf32>
    %swap3A_127 = vector.shape_cast %select_n3A_121 : vector<8x6336xf32> to vector<1x8x6336xf32>
    tpu.vector_store %arg1[%swap3A_122, %swap3A_123, %swap3A_124], %swap3A_127 {strides = array<i32>} : memref<12x8x6336xf32, #tpu.memory_space<vmem>>, vector<1x8x6336xf32>,
    %select_n3A_128 = arith.select %and3A, %add3A_80, %sub3A : vector<8x6336xi1>, vector<8x6336xf32>
    %swap3A_129 = arith.constant 5 : index
    %swap3A_130 = arith.constant 0 : index
    %swap3A_131 = arith.constant 0 : index
    %swap3A_132 = vector.load %arg1[%swap3A_129, %swap3A_130, %swap3A_131] : memref<12x8x6336xf32, #tpu.memory_space<vmem>>, vector<1x8x6336xf32>
    %swap3A_133 = vector.shape_cast %swap3A_132 : vector<1x8x6336xf32> to vector<8x6336xf32>
    %swap3A_134 = vector.shape_cast %select_n3A_128 : vector<8x6336xf32> to vector<1x8x6336xf32>
    tpu.vector_store %arg1[%swap3A_129, %swap3A_130, %swap3A_131], %swap3A_134 {strides = array<i32>} : memref<12x8x6336xf32, #tpu.memory_space<vmem>>, vector<1x8x6336xf32>,
    %select_n3A_135 = arith.select %and3A, %sub3A_84, %sub3A_51 : vector<8x6336xi1>, vector<8x6336xf32>
    %swap3A_136 = arith.constant 6 : index
    %swap3A_137 = arith.constant 0 : index
    %swap3A_138 = arith.constant 0 : index
    %swap3A_139 = vector.load %arg1[%swap3A_136, %swap3A_137, %swap3A_138] : memref<12x8x6336xf32, #tpu.memory_space<vmem>>, vector<1x8x6336xf32>
    %swap3A_140 = vector.shape_cast %swap3A_139 : vector<1x8x6336xf32> to vector<8x6336xf32>
    %swap3A_141 = vector.shape_cast %select_n3A_135 : vector<8x6336xf32> to vector<1x8x6336xf32>
    tpu.vector_store %arg1[%swap3A_136, %swap3A_137, %swap3A_138], %swap3A_141 {strides = array<i32>} : memref<12x8x6336xf32, #tpu.memory_space<vmem>>, vector<1x8x6336xf32>,
    %select_n3A_142 = arith.select %and3A, %get3A_8, %mul3A_53 : vector<8x6336xi1>, vector<8x6336xf32>
    %swap3A_143 = arith.constant 7 : index
    %swap3A_144 = arith.constant 0 : index
    %swap3A_145 = arith.constant 0 : index
    %swap3A_146 = vector.load %arg1[%swap3A_143, %swap3A_144, %swap3A_145] : memref<12x8x6336xf32, #tpu.memory_space<vmem>>, vector<1x8x6336xf32>
    %swap3A_147 = vector.shape_cast %swap3A_146 : vector<1x8x6336xf32> to vector<8x6336xf32>
    %swap3A_148 = vector.shape_cast %select_n3A_142 : vector<8x6336xf32> to vector<1x8x6336xf32>
    tpu.vector_store %arg1[%swap3A_143, %swap3A_144, %swap3A_145], %swap3A_148 {strides = array<i32>} : memref<12x8x6336xf32, #tpu.memory_space<vmem>>, vector<1x8x6336xf32>,
    %select_n3A_149 = arith.select %and3A, %neg3A_87, %mul3A_54 : vector<8x6336xi1>, vector<8x6336xf32>
    %swap3A_150 = arith.constant 8 : index
    %swap3A_151 = arith.constant 0 : index
    %swap3A_152 = arith.constant 0 : index
    %swap3A_153 = vector.load %arg1[%swap3A_150, %swap3A_151, %swap3A_152] : memref<12x8x6336xf32, #tpu.memory_space<vmem>>, vector<1x8x6336xf32>
    %swap3A_154 = vector.shape_cast %swap3A_153 : vector<1x8x6336xf32> to vector<8x6336xf32>
    %swap3A_155 = vector.shape_cast %select_n3A_149 : vector<8x6336xf32> to vector<1x8x6336xf32>
    tpu.vector_store %arg1[%swap3A_150, %swap3A_151, %swap3A_152], %swap3A_155 {strides = array<i32>} : memref<12x8x6336xf32, #tpu.memory_space<vmem>>, vector<1x8x6336xf32>,
    %select_n3A_156 = arith.select %and3A, %mul3A_88, %add3A : vector<8x6336xi1>, vector<8x6336xf32>
    %swap3A_157 = arith.constant 9 : index
    %swap3A_158 = arith.constant 0 : index
    %swap3A_159 = arith.constant 0 : index
    %swap3A_160 = vector.load %arg1[%swap3A_157, %swap3A_158, %swap3A_159] : memref<12x8x6336xf32, #tpu.memory_space<vmem>>, vector<1x8x6336xf32>
    %swap3A_161 = vector.shape_cast %swap3A_160 : vector<1x8x6336xf32> to vector<8x6336xf32>
    %swap3A_162 = vector.shape_cast %select_n3A_156 : vector<8x6336xf32> to vector<1x8x6336xf32>
    tpu.vector_store %arg1[%swap3A_157, %swap3A_158, %swap3A_159], %swap3A_162 {strides = array<i32>} : memref<12x8x6336xf32, #tpu.memory_space<vmem>>, vector<1x8x6336xf32>,
    %select_n3A_163 = arith.select %and3A, %mul3A_89, %add3A_64 : vector<8x6336xi1>, vector<8x6336xf32>
    %swap3A_164 = arith.constant 10 : index
    %swap3A_165 = arith.constant 0 : index
    %swap3A_166 = arith.constant 0 : index
    %swap3A_167 = vector.load %arg1[%swap3A_164, %swap3A_165, %swap3A_166] : memref<12x8x6336xf32, #tpu.memory_space<vmem>>, vector<1x8x6336xf32>
    %swap3A_168 = vector.shape_cast %swap3A_167 : vector<1x8x6336xf32> to vector<8x6336xf32>
    %swap3A_169 = vector.shape_cast %select_n3A_163 : vector<8x6336xf32> to vector<1x8x6336xf32>
    tpu.vector_store %arg1[%swap3A_164, %swap3A_165, %swap3A_166], %swap3A_169 {strides = array<i32>} : memref<12x8x6336xf32, #tpu.memory_space<vmem>>, vector<1x8x6336xf32>,
    %select_n3A_170 = arith.select %and3A, %get3A_13, %mul3A_66 : vector<8x6336xi1>, vector<8x6336xf32>
    %swap3A_171 = arith.constant 11 : index
    %swap3A_172 = arith.constant 0 : index
    %swap3A_173 = arith.constant 0 : index
    %swap3A_174 = vector.load %arg1[%swap3A_171, %swap3A_172, %swap3A_173] : memref<12x8x6336xf32, #tpu.memory_space<vmem>>, vector<1x8x6336xf32>
    %swap3A_175 = vector.shape_cast %swap3A_174 : vector<1x8x6336xf32> to vector<8x6336xf32>
    %swap3A_176 = vector.shape_cast %select_n3A_170 : vector<8x6336xf32> to vector<1x8x6336xf32>
    tpu.vector_store %arg1[%swap3A_171, %swap3A_172, %swap3A_173], %swap3A_176 {strides = array<i32>} : memref<12x8x6336xf32, #tpu.memory_space<vmem>>, vector<1x8x6336xf32>,
    return
  }
}

</mosaic_0001>

<sc_bundles>
// kernel: kernel.4.cloned.1.call-start
scs
__scs_entry_jumppad:
0x0: {  	(pc) =	sbr.rel $0x88, $3  }
0x1: {  	(tag) =	ssettag $0x0;
	lr =	simm.s32 $0x1  }
0x2: {  	[smem:$0x3FA0] =	sst lr;
	_ =	strace $0xD0000000  }
0x3: {  	_ = 	snop  }
0x4: {  	_ = 	snop  }
0x5: {  	_ = 	snop  }
0x6: {  	_ = 	snop  }
0x7: {  	_ = 	snop  }
__scs_overlays_trampoline_lowered:
0x8: {  	[smem:$0x3FAF] =	sst s0  }
0x9: {  	[smem:$0x3FB0] =	sst s1  }
0xa: {  	[smem:$0x3FB1] =	sst s2  }
0xb: {  	[smem:$0x3FB2] =	sst s3  }
0xc: {  	[smem:$0x3FB3] =	sst s4  }
0xd: {  	[smem:$0x3FB4] =	sst s5  }
0xe: {  	[smem:$0x3FB5] =	sst s6  }
0xf: {  	[smem:$0x3FB6] =	sst s7  }
0x10: {  	[smem:$0x3FB7] =	sst s8  }
0x11: {  	[smem:$0x3FB8] =	sst s9;
	s0 =	simm.s32 @!p0 $0x0  }
0x12: {  	s1 =	sld [smem:$0x3F9E];
	s0 =	simm.s32 @p0 $0x1  }
0x13: {  	[smem:$0x3FB9] =	sst s0;
	s0 =	simm.s32 @!p1 $0x0  }
0x14: {  	s2 =	sld [smem:$0x3F9D];
	s0 =	simm.s32 @p1 $0x1  }
0x15: {  	[smem:$0x3FBA] =	sst s0;
	s0 =	simm.s32 @!p2 $0x0  }
0x16: {  	s3 =	sld [smem:$0x3FDB];
	s0 =	simm.s32 @p2 $0x1  }
0x17: {  	s4 =	simm.s32 $0x1BF5;
	[smem:$0x3FBC] =	sst s0  }
0x18: {  	s0 =	sld [smem:$0x3F9F];
	_ =	swait.ge [sflag:s4], $0x0  }
0x19: {  	s7 =	sld [smem:$0x3FA0]  }
0x1a: {  	s8 =	sadd.s32 $0xFFFFE003, lr  }
0x1b: {  	s9 =	sadd.s32 $0xFFFFFEF7, lr;
	s5 =	simm.s32 $0xFFFFFFFF;
	p2 =	slt.u32 s8, $0xFFFFF086  }
0x1c: {  	p1 =	slt.u32 s9, $0xF7A;
	s5 =	simm.s32 @!p2 $0x0  }
0x1d: {  	s5 =	simm.s32 @p1 $0x1;
	p0 =	seq.s32 s7, s2  }
0x1e: {  	s7 =	smul.u32 @!p0 $0xF7A, s2;
	p2 =	seq.s32 @!p0 s5, $0x0  }
0x1f: {  	s9 =	smul.u32 $0xF7A, s1;
	s8 =	simm.s32 @!p0 $0x1BF5;
	p2 =	por !p2, p0  }
0x20: {  	[sflag:s8] =	ssyncset.s32 @!p0 $0xFFFFF086;
	s6 =	sadd.s32 @!p0 s3, s7;
	s7 =	simm.s32 @!p0 $0x108  }
0x21: {  	s3 =	sadd.s32 s3, s9;
	s6 =	sadd.s32 @!p0 $0x88, s6;
	s7 =	simm.s32 @p2 $0x1082  }
0x22: {  	[simem:s7], [sflag:s8] =	dma.local @!p0 [hbm:s6], $0xF7A  }
0x23: {  	s9 =	sor.u32 $0xD0000000, s2;
	s6 =	simm.s32 $0x108;
	_ =	swait.ge @!p0 [sflag:s8], $0x0  }
0x24: {  	s3 =	sadd.s32 $0x88, s3;
	s6 =	simm.s32 @!p1 $0x1082;
	[sflag:s4] =	ssyncset.s32 $0xFFFFF086  }
0x25: {  	[simem:s6], [sflag:s4] =	dma.local [hbm:s3], $0xF7A  }
0x26: {  	[smem:$0x3FA0] =	sst s1;
	(tag) =	ssettag s2;
	_ =	strace s9  }
0x27: {  	s1 =	sld [smem:$0x3FB0]  }
0x28: {  	s2 =	sld [smem:$0x3FB1]  }
0x29: {  	s4 =	sld [smem:$0x3FB3]  }
0x2a: {  	p0 =	seq.s32 s5, $0x0;
	s5 =	sld [smem:$0x3FB4]  }
0x2b: {  	s6 =	sld [smem:$0x3FB5]  }
0x2c: {  	s7 =	sld [smem:$0x3FB6]  }
0x2d: {  	s3 =	simm.s32 $0x108;
	s8 =	sld [smem:$0x3FB7]  }
0x2e: {  	s3 =	simm.s32 @!p0 $0x1082;
	s9 =	sld [smem:$0x3FB8]  }
0x2f: {  	lr =	sadd.s32 s0, s3;
	s0 =	sld [smem:$0x3FAF]  }
0x30: {  	s3 =	sld [smem:$0x3FB2]  }
0x31: {  	[smem:$0x3FBB] =	sst s10  }
0x32: {  	s10 =	sld [smem:$0x3FB9];
	_ =	sdelay $0x3  }
0x33: {  	p0 =	seq.s32 s10, $0x1;
	s10 =	sld [smem:$0x3FBB];
	_ =	sdelay $0x3  }
0x34: {  	[smem:$0x3FBB] =	sst s10  }
0x35: {  	s10 =	sld [smem:$0x3FBA];
	_ =	sdelay $0x3  }
0x36: {  	p1 =	seq.s32 s10, $0x1;
	s10 =	sld [smem:$0x3FBB];
	_ =	sdelay $0x3  }
0x37: {  	[smem:$0x3FBB] =	sst s10  }
0x38: {  	s10 =	sld [smem:$0x3FBC]  }
0x39: {  	_ = 	snop;
	(pc) =	sbr.ind lr, $3  }
0x3a: {  	_ = 	snop  }
0x3b: {  	_ = 	snop  }
0x3c: {  	p2 =	seq.s32 s10, $0x1;
	s10 =	sld [smem:$0x3FBB]  }
0x3d: {  	_ =	shalt  }
0x3e: {  	_ =	shalt  }
0x3f: {  	_ =	shalt  }
0x40: {  	_ =	shalt  }
0x41: {  	_ =	shalt  }
0x42: {  	_ =	shalt  }
0x43: {  	_ =	shalt  }
0x44: {  	_ =	shalt  }
0x45: {  	_ =	shalt  }
0x46: {  	_ =	shalt  }
0x47: {  	_ =	shalt  }
0x48: {  	_ =	shalt  }
0x49: {  	_ =	shalt  }
0x4a: {  	_ =	shalt  }
0x4b: {  	_ =	shalt  }
0x4c: {  	_ =	shalt  }
0x4d: {  	_ =	shalt  }
0x4e: {  	_ =	shalt  }
0x4f: {  	_ =	shalt  }
0x50: {  	_ =	shalt  }
0x51: {  	_ =	shalt  }
0x52: {  	_ =	shalt  }
0x53: {  	_ =	shalt  }
0x54: {  	_ =	shalt  }
0x55: {  	_ =	shalt  }
0x56: {  	_ =	shalt  }
0x57: {  	_ =	shalt  }
0x58: {  	_ =	shalt  }
0x59: {  	_ =	shalt  }
0x5a: {  	_ =	shalt  }
0x5b: {  	_ =	shalt  }
0x5c: {  	_ =	shalt  }
0x5d: {  	_ =	shalt  }
0x5e: {  	_ =	shalt  }
0x5f: {  	_ =	shalt  }
0x60: {  	_ =	shalt  }
0x61: {  	_ =	shalt  }
0x62: {  	_ =	shalt  }
0x63: {  	_ =	shalt  }
0x64: {  	_ =	shalt  }
0x65: {  	_ =	shalt  }
0x66: {  	_ =	shalt  }
0x67: {  	_ =	shalt  }
0x68: {  	_ =	shalt  }
0x69: {  	_ =	shalt  }
0x6a: {  	_ =	shalt  }
0x6b: {  	_ =	shalt  }
0x6c: {  	_ =	shalt  }
0x6d: {  	_ =	shalt  }
0x6e: {  	_ =	shalt  }
0x6f: {  	_ =	shalt  }
0x70: {  	_ =	shalt  }
0x71: {  	_ =	shalt  }
0x72: {  	_ =	shalt  }
0x73: {  	_ =	shalt  }
0x74: {  	_ =	shalt  }
0x75: {  	_ =	shalt  }
0x76: {  	_ =	shalt  }
0x77: {  	_ =	shalt  }
0x78: {  	_ =	shalt  }
0x79: {  	_ =	shalt  }
0x7a: {  	_ =	shalt  }
0x7b: {  	_ =	shalt  }
0x7c: {  	_ =	shalt  }
0x7d: {  	_ =	shalt  }
0x7e: {  	_ =	shalt  }
0x7f: {  	_ =	shalt  }
0x80: {  	_ =	shalt  }
0x81: {  	_ =	shalt  }
0x82: {  	_ =	shalt  }
0x83: {  	_ =	shalt  }
0x84: {  	_ =	shalt  }
0x85: {  	_ =	shalt  }
0x86: {  	_ =	shalt  }
0x87: {  	_ =	shalt  }
.Lfunc_end0:
.L_simem_size_0:
called_computation_lowered:
.L_overlay_start_0:
0x88: {  	s2 =	sld [smem:$0x3FD9]  }
0x89: {  	s3 =	sld [smem:$0x3FFE];
	_ =	sdelay $0x1  }
0x8a: {  	s1 =	srdreg.scid  }
0x8b: {  	s0 =	sand.u32 $0x1, s1  }
0x8c: {  	s17 =	sshll.u32 s0, $0xA;
	s2 =	sadd.s32 s3, s2  }
0x8d: {  	s2 =	sadd.s32 s2, s17  }
0x8e: {  	[smem:$0x3FC7] =	sst s2  }
0x8f: {  	_ = 	snop  }
0x90: {  	s2 =	sld [smem:$0x3FD0];
	(tm) =	ssettm $0x1  }
0x91: {  	s18 =	sld [smem:$0x3FFB];
	_ =	sdelay $0x3  }
0x92: {  	_ =	strace s18  }
0x93: {  	s3 =	sld [smem:$0x3FFC];
	_ =	sdelay $0x3  }
0x94: {  	_ =	strace s3  }
0x95: {  	s3 =	sld [smem:$0x3FFD];
	_ =	sdelay $0x3  }
0x96: {  	_ =	strace s3  }
0x97: {  	_ =	strace $0x8FFFFFFF  }
0x98: {  	s19 =	sld [smem:$0x3FDB];
	_ =	sdelay $0x1  }
0x99: {  	s4 =	simm.s32 $_scs_section_size  }
0x9a: {  	s5 =	simm.s32 $_size__tile_overlayer_lowered;
	s6 =	simm.s32 $_tile_overlayer_lowered  }
0x9b: {  	s22 =	simm.s32 $0x1BFF;
	s21 =	sshll.u32 s6, $0x1;
	s3 =	sadd.s32 s4, s19  }
0x9c: {  	s7 =	simm.s32 $0x0;
	s20 =	sshll.u32 s5, $0x1;
	s5 =	sadd.s32 s21, s3  }
0x9d: {  	[timem:s7], [sflag:s22] =	dma.local [hbm:s5], s20  }
0x9e: {  	_ =	swait.ge [sflag:s22], s20  }
0x9f: {  	s4 =	ssub.s32 $0x0, s20;
	[sflag:s22] =	ssyncset.done $0x0  }
0xa0: {  	[sflag:s22] =	ssyncadd.s32 s4;
	_ =	sdelay $0x1  }
0xa1: {  	s23 =	simm.s32 $0x1B8B  }
0xa2: {  	_ =	swait.ge [sflag:s23], $0x1  }
0xa3: {  	[sflag:s23] =	ssyncset.done $0x0  }
0xa4: {  	s25 =	simm.s32 $0x1B8E;
	s24 =	sld [smem:$0x3FFE];
	[sflag:s23] =	ssyncadd.s32 $0xFFFFFFFF  }
0xa5: {  	s26 =	simm.s32 $execute0_lowered;
	[smem:$0x3FD2] =	sst s25  }
0xa6: {  	s5 =	sshll.u32 s26, $0x1;
	_ =	strace $0x80000046;
	[dreg:$0x1] =	wrdreg $0xFFFFFFFF  }
0xa7: {  	s28 =	simm.s32 $_size_execute0_lowered;
	s3 =	sadd.s32 s3, s5;
	[dreg:$0x0] =	wrdreg $0x0  }
0xa8: {  	s5 =	sshll.u32 s28, $0x1;
	[dreg:$0x2] =	wrdreg s3  }
0xa9: {  	[dreg:$0x3] =	wrdreg s5  }
0xaa: {  	[dreg:$0x4] =	wrdreg $0xC0  }
0xab: {  	_ =	task [dreg:s7], $0x5FFFF  }
0xac: {  	[dreg:$0x1] =	wrdreg $0xFFFFFFFF  }
0xad: {  	[dreg:$0x0] =	wrdreg $0x60  }
0xae: {  	[dreg:$0x2] =	wrdreg s24  }
0xaf: {  	[dreg:$0x3] =	wrdreg s2  }
0xb0: {  	[dreg:$0x4] =	wrdreg $0x9  }
0xb1: {  	_ =	task.clear_ibuf [dreg:s7], $0x5FFFF;
	_ =	strace $0x90000046  }
0xb2: {  	s29 =	simm.s32 $0x9;
	_ =	strace $0x80000048  }
0xb3: {  	_ =	swait.ge [sflag:s29], $0x1  }
0xb4: {  	[sflag:s29] =	ssyncadd.s32 $0xFFFFFFFF  }
0xb5: {  	_ =	strace $0x90000048  }
0xb6: {  	_ =	sfence  }
0xb7: {  	s30 =	sld [smem:$0x0];
	_ =	sdelay $0x2  }
0xb8: {  	s31 =	sshll.u32 s1, $0xD;
	s1 =	sshrl.u32 s1, $0x2  }
0xb9: {  	s3 =	sand.u32 $0x4000, s31;
	s1 =	sadd.s32 s1, s30  }
0xba: {  	s0 =	sor.u32 s3, s0;
	s1 =	sshll.u32 s1, $0x11  }
0xbb: {  	s0 =	sor.u32 s1, s0  }
0xbc: {  	s0 =	sadd.s32 $0x8F2B, s0  }
0xbd: {  	[sflag:s0] =	ssyncadd.remote.s32 $0x1  }
0xbe: {  	_ =	sfence.sel $0xFFFF  }
0xbf: {  	[dreg:$0x0] =	wrdreg $0xFFFFFFFF;
	(pc) =	sbr.abs _section_cstart, $3  }
0xc0: {  	[dreg:$0x1] =	wrdreg $0xFFFFFFFF  }
0xc1: {  	_ =	task.clear_ibuf [dreg:s7], $0x2FFFF;
	_ =	strace $0x9FFFFFFF  }
0xc2: {  	(tm) =	ssettm $0x7FFFFFFF  }
0xc3: {  	_ =	shalt  }
tec
execute0_lowered:
.L_overlay_start_1:
0x0: {  	(tag) =	ssettag $0x1  }
0x1: {  	s1 =	rddreg [dreg:$0x0]  }
0x2: {  	s16 =	rddreg [dreg:$0x1];
	s0 =	srdreg.scid  }
0x3: {  	s15 =	stileid.u32;
	s3 =	simm.s32 $0x0;
	s2 =	sand.u32 $0x1, s0  }
0x4: {  	s13 =	sshll.u32 s15, $0x1;
	[smem:$0x7FF] =	sst s3;
	s4 =	sadd.s32 $0x400, s1  }
0x5: {  	s19 =	sadd.s32 $0x3580, s1;
	s21 =	sadd.s32 $0x6700, s1;
	s23 =	sshll.u32 s15, $0xB  }
0x6: {  	s25 =	sshll.u32 s15, $0xA;
	s6 =	sor.u32 s2, s13;
	_ =	strace $0x80000047  }
0x7: {  	s14 =	ssub.s32 $0x2, s2;
	s13 =	sadd.s32 $0x1CC0, s1;
	[dreg:$0x6] =	wrdreg s19  }
0x8: {  	[dreg:$0x9] =	wrdreg s21;
	s24 =	sshll.u32 s2, $0xA;
	s2 =	sshll.u32 s2, $0x9  }
0x9: {  	s19 =	sadd.s32 $0x7FC0, s1;
	s21 =	sadd.s32 $0xB140, s1;
	[dreg:$0x5] =	wrdreg s13  }
0xa: {  	s7 =	sshll.u32 s6, $0x4;
	s10 =	sshrl.u32 s14, $0x1;
	[dreg:$0xc] =	wrdreg s19  }
0xb: {  	[dreg:$0xe] =	wrdreg s21;
	s0 =	ssub.s32 s14, s10;
	s14 =	sadd.s32 $0x4E40, s1  }
0xc: {  	s5 =	sshll.u32 s6, $0x5;
	s20 =	sadd.s32 $0x1080, s7;
	[dreg:$0x8] =	wrdreg s14  }
0xd: {  	s18 =	sadd.s32 $0x20, s5;
	s8 =	sadd.s32 $0x420, s7;
	[dreg:$0x7] =	wrdreg s20  }
0xe: {  	s13 =	sand.u32 $0x1380, s20;
	s20 =	sadd.s32 $0x9880, s1;
	[dreg:$0x3] =	wrdreg s18  }
0xf: {  	s17 =	sshrl.u32 s8, $0x3;
	s0 =	smax.u32 s0, $0x1;
	[dreg:$0xd] =	wrdreg s20  }
0x10: {  	s22 =	sand.u32 $0x70, s7;
	s10 =	sadd.s32 s4, s17;
	[smem:$0x7CF] =	sst s0  }
0x11: {  	s17 =	sor.u32 s22, s13;
	s22 =	sadd.s32 $0xCA00, s1;
	[dreg:$0x4] =	wrdreg s10  }
0x12: {  	s13 =	sor.u32 s24, s23;
	s23 =	sadd.s32 $0xE2C0, s1;
	[dreg:$0xf] =	wrdreg s22  }
0x13: {  	s12 =	sshrl.u32 s7, $0x3;
	s24 =	sadd.s32 $0xFB80, s1;
	[dreg:$0x10] =	wrdreg s23  }
0x14: {  	s12 =	sadd.s32 s4, s12;
	s1 =	sadd.s32 $0x11440, s1;
	[dreg:$0x11] =	wrdreg s24  }
0x15: {  	s14 =	sor.u32 s2, s25;
	s25 =	sadd.s32 $0x1944, s12;
	[dreg:$0x12] =	wrdreg s1  }
0x16: {  	p0 =	seq.s32 s6, $0x0;
	s19 =	sadd.s32 $0x9504, s12;
	[dreg:$0x13] =	wrdreg s25  }
0x17: {  	s9 =	smov.u32 s18;
	s20 =	sadd.s32 $0xADC4, s12;
	[dreg:$0x18] =	wrdreg s19  }
0x18: {  	s9 =	simm.s32 @p0 $0x460;
	s21 =	sadd.s32 $0xC684, s12;
	[dreg:$0x19] =	wrdreg s20  }
0x19: {  	s10 =	sshrl.u32 s9, $0x3;
	[dreg:$0x1a] =	wrdreg s21;
	s22 =	sadd.s32 $0xDF44, s12  }
0x1a: {  	s23 =	sadd.s32 $0xF804, s12;
	s24 =	sadd.s32 $0x110C4, s12;
	[dreg:$0x1b] =	wrdreg s22  }
0x1b: {  	s11 =	sadd.s32 s4, s10;
	s26 =	sor.u32 $0x6300, s10;
	[dreg:$0x1c] =	wrdreg s23  }
0x1c: {  	s10 =	sor.u32 $0xC600, s10;
	[dreg:$0x1d] =	wrdreg s24;
	s2 =	sadd.s32 s4, s26  }
0x1d: {  	s15 =	sadd.s32 s4, s10;
	[dreg:$0xa] =	wrdreg s2  }
0x1e: {  	s26 =	sadd.s32 $0x3204, s12;
	[dreg:$0xb] =	wrdreg s15  }
0x1f: {  	s10 =	sadd.s32 $0x6384, s12;
	[dreg:$0x14] =	wrdreg s26  }
0x20: {  	s2 =	sadd.s32 $0x4AC4, s12;
	[dreg:$0x16] =	wrdreg s10  }
0x21: {  	s25 =	sshll.u32 s6, $0x7;
	s15 =	sadd.s32 $0x7C44, s12;
	[dreg:$0x15] =	wrdreg s2  }
0x22: {  	s1 =	sadd.s32 s16, s25;
	s26 =	sshll.u32 s6, $0x6;
	[dreg:$0x17] =	wrdreg s15  }
0x23: {  	s15 =	sadd.s32 s4, s25;
	s20 =	sadd.s32 s4, s26;
	s25 =	sadd.s32 $0x84, s1  }
0x24: {  	s2 =	sadd.s32 s16, s26;
	s26 =	sadd.s32 $0x1944, s1;
	[smem:$0x7C6] =	sst s25  }
0x25: {  	s1 =	sadd.s32 $0x3204, s1;
	[smem:$0x7C7] =	sst s26  }
0x26: {  	s19 =	sadd.s32 $0x4AC4, s15;
	[smem:$0x7C8] =	sst s1  }
0x27: {  	s21 =	sadd.s32 $0xADC4, s15;
	[dreg:$0x1e] =	wrdreg s19  }
0x28: {  	p0 =	sne.s32 s6, $0x0;
	s6 =	sadd.s32 $0x110C4, s15;
	[dreg:$0x1f] =	wrdreg s21  }
0x29: {  	s22 =	sadd.s32 $0x5AC4, s20;
	[smem:$0x7C2] =	sst s6  }
0x2a: {  	s23 =	sadd.s32 $0xBDC4, s20;
	[smem:$0x7C3] =	sst s22  }
0x2b: {  	s24 =	sadd.s32 $0x120C4, s20;
	[smem:$0x7C4] =	sst s23  }
0x2c: {  	s10 =	sadd.s32 $0x2944, s2;
	[smem:$0x7C5] =	sst s24  }
0x2d: {  	s20 =	sadd.s32 $0x630, s9;
	[smem:$0x7CA] =	sst s10  }
0x2e: {  	s25 =	sadd.s32 $0x4A40, s11;
	[smem:$0x7D0] =	sst s20  }
0x2f: {  	s26 =	sadd.s32 $0x18C0, s9;
	[smem:$0x7D5] =	sst s25  }
0x30: {  	v0 =	vmov s18;
	s15 =	sshrl.u32 s18, $0x3;
	s18 =	sadd.s32 $0x4410, s9;
	[smem:$0x7D6] =	sst s26  }
0x31: {  	s12 =	sshrl.u32 s5, $0x3;
	s6 =	sadd.s32 $0x1084, s2;
	[smem:$0x7E2] =	sst s18  }
0x32: {  	s1 =	sadd.s32 s16, s12;
	s2 =	sadd.s32 $0x4204, s2;
	[smem:$0x7C9] =	sst s6  }
0x33: {  	s19 =	sadd.s32 $0x18C4, s1;
	[smem:$0x7CB] =	sst s2  }
0x34: {  	s1 =	sadd.s32 $0x3184, s1;
	[smem:$0x7CD] =	sst s19  }
0x35: {  	s21 =	sadd.s32 $0x18C0, s11;
	[smem:$0x7CE] =	sst s1  }
0x36: {  	s22 =	sadd.s32 $0xC60, s9;
	[smem:$0x7D1] =	sst s21  }
0x37: {  	s23 =	sadd.s32 $0x3180, s11;
	[smem:$0x7D2] =	sst s22  }
0x38: {  	s24 =	sadd.s32 $0x1290, s9;
	[smem:$0x7D3] =	sst s23  }
0x39: {  	s20 =	sadd.s32 $0xAD40, s11;
	[smem:$0x7D4] =	sst s24  }
0x3a: {  	s25 =	sadd.s32 $0xDEC0, s11;
	[smem:$0x7DC] =	sst s20  }
0x3b: {  	s18 =	sadd.s32 $0x1F10, s5;
	[smem:$0x7DF] =	sst s25  }
0x3c: {  	s2 =	sadd.s32 s16, s15;
	[smem:$0x7E8] =	sst s18  }
0x3d: {  	s1 =	sadd.s32 $0x1EF0, s9;
	[smem:$0x7CC] =	sst s2  }
0x3e: {  	s6 =	sadd.s32 $0x7BC0, s11;
	[smem:$0x7D7] =	sst s1  }
0x3f: {  	s15 =	sadd.s32 $0x9480, s11;
	[smem:$0x7D8] =	sst s6  }
0x40: {  	s19 =	sadd.s32 $0x2B50, s9;
	[smem:$0x7DA] =	sst s15  }
0x41: {  	s22 =	sadd.s32 $0x3180, s9;
	[smem:$0x7DB] =	sst s19  }
0x42: {  	s24 =	sadd.s32 $0x37B0, s9;
	[smem:$0x7DD] =	sst s22  }
0x43: {  	s20 =	sadd.s32 $0x11040, s11;
	[smem:$0x7DE] =	sst s24  }
0x44: {  	s25 =	sadd.s32 $0xC80, s5;
	[smem:$0x7E3] =	sst s20  }
0x45: {  	s18 =	sadd.s32 $0x4430, s5;
	[smem:$0x7E5] =	sst s25  }
0x46: {  	s2 =	sadd.s32 $0x420, s13;
	s13 =	sadd.s32 $0x2520, s9;
	[smem:$0x7EE] =	sst s18  }
0x47: {  	s6 =	sadd.s32 $0x3DE0, s9;
	[smem:$0x7D9] =	sst s13  }
0x48: {  	s22 =	sadd.s32 $0x650, s5;
	[smem:$0x7E0] =	sst s6  }
0x49: {  	s20 =	sadd.s32 $0x2540, s5;
	[smem:$0x7E4] =	sst s22  }
0x4a: {  	s25 =	sadd.s32 $0x31A0, s5;
	[smem:$0x7E9] =	sst s20  }
0x4b: {  	s18 =	sadd.s32 $0x12C0, s5;
	[smem:$0x7EB] =	sst s25  }
0x4c: {  	s13 =	sadd.s32 $0xF780, s11;
	[smem:$0x7F4] =	sst s18  }
0x4d: {  	s6 =	sadd.s32 $0x12B0, s5;
	[smem:$0x7E1] =	sst s13  }
0x4e: {  	s22 =	sadd.s32 $0x2B70, s5;
	[smem:$0x7E6] =	sst s6  }
0x4f: {  	s20 =	sadd.s32 $0x5D30, s5;
	[smem:$0x7EA] =	sst s22  }
0x50: {  	s25 =	sadd.s32 $0x8EB0, s5;
	[smem:$0x7EF] =	sst s20  }
0x51: {  	s31 =	sadd.s32 $0x30, s5;
	s18 =	sadd.s32 $0x37E0, s5;
	[smem:$0x7F1] =	sst s25  }
0x52: {  	v4 =	vmov s31;
	v16 =	vmov s8;
	v0 =	vshrl.u32 v0, $0x5;
	s13 =	sadd.s32 $0x18E0, s5;
	[smem:$0x7FA] =	sst s18  }
0x53: {  	s28 =	simm.s32 $0x4A80;
	v6 =	vshrl.u32 v4, $0x5;
	v18 =	vshrl.u32 v16, $0x5;
	v0 =	vadd.s32 $0xFFFFFFFF, v0;
	s6 =	sadd.s32 $0x37D0, s5;
	[smem:$0x7E7] =	sst s13  }
0x54: {  	s29 =	simm.s32 $0x0;
	v8 =	vadd.s32 $0xFFFFFFFF, v6;
	v20 =	vadd.s32 $0xFFFFFFFF, v18;
	v0 =	vbroadcast v0, $0x0;
	s22 =	sadd.s32 $0x75F0, s5;
	[smem:$0x7EC] =	sst s6  }
0x55: {  	s30 =	sadd.s32 $0x2F70, s7;
	v8 =	vbroadcast v8, $0x0;
	v20 =	vbroadcast v20, $0x0;
	s20 =	sadd.s32 $0x18F0, s5;
	[smem:$0x7F0] =	sst s22  }
0x56: {  	v1 =	vadd.s32 $0x630, v0;
	v2 =	vadd.s32 $0xC60, v0;
	v3 =	vadd.s32 $0x1290, v0;
	s12 =	sadd.s32 $0xA50, s7;
	s25 =	sadd.s32 $0x2550, s5;
	[smem:$0x7F5] =	sst s20  }
0x57: {  	v4 =	vadd.s32 $0x18C0, v0;
	v5 =	vadd.s32 $0x1EF0, v0;
	v6 =	vadd.s32 $0x2520, v0;
	s10 =	sadd.s32 $0x8420, s14;
	s13 =	sadd.s32 $0x3E00, s5;
	[smem:$0x7F7] =	sst s25  }
0x58: {  	v7 =	vadd.s32 $0x2B50, v0;
	v9 =	vadd.s32 $0x3180, v0;
	v10 =	vadd.s32 $0x37B0, v0;
	s14 =	sadd.s32 $0x16B0, s7;
	s6 =	sadd.s32 $0x660, s5;
	[smem:$0x7ED] =	sst s13  }
0x59: {  	v11 =	vadd.s32 $0x3DE0, v0;
	v12 =	vadd.s32 $0x4410, v0;
	v13 =	vadd.s32 $0x630, v8;
	s26 =	sadd.s32 $0x2940, s7;
	s22 =	sadd.s32 $0x1F20, s5;
	[smem:$0x7F2] =	sst s6  }
0x5a: {  	v14 =	vadd.s32 $0xC60, v8;
	v15 =	vadd.s32 $0x1290, v8;
	v16 =	vadd.s32 $0x18C0, v8;
	s21 =	sadd.s32 $0x1CE0, s7;
	s20 =	sadd.s32 $0x3E10, s5;
	[smem:$0x7F6] =	sst s22  }
0x5b: {  	v17 =	vadd.s32 $0x1EF0, v8;
	v18 =	vadd.s32 $0x2520, v8;
	v19 =	vadd.s32 $0x2B50, v8;
	s23 =	sadd.s32 $0x2310, s7;
	s25 =	sadd.s32 $0x18C0, s16;
	[smem:$0x7FB] =	sst s20  }
0x5c: {  	v21 =	vadd.s32 $0x3180, v8;
	v22 =	vadd.s32 $0x37B0, v8;
	v23 =	vadd.s32 $0x3DE0, v8;
	s1 =	sadd.s32 $0x35A0, s7;
	s13 =	sadd.s32 $0xC90, s5;
	[smem:$0x7FD] =	sst s25  }
0x5d: {  	v24 =	vadd.s32 $0x4410, v8;
	v25 =	vadd.s32 $0x630, v20;
	v26 =	vadd.s32 $0xC60, v20;
	s15 =	sadd.s32 $0x3BD0, s7;
	s6 =	sadd.s32 $0x2B80, s5;
	[smem:$0x7F3] =	sst s13  }
0x5e: {  	v27 =	vadd.s32 $0x1290, v20;
	v28 =	vadd.s32 $0x18C0, v20;
	v29 =	vadd.s32 $0x1EF0, v20;
	s19 =	sor.u32 $0x4200, s7;
	s22 =	sadd.s32 $0x4440, s5;
	[smem:$0x7F8] =	sst s6  }
0x5f: {  	v30 =	vadd.s32 $0x2520, v20;
	v31 =	vadd.s32 $0x2B50, v20;
	v32 =	vadd.s32 $0x3180, v20;
	s24 =	sadd.s32 $0x4830, s7;
	s13 =	sadd.s32 $0x31B0, s5;
	[smem:$0x7FC] =	sst s22  }
0x60: {  	v33 =	vadd.s32 $0x37B0, v20;
	v34 =	vadd.s32 $0x3DE0, v20;
	v35 =	vadd.s32 $0x4410, v20;
	[tilespmem:$0x1FFF0] =	vst v1;
	s25 =	simm.s32 $0x1;
	s22 =	sadd.s32 $0x3180, s16;
	[smem:$0x7F9] =	sst s13  }
.LBB2_1:
0x61: {  	[tilespmem:s3], [sflag:$0x1] =	stream.linear.gather [hbm4b:s4+s3], $0x40, $0x38;
	[tilespmem:$0xB900] =	vst v63  }
0x62: {  	s0 =	rddreg [dreg:$0x4]  }
0x63: {  	s20 =	rddreg [dreg:$0x5]  }
0x64: {  	s13 =	sld [smem:$0x7D0]  }
0x65: {  	[tilespmem:s8], [sflag:$0x1] =	stream.linear.gather [hbm4b:s0+s3], $0x10, $0x38;
	[tilespmem:$0xB900] =	vst v63  }
0x66: {  	s16 =	sld [smem:$0x7D1]  }
0x67: {  	[tilespmem:s9], [sflag:$0x1] =	stream.linear.gather [hbm4b:s11+s3], $0x20, $0x38;
	[tilespmem:$0xB900] =	vst v63  }
0x68: {  	s6 =	simm.s32 $0x630;
	s18 =	rddreg [dreg:$0x6]  }
0x69: {  	[tilespmem:s6], [sflag:$0x1] =	stream.linear.gather [hbm4b:s20+s3], $0x40, $0x38;
	[tilespmem:$0xB900] =	vst v63  }
0x6a: {  	s6 =	rddreg [dreg:$0x13]  }
0x6b: {  	[tilespmem:s12], [sflag:$0x1] =	stream.linear.gather [hbm4b:s6+s3], $0x10, $0x38;
	[tilespmem:$0xB900] =	vst v63  }
0x6c: {  	s6 =	rddreg [dreg:$0x8]  }
0x6d: {  	[tilespmem:s13], [sflag:$0x1] =	stream.linear.gather [hbm4b:s16+s3], $0x20, $0x38;
	[tilespmem:$0xB900] =	vst v63  }
0x6e: {  	s13 =	rddreg [dreg:$0x7]  }
0x6f: {  	s20 =	simm.s32 $0xC60;
	s16 =	rddreg [dreg:$0x14]  }
0x70: {  	[tilespmem:s20], [sflag:$0x1] =	stream.linear.gather [hbm4b:s18+s3], $0x40, $0x38;
	[tilespmem:$0xB900] =	vst v63  }
0x71: {  	s18 =	sld [smem:$0x7D2]  }
0x72: {  	s20 =	sld [smem:$0x7D3]  }
0x73: {  	[tilespmem:s13], [sflag:$0x1] =	stream.linear.gather [hbm4b:s16+s3], $0x10, $0x38;
	[tilespmem:$0xB900] =	vst v63  }
0x74: {  	s16 =	rddreg [dreg:$0x15]  }
0x75: {  	[tilespmem:s18], [sflag:$0x1] =	stream.linear.gather [hbm4b:s20+s3], $0x20, $0x38;
	[tilespmem:$0xB900] =	vst v63  }
0x76: {  	s18 =	sld [smem:$0x7D4]  }
0x77: {  	s13 =	simm.s32 $0x1290;
	s20 =	sld [smem:$0x7D5]  }
0x78: {  	[tilespmem:s13], [sflag:$0x1] =	stream.linear.gather [hbm4b:s6+s3], $0x40, $0x38;
	[tilespmem:$0xB900] =	vst v63  }
0x79: {  	s6 =	rddreg [dreg:$0x9]  }
0x7a: {  	[tilespmem:s14], [sflag:$0x1] =	stream.linear.gather [hbm4b:s16+s3], $0x10, $0x38;
	[tilespmem:$0xB900] =	vst v63  }
0x7b: {  	s16 =	rddreg [dreg:$0x16]  }
0x7c: {  	[tilespmem:s18], [sflag:$0x1] =	stream.linear.gather [hbm4b:s20+s3], $0x20, $0x38;
	[tilespmem:$0xB900] =	vst v63  }
0x7d: {  	s18 =	rddreg [dreg:$0xa]  }
0x7e: {  	s13 =	simm.s32 $0x18C0;
	s20 =	sld [smem:$0x7D6]  }
0x7f: {  	[tilespmem:s13], [sflag:$0x1] =	stream.linear.gather [hbm4b:s6+s3], $0x40, $0x38;
	[tilespmem:$0xB900] =	vst v63  }
0x80: {  	s6 =	rddreg [dreg:$0xc]  }
0x81: {  	[tilespmem:s21], [sflag:$0x1] =	stream.linear.gather [hbm4b:s16+s3], $0x10, $0x38;
	[tilespmem:$0xB900] =	vst v63  }
0x82: {  	s16 =	rddreg [dreg:$0x17]  }
0x83: {  	[tilespmem:s20], [sflag:$0x1] =	stream.linear.gather [hbm4b:s18+s3], $0x20, $0x38;
	[tilespmem:$0xB900] =	vst v63  }
0x84: {  	s18 =	sld [smem:$0x7D7]  }
0x85: {  	s13 =	simm.s32 $0x1EF0;
	s20 =	sld [smem:$0x7D8]  }
0x86: {  	[tilespmem:s13], [sflag:$0x1] =	stream.linear.gather [hbm4b:s6+s3], $0x40, $0x38;
	[tilespmem:$0xB900] =	vst v63  }
0x87: {  	s6 =	rddreg [dreg:$0xd]  }
0x88: {  	[tilespmem:s23], [sflag:$0x1] =	stream.linear.gather [hbm4b:s16+s3], $0x10, $0x38;
	[tilespmem:$0xB900] =	vst v63  }
0x89: {  	s16 =	rddreg [dreg:$0x18]  }
0x8a: {  	[tilespmem:s18], [sflag:$0x1] =	stream.linear.gather [hbm4b:s20+s3], $0x20, $0x38;
	[tilespmem:$0xB900] =	vst v63  }
0x8b: {  	s18 =	sld [smem:$0x7D9]  }
0x8c: {  	s13 =	simm.s32 $0x2520;
	s20 =	sld [smem:$0x7DA]  }
0x8d: {  	[tilespmem:s13], [sflag:$0x1] =	stream.linear.gather [hbm4b:s6+s3], $0x40, $0x38;
	[tilespmem:$0xB900] =	vst v63  }
0x8e: {  	s6 =	rddreg [dreg:$0xe]  }
0x8f: {  	[tilespmem:s26], [sflag:$0x1] =	stream.linear.gather [hbm4b:s16+s3], $0x10, $0x38;
	[tilespmem:$0xB900] =	vst v63  }
0x90: {  	s16 =	rddreg [dreg:$0x19]  }
0x91: {  	[tilespmem:s18], [sflag:$0x1] =	stream.linear.gather [hbm4b:s20+s3], $0x20, $0x38;
	[tilespmem:$0xB900] =	vst v63  }
0x92: {  	s18 =	sld [smem:$0x7DB]  }
0x93: {  	s13 =	simm.s32 $0x2B50;
	s20 =	sld [smem:$0x7DC]  }
0x94: {  	[tilespmem:s13], [sflag:$0x1] =	stream.linear.gather [hbm4b:s6+s3], $0x40, $0x38;
	[tilespmem:$0xB900] =	vst v63  }
0x95: {  	s6 =	rddreg [dreg:$0xf]  }
0x96: {  	[tilespmem:s30], [sflag:$0x1] =	stream.linear.gather [hbm4b:s16+s3], $0x10, $0x38;
	[tilespmem:$0xB900] =	vst v63  }
0x97: {  	s16 =	rddreg [dreg:$0x1a]  }
0x98: {  	[tilespmem:s18], [sflag:$0x1] =	stream.linear.gather [hbm4b:s20+s3], $0x20, $0x38;
	[tilespmem:$0xB900] =	vst v63  }
0x99: {  	s18 =	rddreg [dreg:$0xb]  }
0x9a: {  	s13 =	simm.s32 $0x3180;
	s20 =	sld [smem:$0x7DD]  }
0x9b: {  	[tilespmem:s13], [sflag:$0x1] =	stream.linear.gather [hbm4b:s6+s3], $0x40, $0x38;
	[tilespmem:$0xB900] =	vst v63  }
0x9c: {  	s6 =	rddreg [dreg:$0x10]  }
0x9d: {  	[tilespmem:s1], [sflag:$0x1] =	stream.linear.gather [hbm4b:s16+s3], $0x10, $0x38;
	[tilespmem:$0xB900] =	vst v63  }
0x9e: {  	s16 =	rddreg [dreg:$0x1b]  }
0x9f: {  	[tilespmem:s20], [sflag:$0x1] =	stream.linear.gather [hbm4b:s18+s3], $0x20, $0x38;
	[tilespmem:$0xB900] =	vst v63  }
0xa0: {  	s18 =	sld [smem:$0x7DE]  }
0xa1: {  	s13 =	simm.s32 $0x37B0;
	s20 =	sld [smem:$0x7DF]  }
0xa2: {  	[tilespmem:s13], [sflag:$0x1] =	stream.linear.gather [hbm4b:s6+s3], $0x40, $0x38;
	[tilespmem:$0xB900] =	vst v63  }
0xa3: {  	s6 =	rddreg [dreg:$0x11]  }
0xa4: {  	[tilespmem:s15], [sflag:$0x1] =	stream.linear.gather [hbm4b:s16+s3], $0x10, $0x38;
	[tilespmem:$0xB900] =	vst v63  }
0xa5: {  	s16 =	rddreg [dreg:$0x1c]  }
0xa6: {  	[tilespmem:s18], [sflag:$0x1] =	stream.linear.gather [hbm4b:s20+s3], $0x20, $0x38;
	[tilespmem:$0xB900] =	vst v63  }
0xa7: {  	s18 =	sld [smem:$0x7E0]  }
0xa8: {  	s13 =	simm.s32 $0x3DE0;
	s20 =	sld [smem:$0x7E1]  }
0xa9: {  	[tilespmem:s13], [sflag:$0x1] =	stream.linear.gather [hbm4b:s6+s3], $0x40, $0x38;
	[tilespmem:$0xB900] =	vst v63  }
0xaa: {  	s6 =	rddreg [dreg:$0x12]  }
0xab: {  	[tilespmem:s19], [sflag:$0x1] =	stream.linear.gather [hbm4b:s16+s3], $0x10, $0x38;
	[tilespmem:$0xB900] =	vst v63  }
0xac: {  	s16 =	rddreg [dreg:$0x1d]  }
0xad: {  	[tilespmem:s18], [sflag:$0x1] =	stream.linear.gather [hbm4b:s20+s3], $0x20, $0x38;
	[tilespmem:$0xB900] =	vst v63  }
0xae: {  	s13 =	simm.s32 $0x4410;
	s18 =	sld [smem:$0x7E2]  }
0xaf: {  	[tilespmem:s13], [sflag:$0x1] =	stream.linear.gather [hbm4b:s6+s3], $0x40, $0x38;
	[tilespmem:$0xB900] =	vst v63  }
0xb0: {  	s20 =	sld [smem:$0x7E3]  }
0xb1: {  	[tilespmem:s24], [sflag:$0x1] =	stream.linear.gather [hbm4b:s16+s3], $0x10, $0x38;
	[tilespmem:$0xB900] =	vst v63  }
0xb2: {  	s13 =	rddreg [dreg:$0x1e]  }
0xb3: {  	[tilespmem:s18], [sflag:$0x1] =	stream.linear.gather [hbm4b:s20+s3], $0x20, $0x38;
	[tilespmem:$0xB900] =	vst v63  }
0xb4: {  	s16 =	simm.s32 $0x9500;
	s18 =	sld [smem:$0x7C3]  }
0xb5: {  	[tilespmem:s16], [sflag:$0x1] =	stream.linear.gather [hbm4b:s13+s3], $0x400, $0x38;
	[tilespmem:$0xB900] =	vst v63  }
0xb6: {  	s20 =	simm.s32 $0xAD00;
	s13 =	rddreg [dreg:$0x1f]  }
0xb7: {  	[tilespmem:s20], [sflag:$0x1] =	stream.linear.gather [hbm4b:s18+s3], $0x200, $0x38;
	[tilespmem:$0xB900] =	vst v63  }
0xb8: {  	s16 =	simm.s32 $0x9900;
	s18 =	sld [smem:$0x7C4]  }
0xb9: {  	[tilespmem:s16], [sflag:$0x1] =	stream.linear.gather [hbm4b:s13+s3], $0x400, $0x38;
	[tilespmem:$0xB900] =	vst v63  }
0xba: {  	s20 =	simm.s32 $0xAF00;
	s13 =	sld [smem:$0x7C2]  }
0xbb: {  	[tilespmem:s20], [sflag:$0x1] =	stream.linear.gather [hbm4b:s18+s3], $0x200, $0x38;
	[tilespmem:$0xB900] =	vst v63  }
0xbc: {  	s16 =	simm.s32 $0x9D00;
	s18 =	sld [smem:$0x7C5]  }
0xbd: {  	[tilespmem:s16], [sflag:$0x1] =	stream.linear.gather [hbm4b:s13+s3], $0x400, $0x38;
	[tilespmem:$0xB900] =	vst v63  }
0xbe: {  	s20 =	simm.s32 $0xB100  }
0xbf: {  	[tilespmem:s20], [sflag:$0x1] =	stream.linear.gather [hbm4b:s18+s3], $0x200, $0x38;
	[tilespmem:$0xB900] =	vst v63  }
0xc0: {  	_ =	swait.ge [sflag:s25], $0x40  }
0xc1: {  	[sflag:s25] =	ssyncset.done $0x0  }
0xc2: {  	[sflag:s25] =	ssyncadd.s32 $0xFFFFFFC0  }
0xc3: {  	_ =	swait.ge [sflag:s25], $0x10  }
0xc4: {  	[sflag:s25] =	ssyncset.done $0x0  }
0xc5: {  	[sflag:s25] =	ssyncadd.s32 $0xFFFFFFF0  }
0xc6: {  	_ =	swait.ge [sflag:s25], $0x20  }
0xc7: {  	[sflag:s25] =	ssyncset.done $0x0  }
0xc8: {  	[sflag:s25] =	ssyncadd.s32 $0xFFFFFFE0  }
0xc9: {  	_ =	swait.ge [sflag:s25], $0x40  }
0xca: {  	[sflag:s25] =	ssyncset.done $0x0  }
0xcb: {  	[sflag:s25] =	ssyncadd.s32 $0xFFFFFFC0  }
0xcc: {  	_ =	swait.ge [sflag:s25], $0x10  }
0xcd: {  	[sflag:s25] =	ssyncset.done $0x0  }
0xce: {  	[sflag:s25] =	ssyncadd.s32 $0xFFFFFFF0  }
0xcf: {  	_ =	swait.ge [sflag:s25], $0x20  }
0xd0: {  	[sflag:s25] =	ssyncset.done $0x0  }
0xd1: {  	[sflag:s25] =	ssyncadd.s32 $0xFFFFFFE0  }
0xd2: {  	_ =	swait.ge [sflag:s25], $0x40  }
0xd3: {  	[sflag:s25] =	ssyncset.done $0x0  }
0xd4: {  	[sflag:s25] =	ssyncadd.s32 $0xFFFFFFC0  }
0xd5: {  	_ =	swait.ge [sflag:s25], $0x10  }
0xd6: {  	[sflag:s25] =	ssyncset.done $0x0  }
0xd7: {  	[sflag:s25] =	ssyncadd.s32 $0xFFFFFFF0  }
0xd8: {  	_ =	swait.ge [sflag:s25], $0x20  }
0xd9: {  	[sflag:s25] =	ssyncset.done $0x0  }
0xda: {  	[sflag:s25] =	ssyncadd.s32 $0xFFFFFFE0  }
0xdb: {  	_ =	swait.ge [sflag:s25], $0x40  }
0xdc: {  	[sflag:s25] =	ssyncset.done $0x0  }
0xdd: {  	[sflag:s25] =	ssyncadd.s32 $0xFFFFFFC0  }
0xde: {  	_ =	swait.ge [sflag:s25], $0x10  }
0xdf: {  	[sflag:s25] =	ssyncset.done $0x0  }
0xe0: {  	[sflag:s25] =	ssyncadd.s32 $0xFFFFFFF0  }
0xe1: {  	_ =	swait.ge [sflag:s25], $0x20  }
0xe2: {  	[sflag:s25] =	ssyncset.done $0x0  }
0xe3: {  	[sflag:s25] =	ssyncadd.s32 $0xFFFFFFE0  }
0xe4: {  	_ =	swait.ge [sflag:s25], $0x40  }
0xe5: {  	[sflag:s25] =	ssyncset.done $0x0  }
0xe6: {  	[sflag:s25] =	ssyncadd.s32 $0xFFFFFFC0  }
0xe7: {  	_ =	swait.ge [sflag:s25], $0x10  }
0xe8: {  	[sflag:s25] =	ssyncset.done $0x0  }
0xe9: {  	[sflag:s25] =	ssyncadd.s32 $0xFFFFFFF0  }
0xea: {  	_ =	swait.ge [sflag:s25], $0x20  }
0xeb: {  	[sflag:s25] =	ssyncset.done $0x0  }
0xec: {  	[sflag:s25] =	ssyncadd.s32 $0xFFFFFFE0  }
0xed: {  	_ =	swait.ge [sflag:s25], $0x40  }
0xee: {  	[sflag:s25] =	ssyncset.done $0x0  }
0xef: {  	[sflag:s25] =	ssyncadd.s32 $0xFFFFFFC0  }
0xf0: {  	_ =	swait.ge [sflag:s25], $0x10  }
0xf1: {  	[sflag:s25] =	ssyncset.done $0x0  }
0xf2: {  	[sflag:s25] =	ssyncadd.s32 $0xFFFFFFF0  }
0xf3: {  	_ =	swait.ge [sflag:s25], $0x20  }
0xf4: {  	[sflag:s25] =	ssyncset.done $0x0  }
0xf5: {  	[sflag:s25] =	ssyncadd.s32 $0xFFFFFFE0  }
0xf6: {  	_ =	swait.ge [sflag:s25], $0x40  }
0xf7: {  	[sflag:s25] =	ssyncset.done $0x0  }
0xf8: {  	[sflag:s25] =	ssyncadd.s32 $0xFFFFFFC0  }
0xf9: {  	_ =	swait.ge [sflag:s25], $0x10  }
0xfa: {  	[sflag:s25] =	ssyncset.done $0x0  }
0xfb: {  	[sflag:s25] =	ssyncadd.s32 $0xFFFFFFF0  }
0xfc: {  	_ =	swait.ge [sflag:s25], $0x20  }
0xfd: {  	[sflag:s25] =	ssyncset.done $0x0  }
0xfe: {  	[sflag:s25] =	ssyncadd.s32 $0xFFFFFFE0  }
0xff: {  	_ =	swait.ge [sflag:s25], $0x40  }
0x100: {  	[sflag:s25] =	ssyncset.done $0x0  }
0x101: {  	[sflag:s25] =	ssyncadd.s32 $0xFFFFFFC0  }
0x102: {  	_ =	swait.ge [sflag:s25], $0x10  }
0x103: {  	[sflag:s25] =	ssyncset.done $0x0  }
0x104: {  	[sflag:s25] =	ssyncadd.s32 $0xFFFFFFF0  }
0x105: {  	_ =	swait.ge [sflag:s25], $0x20  }
0x106: {  	[sflag:s25] =	ssyncset.done $0x0  }
0x107: {  	[sflag:s25] =	ssyncadd.s32 $0xFFFFFFE0  }
0x108: {  	_ =	swait.ge [sflag:s25], $0x40  }
0x109: {  	[sflag:s25] =	ssyncset.done $0x0  }
0x10a: {  	[sflag:s25] =	ssyncadd.s32 $0xFFFFFFC0  }
0x10b: {  	_ =	swait.ge [sflag:s25], $0x10  }
0x10c: {  	[sflag:s25] =	ssyncset.done $0x0  }
0x10d: {  	[sflag:s25] =	ssyncadd.s32 $0xFFFFFFF0  }
0x10e: {  	_ =	swait.ge [sflag:s25], $0x20  }
0x10f: {  	[sflag:s25] =	ssyncset.done $0x0  }
0x110: {  	[sflag:s25] =	ssyncadd.s32 $0xFFFFFFE0  }
0x111: {  	_ =	swait.ge [sflag:s25], $0x40  }
0x112: {  	[sflag:s25] =	ssyncset.done $0x0  }
0x113: {  	[sflag:s25] =	ssyncadd.s32 $0xFFFFFFC0  }
0x114: {  	_ =	swait.ge [sflag:s25], $0x10  }
0x115: {  	[sflag:s25] =	ssyncset.done $0x0  }
0x116: {  	[sflag:s25] =	ssyncadd.s32 $0xFFFFFFF0  }
0x117: {  	_ =	swait.ge [sflag:s25], $0x20  }
0x118: {  	[sflag:s25] =	ssyncset.done $0x0  }
0x119: {  	[sflag:s25] =	ssyncadd.s32 $0xFFFFFFE0  }
0x11a: {  	_ =	swait.ge [sflag:s25], $0x40  }
0x11b: {  	[sflag:s25] =	ssyncset.done $0x0  }
0x11c: {  	[sflag:s25] =	ssyncadd.s32 $0xFFFFFFC0  }
0x11d: {  	_ =	swait.ge [sflag:s25], $0x10  }
0x11e: {  	[sflag:s25] =	ssyncset.done $0x0  }
0x11f: {  	[sflag:s25] =	ssyncadd.s32 $0xFFFFFFF0  }
0x120: {  	_ =	swait.ge [sflag:s25], $0x20  }
0x121: {  	[sflag:s25] =	ssyncset.done $0x0  }
0x122: {  	[sflag:s25] =	ssyncadd.s32 $0xFFFFFFE0  }
0x123: {  	_ =	swait.ge [sflag:s25], $0x40  }
0x124: {  	[sflag:s25] =	ssyncset.done $0x0  }
0x125: {  	[sflag:s25] =	ssyncadd.s32 $0xFFFFFFC0  }
0x126: {  	_ =	swait.ge [sflag:s25], $0x10  }
0x127: {  	[sflag:s25] =	ssyncset.done $0x0  }
0x128: {  	[sflag:s25] =	ssyncadd.s32 $0xFFFFFFF0  }
0x129: {  	_ =	swait.ge [sflag:s25], $0x20  }
0x12a: {  	[sflag:s25] =	ssyncset.done $0x0  }
0x12b: {  	[sflag:s25] =	ssyncadd.s32 $0xFFFFFFE0  }
0x12c: {  	_ =	swait.ge [sflag:s25], $0x400  }
0x12d: {  	[sflag:s25] =	ssyncset.done $0x0  }
0x12e: {  	[sflag:s25] =	ssyncadd.s32 $0xFFFFFC00  }
0x12f: {  	_ =	swait.ge [sflag:s25], $0x200  }
0x130: {  	[sflag:s25] =	ssyncset.done $0x0  }
0x131: {  	[sflag:s25] =	ssyncadd.s32 $0xFFFFFE00  }
0x132: {  	_ =	swait.ge [sflag:s25], $0x400  }
0x133: {  	[sflag:s25] =	ssyncset.done $0x0  }
0x134: {  	[sflag:s25] =	ssyncadd.s32 $0xFFFFFC00  }
0x135: {  	_ =	swait.ge [sflag:s25], $0x200  }
0x136: {  	[sflag:s25] =	ssyncset.done $0x0  }
0x137: {  	[sflag:s25] =	ssyncadd.s32 $0xFFFFFE00  }
0x138: {  	_ =	swait.ge [sflag:s25], $0x400  }
0x139: {  	[sflag:s25] =	ssyncset.done $0x0  }
0x13a: {  	[sflag:s25] =	ssyncadd.s32 $0xFFFFFC00  }
0x13b: {  	_ =	swait.ge [sflag:s25], $0x200  }
0x13c: {  	[sflag:s25] =	ssyncset.done $0x0  }
0x13d: {  	[sflag:s25] =	ssyncadd.s32 $0xFFFFFE00  }
0x13e: {  	v36 =	vld [tilespmem:$0x0]  }
0x13f: {  	v37 =	vld [tilespmem:$0x10]  }
0x140: {  	v38 =	vld [tilespmem:$0x630]  }
0x141: {  	v39 =	vld [tilespmem:$0x640]  }
0x142: {  	v40 =	vld [tilespmem:$0xC60]  }
0x143: {  	v41 =	vld [tilespmem:$0xC70]  }
0x144: {  	v42 =	vld [tilespmem:$0x1290]  }
0x145: {  	v43 =	vld [tilespmem:$0x12A0]  }
0x146: {  	v47 =	vld [tilespmem:$0x18C0];
	[tilespmem:$0x4A80] =	vst v36  }
0x147: {  	v48 =	vld [tilespmem:$0x18D0];
	[tilespmem:$0x4A90] =	vst v37  }
0x148: {  	v49 =	vld [tilespmem:$0x1EF0];
	[tilespmem:$0x50B0] =	vst v38  }
0x149: {  	v50 =	vld [tilespmem:$0x1F00];
	[tilespmem:$0x50C0] =	vst v39  }
0x14a: {  	v51 =	vld [tilespmem:$0x2520];
	[tilespmem:$0x56E0] =	vst v40  }
0x14b: {  	v52 =	vld [tilespmem:$0x2530];
	[tilespmem:$0x56F0] =	vst v41  }
0x14c: {  	v53 =	vld [tilespmem:$0x2B50];
	[tilespmem:$0x5D10] =	vst v42  }
0x14d: {  	v54 =	vld [tilespmem:$0x2B60];
	[tilespmem:$0x5D20] =	vst v43  }
0x14e: {  	v55 =	vld [tilespmem:$0x3180];
	[tilespmem:$0x6340] =	vst v47  }
0x14f: {  	v56 =	vld [tilespmem:$0x3190];
	[tilespmem:$0x6350] =	vst v48  }
0x150: {  	v57 =	vld [tilespmem:$0x37B0];
	[tilespmem:$0x6970] =	vst v49  }
0x151: {  	v58 =	vld [tilespmem:$0x37C0];
	[tilespmem:$0x6980] =	vst v50  }
0x152: {  	v59 =	vld [tilespmem:$0x3DE0];
	[tilespmem:$0x6FA0] =	vst v51  }
0x153: {  	v60 =	vld [tilespmem:$0x3DF0];
	[tilespmem:$0x6FB0] =	vst v52  }
0x154: {  	v61 =	vld [tilespmem:$0x4410];
	[tilespmem:$0x75D0] =	vst v53  }
0x155: {  	v62 =	vld [tilespmem:$0x4420];
	[tilespmem:$0x75E0] =	vst v54  }
0x156: {  	[tilespmem:$0x7C00] =	vst v55;
	v36 =	vld [tilespmem:$0x20]  }
0x157: {  	[tilespmem:$0x7C10] =	vst v56;
	v37 =	vld [tilespmem:$0x650]  }
0x158: {  	[tilespmem:$0x8230] =	vst v57;
	v38 =	vld [tilespmem:$0xC80]  }
0x159: {  	[tilespmem:$0x8240] =	vst v58;
	v39 =	vld [tilespmem:$0x12B0]  }
0x15a: {  	[tilespmem:$0x8860] =	vst v59;
	v40 =	vld [tilespmem:$0x18E0]  }
0x15b: {  	[tilespmem:$0x8870] =	vst v60;
	v41 =	vld [tilespmem:$0x1F10]  }
0x15c: {  	[tilespmem:$0x8E90] =	vst v61;
	v42 =	vld [tilespmem:$0x2540]  }
0x15d: {  	[tilespmem:$0x8EA0] =	vst v62;
	v43 =	vld [tilespmem:$0x31A0]  }
0x15e: {  	v44 =	vld.msk [tilespmem:$0x0 ss:$0x0], $0xffff  }
0x15f: {  	v45 =	vld.msk [tilespmem:$0x630 ss:$0x0], $0xffff  }
0x160: {  	v47 =	vld [tilespmem:$0x2B70]  }
0x161: {  	v48 =	vld [tilespmem:$0x37D0]  }
0x162: {  	v46 =	vld.msk [tilespmem:$0xC60 ss:$0x0], $0xffff  }
0x163: {  	v50 =	vld [tilespmem:$0x4430];
	v51 =	vmul.f32 v36, v44  }
0x164: {  	v49 =	vld [tilespmem:$0x3E00];
	v52 =	vmul.f32 v40, v45;
	v56 =	vmul.f32 v37, v44  }
0x165: {  	v54 =	vld.msk [tilespmem:$0x18C0 ss:$0x0], $0xffff;
	v57 =	vmul.f32 v41, v45;
	v58 =	vmul.f32 v39, v44  }
0x166: {  	v55 =	vld.msk [tilespmem:$0x1EF0 ss:$0x0], $0xffff;
	v59 =	vmul.f32 v47, v45;
	v44 =	vmul.f32 v38, v44  }
0x167: {  	v60 =	vld.msk [tilespmem:$0x1290 ss:$0x0], $0xffff;
	v45 =	vmul.f32 v42, v45;
	v63 =	vmul.f32 v48, v46  }
0x168: {  	v61 =	vmul.f32 v50, v46;
	v56 =	vadd.f32 v57, v56;
	v58 =	vadd.f32 v59, v58  }
0x169: {  	v53 =	vmul.f32 v43, v46;
	v51 =	vadd.f32 v52, v51;
	v52 =	vld.msk [tilespmem:$0x2520 ss:$0x0], $0xffff;
	v44 =	vadd.f32 v45, v44  }
0x16a: {  	v62 =	vmul.f32 v49, v46;
	v57 =	vld.msk [tilespmem:$0x3180 ss:$0x0], $0xffff;
	v46 =	vadd.f32 v63, v56;
	v63 =	vadd.f32 v61, v58  }
0x16b: {  	v45 =	vmul.f32 v40, v55;
	v59 =	vld.msk [tilespmem:$0x37B0 ss:$0x0], $0xffff;
	v51 =	vadd.f32 v53, v51;
	v56 =	vmul.f32 v36, v54  }
0x16c: {  	v61 =	vmul.f32 v41, v55;
	v53 =	vadd.f32 v63, v60;
	v60 =	vmul.f32 v37, v54  }
0x16d: {  	v45 =	vadd.f32 v45, v56;
	v56 =	vmul.f32 v39, v54;
	v63 =	vmul.f32 v47, v55  }
0x16e: {  	v54 =	vmul.f32 v38, v54;
	v55 =	vmul.f32 v42, v55  }
0x16f: {  	v58 =	vmul.f32 v43, v52;
	v36 =	vmul.f32 v36, v57  }
0x170: {  	v44 =	vadd.f32 v62, v44;
	v62 =	vld.msk [tilespmem:$0x3DE0 ss:$0x0], $0xffff;
	v40 =	vmul.f32 v40, v59;
	v37 =	vmul.f32 v37, v57  }
0x171: {  	v41 =	vmul.f32 v41, v59;
	v39 =	vmul.f32 v39, v57  }
0x172: {  	v1 =	vld.msk [tilespmem:$0x2B50 ss:$0x0], $0xffff;
	v38 =	vmul.f32 v38, v57;
	v60 =	vadd.f32 v61, v60;
	v61 =	vmul.f32 v48, v52  }
0x173: {  	v56 =	vadd.f32 v63, v56;
	v63 =	vmul.f32 v50, v52;
	v45 =	vadd.f32 v58, v45;
	v58 =	vld.msk [tilespmem:$0x4410 ss:$0x0], $0xffff;
	[tilespmem:$0x4AA0] =	vst v51  }
0x174: {  	v54 =	vadd.f32 v55, v54;
	v52 =	vmul.f32 v49, v52;
	v55 =	vmul.f32 v42, v59;
	[tilespmem:$0x50D0] =	vst v46  }
0x175: {  	v43 =	vmul.f32 v43, v62;
	[tilespmem:$0x5700] =	vst v44;
	v36 =	vadd.f32 v40, v36;
	v61 =	vadd.f32 v61, v60  }
0x176: {  	[tilespmem:$0x5D30] =	vst v53;
	v63 =	vadd.f32 v63, v56;
	v52 =	vadd.f32 v52, v54;
	v54 =	vmul.f32 v47, v59  }
0x177: {  	v37 =	vadd.f32 v41, v37;
	v57 =	vmul.f32 v50, v62;
	v56 =	vmul.f32 v48, v62;
	[tilespmem:$0x6360] =	vst v45  }
0x178: {  	v59 =	vmul.f32 v49, v62;
	v62 =	vld [tilespmem:$0x1FFF0];
	v1 =	vadd.f32 v63, v1;
	[tilespmem:$0x6990] =	vst v61;
	v39 =	vadd.f32 v54, v39  }
0x179: {  	v38 =	vadd.f32 v55, v38;
	v36 =	vadd.f32 v43, v36;
	[tilespmem:$0x6FC0] =	vst v52  }
0x17a: {  	[tilespmem:$0x75F0] =	vst v1;
	v1 =	vadd.f32 v56, v37;
	v60 =	vadd.f32 v57, v39  }
0x17b: {  	v61 =	vadd.f32 v59, v38;
	[tilespmem:$0x7C20] =	vst v36  }
0x17c: {  	[tilespmem:$0x8250] =	vst v1;
	v1 =	vadd.f32 v60, v58  }
0x17d: {  	[tilespmem:$0x8880] =	vst v61  }
0x17e: {  	[tilespmem:$0x8EB0] =	vst v1  }
0x17f: {  	v1 =	vld.idx.msk [tilespmem:v0+s28+$0x0], $0xffff  }
0x180: {  	v36 =	vld.idx.msk [tilespmem:v62+s28+$0x0], $0xffff  }
0x181: {  	v37 =	vld.idx.msk [tilespmem:v2+s28+$0x0], $0xffff  }
0x182: {  	v38 =	vld.idx.msk [tilespmem:v4+s28+$0x0], $0xffff  }
0x183: {  	v39 =	vld [tilespmem:s5+$0x20]  }
0x184: {  	v40 =	vld [tilespmem:s5+$0x650]  }
0x185: {  	v41 =	vld [tilespmem:s5+$0xC80]  }
0x186: {  	v42 =	vld [tilespmem:s5+$0x12B0]  }
0x187: {  	v43 =	vld [tilespmem:s5+$0x18E0]  }
0x188: {  	v44 =	vld [tilespmem:s5+$0x1F10]  }
0x189: {  	v45 =	vld [tilespmem:s5+$0x31A0]  }
0x18a: {  	v46 =	vld [tilespmem:s5+$0x2540]  }
0x18b: {  	v47 =	vld [tilespmem:s5+$0x2B70]  }
0x18c: {  	v57 =	vld.idx.msk [tilespmem:v6+s28+$0x0], $0xffff  }
0x18d: {  	v48 =	vld [tilespmem:s5+$0x37D0];
	v63 =	vmul.f32 v39, v1  }
0x18e: {  	v49 =	vld [tilespmem:s5+$0x4430];
	v60 =	vmul.f32 v43, v36;
	v53 =	vmul.f32 v45, v37  }
0x18f: {  	v54 =	vld.idx.msk [tilespmem:v5+s28+$0x0], $0xffff;
	v55 =	vmul.f32 v40, v1;
	v61 =	vmul.f32 v44, v36  }
0x190: {  	v51 =	vld [tilespmem:s5+$0x3E00];
	v62 =	vmul.f32 v42, v1;
	v1 =	vmul.f32 v41, v1  }
0x191: {  	v56 =	vmul.f32 v45, v57;
	v50 =	vadd.f32 v60, v63;
	v63 =	vmul.f32 v47, v36  }
0x192: {  	v55 =	vadd.f32 v61, v55;
	v36 =	vmul.f32 v46, v36;
	v61 =	vmul.f32 v48, v37  }
0x193: {  	v60 =	vld.idx.msk [tilespmem:v3+s28+$0x0], $0xffff;
	v52 =	vadd.f32 v63, v62;
	v62 =	vmul.f32 v49, v37;
	v50 =	vadd.f32 v53, v50  }
0x194: {  	v58 =	vld.idx.msk [tilespmem:v10+s28+$0x0], $0xffff;
	v1 =	vadd.f32 v36, v1;
	v53 =	vmul.f32 v39, v38;
	v36 =	vmul.f32 v43, v54  }
0x195: {  	v59 =	vmul.f32 v40, v38;
	v63 =	vmul.f32 v51, v37;
	v37 =	vadd.f32 v61, v55;
	v55 =	vld.idx.msk [tilespmem:v9+s28+$0x0], $0xffff  }
0x196: {  	v52 =	vadd.f32 v62, v52;
	v36 =	vadd.f32 v36, v53;
	v53 =	vmul.f32 v42, v38  }
0x197: {  	s13 =	rddreg [dreg:$0x3];
	v1 =	vadd.f32 v63, v1;
	v62 =	vmul.f32 v47, v54;
	v38 =	vmul.f32 v41, v38  }
0x198: {  	s16 =	sld [smem:$0x7E4];
	v61 =	vld.idx.msk [tilespmem:v11+s28+$0x0], $0xffff;
	v52 =	vadd.f32 v52, v60;
	v60 =	vmul.f32 v44, v54;
	v54 =	vmul.f32 v46, v54  }
0x199: {  	s18 =	sld [smem:$0x7E5];
	v63 =	vld.idx.msk [tilespmem:v7+s28+$0x0], $0xffff;
	v53 =	vadd.f32 v62, v53;
	v62 =	vmul.f32 v49, v57;
	v36 =	vadd.f32 v56, v36  }
0x19a: {  	s20 =	sld [smem:$0x7E6];
	v56 =	vld.idx.msk [tilespmem:v12+s28+$0x0], $0xffff;
	[tilespmem:s13+$0x4A80] =	vst v50;
	v44 =	vmul.f32 v44, v58;
	v39 =	vmul.f32 v39, v55  }
0x19b: {  	[tilespmem:s16+$0x4A80] =	vst v37;
	v40 =	vmul.f32 v40, v55;
	v59 =	vadd.f32 v60, v59;
	v60 =	vmul.f32 v48, v57  }
0x19c: {  	[tilespmem:s18+$0x4A80] =	vst v1;
	v38 =	vadd.f32 v54, v38;
	v54 =	vmul.f32 v51, v57;
	v53 =	vadd.f32 v62, v53  }
0x19d: {  	s6 =	sld [smem:$0x7E7];
	[tilespmem:s20+$0x4A80] =	vst v52;
	v62 =	vmul.f32 v42, v55;
	v52 =	vadd.f32 v44, v40;
	v57 =	vadd.f32 v60, v59  }
0x19e: {  	s13 =	sld [smem:$0x7E8];
	v59 =	vmul.f32 v43, v58;
	v1 =	vadd.f32 v53, v63;
	v63 =	vmul.f32 v47, v58  }
0x19f: {  	s18 =	sld [smem:$0x7EA];
	v37 =	vadd.f32 v54, v38;
	v53 =	vmul.f32 v41, v55;
	v54 =	vmul.f32 v46, v58  }
0x1a0: {  	s16 =	sld [smem:$0x7E9];
	[tilespmem:s6+$0x4A80] =	vst v36;
	v60 =	vmul.f32 v45, v61;
	v55 =	vmul.f32 v48, v61;
	v38 =	vadd.f32 v59, v39  }
0x1a1: {  	s6 =	sld [smem:$0x7EC];
	[tilespmem:s13+$0x4A80] =	vst v57;
	v39 =	vadd.f32 v63, v62;
	v57 =	vmul.f32 v49, v61;
	v59 =	vadd.f32 v54, v53  }
0x1a2: {  	s20 =	sld [smem:$0x7EB];
	[tilespmem:s18+$0x4A80] =	vst v1;
	v1 =	vadd.f32 v55, v52;
	v58 =	vadd.f32 v60, v38;
	v60 =	vmul.f32 v51, v61  }
0x1a3: {  	[tilespmem:s16+$0x4A80] =	vst v37;
	s13 =	sld [smem:$0x7ED];
	v61 =	vadd.f32 v57, v39  }
0x1a4: {  	s16 =	sld [smem:$0x7EE];
	[tilespmem:s6+$0x4A80] =	vst v1;
	v62 =	vadd.f32 v60, v59  }
0x1a5: {  	[tilespmem:s20+$0x4A80] =	vst v58;
	v1 =	vadd.f32 v61, v56  }
0x1a6: {  	[tilespmem:s13+$0x4A80] =	vst v62  }
0x1a7: {  	[tilespmem:s16+$0x4A80] =	vst v1  }
0x1a8: {  	v1 =	vld.idx.msk [tilespmem:v8+s28+$0x0], $0xffff  }
0x1a9: {  	v36 =	vld.idx.msk [tilespmem:v13+s28+$0x0], $0xffff  }
0x1aa: {  	v37 =	vld.idx.msk [tilespmem:v14+s28+$0x0], $0xffff  }
0x1ab: {  	v38 =	vld.idx.msk [tilespmem:v16+s28+$0x0], $0xffff  }
0x1ac: {  	v39 =	vld [tilespmem:s5+$0x30]  }
0x1ad: {  	v40 =	vld [tilespmem:s5+$0x660]  }
0x1ae: {  	v41 =	vld [tilespmem:s5+$0xC90]  }
0x1af: {  	v42 =	vld [tilespmem:s5+$0x12C0]  }
0x1b0: {  	v43 =	vld [tilespmem:s5+$0x18F0]  }
0x1b1: {  	v44 =	vld [tilespmem:s5+$0x1F20]  }
0x1b2: {  	v45 =	vld [tilespmem:s5+$0x31B0]  }
0x1b3: {  	v46 =	vld [tilespmem:s5+$0x2550]  }
0x1b4: {  	v47 =	vld [tilespmem:s5+$0x2B80]  }
0x1b5: {  	v57 =	vld.idx.msk [tilespmem:v18+s28+$0x0], $0xffff  }
0x1b6: {  	v48 =	vld [tilespmem:s5+$0x37E0];
	v63 =	vmul.f32 v39, v1  }
0x1b7: {  	v49 =	vld [tilespmem:s5+$0x4440];
	v60 =	vmul.f32 v43, v36;
	v53 =	vmul.f32 v45, v37  }
0x1b8: {  	v54 =	vld.idx.msk [tilespmem:v17+s28+$0x0], $0xffff;
	v55 =	vmul.f32 v40, v1;
	v61 =	vmul.f32 v44, v36  }
0x1b9: {  	v51 =	vld [tilespmem:s5+$0x3E10];
	v62 =	vmul.f32 v42, v1;
	v1 =	vmul.f32 v41, v1  }
0x1ba: {  	v56 =	vmul.f32 v45, v57;
	v50 =	vadd.f32 v60, v63;
	v63 =	vmul.f32 v47, v36  }
0x1bb: {  	v55 =	vadd.f32 v61, v55;
	v36 =	vmul.f32 v46, v36;
	v61 =	vmul.f32 v48, v37  }
0x1bc: {  	v60 =	vld.idx.msk [tilespmem:v15+s28+$0x0], $0xffff;
	v52 =	vadd.f32 v63, v62;
	v62 =	vmul.f32 v49, v37;
	v50 =	vadd.f32 v53, v50  }
0x1bd: {  	v58 =	vld.idx.msk [tilespmem:v22+s28+$0x0], $0xffff;
	v1 =	vadd.f32 v36, v1;
	v53 =	vmul.f32 v39, v38;
	v36 =	vmul.f32 v43, v54  }
0x1be: {  	v59 =	vmul.f32 v40, v38;
	v63 =	vmul.f32 v51, v37;
	v37 =	vadd.f32 v61, v55;
	v55 =	vld.idx.msk [tilespmem:v21+s28+$0x0], $0xffff  }
0x1bf: {  	v52 =	vadd.f32 v62, v52;
	v36 =	vadd.f32 v36, v53;
	v53 =	vmul.f32 v42, v38  }
0x1c0: {  	v1 =	vadd.f32 v63, v1;
	v62 =	vmul.f32 v47, v54;
	v38 =	vmul.f32 v41, v38  }
0x1c1: {  	v61 =	vld.idx.msk [tilespmem:v23+s28+$0x0], $0xffff;
	v52 =	vadd.f32 v52, v60;
	v60 =	vmul.f32 v44, v54;
	v54 =	vmul.f32 v46, v54  }
0x1c2: {  	s18 =	sld [smem:$0x7F2];
	v53 =	vadd.f32 v62, v53;
	v62 =	vmul.f32 v49, v57;
	v36 =	vadd.f32 v56, v36  }
0x1c3: {  	s20 =	sld [smem:$0x7F3];
	v63 =	vld.idx.msk [tilespmem:v19+s28+$0x0], $0xffff;
	v44 =	vmul.f32 v44, v58;
	v40 =	vmul.f32 v40, v55;
	v59 =	vadd.f32 v60, v59  }
0x1c4: {  	s6 =	sld [smem:$0x7F4];
	v60 =	vmul.f32 v48, v57;
	v38 =	vadd.f32 v54, v38;
	v54 =	vld.idx.msk [tilespmem:v24+s28+$0x0], $0xffff;
	[tilespmem:s31+$0x4A80] =	vst v50  }
0x1c5: {  	s13 =	sld [smem:$0x7F5];
	v56 =	vmul.f32 v51, v57;
	v39 =	vmul.f32 v39, v55;
	v53 =	vadd.f32 v62, v53;
	[tilespmem:s18+$0x4A80] =	vst v37  }
0x1c6: {  	v57 =	vmul.f32 v45, v61;
	[tilespmem:s20+$0x4A80] =	vst v1;
	s18 =	sld [smem:$0x7F7];
	v62 =	vadd.f32 v44, v40;
	v50 =	vadd.f32 v60, v59  }
0x1c7: {  	[tilespmem:s6+$0x4A80] =	vst v52;
	s20 =	sld [smem:$0x7F8];
	v37 =	vadd.f32 v56, v38;
	v56 =	vmul.f32 v43, v58;
	v59 =	vmul.f32 v42, v55  }
0x1c8: {  	[tilespmem:s13+$0x4A80] =	vst v36;
	v1 =	vadd.f32 v53, v63;
	v60 =	vmul.f32 v47, v58;
	v53 =	vmul.f32 v48, v61  }
0x1c9: {  	s16 =	sld [smem:$0x7F6];
	v52 =	vmul.f32 v46, v58;
	v63 =	vmul.f32 v41, v55;
	v38 =	vadd.f32 v56, v39;
	[tilespmem:s18+$0x4A80] =	vst v37  }
0x1ca: {  	s13 =	sld [smem:$0x7FA];
	v55 =	vmul.f32 v49, v61;
	v39 =	vadd.f32 v60, v59;
	[tilespmem:s20+$0x4A80] =	vst v1;
	v1 =	vadd.f32 v53, v62  }
0x1cb: {  	s6 =	sld [smem:$0x7F9];
	v58 =	vmul.f32 v51, v61;
	v56 =	vadd.f32 v57, v38;
	v57 =	vadd.f32 v52, v63  }
0x1cc: {  	[tilespmem:s16+$0x4A80] =	vst v50;
	s16 =	sld [smem:$0x7FB];
	v59 =	vadd.f32 v55, v39  }
0x1cd: {  	s18 =	sld [smem:$0x7FC];
	[tilespmem:s13+$0x4A80] =	vst v1;
	v60 =	vadd.f32 v58, v57  }
0x1ce: {  	[tilespmem:s6+$0x4A80] =	vst v56;
	v1 =	vadd.f32 v59, v54  }
0x1cf: {  	[tilespmem:s16+$0x4A80] =	vst v60  }
0x1d0: {  	[tilespmem:s18+$0x4A80] =	vst v1  }
0x1d1: {  	v1 =	vld.idx.msk [tilespmem:v20+s28+$0x0], $0xffff  }
0x1d2: {  	v36 =	vld.idx.msk [tilespmem:v25+s28+$0x0], $0xffff  }
0x1d3: {  	v37 =	vld.idx.msk [tilespmem:v26+s28+$0x0], $0xffff  }
0x1d4: {  	v38 =	vld.idx.msk [tilespmem:v28+s28+$0x0], $0xffff  }
0x1d5: {  	v39 =	vld [tilespmem:s7+$0x420]  }
0x1d6: {  	v40 =	vld [tilespmem:s7+$0xA50]  }
0x1d7: {  	v41 =	vld [tilespmem:s17+$0x0]  }
0x1d8: {  	v42 =	vld [tilespmem:s7+$0x16B0]  }
0x1d9: {  	v43 =	vld [tilespmem:s7+$0x1CE0]  }
0x1da: {  	v44 =	vld [tilespmem:s7+$0x2310]  }
0x1db: {  	v45 =	vld [tilespmem:s7+$0x35A0]  }
0x1dc: {  	v46 =	vld [tilespmem:s7+$0x2940]  }
0x1dd: {  	v47 =	vld [tilespmem:s7+$0x2F70]  }
0x1de: {  	v59 =	vld.idx.msk [tilespmem:v32+s28+$0x0], $0xffff  }
0x1df: {  	v48 =	vld [tilespmem:s7+$0x3BD0]  }
0x1e0: {  	v49 =	vld [tilespmem:s19+$0x0];
	v61 =	vmul.f32 v39, v1;
	v62 =	vmul.f32 v43, v36  }
0x1e1: {  	v52 =	vld [tilespmem:s7+$0x4830];
	v53 =	vmul.f32 v45, v37;
	v63 =	vmul.f32 v40, v1  }
0x1e2: {  	v54 =	vld.idx.msk [tilespmem:v29+s28+$0x0], $0xffff;
	v60 =	vmul.f32 v44, v36;
	v55 =	vmul.f32 v40, v38  }
0x1e3: {  	v56 =	vld.idx.msk [tilespmem:v30+s28+$0x0], $0xffff;
	v40 =	vmul.f32 v40, v59;
	v50 =	vadd.f32 v62, v61;
	v61 =	vmul.f32 v41, v1  }
0x1e4: {  	v58 =	vld.idx.msk [tilespmem:v33+s28+$0x0], $0xffff;
	v62 =	vmul.f32 v46, v36;
	v1 =	vmul.f32 v42, v1  }
0x1e5: {  	v36 =	vmul.f32 v47, v36;
	v51 =	vadd.f32 v60, v63;
	v63 =	vmul.f32 v48, v37  }
0x1e6: {  	v60 =	vmul.f32 v49, v37;
	v50 =	vadd.f32 v53, v50;
	v53 =	vld.idx.msk [tilespmem:v27+s28+$0x0], $0xffff;
	v57 =	vadd.f32 v62, v61  }
0x1e7: {  	v1 =	vadd.f32 v36, v1;
	v61 =	vmul.f32 v52, v37;
	v62 =	vmul.f32 v39, v38  }
0x1e8: {  	v37 =	vadd.f32 v63, v51;
	v63 =	vmul.f32 v43, v54;
	v36 =	vmul.f32 v45, v56  }
0x1e9: {  	v39 =	vmul.f32 v39, v59;
	v43 =	vmul.f32 v43, v58;
	v1 =	vadd.f32 v61, v1  }
0x1ea: {  	v57 =	vadd.f32 v60, v57;
	v51 =	vadd.f32 v63, v62;
	v60 =	vmul.f32 v44, v54  }
0x1eb: {  	v61 =	vmul.f32 v46, v54;
	v1 =	vadd.f32 v1, v53;
	v53 =	vmul.f32 v41, v38  }
0x1ec: {  	v54 =	vmul.f32 v47, v54;
	v36 =	vadd.f32 v36, v51;
	v51 =	vld.idx.msk [tilespmem:v34+s28+$0x0], $0xffff;
	v38 =	vmul.f32 v42, v38  }
0x1ed: {  	v55 =	vadd.f32 v60, v55;
	v60 =	vld.idx.msk [tilespmem:v31+s28+$0x0], $0xffff;
	v53 =	vadd.f32 v61, v53;
	v61 =	vmul.f32 v48, v56  }
0x1ee: {  	v38 =	vadd.f32 v54, v38;
	v54 =	vmul.f32 v49, v56;
	v56 =	vmul.f32 v52, v56  }
0x1ef: {  	v62 =	vmul.f32 v47, v58;
	v55 =	vadd.f32 v61, v55;
	v61 =	vld.idx.msk [tilespmem:v35+s28+$0x0], $0xffff;
	[tilespmem:s8+$0x4A80] =	vst v50  }
0x1f0: {  	v46 =	vmul.f32 v46, v58;
	v50 =	vadd.f32 v54, v53;
	v38 =	vadd.f32 v56, v38;
	[tilespmem:s12+$0x4A80] =	vst v37  }
0x1f1: {  	v53 =	vadd.f32 v43, v39;
	v54 =	vmul.f32 v45, v51;
	v56 =	vmul.f32 v44, v58;
	[tilespmem:s14+$0x4A80] =	vst v1  }
0x1f2: {  	[tilespmem:s21+$0x4A80] =	vst v36;
	v45 =	vmul.f32 v41, v59;
	v38 =	vadd.f32 v38, v60;
	v60 =	vmul.f32 v42, v59  }
0x1f3: {  	v47 =	vmul.f32 v52, v51;
	[tilespmem:s17+$0x4A80] =	vst v57;
	v57 =	vmul.f32 v48, v51;
	v1 =	vadd.f32 v54, v53  }
0x1f4: {  	v48 =	vmov s2;
	v63 =	vadd.f32 v56, v40;
	[tilespmem:s23+$0x4A80] =	vst v55;
	v37 =	vadd.f32 v62, v60  }
0x1f5: {  	[tilespmem:s26+$0x4A80] =	vst v50;
	v40 =	vadd.f32 v46, v45;
	v50 =	vmul.f32 v49, v51;
	v42 =	vshrl.u32 v48, $0x5  }
0x1f6: {  	v51 =	vadd.s32 $0xFFFFFFFF, v42;
	[tilespmem:s30+$0x4A80] =	vst v38;
	v36 =	vadd.f32 v57, v63;
	v37 =	vadd.f32 v47, v37  }
0x1f7: {  	[tilespmem:s1+$0x4A80] =	vst v1;
	v1 =	vadd.f32 v50, v40;
	v38 =	vbroadcast v51, $0x0  }
0x1f8: {  	[tilespmem:s15+$0x4A80] =	vst v36;
	v52 =	vadd.f32 v37, v61  }
0x1f9: {  	[tilespmem:s19+$0x4A80] =	vst v1;
	v1 =	vadd.s32 $0x3DE0, v38  }
0x1fa: {  	s0 =	simm.s32 $0x0;
	v53 =	vadd.s32 $0x18C0, v38;
	[tilespmem:s24+$0x4A80] =	vst v52  }
0x1fb: {  	v54 =	vadd.s32 $0x37B0, v38;
	v42 =	vld [tilespmem:s0+$0x9900]  }
0x1fc: {  	v55 =	vadd.s32 $0x1EF0, v38;
	v44 =	vld [tilespmem:s0+$0x9500]  }
0x1fd: {  	v56 =	vadd.s32 $0x3180, v38;
	v45 =	vld [tilespmem:s0+$0x9D00]  }
0x1fe: {  	v1 =	vld.idx.msk [tilespmem:v1+s28+$0x0], $0xffff  }
0x1ff: {  	s20 =	sadd.s32 $0x10, s2;
	v57 =	vadd.s32 $0x630, v38;
	v46 =	vld.idx.msk [tilespmem:v53+s28+$0x0], $0xffff  }
0x200: {  	v59 =	vmov s20;
	v58 =	vadd.s32 $0x2520, v38;
	v47 =	vld.idx.msk [tilespmem:v54+s28+$0x0], $0xffff  }
0x201: {  	v48 =	vadd.s32 $0xC60, v38;
	v36 =	vshrl.u32 v59, $0x5;
	v49 =	vld.idx.msk [tilespmem:v55+s28+$0x0], $0xffff  }
0x202: {  	v36 =	vadd.s32 $0xFFFFFFFF, v36;
	v50 =	vld.idx.msk [tilespmem:v56+s28+$0x0], $0xffff  }
0x203: {  	v51 =	vadd.s32 $0x4410, v38;
	v36 =	vbroadcast v36, $0x0;
	v52 =	vld.idx.msk [tilespmem:v38+s28+$0x0], $0xffff  }
0x204: {  	v60 =	vadd.s32 $0x2B50, v38;
	v61 =	vld.idx.msk [tilespmem:v57+s28+$0x0], $0xffff  }
0x205: {  	v62 =	vadd.s32 $0x1290, v38;
	v37 =	vadd.s32 $0x630, v36;
	v39 =	vadd.s32 $0x18C0, v36;
	v63 =	vld.idx.msk [tilespmem:v58+s28+$0x0], $0xffff  }
0x206: {  	v40 =	vadd.s32 $0x1EF0, v36;
	v41 =	vadd.s32 $0x3180, v36;
	v48 =	vld.idx.msk [tilespmem:v48+s28+$0x0], $0xffff;
	v1 =	vmul.f32 v45, v1  }
0x207: {  	v43 =	vadd.s32 $0x37B0, v36;
	v47 =	vmul.f32 v42, v47;
	v50 =	vmul.f32 v44, v50  }
0x208: {  	v38 =	vadd.s32 $0xC60, v36;
	v51 =	vld.idx.msk [tilespmem:v51+s28+$0x0], $0xffff;
	v46 =	vmul.f32 v44, v46;
	v49 =	vmul.f32 v42, v49  }
0x209: {  	v53 =	vld.idx.msk [tilespmem:v60+s28+$0x0], $0xffff;
	v44 =	vmul.f32 v44, v52;
	v57 =	vmul.f32 v42, v61;
	v47 =	vadd.f32 v47, v50  }
0x20a: {  	v58 =	vld.idx.msk [tilespmem:v62+s28+$0x0], $0xffff;
	v42 =	vadd.s32 $0x2B50, v36;
	v59 =	vmul.f32 v45, v63;
	v46 =	vadd.f32 v49, v46  }
0x20b: {  	s6 =	sadd.s32 $0x10, s20;
	v45 =	vmul.f32 v45, v48;
	v52 =	vadd.f32 v57, v44;
	v1 =	vadd.f32 v1, v47  }
0x20c: {  	s16 =	simm.s32 $0x10;
	v61 =	vmov s6;
	v48 =	vadd.s32 $0x1290, v36;
	v60 =	vadd.f32 v59, v46  }
0x20d: {  	v49 =	vadd.s32 $0x3DE0, v36;
	v44 =	vld [tilespmem:s16+$0x9900];
	v62 =	vadd.f32 v45, v52;
	v1 =	vadd.f32 v1, v51  }
0x20e: {  	v63 =	vshrl.u32 v61, $0x5;
	v50 =	vadd.s32 $0x4410, v36;
	v46 =	vld [tilespmem:s16+$0x9500];
	v52 =	vadd.f32 v60, v53  }
0x20f: {  	s13 =	simm.s32 $0x80;
	s18 =	simm.s32 $0xC0;
	v47 =	vadd.s32 $0x2520, v36;
	v45 =	vld [tilespmem:s16+$0x9D00];
	v51 =	vadd.s32 $0xFFFFFFFF, v63;
	v53 =	vadd.f32 v62, v58;
	[tilespmem:s0+$0xA900] =	vst v1  }
.LBB2_2:
0x210: {  	p1 =	sne.s32 s18, $0xFC0;
	v1 =	vbroadcast v51, $0x0;
	[tilespmem:s0+$0xA500] =	vst v52;
	s20 =	smov.u32 s18;
	s18 =	sadd.s32 $0x40, s18  }
0x211: {  	[tilespmem:s0+$0xA100] =	vst v53;
	s0 =	smov.u32 s16  }
0x212: {  	v51 =	vadd.s32 $0x630, v1;
	v52 =	vadd.s32 $0x18C0, v1;
	v49 =	vld.idx.msk [tilespmem:v49+s28+$0x0], $0xffff  }
0x213: {  	v53 =	vadd.s32 $0x1EF0, v1;
	v54 =	vadd.s32 $0x3180, v1;
	v55 =	vld.idx.msk [tilespmem:v39+s28+$0x0], $0xffff;
	v39 =	vmov v52  }
0x214: {  	v52 =	vadd.s32 $0xC60, v1;
	v56 =	vld.idx.msk [tilespmem:v43+s28+$0x0], $0xffff;
	v43 =	vadd.s32 $0x37B0, v1  }
0x215: {  	v57 =	vld.idx.msk [tilespmem:v40+s28+$0x0], $0xffff;
	v40 =	vmov v53  }
0x216: {  	v53 =	vadd.s32 $0x2B50, v1;
	v58 =	vld.idx.msk [tilespmem:v41+s28+$0x0], $0xffff;
	v41 =	vmov v54  }
0x217: {  	v54 =	vld.idx.msk [tilespmem:v36+s28+$0x0], $0xffff;
	v36 =	vmov v1  }
0x218: {  	v59 =	vmul.f32 v45, v49;
	v1 =	vld.idx.msk [tilespmem:v37+s28+$0x0], $0xffff;
	v37 =	vmov v51  }
0x219: {  	v49 =	vadd.s32 $0x3DE0, v36;
	v51 =	vmul.f32 v46, v55;
	v47 =	vld.idx.msk [tilespmem:v47+s28+$0x0], $0xffff  }
0x21a: {  	v56 =	vmul.f32 v44, v56;
	v55 =	vld.idx.msk [tilespmem:v38+s28+$0x0], $0xffff;
	v38 =	vmov v52  }
0x21b: {  	v52 =	vmul.f32 v44, v57  }
0x21c: {  	v57 =	vmul.f32 v46, v58;
	v50 =	vld.idx.msk [tilespmem:v50+s28+$0x0], $0xffff  }
0x21d: {  	v46 =	vmul.f32 v46, v54;
	v51 =	vadd.f32 v52, v51;
	v58 =	vld.idx.msk [tilespmem:v42+s28+$0x0], $0xffff;
	v42 =	vmov v53  }
0x21e: {  	v1 =	vmul.f32 v44, v1;
	v44 =	vadd.f32 v56, v57;
	v53 =	vld.idx.msk [tilespmem:v48+s28+$0x0], $0xffff  }
0x21f: {  	v48 =	vmul.f32 v45, v47  }
.Ltmp0:
0x220: {  	s16 =	sshra.s32 s13, $0x2;
	s13 =	smov.u32 s20;
	v1 =	vadd.f32 v1, v46;
	v45 =	vmul.f32 v45, v55;
	v52 =	vadd.f32 v59, v44;
	(pc) =	sbr.rel @p1 .LBB2_2-.Ltmp0, $4  }
0x221: {  	s6 =	sadd.s32 $0x10, s6;
	v47 =	vadd.s32 $0x2520, v36;
	v48 =	vadd.f32 v48, v51;
	v44 =	vld [tilespmem:s16+$0x9900]  }
0x222: {  	v51 =	vmov s6;
	v1 =	vadd.f32 v45, v1;
	v54 =	vadd.f32 v52, v50;
	v46 =	vld [tilespmem:s16+$0x9500]  }
0x223: {  	v51 =	vshrl.u32 v51, $0x5;
	v50 =	vadd.s32 $0x4410, v36;
	v52 =	vadd.f32 v48, v58;
	v45 =	vld [tilespmem:s16+$0x9D00]  }
0x224: {  	v51 =	vadd.s32 $0xFFFFFFFF, v51;
	v48 =	vadd.s32 $0x1290, v36;
	v53 =	vadd.f32 v1, v53;
	[tilespmem:s0+$0xA900] =	vst v54  }
0x225: {  	_ =	sdelay $0x1  }
0x226: {  	[tilespmem:s0+$0xA500] =	vst v52  }
0x227: {  	[tilespmem:s0+$0xA100] =	vst v53  }
0x228: {  	v1 =	vld.idx.msk [tilespmem:v49+s28+$0x0], $0xffff  }
0x229: {  	v39 =	vld.idx.msk [tilespmem:v39+s28+$0x0], $0xffff  }
0x22a: {  	v43 =	vld.idx.msk [tilespmem:v43+s28+$0x0], $0xffff  }
0x22b: {  	v40 =	vld.idx.msk [tilespmem:v40+s28+$0x0], $0xffff  }
0x22c: {  	v41 =	vld.idx.msk [tilespmem:v41+s28+$0x0], $0xffff  }
0x22d: {  	v36 =	vld.idx.msk [tilespmem:v36+s28+$0x0], $0xffff  }
0x22e: {  	v37 =	vld.idx.msk [tilespmem:v37+s28+$0x0], $0xffff  }
0x22f: {  	v47 =	vld.idx.msk [tilespmem:v47+s28+$0x0], $0xffff  }
0x230: {  	v38 =	vld.idx.msk [tilespmem:v38+s28+$0x0], $0xffff  }
0x231: {  	v1 =	vmul.f32 v45, v1  }
0x232: {  	v43 =	vmul.f32 v44, v43;
	v41 =	vmul.f32 v46, v41  }
0x233: {  	v59 =	vld.idx.msk [tilespmem:v50+s28+$0x0], $0xffff;
	v39 =	vmul.f32 v46, v39;
	v40 =	vmul.f32 v44, v40  }
0x234: {  	v42 =	vld.idx.msk [tilespmem:v42+s28+$0x0], $0xffff;
	v36 =	vmul.f32 v46, v36;
	v37 =	vmul.f32 v44, v37;
	v41 =	vadd.f32 v43, v41  }
0x235: {  	v60 =	vld.idx.msk [tilespmem:v48+s28+$0x0], $0xffff;
	v61 =	vmul.f32 v45, v47;
	v62 =	vmul.f32 v45, v38;
	v39 =	vadd.f32 v40, v39  }
0x236: {  	v43 =	vbroadcast v51, $0x0;
	v36 =	vadd.f32 v37, v36;
	v1 =	vadd.f32 v1, v41  }
0x237: {  	s18 =	sshra.s32 s13, $0x2;
	v39 =	vadd.f32 v61, v39  }
0x238: {  	v63 =	vld [tilespmem:s18+$0x9900];
	v51 =	vadd.s32 $0x18C0, v43;
	v36 =	vadd.f32 v62, v36;
	v1 =	vadd.f32 v1, v59  }
0x239: {  	v52 =	vld [tilespmem:s18+$0x9500];
	v53 =	vadd.s32 $0x37B0, v43;
	v39 =	vadd.f32 v39, v42  }
0x23a: {  	v54 =	vld [tilespmem:s18+$0x9D00];
	v55 =	vadd.s32 $0x1EF0, v43;
	v36 =	vadd.f32 v36, v60;
	[tilespmem:s16+$0xA900] =	vst v1  }
0x23b: {  	[tilespmem:s16+$0xA500] =	vst v39  }
0x23c: {  	v56 =	vadd.s32 $0x630, v43;
	[tilespmem:s16+$0xA100] =	vst v36  }
0x23d: {  	v59 =	vadd.s32 $0xC60, v43;
	v39 =	vld.idx.msk [tilespmem:v51+s28+$0x0], $0xffff  }
0x23e: {  	v1 =	vadd.s32 $0x3180, v43;
	v37 =	vld.idx.msk [tilespmem:v53+s28+$0x0], $0xffff  }
0x23f: {  	v58 =	vadd.s32 $0x2520, v43;
	v42 =	vld.idx.msk [tilespmem:v55+s28+$0x0], $0xffff  }
0x240: {  	v57 =	vadd.s32 $0x3DE0, v43;
	v60 =	vld.idx.msk [tilespmem:v43+s28+$0x0], $0xffff  }
0x241: {  	v36 =	vld.idx.msk [tilespmem:v56+s28+$0x0], $0xffff  }
0x242: {  	v61 =	vadd.s32 $0x4410, v43;
	v62 =	vadd.s32 $0x2B50, v43;
	v43 =	vadd.s32 $0x1290, v43;
	v46 =	vld.idx.msk [tilespmem:v59+s28+$0x0], $0xffff  }
0x243: {  	v1 =	vld.idx.msk [tilespmem:v1+s28+$0x0], $0xffff  }
0x244: {  	v41 =	vld.idx.msk [tilespmem:v58+s28+$0x0], $0xffff  }
0x245: {  	v40 =	vld.idx.msk [tilespmem:v57+s28+$0x0], $0xffff;
	v39 =	vmul.f32 v52, v39  }
0x246: {  	v44 =	vmul.f32 v52, v60;
	v36 =	vmul.f32 v63, v36  }
0x247: {  	v37 =	vmul.f32 v63, v37;
	v42 =	vmul.f32 v63, v42;
	v50 =	vld.idx.msk [tilespmem:v43+s28+$0x0], $0xffff  }
0x248: {  	v47 =	vld.idx.msk [tilespmem:v62+s28+$0x0], $0xffff;
	v36 =	vadd.f32 v36, v44;
	v51 =	vmul.f32 v54, v46;
	v1 =	vmul.f32 v52, v1  }
0x249: {  	v48 =	vld.idx.msk [tilespmem:v61+s28+$0x0], $0xffff;
	v41 =	vmul.f32 v54, v41;
	v49 =	vadd.f32 v42, v39  }
0x24a: {  	v63 =	vmul.f32 v54, v40;
	v36 =	vadd.f32 v51, v36;
	v1 =	vadd.f32 v37, v1  }
0x24b: {  	v52 =	vmov s10;
	v37 =	vadd.f32 v41, v49  }
0x24c: {  	v38 =	vshrl.u32 v52, $0x5;
	v36 =	vadd.f32 v36, v50;
	v1 =	vadd.f32 v63, v1  }
0x24d: {  	v38 =	vadd.s32 $0xFFFFFFFF, v38;
	v37 =	vadd.f32 v37, v47  }
0x24e: {  	v38 =	vbroadcast v38, $0x0;
	[tilespmem:s18+$0xA100] =	vst v36;
	v1 =	vadd.f32 v1, v48  }
0x24f: {  	[tilespmem:s18+$0xA500] =	vst v37  }
0x250: {  	s0 =	simm.s32 $0x0;
	v53 =	vadd.s32 $0x18C0, v38;
	[tilespmem:s18+$0xA900] =	vst v1  }
0x251: {  	v54 =	vadd.s32 $0x37B0, v38;
	v42 =	vld [tilespmem:s0+$0xAF00]  }
0x252: {  	v55 =	vadd.s32 $0x1EF0, v38;
	v44 =	vld [tilespmem:s0+$0xAD00]  }
0x253: {  	v56 =	vadd.s32 $0x3180, v38;
	v45 =	vld [tilespmem:s0+$0xB100]  }
0x254: {  	v57 =	vadd.s32 $0x630, v38;
	v52 =	vld.idx.msk [tilespmem:v38+s28+$0x0], $0xffff  }
0x255: {  	s20 =	sadd.s32 $0x10, s10;
	v1 =	vadd.s32 $0x3DE0, v38;
	v46 =	vld.idx.msk [tilespmem:v53+s28+$0x0], $0xffff  }
0x256: {  	v59 =	vmov s20;
	v58 =	vadd.s32 $0x2520, v38;
	v47 =	vld.idx.msk [tilespmem:v54+s28+$0x0], $0xffff  }
0x257: {  	v36 =	vshrl.u32 v59, $0x5;
	v48 =	vadd.s32 $0xC60, v38;
	v60 =	vld.idx.msk [tilespmem:v55+s28+$0x0], $0xffff  }
0x258: {  	v36 =	vadd.s32 $0xFFFFFFFF, v36;
	v61 =	vld.idx.msk [tilespmem:v56+s28+$0x0], $0xffff  }
0x259: {  	v62 =	vadd.s32 $0x4410, v38;
	v36 =	vbroadcast v36, $0x0;
	v54 =	vld.idx.msk [tilespmem:v57+s28+$0x0], $0xffff  }
0x25a: {  	v63 =	vadd.s32 $0x2B50, v38;
	v1 =	vld.idx.msk [tilespmem:v1+s28+$0x0], $0xffff  }
0x25b: {  	v37 =	vadd.s32 $0x630, v36;
	v39 =	vadd.s32 $0x18C0, v36;
	v55 =	vadd.s32 $0x1290, v38;
	v56 =	vld.idx.msk [tilespmem:v58+s28+$0x0], $0xffff  }
0x25c: {  	v40 =	vadd.s32 $0x1EF0, v36;
	v41 =	vadd.s32 $0x3180, v36;
	v48 =	vld.idx.msk [tilespmem:v48+s28+$0x0], $0xffff;
	v47 =	vmul.f32 v42, v47  }
0x25d: {  	v43 =	vadd.s32 $0x37B0, v36;
	v50 =	vmul.f32 v44, v61;
	v46 =	vmul.f32 v44, v46  }
0x25e: {  	v38 =	vadd.s32 $0xC60, v36;
	v51 =	vld.idx.msk [tilespmem:v62+s28+$0x0], $0xffff;
	v49 =	vmul.f32 v42, v60;
	v44 =	vmul.f32 v44, v52  }
0x25f: {  	s16 =	sadd.s32 $0x10, s20;
	v53 =	vld.idx.msk [tilespmem:v63+s28+$0x0], $0xffff;
	v57 =	vmul.f32 v42, v54;
	v47 =	vadd.f32 v47, v50;
	v1 =	vmul.f32 v45, v1  }
0x260: {  	v58 =	vld.idx.msk [tilespmem:v55+s28+$0x0], $0xffff;
	v59 =	vmul.f32 v45, v56;
	v61 =	vmov s16;
	v46 =	vadd.f32 v49, v46  }
0x261: {  	v52 =	vadd.f32 v57, v44;
	v45 =	vmul.f32 v45, v48;
	v1 =	vadd.f32 v1, v47  }
0x262: {  	s6 =	simm.s32 $0x10;
	v42 =	vadd.s32 $0x2B50, v36;
	v63 =	vshrl.u32 v61, $0x5;
	v60 =	vadd.f32 v59, v46  }
0x263: {  	v49 =	vadd.s32 $0x3DE0, v36;
	v44 =	vld [tilespmem:s6+$0xAF00];
	v62 =	vadd.f32 v45, v52;
	v1 =	vadd.f32 v1, v51  }
0x264: {  	v50 =	vadd.s32 $0x4410, v36;
	v48 =	vadd.s32 $0x1290, v36;
	v46 =	vld [tilespmem:s6+$0xAD00];
	v52 =	vadd.f32 v60, v53  }
0x265: {  	s13 =	simm.s32 $0x80;
	s18 =	simm.s32 $0xC0;
	v47 =	vadd.s32 $0x2520, v36;
	v45 =	vld [tilespmem:s6+$0xB100];
	v51 =	vadd.s32 $0xFFFFFFFF, v63;
	v53 =	vadd.f32 v62, v58;
	[tilespmem:s0+$0xB700] =	vst v1  }
.LBB2_4:
0x266: {  	p1 =	sne.s32 s18, $0x7C0;
	v1 =	vbroadcast v51, $0x0;
	[tilespmem:s0+$0xB500] =	vst v52;
	s20 =	smov.u32 s18;
	s18 =	sadd.s32 $0x40, s18  }
0x267: {  	[tilespmem:s0+$0xB300] =	vst v53;
	s0 =	smov.u32 s6  }
0x268: {  	v51 =	vadd.s32 $0x630, v1;
	v52 =	vadd.s32 $0x18C0, v1;
	v49 =	vld.idx.msk [tilespmem:v49+s28+$0x0], $0xffff  }
0x269: {  	v53 =	vadd.s32 $0x1EF0, v1;
	v54 =	vadd.s32 $0x3180, v1;
	v55 =	vld.idx.msk [tilespmem:v39+s28+$0x0], $0xffff;
	v39 =	vmov v52  }
0x26a: {  	v52 =	vadd.s32 $0xC60, v1;
	v56 =	vld.idx.msk [tilespmem:v43+s28+$0x0], $0xffff;
	v43 =	vadd.s32 $0x37B0, v1  }
0x26b: {  	v57 =	vld.idx.msk [tilespmem:v40+s28+$0x0], $0xffff;
	v40 =	vmov v53  }
0x26c: {  	v53 =	vadd.s32 $0x2B50, v1;
	v58 =	vld.idx.msk [tilespmem:v41+s28+$0x0], $0xffff;
	v41 =	vmov v54  }
0x26d: {  	v54 =	vld.idx.msk [tilespmem:v36+s28+$0x0], $0xffff;
	v36 =	vmov v1  }
0x26e: {  	v59 =	vmul.f32 v45, v49;
	v1 =	vld.idx.msk [tilespmem:v37+s28+$0x0], $0xffff;
	v37 =	vmov v51  }
0x26f: {  	v49 =	vadd.s32 $0x3DE0, v36;
	v51 =	vmul.f32 v46, v55;
	v47 =	vld.idx.msk [tilespmem:v47+s28+$0x0], $0xffff  }
0x270: {  	v56 =	vmul.f32 v44, v56;
	v55 =	vld.idx.msk [tilespmem:v38+s28+$0x0], $0xffff;
	v38 =	vmov v52  }
0x271: {  	v52 =	vmul.f32 v44, v57  }
0x272: {  	v57 =	vmul.f32 v46, v58;
	v50 =	vld.idx.msk [tilespmem:v50+s28+$0x0], $0xffff  }
0x273: {  	v46 =	vmul.f32 v46, v54;
	v51 =	vadd.f32 v52, v51;
	v58 =	vld.idx.msk [tilespmem:v42+s28+$0x0], $0xffff;
	v42 =	vmov v53  }
0x274: {  	v1 =	vmul.f32 v44, v1;
	v44 =	vadd.f32 v56, v57;
	v53 =	vld.idx.msk [tilespmem:v48+s28+$0x0], $0xffff  }
0x275: {  	v48 =	vmul.f32 v45, v47  }
.Ltmp1:
0x276: {  	s6 =	sshra.s32 s13, $0x2;
	s13 =	smov.u32 s20;
	v1 =	vadd.f32 v1, v46;
	v45 =	vmul.f32 v45, v55;
	v52 =	vadd.f32 v59, v44;
	(pc) =	sbr.rel @p1 .LBB2_4-.Ltmp1, $4  }
0x277: {  	s16 =	sadd.s32 $0x10, s16;
	v47 =	vadd.s32 $0x2520, v36;
	v48 =	vadd.f32 v48, v51;
	v44 =	vld [tilespmem:s6+$0xAF00]  }
0x278: {  	v51 =	vmov s16;
	v1 =	vadd.f32 v45, v1;
	v54 =	vadd.f32 v52, v50;
	v46 =	vld [tilespmem:s6+$0xAD00]  }
0x279: {  	v51 =	vshrl.u32 v51, $0x5;
	v50 =	vadd.s32 $0x4410, v36;
	v52 =	vadd.f32 v48, v58;
	v45 =	vld [tilespmem:s6+$0xB100]  }
0x27a: {  	v51 =	vadd.s32 $0xFFFFFFFF, v51;
	v48 =	vadd.s32 $0x1290, v36;
	v53 =	vadd.f32 v1, v53;
	[tilespmem:s0+$0xB700] =	vst v54  }
0x27b: {  	_ =	sdelay $0x1  }
0x27c: {  	[tilespmem:s0+$0xB500] =	vst v52  }
0x27d: {  	[tilespmem:s0+$0xB300] =	vst v53  }
0x27e: {  	v1 =	vld.idx.msk [tilespmem:v49+s28+$0x0], $0xffff  }
0x27f: {  	v39 =	vld.idx.msk [tilespmem:v39+s28+$0x0], $0xffff  }
0x280: {  	v43 =	vld.idx.msk [tilespmem:v43+s28+$0x0], $0xffff  }
0x281: {  	v40 =	vld.idx.msk [tilespmem:v40+s28+$0x0], $0xffff  }
0x282: {  	v41 =	vld.idx.msk [tilespmem:v41+s28+$0x0], $0xffff  }
0x283: {  	v36 =	vld.idx.msk [tilespmem:v36+s28+$0x0], $0xffff  }
0x284: {  	v37 =	vld.idx.msk [tilespmem:v37+s28+$0x0], $0xffff  }
0x285: {  	v47 =	vld.idx.msk [tilespmem:v47+s28+$0x0], $0xffff  }
0x286: {  	v38 =	vld.idx.msk [tilespmem:v38+s28+$0x0], $0xffff  }
0x287: {  	v1 =	vmul.f32 v45, v1  }
0x288: {  	v43 =	vmul.f32 v44, v43;
	v41 =	vmul.f32 v46, v41  }
0x289: {  	v57 =	vld.idx.msk [tilespmem:v50+s28+$0x0], $0xffff;
	v39 =	vmul.f32 v46, v39;
	v40 =	vmul.f32 v44, v40  }
0x28a: {  	v42 =	vld.idx.msk [tilespmem:v42+s28+$0x0], $0xffff;
	v36 =	vmul.f32 v46, v36;
	v37 =	vmul.f32 v44, v37;
	v41 =	vadd.f32 v43, v41  }
0x28b: {  	v58 =	vld.idx.msk [tilespmem:v48+s28+$0x0], $0xffff;
	v59 =	vmul.f32 v45, v47;
	v60 =	vmul.f32 v45, v38;
	v39 =	vadd.f32 v40, v39  }
0x28c: {  	v43 =	vbroadcast v51, $0x0;
	v36 =	vadd.f32 v37, v36;
	v1 =	vadd.f32 v1, v41  }
0x28d: {  	s16 =	sshra.s32 s13, $0x2;
	v39 =	vadd.f32 v59, v39  }
0x28e: {  	v61 =	vld [tilespmem:s16+$0xAF00];
	v62 =	vadd.s32 $0x3DE0, v43;
	v36 =	vadd.f32 v60, v36;
	v1 =	vadd.f32 v1, v57  }
0x28f: {  	v63 =	vld [tilespmem:s16+$0xAD00];
	v51 =	vadd.s32 $0x18C0, v43;
	v39 =	vadd.f32 v39, v42  }
0x290: {  	v52 =	vld [tilespmem:s16+$0xB100];
	v53 =	vadd.s32 $0x37B0, v43;
	v36 =	vadd.f32 v36, v58;
	[tilespmem:s6+$0xB700] =	vst v1  }
0x291: {  	v54 =	vadd.s32 $0x3180, v43;
	[tilespmem:s6+$0xB500] =	vst v39  }
0x292: {  	[tilespmem:s6+$0xB300] =	vst v36  }
0x293: {  	v55 =	vadd.s32 $0x630, v43;
	v36 =	vld.idx.msk [tilespmem:v62+s28+$0x0], $0xffff  }
0x294: {  	v1 =	vadd.s32 $0x1EF0, v43;
	v37 =	vld.idx.msk [tilespmem:v51+s28+$0x0], $0xffff  }
0x295: {  	v57 =	vadd.s32 $0xC60, v43;
	v42 =	vld.idx.msk [tilespmem:v53+s28+$0x0], $0xffff  }
0x296: {  	v56 =	vadd.s32 $0x2520, v43;
	v39 =	vld.idx.msk [tilespmem:v54+s28+$0x0], $0xffff  }
0x297: {  	v59 =	vld.idx.msk [tilespmem:v43+s28+$0x0], $0xffff  }
0x298: {  	v58 =	vadd.s32 $0x4410, v43;
	v40 =	vld.idx.msk [tilespmem:v55+s28+$0x0], $0xffff  }
0x299: {  	v60 =	vadd.s32 $0x2B50, v43;
	v43 =	vadd.s32 $0x1290, v43;
	v1 =	vld.idx.msk [tilespmem:v1+s28+$0x0], $0xffff  }
0x29a: {  	v46 =	vld.idx.msk [tilespmem:v57+s28+$0x0], $0xffff  }
0x29b: {  	v41 =	vld.idx.msk [tilespmem:v56+s28+$0x0], $0xffff;
	v36 =	vmul.f32 v52, v36  }
0x29c: {  	v42 =	vmul.f32 v61, v42;
	v39 =	vmul.f32 v63, v39  }
0x29d: {  	v47 =	vld.idx.msk [tilespmem:v58+s28+$0x0], $0xffff;
	v44 =	vmul.f32 v63, v59;
	v38 =	vmul.f32 v61, v40  }
0x29e: {  	v37 =	vmul.f32 v63, v37;
	v39 =	vadd.f32 v42, v39;
	v1 =	vmul.f32 v61, v1;
	v61 =	vld.idx.msk [tilespmem:v43+s28+$0x0], $0xffff  }
0x29f: {  	v49 =	vld.idx.msk [tilespmem:v60+s28+$0x0], $0xffff;
	v38 =	vadd.f32 v38, v44;
	v63 =	vmul.f32 v52, v46  }
0x2a0: {  	v62 =	vmul.f32 v52, v41;
	v36 =	vadd.f32 v36, v39;
	v1 =	vadd.f32 v1, v37  }
0x2a1: {  	v38 =	vadd.f32 v63, v38  }
0x2a2: {  	v36 =	vadd.f32 v36, v47;
	v1 =	vadd.f32 v62, v1  }
0x2a3: {  	v37 =	vadd.f32 v38, v61  }
0x2a4: {  	s18 =	sld [smem:$0x7C6];
	[tilespmem:s16+$0xB700] =	vst v36;
	v1 =	vadd.f32 v1, v49  }
0x2a5: {  	s13 =	sld [smem:$0x7C9];
	[tilespmem:s16+$0xB300] =	vst v37  }
0x2a6: {  	s20 =	simm.s32 $0xA100;
	s6 =	sld [smem:$0x7CD];
	[tilespmem:s16+$0xB500] =	vst v1  }
0x2a7: {  	[hbm4b:s18+s3] =	stream.linear.scatter [tilespmem:s20], [sflag:$0x1], $0x400, $0x38;
	[tilespmem:$0xB900] =	vst v63  }
0x2a8: {  	s16 =	simm.s32 $0xB300;
	s18 =	sld [smem:$0x7C7]  }
0x2a9: {  	[hbm4b:s13+s3] =	stream.linear.scatter [tilespmem:s16], [sflag:$0x1], $0x200, $0x38;
	[tilespmem:$0xB900] =	vst v63  }
0x2aa: {  	s20 =	simm.s32 $0xA500;
	s13 =	sld [smem:$0x7CA]  }
0x2ab: {  	[hbm4b:s18+s3] =	stream.linear.scatter [tilespmem:s20], [sflag:$0x1], $0x400, $0x38;
	[tilespmem:$0xB900] =	vst v63  }
0x2ac: {  	s16 =	simm.s32 $0xB500;
	s18 =	sld [smem:$0x7C8]  }
0x2ad: {  	[hbm4b:s13+s3] =	stream.linear.scatter [tilespmem:s16], [sflag:$0x1], $0x200, $0x38;
	[tilespmem:$0xB900] =	vst v63  }
0x2ae: {  	s20 =	simm.s32 $0xA900;
	s13 =	sld [smem:$0x7CB]  }
0x2af: {  	[hbm4b:s18+s3] =	stream.linear.scatter [tilespmem:s20], [sflag:$0x1], $0x400, $0x38;
	[tilespmem:$0xB900] =	vst v63  }
0x2b0: {  	s18 =	sld [smem:$0x7CC]  }
0x2b1: {  	s16 =	simm.s32 $0xB700;
	s20 =	sld [smem:$0x7EF]  }
0x2b2: {  	[hbm4b:s13+s3] =	stream.linear.scatter [tilespmem:s16], [sflag:$0x1], $0x200, $0x38;
	[tilespmem:$0xB900] =	vst v63  }
0x2b3: {  	s13 =	sld [smem:$0x7F0]  }
0x2b4: {  	s16 =	sld [smem:$0x7CE]  }
0x2b5: {  	[hbm4b:s18+s3] =	stream.linear.scatter [tilespmem:s20], [sflag:$0x1], $0x20, $0x38;
	[tilespmem:$0xB900] =	vst v63  }
0x2b6: {  	s18 =	sld [smem:$0x7F1]  }
0x2b7: {  	[hbm4b:s6+s3] =	stream.linear.scatter [tilespmem:s13], [sflag:$0x1], $0x20, $0x38;
	[tilespmem:$0xB900] =	vst v63  }
0x2b8: {  	_ = 	snop  }
0x2b9: {  	[hbm4b:s16+s3] =	stream.linear.scatter [tilespmem:s18], [sflag:$0x1], $0x20, $0x38;
	[tilespmem:$0xB900] =	vst v63  }
0x2ba: {  	_ =	swait.ge [sflag:s25], $0x400  }
0x2bb: {  	[sflag:s25] =	ssyncset.done $0x0  }
0x2bc: {  	[sflag:s25] =	ssyncadd.s32 $0xFFFFFC00  }
0x2bd: {  	_ =	swait.ge [sflag:s25], $0x200  }
0x2be: {  	[sflag:s25] =	ssyncset.done $0x0  }
0x2bf: {  	[sflag:s25] =	ssyncadd.s32 $0xFFFFFE00  }
0x2c0: {  	_ =	swait.ge [sflag:s25], $0x400  }
0x2c1: {  	[sflag:s25] =	ssyncset.done $0x0  }
0x2c2: {  	[sflag:s25] =	ssyncadd.s32 $0xFFFFFC00  }
0x2c3: {  	_ =	swait.ge [sflag:s25], $0x200  }
0x2c4: {  	[sflag:s25] =	ssyncset.done $0x0  }
0x2c5: {  	[sflag:s25] =	ssyncadd.s32 $0xFFFFFE00  }
0x2c6: {  	_ =	swait.ge [sflag:s25], $0x400  }
0x2c7: {  	[sflag:s25] =	ssyncset.done $0x0  }
0x2c8: {  	[sflag:s25] =	ssyncadd.s32 $0xFFFFFC00  }
0x2c9: {  	_ =	swait.ge [sflag:s25], $0x200  }
0x2ca: {  	[sflag:s25] =	ssyncset.done $0x0  }
0x2cb: {  	[sflag:s25] =	ssyncadd.s32 $0xFFFFFE00  }
0x2cc: {  	_ =	swait.ge [sflag:s25], $0x20  }
0x2cd: {  	[sflag:s25] =	ssyncset.done $0x0  }
0x2ce: {  	[sflag:s25] =	ssyncadd.s32 $0xFFFFFFE0  }
0x2cf: {  	_ =	swait.ge [sflag:s25], $0x20  }
0x2d0: {  	[sflag:s25] =	ssyncset.done $0x0  }
0x2d1: {  	[sflag:s25] =	ssyncadd.s32 $0xFFFFFFE0  }
0x2d2: {  	_ =	swait.ge [sflag:s25], $0x20  }
0x2d3: {  	[sflag:s25] =	ssyncset.done $0x0  }
0x2d4: {  	[sflag:s25] =	ssyncadd.s32 $0xFFFFFFE0  }
0x2d5: {  	s0 =	simm.s32 @!p0 $0x0;
	s6 =	simm.s32 @!p0 $0x5D10;
	s13 =	rddreg [dreg:$0x1]  }
0x2d6: {  	[hbm4b:s13+s0] =	stream.linear.scatter @!p0 [tilespmem:s6], [sflag:$0x1], $0x20, $0x38;
	[tilespmem:$0xB900] =	vst v63  }
0x2d7: {  	s13 =	sld [smem:$0x7FD];
	_ =	sdelay $0x1  }
0x2d8: {  	s6 =	simm.s32 @!p0 $0x75D0  }
0x2d9: {  	[hbm4b:s13+s0] =	stream.linear.scatter @!p0 [tilespmem:s6], [sflag:$0x1], $0x20, $0x38;
	[tilespmem:$0xB900] =	vst v63  }
0x2da: {  	s6 =	simm.s32 @!p0 $0x8E90  }
0x2db: {  	[hbm4b:s22+s0] =	stream.linear.scatter @!p0 [tilespmem:s6], [sflag:$0x1], $0x20, $0x38;
	[tilespmem:$0xB900] =	vst v63  }
0x2dc: {  	s0 =	simm.s32 @!p0 $0x1  }
0x2dd: {  	_ =	swait.ge @!p0 [sflag:s0], $0x20  }
0x2de: {  	[sflag:s0] =	ssyncset.done @!p0 $0x0  }
0x2df: {  	[sflag:s0] =	ssyncadd.s32 @!p0 $0xFFFFFFE0  }
0x2e0: {  	_ =	swait.ge @!p0 [sflag:s0], $0x20  }
0x2e1: {  	[sflag:s0] =	ssyncset.done @!p0 $0x0  }
0x2e2: {  	[sflag:s0] =	ssyncadd.s32 @!p0 $0xFFFFFFE0  }
0x2e3: {  	_ =	swait.ge @!p0 [sflag:s0], $0x20  }
0x2e4: {  	s20 =	sld [smem:$0x7CF];
	_ =	sdelay $0x1  }
0x2e5: {  	s29 =	sadd.s32 $0x1, s29  }
0x2e6: {  	p1 =	sne.s32 s29, s20  }
.Ltmp2:
0x2e7: {  	_ = 	snop;
	(pc) =	sbr.rel @p1 .LBB2_1-.Ltmp2, $3  }
0x2e8: {  	_ =	sdelay $0x1  }
0x2e9: {  	[sflag:s0] =	ssyncset.done @!p0 $0x0  }
0x2ea: {  	[sflag:s0] =	ssyncadd.s32 @!p0 $0xFFFFFFE0  }
0x2eb: {  	_ =	sfence.sel $0x180000  }
0x2ec: {  	[bflag:$0x0] =	sbarrier.arrive $0xFFFF  }
0x2ed: {  	_ =	strace $0x90000047  }
0x2ee: {  	s0 =	stileid.u32;
	[bflag:$0x2] =	sbarrier.arrive $0xFFFF  }
0x2ef: {  	p0 =	sne.s32 s0, $0x0;
	s0 =	rddreg [dreg:$0x2]  }
0x2f0: {  	s0 =	sadd.s32 @!p0 $0x100000, s0  }
0x2f1: {  	[sflag:s0] =	ssyncadd.tile.s32 @!p0 $0x1;
	_ =	shalt  }
.Lfunc_end2:
_tile_overlayer_lowered:
.L_overlay_start_2:
0x2f2: {  	(tag) =	ssettag $0x2  }
0x2f3: {  	s0 =	rddreg [dreg:$0x0];
	s2 =	stileid.u32  }
0x2f4: {  	s1 =	rddreg [dreg:$0x1];
	p0 =	sne.s32 s2, $0x0  }
0x2f5: {  	s3 =	rddreg [dreg:$0x2];
	[bflag:$0x3] =	sbarrier.arrive $0xFFFF;
	s2 =	simm.s32 @!p0 $0x1C02  }
0x2f6: {  	[timem:s3], [sflag:s2] =	dma.local @!p0 [hbm:s0], s1  }
0x2f7: {  	s0 =	simm.s32 @!p0 $0x2  }
0x2f8: {  	_ =	swait.ge @!p0 [sflag:s0], s1  }
0x2f9: {  	s1 =	ssub.s32 @!p0 $0x0, s1;
	[sflag:s0] =	ssyncset.done @!p0 $0x0  }
0x2fa: {  	[sflag:s0] =	ssyncadd.s32 @!p0 s1  }
0x2fb: {  	[bflag:$0x3] =	sbarrier.arrive $0xFFFF  }
0x2fc: {  	_ =	shalt  }

</sc_bundles>
